<compile_context>
chip_gen: v7x
topology: tpu7x:2x2x1
jax: 0.10.2.dev20260603
libtpu: 0.0.44.dev20260713+nightly
codegen_flags: <defaults>
</compile_context>

<pallas_src>
import functools

import jax
import jax.numpy as jnp
from jax import lax
from jax.experimental import pallas as pl
from jax.experimental.pallas import tpu as pltpu
from jax.experimental.pallas import tpu_sc as plsc

N = 50000
NPAD = 51200
E = 800000
EP = 819200
W = 1024
CH = 8

_f32 = jnp.float32
_i32 = jnp.int32

_SC_PARAMS = pltpu.CompilerParams(use_tc_tiling_on_sc=False)



def _a_body(x_ref, w1, b1, w2, b2, w3p, b3p, p1m, q1m, pdm, ts_ref, td_ref, mx_ref):
    h = jax.nn.relu(jnp.dot(x_ref[...], w1[...], preferred_element_type=_f32) + b1[...])
    h = jax.nn.relu(jnp.dot(h, w2[...], preferred_element_type=_f32) + b2[...])
    z128 = jnp.dot(h, w3p[...], preferred_element_type=_f32) + b3p[...]
    ts = jnp.dot(z128, p1m[...], preferred_element_type=_f32) + q1m[...]
    td = jnp.dot(z128, pdm[...], preferred_element_type=_f32)
    ts_ref[...] = ts
    td_ref[...] = td
    mx_ref[...] = jnp.concatenate(
        [jnp.max(ts[:, 0:4], axis=0, keepdims=True),
         jnp.max(td[:, 0:4], axis=0, keepdims=True)], axis=1)[None]


def _kernel_a(x_pad, W1, b1, W2, b2, W3p, b3p, P1m, Q1m, PDm):
    BLK = 1024
    grid = (NPAD // BLK,)
    return pl.pallas_call(
        _a_body,
        grid=grid,
        in_specs=[
            pl.BlockSpec((BLK, 128), lambda i: (i, 0)),
            pl.BlockSpec((128, 256), lambda i: (0, 0)),
            pl.BlockSpec((256,), lambda i: (0,)),
            pl.BlockSpec((256, 256), lambda i: (0, 0)),
            pl.BlockSpec((256,), lambda i: (0,)),
            pl.BlockSpec((256, 128), lambda i: (0, 0)),
            pl.BlockSpec((128,), lambda i: (0,)),
            pl.BlockSpec((128, 32), lambda i: (0, 0)),
            pl.BlockSpec((32,), lambda i: (0,)),
            pl.BlockSpec((128, 16), lambda i: (0, 0)),
        ],
        out_specs=[
            pl.BlockSpec((BLK, 32), lambda i: (i, 0)),
            pl.BlockSpec((BLK, 16), lambda i: (i, 0)),
            pl.BlockSpec((1, 1, 8), lambda i: (i, 0, 0)),
        ],
        out_shape=[
            jax.ShapeDtypeStruct((NPAD, 32), _f32),
            jax.ShapeDtypeStruct((NPAD, 16), _f32),
            jax.ShapeDtypeStruct((NPAD // BLK, 1, 8), _f32),
        ],
    )(x_pad, W1, b1, W2, b2, W3p, b3p, P1m, Q1m, PDm)



W1 = 256
NWB1 = 20
NB1 = 5


def _s1_body(tabs, tabd, sid_hbm, did_hbm, c1_hbm, zinit, out,
             sidb, didb, srows, drows, contrib, c1_v, acc, g0, g1s, s0, s1sem):
    c = lax.axis_index("c")
    s = lax.axis_index("s")
    wid = c * 16 + s
    pltpu.sync_copy(zinit.at[pl.ds(s * 1600, 1600)], acc.at[pl.ds(s * 1600, 1600)])
    pltpu.sync_copy(c1_hbm, c1_v)
    c1 = c1_v[...]
    plsc.subcore_barrier()

    def issue_g(w, b, sem):
        for k in range(W1 // 128):
            pltpu.async_copy(tabs.at[sidb.at[w * 2 + k]],
                             srows.at[pl.ds(b * W1 + k * 128, 128)], sem)
            pltpu.async_copy(tabd.at[didb.at[w * 2 + k]],
                             drows.at[pl.ds(b * W1 + k * 128, 128)], sem)

    def wait_g(b, sem):
        for k in range(W1 // 128):
            pltpu.make_async_copy(tabs.at[sidb.at[k]],
                                  srows.at[pl.ds(b * W1 + k * 128, 128)], sem).wait()
            pltpu.make_async_copy(tabd.at[didb.at[k]],
                                  drows.at[pl.ds(b * W1 + k * 128, 128)], sem).wait()

    def do_window(w, b, sem, not_first):
        off = b * W1

        @pl.when(not_first)
        def _():
            for k in range(W1 // 128):
                pltpu.make_async_copy(contrib.at[pl.ds(off + k * 128, 128)],
                                      acc.at[didb.at[k]], sem).wait()

        @plsc.parallel_loop(0, W1, unroll=8)
        def edge(e):
            sa = srows[off + e, 0:16]
            sz = srows[off + e, 16:32]
            sd = drows[off + e, :]
            t = sa + sd
            ex = jnp.exp(jnp.where(t >= 0.0, t, 0.2 * t) - c1)
            contrib[off + e, :] = ex * sz
        for k in range(W1 // 128):
            pltpu.async_copy(contrib.at[pl.ds(off + k * 128, 128)],
                             acc.at[didb.at[w * 2 + k]], sem, add=True)

    def blk(bk, carry):
        rb = wid * 200 + bk * (2 * NWB1)
        pltpu.sync_copy(sid_hbm.at[pl.ds(rb, 2 * NWB1)], sidb)
        pltpu.sync_copy(did_hbm.at[pl.ds(rb, 2 * NWB1)], didb)
        issue_g(0, 0, g0)

        def pair(p, carry2):
            w = 2 * p
            nf = jnp.logical_or(bk > 0, p > 0)
            issue_g(w + 1, 1, g1s)
            wait_g(0, g0)
            do_window(w, 0, s0, nf)

            @pl.when(p < NWB1 // 2 - 1)
            def _():
                issue_g(w + 2, 0, g0)
            wait_g(1, g1s)
            do_window(w + 1, 1, s1sem, nf)
            return carry2
        lax.fori_loop(0, NWB1 // 2, pair, 0)
        return carry
    lax.fori_loop(0, NB1, blk, 0)
    for k in range(W1 // 128):
        pltpu.make_async_copy(contrib.at[pl.ds(k * 128, 128)],
                              acc.at[didb.at[k]], s0).wait()
    for k in range(W1 // 128):
        pltpu.make_async_copy(contrib.at[pl.ds(W1 + k * 128, 128)],
                              acc.at[didb.at[k]], s1sem).wait()
    plsc.subcore_barrier()
    pltpu.sync_copy(acc.at[pl.ds(s * 1600, 1600)],
                    out.at[c].at[pl.ds(s * 1600, 1600)])


def _kernel_s1(tabs1, tabd1, sid2d, did2d, c1_arr, zinit16):
    mesh = plsc.VectorSubcoreMesh(core_axis_name="c", subcore_axis_name="s")
    f = functools.partial(
        pl.kernel,
        out_type=jax.ShapeDtypeStruct((2, NPAD, 16), _f32),
        mesh=mesh,
        compiler_params=_SC_PARAMS,
        scratch_types=[
            pltpu.VMEM((2 * NWB1, 128), _i32),
            pltpu.VMEM((2 * NWB1, 128), _i32),
            pltpu.VMEM((2 * W1, 32), _f32),
            pltpu.VMEM((2 * W1, 16), _f32),
            pltpu.VMEM((2 * W1, 16), _f32),
            pltpu.VMEM((16,), _f32),
            pltpu.VMEM_SHARED((NPAD, 16), _f32),
            pltpu.SemaphoreType.DMA,
            pltpu.SemaphoreType.DMA,
            pltpu.SemaphoreType.DMA,
            pltpu.SemaphoreType.DMA,
        ],
    )(_s1_body)
    return f(tabs1, tabd1, sid2d, did2d, c1_arr, zinit16)



def _b_body(p1a, p1b, ts1, td1, c1r, Mr, bg1r, s2vr, d2vr, r42r, kar, kbr, qar,
            sta_ref, stb_ref, als2_ref, ald2_ref, mx2_ref):
    c1 = c1r[0, 0]
    t = ts1[:, 0:4] + td1[:, 0:4]
    exs = jnp.exp(jnp.where(t >= 0.0, t, 0.2 * t) - c1)
    s_h = p1a[:, 0:4] + p1b[:, 0:4] + exs
    exs_x = jnp.dot(exs, r42r[...], preferred_element_type=_f32)
    u_self = exs_x * ts1[:, 20:28]
    u = p1a[:, 4:12] + p1b[:, 4:12] + u_self
    sden = jnp.dot(s_h, r42r[...], preferred_element_type=_f32)
    agg = u / sden
    g1 = jax.nn.relu(jnp.dot(agg, Mr[...], preferred_element_type=_f32) + bg1r[...])
    blk = ts1.shape[0]
    row = pl.program_id(0) * blk + lax.broadcasted_iota(_i32, (blk, 1), 0)
    g1 = jnp.where(row < N, g1, 0.0)
    als2 = jnp.dot(g1, s2vr[...], preferred_element_type=_f32)
    ald2 = jnp.dot(g1, d2vr[...], preferred_element_type=_f32)
    sta_ref[...] = jnp.dot(g1, kar[...], preferred_element_type=_f32) + qar[...]
    stb_ref[...] = jnp.dot(g1, kbr[...], preferred_element_type=_f32) + qar[...]
    als2_ref[...] = als2
    ald2_ref[...] = ald2
    mx2_ref[...] = jnp.concatenate(
        [jnp.max(als2, axis=0, keepdims=True),
         jnp.max(ald2, axis=0, keepdims=True),
         jnp.zeros((1, 6), _f32)], axis=1)[None]


def _kernel_b(p1a, p1b, tabs1, tabd1, c1_128, M, bg1, S2v, D2v, R42, Ka, Kb, Qa):
    BLK = 1024
    grid = (NPAD // BLK,)
    return pl.pallas_call(
        _b_body,
        grid=grid,
        in_specs=[
            pl.BlockSpec((BLK, 16), lambda i: (i, 0)),
            pl.BlockSpec((BLK, 16), lambda i: (i, 0)),
            pl.BlockSpec((BLK, 32), lambda i: (i, 0)),
            pl.BlockSpec((BLK, 16), lambda i: (i, 0)),
            pl.BlockSpec((1, 128), lambda i: (0, 0)),
            pl.BlockSpec((8, 40), lambda i: (0, 0)),
            pl.BlockSpec((40,), lambda i: (0,)),
            pl.BlockSpec((40, 1), lambda i: (0, 0)),
            pl.BlockSpec((40, 1), lambda i: (0, 0)),
            pl.BlockSpec((4, 8), lambda i: (0, 0)),
            pl.BlockSpec((40, 32), lambda i: (0, 0)),
            pl.BlockSpec((40, 32), lambda i: (0, 0)),
            pl.BlockSpec((32,), lambda i: (0,)),
        ],
        out_specs=[
            pl.BlockSpec((BLK, 32), lambda i: (i, 0)),
            pl.BlockSpec((BLK, 32), lambda i: (i, 0)),
            pl.BlockSpec((BLK, 1), lambda i: (i, 0)),
            pl.BlockSpec((BLK, 1), lambda i: (i, 0)),
            pl.BlockSpec((1, 1, 8), lambda i: (i, 0, 0)),
        ],
        out_shape=[
            jax.ShapeDtypeStruct((NPAD, 32), _f32),
            jax.ShapeDtypeStruct((NPAD, 32), _f32),
            jax.ShapeDtypeStruct((NPAD, 1), _f32),
            jax.ShapeDtypeStruct((NPAD, 1), _f32),
            jax.ShapeDtypeStruct((NPAD // BLK, 1, 8), _f32),
        ],
    )(p1a, p1b, tabs1, tabd1, c1_128, M, bg1, S2v, D2v, R42, Ka, Kb, Qa)



W2 = 128
NB2 = 20
NWB2 = 20


def _s2_body(sta, stb, als2tab, ald2tab, sid_hbm, did_hbm, c2_hbm, zinit, out,
             sidb, didb, srows, alsv, aldv, contrib, c2_v, acc, g0, g1s, s0, s1sem):
    c = lax.axis_index("c")
    s = lax.axis_index("s")
    pltpu.sync_copy(zinit.at[pl.ds(s * 1600, 1600)], acc.at[pl.ds(s * 1600, 1600)])
    pltpu.sync_copy(c2_hbm, c2_v)
    c2 = c2_v[...]
    plsc.subcore_barrier()

    def issue_g(w, b, sem):
        @pl.when(c == 0)
        def _():
            pltpu.async_copy(sta.at[sidb.at[w]],
                             srows.at[pl.ds(b * W2, 128)], sem)

        @pl.when(c == 1)
        def _():
            pltpu.async_copy(stb.at[sidb.at[w]],
                             srows.at[pl.ds(b * W2, 128)], sem)
        pltpu.async_copy(als2tab.at[sidb.at[w]], alsv.at[pl.ds(b * W2, 128)], sem)
        pltpu.async_copy(ald2tab.at[didb.at[w]], aldv.at[pl.ds(b * W2, 128)], sem)

    def wait_g(b, sem):
        pltpu.make_async_copy(sta.at[sidb.at[0]],
                              srows.at[pl.ds(b * W2, 128)], sem).wait()
        pltpu.make_async_copy(als2tab.at[sidb.at[0]],
                              alsv.at[pl.ds(b * W2, 128)], sem).wait()
        pltpu.make_async_copy(ald2tab.at[didb.at[0]],
                              aldv.at[pl.ds(b * W2, 128)], sem).wait()

    def do_window(w, b, sem, not_first):
        off = b * W2

        @pl.when(not_first)
        def _():
            pltpu.make_async_copy(contrib.at[pl.ds(off, 128)],
                                  acc.at[didb.at[0]], sem).wait()

        def grp(g, carry2):
            a = alsv[pl.ds(off + g * 16, 16)]
            d = aldv[pl.ds(off + g * 16, 16)]
            t = a + d
            ex16 = jnp.exp(jnp.where(t >= 0.0, t, 0.2 * t) - c2)
            for l in range(16):
                e = off + g * 16 + l
                exv = jnp.broadcast_to(ex16[l], (16,))
                contrib[e, 0:16] = exv * srows[e, 0:16]
                contrib[e, 16:32] = exv * srows[e, 16:32]
            return carry2
        lax.fori_loop(0, W2 // 16, grp, 0)
        pltpu.async_copy(contrib.at[pl.ds(off, 128)],
                         acc.at[didb.at[w]], sem, add=True)

    def blk(bk, carry):
        rb = s * 400 + bk * NWB2
        pltpu.sync_copy(sid_hbm.at[pl.ds(rb, NWB2)], sidb)
        pltpu.sync_copy(did_hbm.at[pl.ds(rb, NWB2)], didb)
        issue_g(0, 0, g0)

        def pair(p, carry2):
            w = 2 * p
            nf = jnp.logical_or(bk > 0, p > 0)
            issue_g(w + 1, 1, g1s)
            wait_g(0, g0)
            do_window(w, 0, s0, nf)

            @pl.when(p < NWB2 // 2 - 1)
            def _():
                issue_g(w + 2, 0, g0)
            wait_g(1, g1s)
            do_window(w + 1, 1, s1sem, nf)
            return carry2
        lax.fori_loop(0, NWB2 // 2, pair, 0)
        return carry
    lax.fori_loop(0, NB2, blk, 0)
    pltpu.make_async_copy(contrib.at[pl.ds(0, 128)],
                          acc.at[didb.at[0]], s0).wait()
    pltpu.make_async_copy(contrib.at[pl.ds(W2, 128)],
                          acc.at[didb.at[0]], s1sem).wait()
    plsc.subcore_barrier()
    pltpu.sync_copy(acc.at[pl.ds(s * 1600, 1600)],
                    out.at[c].at[pl.ds(s * 1600, 1600)])


def _kernel_s2(sta, stb, als2tab, ald2tab, sid2d, did2d, c2_arr, zinit32):
    mesh = plsc.VectorSubcoreMesh(core_axis_name="c", subcore_axis_name="s")
    f = functools.partial(
        pl.kernel,
        out_type=jax.ShapeDtypeStruct((2, NPAD, 32), _f32),
        mesh=mesh,
        compiler_params=_SC_PARAMS,
        scratch_types=[
            pltpu.VMEM((NWB2, 128), _i32),
            pltpu.VMEM((NWB2, 128), _i32),
            pltpu.VMEM((2 * W2, 32), _f32),
            pltpu.VMEM((2 * W2,), _f32),
            pltpu.VMEM((2 * W2,), _f32),
            pltpu.VMEM((2 * W2, 32), _f32),
            pltpu.VMEM((16,), _f32),
            pltpu.VMEM_SHARED((NPAD, 32), _f32),
            pltpu.SemaphoreType.DMA,
            pltpu.SemaphoreType.DMA,
            pltpu.SemaphoreType.DMA,
            pltpu.SemaphoreType.DMA,
        ],
    )(_s2_body)
    return f(sta, stb, als2tab, ald2tab, sid2d, did2d, c2_arr, zinit32)



def _c_body(p2a, p2b, sta, stb, als2t, ald2t, c2r, wg2, bg2r, out_ref):
    c2 = c2r[0, 0]
    als2 = als2t[...]
    ald2 = ald2t[...]
    g1 = jnp.concatenate([sta[:, 1:21], stb[:, 1:21]], axis=1)
    t = als2 + ald2
    ex = jnp.exp(jnp.where(t >= 0.0, t, 0.2 * t) - c2)
    s2 = p2a[:, 0:1] + p2b[:, 0:1] + ex
    v = jnp.concatenate([p2a[:, 1:21], p2b[:, 1:21]], axis=1) + ex * g1
    agg = v / s2
    g2 = jnp.dot(agg, wg2[...], preferred_element_type=_f32) + bg2r[...]
    out_ref[...] = jax.nn.sigmoid(g2) * 256.0


def _kernel_c(p2a, p2b, sta, stb, als2t, ald2t, c2_128, Wg2, bg2):
    BLK = 1024
    grid = (NPAD // BLK,)
    return pl.pallas_call(
        _c_body,
        grid=grid,
        in_specs=[
            pl.BlockSpec((BLK, 32), lambda i: (i, 0)),
            pl.BlockSpec((BLK, 32), lambda i: (i, 0)),
            pl.BlockSpec((BLK, 32), lambda i: (i, 0)),
            pl.BlockSpec((BLK, 32), lambda i: (i, 0)),
            pl.BlockSpec((BLK, 1), lambda i: (i, 0)),
            pl.BlockSpec((BLK, 1), lambda i: (i, 0)),
            pl.BlockSpec((1, 128), lambda i: (0, 0)),
            pl.BlockSpec((40, 128), lambda i: (0, 0)),
            pl.BlockSpec((128,), lambda i: (0,)),
        ],
        out_specs=pl.BlockSpec((BLK, 128), lambda i: (i, 0)),
        out_shape=jax.ShapeDtypeStruct((NPAD, 128), _f32),
    )(p2a, p2b, sta, stb, als2t, ald2t, c2_128, Wg2, bg2)



def kernel(x, edge_index, W1, b1, W2, b2, W3, b3, Wg1, as1, ad1, bg1, Wg2, as2, ad2, bg2):
    W3p = jnp.zeros((256, 128), _f32).at[:, :2].set(W3)
    b3p = jnp.zeros((128,), _f32).at[:2].set(b3)
    Wg1r = Wg1.reshape(2, 4, 10)
    S1m = jnp.einsum('jhc,hc->jh', Wg1r, as1)
    D1m = jnp.einsum('jhc,hc->jh', Wg1r, ad1)
    hh = jnp.arange(4)
    R42 = jnp.zeros((4, 8), _f32).at[hh, 2 * hh].set(1.0).at[hh, 2 * hh + 1].set(1.0)
    kk = jnp.arange(8)
    R22 = jnp.zeros((2, 8), _f32).at[kk % 2, kk].set(1.0)
    P1m = (jnp.zeros((128, 32), _f32)
           .at[0:2, 0:4].set(S1m)
           .at[0:2, 4:12].set(S1m @ R42)
           .at[0:2, 20:28].set(R22))
    Q1m = jnp.zeros((32,), _f32).at[16:20].set(1.0)
    PDm = (jnp.zeros((128, 16), _f32)
           .at[0:2, 0:4].set(D1m)
           .at[0:2, 4:12].set(D1m @ R42))
    i20 = jnp.arange(20)
    Ka = jnp.zeros((40, 32), _f32).at[i20, 1 + i20].set(1.0)
    Kb = jnp.zeros((40, 32), _f32).at[20 + i20, 1 + i20].set(1.0)
    Qa = jnp.zeros((32,), _f32).at[0].set(1.0)
    M4 = jnp.zeros((4, 2, 4, 10), _f32).at[jnp.arange(4), :, jnp.arange(4), :].set(
        Wg1r.transpose(1, 0, 2))
    M = M4.reshape(8, 40)
    S2v = (Wg2 @ as2[0])[:, None]
    D2v = (Wg2 @ ad2[0])[:, None]
    x_pad = jnp.zeros((NPAD, 128), _f32).at[:N].set(x)
    pad_cnt = EP - E
    src_ids = jnp.concatenate([edge_index[0], jnp.full((pad_cnt,), N, _i32)])
    dst_ids = jnp.concatenate(
        [edge_index[1], (N + jnp.arange(pad_cnt, dtype=_i32) % 1024).astype(_i32)])
    sid2d = src_ids.reshape(EP // 128, 128)
    did2d = dst_ids.reshape(EP // 128, 128)
    zinit16 = jnp.zeros((NPAD, 16), _f32)
    zinit32 = jnp.zeros((NPAD, 32), _f32)

    tabs1, tabd1, mx1 = _kernel_a(x_pad, W1, b1, W2, b2, W3p, b3p, P1m, Q1m, PDm)
    c1 = jnp.max(mx1[:, 0, 0:4]) + jnp.max(mx1[:, 0, 4:8])
    c1 = jnp.where(c1 >= 0.0, c1, 0.2 * c1)
    c1_arr = jnp.full((16,), c1, _f32)
    c1_128 = jnp.full((1, 128), c1, _f32)

    p1 = _kernel_s1(tabs1, tabd1, sid2d, did2d, c1_arr, zinit16)

    sta, stb, als2t, ald2t, mx2 = _kernel_b(
        p1[0], p1[1], tabs1, tabd1, c1_128, M, bg1, S2v, D2v, R42, Ka, Kb, Qa)
    c2 = jnp.max(mx2[:, 0, 0]) + jnp.max(mx2[:, 0, 1])
    c2 = jnp.where(c2 >= 0.0, c2, 0.2 * c2)
    c2_arr = jnp.full((16,), c2, _f32)
    c2_128 = jnp.full((1, 128), c2, _f32)
    als2flat = als2t[:, 0]
    ald2flat = ald2t[:, 0]

    p2 = _kernel_s2(sta, stb, als2flat, ald2flat, sid2d, did2d, c2_arr, zinit32)

    outp = _kernel_c(p2[0], p2[1], sta, stb, als2t, ald2t, c2_128, Wg2, bg2)
    return outp[:N]

# --- scband reference (transcript-rebuilt; emitter-appended) ---
"""Pipeline reference for scband-lnle-26328149524722 (READ-ONLY COPY).

The authoritative reference and input builder live on the scoring server;
editing this copy changes nothing except your own understanding.
"""

import jax, jax.numpy as jnp
import numpy as np

N = 50000
E = 800000
D = 128
d = 2


def gat(x, src, dst, W, a_src, a_dst, b, heads, out_ch, n):
    h = (x @ W).reshape(n, heads, out_ch)
    al_s = jnp.sum(h * a_src[None], axis=-1)  # [n, heads]
    al_d = jnp.sum(h * a_dst[None], axis=-1)
    e = jax.nn.leaky_relu(al_s[src] + al_d[dst], negative_slope=0.2)  # [E, heads]
    m = jax.lax.stop_gradient(jax.ops.segment_max(e, dst, num_segments=n))
    ex = jnp.exp(e - m[dst])
    s = jax.ops.segment_sum(ex, dst, num_segments=n)
    alpha = ex / (s[dst] + 1e-16)
    msg = h[src] * alpha[:, :, None]
    agg = jax.ops.segment_sum(msg, dst, num_segments=n)
    return agg.reshape(n, heads * out_ch) + b


def setup_inputs(seed: int = 0) -> dict:
    key = jax.random.key(seed)
    ks = jax.random.split(key, 20)
    x = jax.random.normal(ks[0], (N, D), dtype=jnp.float32)
    edge_index = jax.random.randint(ks[1], (2, E), 0, N, dtype=jnp.int32)
    # projection MLP [D, 256, 256, d]
    W1 = jax.random.normal(ks[2], (D, 256), dtype=jnp.float32) / np.sqrt(D)
    b1 = jnp.zeros((256,), dtype=jnp.float32)
    W2 = jax.random.normal(ks[3], (256, 256), dtype=jnp.float32) / np.sqrt(256)
    b2 = jnp.zeros((256,), dtype=jnp.float32)
    W3 = jax.random.normal(ks[4], (256, d), dtype=jnp.float32) / np.sqrt(256)
    b3 = jnp.zeros((d,), dtype=jnp.float32)
    # GATConv1: in=d, out=10, heads=4, concat -> 40
    Wg1 = jax.random.normal(ks[5], (d, 4 * 10), dtype=jnp.float32) / np.sqrt(d)
    as1 = jax.random.normal(ks[6], (4, 10), dtype=jnp.float32) * 0.1
    ad1 = jax.random.normal(ks[7], (4, 10), dtype=jnp.float32) * 0.1
    bg1 = jnp.zeros((40,), dtype=jnp.float32)
    # GATConv2: in=40, out=D, heads=1
    Wg2 = jax.random.normal(ks[8], (40, 1 * D), dtype=jnp.float32) / np.sqrt(40)
    as2 = jax.random.normal(ks[9], (1, D), dtype=jnp.float32) * 0.1
    ad2 = jax.random.normal(ks[10], (1, D), dtype=jnp.float32) * 0.1
    bg2 = jnp.zeros((D,), dtype=jnp.float32)
    return {"x": x, "edge_index": edge_index, "W1": W1, "b1": b1, "W2": W2, "b2": b2,
            "W3": W3, "b3": b3, "Wg1": Wg1, "as1": as1, "ad1": ad1, "bg1": bg1,
            "Wg2": Wg2, "as2": as2, "ad2": ad2, "bg2": bg2}


def reference(x, edge_index, W1, b1, W2, b2, W3, b3, Wg1, as1, ad1, bg1, Wg2, as2, ad2, bg2):
    n = x.shape[0]
    # projection MLP
    h = jax.nn.relu(x @ W1 + b1)
    h = jax.nn.relu(h @ W2 + b2)
    z = h @ W3 + b3  # [N, d]
    # add self loops (PyG GATConv default)
    loops = jnp.arange(n, dtype=edge_index.dtype)
    src = jnp.concatenate([edge_index[0], loops])
    dst = jnp.concatenate([edge_index[1], loops])
    g1 = jax.nn.relu(gat(z, src, dst, Wg1, as1, ad1, bg1, 4, 10, n))
    g2 = gat(g1, src, dst, Wg2, as2, ad2, bg2, 1, D, n)
    return jax.nn.sigmoid(g2) * 256.0

if __name__ == "__main__":
    import jax
    _d = setup_inputs()
    print(jax.jit(kernel)(*tuple(_d.values())))

</pallas_src>

<mosaic_0001>
#map = affine_map<(d0, d1) -> (0, 0)>
#map1 = affine_map<(d0, d1) -> (0)>
#map2 = affine_map<(d0, d1) -> (0, 0, 0)>
module attributes {stable_mosaic.version = 14 : i64} {
  func.func @_s2_body(%arg0: i32, %arg1: i32, %arg2: memref<51200x32xf32, #tpu.memory_space<hbm>>, %arg3: memref<51200x32xf32, #tpu.memory_space<hbm>>, %arg4: memref<51200xf32, #tpu.memory_space<hbm>>, %arg5: memref<51200xf32, #tpu.memory_space<hbm>>, %arg6: memref<6400x128xi32, #tpu.memory_space<hbm>>, %arg7: memref<6400x128xi32, #tpu.memory_space<hbm>>, %arg8: memref<16xf32, #tpu.memory_space<hbm>>, %arg9: memref<51200x32xf32, #tpu.memory_space<hbm>>, %arg10: memref<2x51200x32xf32, #tpu.memory_space<hbm>>, %arg11: memref<20x128xi32, #tpu.memory_space<vmem>>, %arg12: memref<20x128xi32, #tpu.memory_space<vmem>>, %arg13: memref<256x32xf32, #tpu.memory_space<vmem>>, %arg14: memref<256xf32, #tpu.memory_space<vmem>>, %arg15: memref<256xf32, #tpu.memory_space<vmem>>, %arg16: memref<256x32xf32, #tpu.memory_space<vmem>>, %arg17: memref<16xf32, #tpu.memory_space<vmem>>, %arg18: memref<51200x32xf32, #tpu.memory_space<vmem_shared>>, %arg19: memref<!tpu.dma_semaphore, #tpu.memory_space<semaphore_mem>>, %arg20: memref<!tpu.dma_semaphore, #tpu.memory_space<semaphore_mem>>, %arg21: memref<!tpu.dma_semaphore, #tpu.memory_space<semaphore_mem>>, %arg22: memref<!tpu.dma_semaphore, #tpu.memory_space<semaphore_mem>>) attributes {dimension_semantics = [#tpu.dimension_semantics<core_parallel>, #tpu.dimension_semantics<subcore_parallel>], iteration_bounds = array<i64: 2, 16>, scalar_prefetch = 0 : i64, scratch_operands = 12 : i64, tpu.core_type = #tpu.core_type<sc_vector_subcore>, window_params = [{transform_indices = #map}, {transform_indices = #map}, {transform_indices = #map1}, {transform_indices = #map1}, {transform_indices = #map}, {transform_indices = #map}, {transform_indices = #map1}, {transform_indices = #map}, {transform_indices = #map2}]} {
    %mul3A = arith.constant 1600 : i32
    %mul3A_0 = arith.muli %arg1, %mul3A : i32
    %mul3A_1 = arith.constant 1600 : i32
    %mul3A_2 = arith.muli %arg1, %mul3A_1 : i32
    "tpu.region"() ({
      %run_scoped3A = tpu.sem_alloc : memref<!tpu.dma_semaphore, #tpu.memory_space<semaphore_mem>>
      %dma_start3A = arith.constant 0 : i32
      %dma_start3A_34 = tpu.memref_slice %arg18[%mul3A_2, %dma_start3A] : memref<51200x32xf32, #tpu.memory_space<vmem_shared>> -> memref<1600x32xf32, #tpu.memory_space<vmem_shared>>
      %dma_start3A_35 = arith.constant 0 : i32
      %dma_start3A_36 = tpu.memref_slice %arg9[%mul3A_0, %dma_start3A_35] : memref<51200x32xf32, #tpu.memory_space<hbm>> -> memref<1600x32xf32, #tpu.memory_space<hbm>>
      tpu.enqueue_dma source(%dma_start3A_36 : memref<1600x32xf32, #tpu.memory_space<hbm>>) target(%dma_start3A_34 : memref<1600x32xf32, #tpu.memory_space<vmem_shared>>) target_semaphore(%run_scoped3A : memref<!tpu.dma_semaphore, #tpu.memory_space<semaphore_mem>>)
      %dma_wait3A_37 = arith.constant 0 : i32
      %dma_wait3A_38 = tpu.memref_slice %arg18[%mul3A_2, %dma_wait3A_37] : memref<51200x32xf32, #tpu.memory_space<vmem_shared>> -> memref<1600x32xf32, #tpu.memory_space<vmem_shared>>
      %dma_wait3A_39 = arith.constant 0 : i32
      %dma_wait3A_40 = tpu.memref_slice %arg9[%mul3A_0, %dma_wait3A_39] : memref<51200x32xf32, #tpu.memory_space<hbm>> -> memref<1600x32xf32, #tpu.memory_space<hbm>>
      tpu.wait_dma2 semaphore(%run_scoped3A : memref<!tpu.dma_semaphore, #tpu.memory_space<semaphore_mem>>) src(%dma_wait3A_40 : memref<1600x32xf32, #tpu.memory_space<hbm>>) dst(%dma_wait3A_38 : memref<1600x32xf32, #tpu.memory_space<vmem_shared>>)
      tpu.yield
    }) : () -> ()
    "tpu.region"() ({
      %run_scoped3A = tpu.sem_alloc : memref<!tpu.dma_semaphore, #tpu.memory_space<semaphore_mem>>
      tpu.enqueue_dma source(%arg8 : memref<16xf32, #tpu.memory_space<hbm>>) target(%arg17 : memref<16xf32, #tpu.memory_space<vmem>>) target_semaphore(%run_scoped3A : memref<!tpu.dma_semaphore, #tpu.memory_space<semaphore_mem>>)
      tpu.wait_dma2 semaphore(%run_scoped3A : memref<!tpu.dma_semaphore, #tpu.memory_space<semaphore_mem>>) src(%arg8 : memref<16xf32, #tpu.memory_space<hbm>>) dst(%arg17 : memref<16xf32, #tpu.memory_space<vmem>>)
      tpu.yield
    }) : () -> ()
    %get3A = arith.constant 0 : index
    %get3A_3 = tpu.vector_load %arg17[%get3A] {strides = array<i32>} : memref<16xf32, #tpu.memory_space<vmem>>, vector<16xf32>,
    %get3A_4 = vector.shape_cast %get3A_3 : vector<16xf32> to vector<16xf32>
    %barrier3A = arith.constant 0 : index
    tpu.barrier barrier_id(%barrier3A)
    %scan3A = arith.constant 0 : i32
    %scan3A_5 = arith.constant 0 : i32
    %scan3A_6 = arith.constant 20 : i32
    %scan3A_7 = arith.addi %scan3A_5, %scan3A_6 : i32
    %scan3A_8 = arith.constant 1 : i32
    scf.for %scan3A_34 = %scan3A_5 to %scan3A_7 step %scan3A_8  : i32 {
      %mul3A_35 = arith.constant 400 : i32
      %mul3A_36 = arith.muli %arg1, %mul3A_35 : i32
      %mul3A_37 = arith.constant 20 : i32
      %mul3A_38 = arith.muli %scan3A_34, %mul3A_37 : i32
      %add3A = arith.addi %mul3A_36, %mul3A_38 : i32
      "tpu.region"() ({
        %run_scoped3A = tpu.sem_alloc : memref<!tpu.dma_semaphore, #tpu.memory_space<semaphore_mem>>
        %dma_start3A_67 = arith.constant 0 : i32
        %dma_start3A_68 = tpu.memref_slice %arg6[%add3A, %dma_start3A_67] : memref<6400x128xi32, #tpu.memory_space<hbm>> -> memref<20x128xi32, #tpu.memory_space<hbm>>
        %dma_start3A_69 = arith.constant 0 : i32
        %dma_start3A_70 = tpu.memref_slice %arg6[%add3A, %dma_start3A_69] : memref<6400x128xi32, #tpu.memory_space<hbm>> -> memref<20x128xi32, #tpu.memory_space<hbm>>
        tpu.enqueue_dma source(%dma_start3A_70 : memref<20x128xi32, #tpu.memory_space<hbm>>) target(%arg11 : memref<20x128xi32, #tpu.memory_space<vmem>>) target_semaphore(%run_scoped3A : memref<!tpu.dma_semaphore, #tpu.memory_space<semaphore_mem>>)
        %dma_wait3A_71 = arith.constant 0 : i32
        %dma_wait3A_72 = tpu.memref_slice %arg6[%add3A, %dma_wait3A_71] : memref<6400x128xi32, #tpu.memory_space<hbm>> -> memref<20x128xi32, #tpu.memory_space<hbm>>
        %dma_wait3A_73 = arith.constant 0 : i32
        %dma_wait3A_74 = tpu.memref_slice %arg6[%add3A, %dma_wait3A_73] : memref<6400x128xi32, #tpu.memory_space<hbm>> -> memref<20x128xi32, #tpu.memory_space<hbm>>
        tpu.wait_dma2 semaphore(%run_scoped3A : memref<!tpu.dma_semaphore, #tpu.memory_space<semaphore_mem>>) src(%dma_wait3A_74 : memref<20x128xi32, #tpu.memory_space<hbm>>) dst(%arg11 : memref<20x128xi32, #tpu.memory_space<vmem>>)
        tpu.yield
      }) : () -> ()
      "tpu.region"() ({
        %run_scoped3A = tpu.sem_alloc : memref<!tpu.dma_semaphore, #tpu.memory_space<semaphore_mem>>
        %dma_start3A_67 = arith.constant 0 : i32
        %dma_start3A_68 = tpu.memref_slice %arg7[%add3A, %dma_start3A_67] : memref<6400x128xi32, #tpu.memory_space<hbm>> -> memref<20x128xi32, #tpu.memory_space<hbm>>
        %dma_start3A_69 = arith.constant 0 : i32
        %dma_start3A_70 = tpu.memref_slice %arg7[%add3A, %dma_start3A_69] : memref<6400x128xi32, #tpu.memory_space<hbm>> -> memref<20x128xi32, #tpu.memory_space<hbm>>
        tpu.enqueue_dma source(%dma_start3A_70 : memref<20x128xi32, #tpu.memory_space<hbm>>) target(%arg12 : memref<20x128xi32, #tpu.memory_space<vmem>>) target_semaphore(%run_scoped3A : memref<!tpu.dma_semaphore, #tpu.memory_space<semaphore_mem>>)
        %dma_wait3A_71 = arith.constant 0 : i32
        %dma_wait3A_72 = tpu.memref_slice %arg7[%add3A, %dma_wait3A_71] : memref<6400x128xi32, #tpu.memory_space<hbm>> -> memref<20x128xi32, #tpu.memory_space<hbm>>
        %dma_wait3A_73 = arith.constant 0 : i32
        %dma_wait3A_74 = tpu.memref_slice %arg7[%add3A, %dma_wait3A_73] : memref<6400x128xi32, #tpu.memory_space<hbm>> -> memref<20x128xi32, #tpu.memory_space<hbm>>
        tpu.wait_dma2 semaphore(%run_scoped3A : memref<!tpu.dma_semaphore, #tpu.memory_space<semaphore_mem>>) src(%dma_wait3A_74 : memref<20x128xi32, #tpu.memory_space<hbm>>) dst(%arg12 : memref<20x128xi32, #tpu.memory_space<vmem>>)
        tpu.yield
      }) : () -> ()
      %eq3A = arith.constant 0 : i32
      %eq3A_39 = arith.cmpi eq, %arg0, %eq3A : i32
      %convert_element_type3A = arith.extui %eq3A_39 : i1 to i32
      %cond3A = arith.constant 0 : i32
      %cond3A_40 = arith.cmpi ne, %convert_element_type3A, %cond3A : i32
      scf.if %cond3A_40 {
        %dma_start3A_67 = arith.constant 0 : i32
        %dma_start3A_68 = arith.constant 0 : i32
        %dma_start3A_69 = arith.constant 0 : i32
        %dma_start3A_70 = tpu.memref_slice %arg13[%dma_start3A_68, %dma_start3A_69] : memref<256x32xf32, #tpu.memory_space<vmem>> -> memref<128x32xf32, #tpu.memory_space<vmem>>
        %dma_start3A_71 = arith.constant 0 : i32
        %dma_start3A_72 = tpu.memref_slice %arg11[%dma_start3A_67, %dma_start3A_71] : memref<20x128xi32, #tpu.memory_space<vmem>> -> memref<1x128xi32, #tpu.memory_space<vmem>>
        %dma_start3A_73 = tpu.memref_squeeze %dma_start3A_72 : memref<1x128xi32, #tpu.memory_space<vmem>> -> memref<128xi32, #tpu.memory_space<vmem>>
        %dma_start3A_74 = arith.constant 0 : i32
        %dma_start3A_75 = arith.constant 0 : i32
        %dma_start3A_76 = tpu.memref_slice %arg2[%dma_start3A_74, %dma_start3A_75] : memref<51200x32xf32, #tpu.memory_space<hbm>> -> memref<51200x32xf32, #tpu.memory_space<hbm>>
        tpu.enqueue_indirect_dma source(%dma_start3A_76 : memref<51200x32xf32, #tpu.memory_space<hbm>>) target(%dma_start3A_70 : memref<128x32xf32, #tpu.memory_space<vmem>>) offsets(%dma_start3A_73 : memref<128xi32, #tpu.memory_space<vmem>>) semaphore(%arg19 : memref<!tpu.dma_semaphore, #tpu.memory_space<semaphore_mem>>)
      } else {
      }
      %eq3A_41 = arith.constant 1 : i32
      %eq3A_42 = arith.cmpi eq, %arg0, %eq3A_41 : i32
      %convert_element_type3A_43 = arith.extui %eq3A_42 : i1 to i32
      %cond3A_44 = arith.constant 0 : i32
      %cond3A_45 = arith.cmpi ne, %convert_element_type3A_43, %cond3A_44 : i32
      scf.if %cond3A_45 {
        %dma_start3A_67 = arith.constant 0 : i32
        %dma_start3A_68 = arith.constant 0 : i32
        %dma_start3A_69 = arith.constant 0 : i32
        %dma_start3A_70 = tpu.memref_slice %arg13[%dma_start3A_68, %dma_start3A_69] : memref<256x32xf32, #tpu.memory_space<vmem>> -> memref<128x32xf32, #tpu.memory_space<vmem>>
        %dma_start3A_71 = arith.constant 0 : i32
        %dma_start3A_72 = tpu.memref_slice %arg11[%dma_start3A_67, %dma_start3A_71] : memref<20x128xi32, #tpu.memory_space<vmem>> -> memref<1x128xi32, #tpu.memory_space<vmem>>
        %dma_start3A_73 = tpu.memref_squeeze %dma_start3A_72 : memref<1x128xi32, #tpu.memory_space<vmem>> -> memref<128xi32, #tpu.memory_space<vmem>>
        %dma_start3A_74 = arith.constant 0 : i32
        %dma_start3A_75 = arith.constant 0 : i32
        %dma_start3A_76 = tpu.memref_slice %arg3[%dma_start3A_74, %dma_start3A_75] : memref<51200x32xf32, #tpu.memory_space<hbm>> -> memref<51200x32xf32, #tpu.memory_space<hbm>>
        tpu.enqueue_indirect_dma source(%dma_start3A_76 : memref<51200x32xf32, #tpu.memory_space<hbm>>) target(%dma_start3A_70 : memref<128x32xf32, #tpu.memory_space<vmem>>) offsets(%dma_start3A_73 : memref<128xi32, #tpu.memory_space<vmem>>) semaphore(%arg19 : memref<!tpu.dma_semaphore, #tpu.memory_space<semaphore_mem>>)
      } else {
      }
      %dma_start3A = arith.constant 0 : i32
      %dma_start3A_46 = arith.constant 0 : i32
      %dma_start3A_47 = tpu.memref_slice %arg14[%dma_start3A_46] : memref<256xf32, #tpu.memory_space<vmem>> -> memref<128xf32, #tpu.memory_space<vmem>>
      %dma_start3A_48 = arith.constant 0 : i32
      %dma_start3A_49 = tpu.memref_slice %arg11[%dma_start3A, %dma_start3A_48] : memref<20x128xi32, #tpu.memory_space<vmem>> -> memref<1x128xi32, #tpu.memory_space<vmem>>
      %dma_start3A_50 = tpu.memref_squeeze %dma_start3A_49 : memref<1x128xi32, #tpu.memory_space<vmem>> -> memref<128xi32, #tpu.memory_space<vmem>>
      %dma_start3A_51 = arith.constant 0 : i32
      %dma_start3A_52 = tpu.memref_slice %arg4[%dma_start3A_51] : memref<51200xf32, #tpu.memory_space<hbm>> -> memref<51200xf32, #tpu.memory_space<hbm>>
      tpu.enqueue_indirect_dma source(%dma_start3A_52 : memref<51200xf32, #tpu.memory_space<hbm>>) target(%dma_start3A_47 : memref<128xf32, #tpu.memory_space<vmem>>) offsets(%dma_start3A_50 : memref<128xi32, #tpu.memory_space<vmem>>) semaphore(%arg19 : memref<!tpu.dma_semaphore, #tpu.memory_space<semaphore_mem>>)
      %dma_start3A_53 = arith.constant 0 : i32
      %dma_start3A_54 = arith.constant 0 : i32
      %dma_start3A_55 = tpu.memref_slice %arg15[%dma_start3A_54] : memref<256xf32, #tpu.memory_space<vmem>> -> memref<128xf32, #tpu.memory_space<vmem>>
      %dma_start3A_56 = arith.constant 0 : i32
      %dma_start3A_57 = tpu.memref_slice %arg12[%dma_start3A_53, %dma_start3A_56] : memref<20x128xi32, #tpu.memory_space<vmem>> -> memref<1x128xi32, #tpu.memory_space<vmem>>
      %dma_start3A_58 = tpu.memref_squeeze %dma_start3A_57 : memref<1x128xi32, #tpu.memory_space<vmem>> -> memref<128xi32, #tpu.memory_space<vmem>>
      %dma_start3A_59 = arith.constant 0 : i32
      %dma_start3A_60 = tpu.memref_slice %arg5[%dma_start3A_59] : memref<51200xf32, #tpu.memory_space<hbm>> -> memref<51200xf32, #tpu.memory_space<hbm>>
      tpu.enqueue_indirect_dma source(%dma_start3A_60 : memref<51200xf32, #tpu.memory_space<hbm>>) target(%dma_start3A_55 : memref<128xf32, #tpu.memory_space<vmem>>) offsets(%dma_start3A_58 : memref<128xi32, #tpu.memory_space<vmem>>) semaphore(%arg19 : memref<!tpu.dma_semaphore, #tpu.memory_space<semaphore_mem>>)
      %scan3A_61 = arith.constant 0 : i32
      %scan3A_62 = arith.constant 0 : i32
      %scan3A_63 = arith.constant 10 : i32
      %scan3A_64 = arith.addi %scan3A_62, %scan3A_63 : i32
      %scan3A_65 = arith.constant 1 : i32
      scf.for %scan3A_67 = %scan3A_62 to %scan3A_64 step %scan3A_65  : i32 {
        %mul3A_68 = arith.constant 2 : i32
        %mul3A_69 = arith.muli %mul3A_68, %scan3A_67 : i32
        %gt3A = arith.constant 0 : i32
        %gt3A_70 = arith.cmpi sgt, %scan3A_34, %gt3A : i32
        %gt3A_71 = arith.constant 0 : i32
        %gt3A_72 = arith.cmpi sgt, %scan3A_67, %gt3A_71 : i32
        %or3A = arith.ori %gt3A_70, %gt3A_72 : i1
        %add3A_73 = arith.constant 1 : i32
        %add3A_74 = arith.addi %mul3A_69, %add3A_73 : i32
        %eq3A_75 = arith.constant 0 : i32
        %eq3A_76 = arith.cmpi eq, %arg0, %eq3A_75 : i32
        %convert_element_type3A_77 = arith.extui %eq3A_76 : i1 to i32
        %cond3A_78 = arith.constant 0 : i32
        %cond3A_79 = arith.cmpi ne, %convert_element_type3A_77, %cond3A_78 : i32
        scf.if %cond3A_79 {
          %dma_start3A_193 = arith.constant 128 : i32
          %dma_start3A_194 = arith.constant 0 : i32
          %dma_start3A_195 = tpu.memref_slice %arg13[%dma_start3A_193, %dma_start3A_194] : memref<256x32xf32, #tpu.memory_space<vmem>> -> memref<128x32xf32, #tpu.memory_space<vmem>>
          %dma_start3A_196 = arith.constant 0 : i32
          %dma_start3A_197 = tpu.memref_slice %arg11[%add3A_74, %dma_start3A_196] : memref<20x128xi32, #tpu.memory_space<vmem>> -> memref<1x128xi32, #tpu.memory_space<vmem>>
          %dma_start3A_198 = tpu.memref_squeeze %dma_start3A_197 : memref<1x128xi32, #tpu.memory_space<vmem>> -> memref<128xi32, #tpu.memory_space<vmem>>
          %dma_start3A_199 = arith.constant 0 : i32
          %dma_start3A_200 = arith.constant 0 : i32
          %dma_start3A_201 = tpu.memref_slice %arg2[%dma_start3A_199, %dma_start3A_200] : memref<51200x32xf32, #tpu.memory_space<hbm>> -> memref<51200x32xf32, #tpu.memory_space<hbm>>
          tpu.enqueue_indirect_dma source(%dma_start3A_201 : memref<51200x32xf32, #tpu.memory_space<hbm>>) target(%dma_start3A_195 : memref<128x32xf32, #tpu.memory_space<vmem>>) offsets(%dma_start3A_198 : memref<128xi32, #tpu.memory_space<vmem>>) semaphore(%arg20 : memref<!tpu.dma_semaphore, #tpu.memory_space<semaphore_mem>>)
        } else {
        }
        %eq3A_80 = arith.constant 1 : i32
        %eq3A_81 = arith.cmpi eq, %arg0, %eq3A_80 : i32
        %convert_element_type3A_82 = arith.extui %eq3A_81 : i1 to i32
        %cond3A_83 = arith.constant 0 : i32
        %cond3A_84 = arith.cmpi ne, %convert_element_type3A_82, %cond3A_83 : i32
        scf.if %cond3A_84 {
          %dma_start3A_193 = arith.constant 128 : i32
          %dma_start3A_194 = arith.constant 0 : i32
          %dma_start3A_195 = tpu.memref_slice %arg13[%dma_start3A_193, %dma_start3A_194] : memref<256x32xf32, #tpu.memory_space<vmem>> -> memref<128x32xf32, #tpu.memory_space<vmem>>
          %dma_start3A_196 = arith.constant 0 : i32
          %dma_start3A_197 = tpu.memref_slice %arg11[%add3A_74, %dma_start3A_196] : memref<20x128xi32, #tpu.memory_space<vmem>> -> memref<1x128xi32, #tpu.memory_space<vmem>>
          %dma_start3A_198 = tpu.memref_squeeze %dma_start3A_197 : memref<1x128xi32, #tpu.memory_space<vmem>> -> memref<128xi32, #tpu.memory_space<vmem>>
          %dma_start3A_199 = arith.constant 0 : i32
          %dma_start3A_200 = arith.constant 0 : i32
          %dma_start3A_201 = tpu.memref_slice %arg3[%dma_start3A_199, %dma_start3A_200] : memref<51200x32xf32, #tpu.memory_space<hbm>> -> memref<51200x32xf32, #tpu.memory_space<hbm>>
          tpu.enqueue_indirect_dma source(%dma_start3A_201 : memref<51200x32xf32, #tpu.memory_space<hbm>>) target(%dma_start3A_195 : memref<128x32xf32, #tpu.memory_space<vmem>>) offsets(%dma_start3A_198 : memref<128xi32, #tpu.memory_space<vmem>>) semaphore(%arg20 : memref<!tpu.dma_semaphore, #tpu.memory_space<semaphore_mem>>)
        } else {
        }
        %dma_start3A_85 = arith.constant 128 : i32
        %dma_start3A_86 = tpu.memref_slice %arg14[%dma_start3A_85] : memref<256xf32, #tpu.memory_space<vmem>> -> memref<128xf32, #tpu.memory_space<vmem>>
        %dma_start3A_87 = arith.constant 0 : i32
        %dma_start3A_88 = tpu.memref_slice %arg11[%add3A_74, %dma_start3A_87] : memref<20x128xi32, #tpu.memory_space<vmem>> -> memref<1x128xi32, #tpu.memory_space<vmem>>
        %dma_start3A_89 = tpu.memref_squeeze %dma_start3A_88 : memref<1x128xi32, #tpu.memory_space<vmem>> -> memref<128xi32, #tpu.memory_space<vmem>>
        %dma_start3A_90 = arith.constant 0 : i32
        %dma_start3A_91 = tpu.memref_slice %arg4[%dma_start3A_90] : memref<51200xf32, #tpu.memory_space<hbm>> -> memref<51200xf32, #tpu.memory_space<hbm>>
        tpu.enqueue_indirect_dma source(%dma_start3A_91 : memref<51200xf32, #tpu.memory_space<hbm>>) target(%dma_start3A_86 : memref<128xf32, #tpu.memory_space<vmem>>) offsets(%dma_start3A_89 : memref<128xi32, #tpu.memory_space<vmem>>) semaphore(%arg20 : memref<!tpu.dma_semaphore, #tpu.memory_space<semaphore_mem>>)
        %dma_start3A_92 = arith.constant 128 : i32
        %dma_start3A_93 = tpu.memref_slice %arg15[%dma_start3A_92] : memref<256xf32, #tpu.memory_space<vmem>> -> memref<128xf32, #tpu.memory_space<vmem>>
        %dma_start3A_94 = arith.constant 0 : i32
        %dma_start3A_95 = tpu.memref_slice %arg12[%add3A_74, %dma_start3A_94] : memref<20x128xi32, #tpu.memory_space<vmem>> -> memref<1x128xi32, #tpu.memory_space<vmem>>
        %dma_start3A_96 = tpu.memref_squeeze %dma_start3A_95 : memref<1x128xi32, #tpu.memory_space<vmem>> -> memref<128xi32, #tpu.memory_space<vmem>>
        %dma_start3A_97 = arith.constant 0 : i32
        %dma_start3A_98 = tpu.memref_slice %arg5[%dma_start3A_97] : memref<51200xf32, #tpu.memory_space<hbm>> -> memref<51200xf32, #tpu.memory_space<hbm>>
        tpu.enqueue_indirect_dma source(%dma_start3A_98 : memref<51200xf32, #tpu.memory_space<hbm>>) target(%dma_start3A_93 : memref<128xf32, #tpu.memory_space<vmem>>) offsets(%dma_start3A_96 : memref<128xi32, #tpu.memory_space<vmem>>) semaphore(%arg20 : memref<!tpu.dma_semaphore, #tpu.memory_space<semaphore_mem>>)
        %dma_wait3A_99 = arith.constant 0 : i32
        %dma_wait3A_100 = arith.constant 0 : i32
        %dma_wait3A_101 = arith.constant 0 : i32
        %dma_wait3A_102 = tpu.memref_slice %arg13[%dma_wait3A_100, %dma_wait3A_101] : memref<256x32xf32, #tpu.memory_space<vmem>> -> memref<128x32xf32, #tpu.memory_space<vmem>>
        %dma_wait3A_103 = arith.constant 0 : i32
        %dma_wait3A_104 = tpu.memref_slice %arg11[%dma_wait3A_99, %dma_wait3A_103] : memref<20x128xi32, #tpu.memory_space<vmem>> -> memref<1x128xi32, #tpu.memory_space<vmem>>
        %dma_wait3A_105 = tpu.memref_squeeze %dma_wait3A_104 : memref<1x128xi32, #tpu.memory_space<vmem>> -> memref<128xi32, #tpu.memory_space<vmem>>
        %dma_wait3A_106 = arith.constant 0 : i32
        %dma_wait3A_107 = arith.constant 0 : i32
        %dma_wait3A_108 = tpu.memref_slice %arg2[%dma_wait3A_106, %dma_wait3A_107] : memref<51200x32xf32, #tpu.memory_space<hbm>> -> memref<51200x32xf32, #tpu.memory_space<hbm>>
        tpu.wait_indirect_dma semaphore(%arg19 : memref<!tpu.dma_semaphore, #tpu.memory_space<semaphore_mem>>) src(%dma_wait3A_108 : memref<51200x32xf32, #tpu.memory_space<hbm>>) dst(%dma_wait3A_102 : memref<128x32xf32, #tpu.memory_space<vmem>>)
        %dma_wait3A_109 = arith.constant 0 : i32
        %dma_wait3A_110 = arith.constant 0 : i32
        %dma_wait3A_111 = tpu.memref_slice %arg14[%dma_wait3A_110] : memref<256xf32, #tpu.memory_space<vmem>> -> memref<128xf32, #tpu.memory_space<vmem>>
        %dma_wait3A_112 = arith.constant 0 : i32
        %dma_wait3A_113 = tpu.memref_slice %arg11[%dma_wait3A_109, %dma_wait3A_112] : memref<20x128xi32, #tpu.memory_space<vmem>> -> memref<1x128xi32, #tpu.memory_space<vmem>>
        %dma_wait3A_114 = tpu.memref_squeeze %dma_wait3A_113 : memref<1x128xi32, #tpu.memory_space<vmem>> -> memref<128xi32, #tpu.memory_space<vmem>>
        %dma_wait3A_115 = arith.constant 0 : i32
        %dma_wait3A_116 = tpu.memref_slice %arg4[%dma_wait3A_115] : memref<51200xf32, #tpu.memory_space<hbm>> -> memref<51200xf32, #tpu.memory_space<hbm>>
        tpu.wait_indirect_dma semaphore(%arg19 : memref<!tpu.dma_semaphore, #tpu.memory_space<semaphore_mem>>) src(%dma_wait3A_116 : memref<51200xf32, #tpu.memory_space<hbm>>) dst(%dma_wait3A_111 : memref<128xf32, #tpu.memory_space<vmem>>)
        %dma_wait3A_117 = arith.constant 0 : i32
        %dma_wait3A_118 = arith.constant 0 : i32
        %dma_wait3A_119 = tpu.memref_slice %arg15[%dma_wait3A_118] : memref<256xf32, #tpu.memory_space<vmem>> -> memref<128xf32, #tpu.memory_space<vmem>>
        %dma_wait3A_120 = arith.constant 0 : i32
        %dma_wait3A_121 = tpu.memref_slice %arg12[%dma_wait3A_117, %dma_wait3A_120] : memref<20x128xi32, #tpu.memory_space<vmem>> -> memref<1x128xi32, #tpu.memory_space<vmem>>
        %dma_wait3A_122 = tpu.memref_squeeze %dma_wait3A_121 : memref<1x128xi32, #tpu.memory_space<vmem>> -> memref<128xi32, #tpu.memory_space<vmem>>
        %dma_wait3A_123 = arith.constant 0 : i32
        %dma_wait3A_124 = tpu.memref_slice %arg5[%dma_wait3A_123] : memref<51200xf32, #tpu.memory_space<hbm>> -> memref<51200xf32, #tpu.memory_space<hbm>>
        tpu.wait_indirect_dma semaphore(%arg19 : memref<!tpu.dma_semaphore, #tpu.memory_space<semaphore_mem>>) src(%dma_wait3A_124 : memref<51200xf32, #tpu.memory_space<hbm>>) dst(%dma_wait3A_119 : memref<128xf32, #tpu.memory_space<vmem>>)
        %convert_element_type3A_125 = arith.extui %or3A : i1 to i32
        %cond3A_126 = arith.constant 0 : i32
        %cond3A_127 = arith.cmpi ne, %convert_element_type3A_125, %cond3A_126 : i32
        scf.if %cond3A_127 {
          %dma_wait3A_193 = arith.constant 0 : i32
          %dma_wait3A_194 = arith.constant 0 : i32
          %dma_wait3A_195 = arith.constant 0 : i32
          %dma_wait3A_196 = tpu.memref_slice %arg16[%dma_wait3A_194, %dma_wait3A_195] : memref<256x32xf32, #tpu.memory_space<vmem>> -> memref<128x32xf32, #tpu.memory_space<vmem>>
          %dma_wait3A_197 = arith.constant 0 : i32
          %dma_wait3A_198 = tpu.memref_slice %arg12[%dma_wait3A_193, %dma_wait3A_197] : memref<20x128xi32, #tpu.memory_space<vmem>> -> memref<1x128xi32, #tpu.memory_space<vmem>>
          %dma_wait3A_199 = tpu.memref_squeeze %dma_wait3A_198 : memref<1x128xi32, #tpu.memory_space<vmem>> -> memref<128xi32, #tpu.memory_space<vmem>>
          %dma_wait3A_200 = arith.constant 0 : i32
          %dma_wait3A_201 = arith.constant 0 : i32
          %dma_wait3A_202 = tpu.memref_slice %arg18[%dma_wait3A_200, %dma_wait3A_201] : memref<51200x32xf32, #tpu.memory_space<vmem_shared>> -> memref<51200x32xf32, #tpu.memory_space<vmem_shared>>
          tpu.wait_indirect_dma semaphore(%arg21 : memref<!tpu.dma_semaphore, #tpu.memory_space<semaphore_mem>>) src(%dma_wait3A_196 : memref<128x32xf32, #tpu.memory_space<vmem>>) dst(%dma_wait3A_202 : memref<51200x32xf32, #tpu.memory_space<vmem_shared>>)
        } else {
        }
        %scan3A_128 = arith.constant 0 : i32
        %scan3A_129 = arith.constant 0 : i32
        %scan3A_130 = arith.constant 8 : i32
        %scan3A_131 = arith.addi %scan3A_129, %scan3A_130 : i32
        %scan3A_132 = arith.constant 1 : i32
        scf.for %scan3A_193 = %scan3A_129 to %scan3A_131 step %scan3A_132  : i32 {
          %mul3A_194 = arith.constant 16 : i32
          %mul3A_195 = arith.muli %scan3A_193, %mul3A_194 : i32
          %add3A_196 = arith.constant 0 : i32
          %add3A_197 = arith.addi %add3A_196, %mul3A_195 : i32
          %get3A_198 = arith.index_cast %add3A_197 : i32 to index
          %get3A_199 = tpu.vector_load %arg14[%get3A_198] {strides = array<i32>} : memref<256xf32, #tpu.memory_space<vmem>>, vector<16xf32>,
          %get3A_200 = vector.shape_cast %get3A_199 : vector<16xf32> to vector<16xf32>
          %mul3A_201 = arith.constant 16 : i32
          %mul3A_202 = arith.muli %scan3A_193, %mul3A_201 : i32
          %add3A_203 = arith.constant 0 : i32
          %add3A_204 = arith.addi %add3A_203, %mul3A_202 : i32
          %get3A_205 = arith.index_cast %add3A_204 : i32 to index
          %get3A_206 = tpu.vector_load %arg15[%get3A_205] {strides = array<i32>} : memref<256xf32, #tpu.memory_space<vmem>>, vector<16xf32>,
          %get3A_207 = vector.shape_cast %get3A_206 : vector<16xf32> to vector<16xf32>
          %add3A_208 = arith.addf %get3A_200, %get3A_207 : vector<16xf32>
          %ge3A = arith.constant 0.000000e+00 : f32
          %ge3A_209 = vector.broadcast %ge3A : f32 to vector<16xf32>
          %ge3A_210 = arith.cmpf oge, %add3A_208, %ge3A_209 : vector<16xf32>
          %mul3A_211 = arith.constant 2.000000e-01 : f32
          %mul3A_212 = vector.broadcast %mul3A_211 : f32 to vector<16xf32>
          %mul3A_213 = arith.mulf %mul3A_212, %add3A_208 : vector<16xf32>
          %select_n3A = arith.select %ge3A_210, %add3A_208, %mul3A_213 : vector<16xi1>, vector<16xf32>
          %sub3A = arith.subf %select_n3A, %get3A_4 : vector<16xf32>
          %exp3A = math.exp %sub3A : vector<16xf32>
          %mul3A_214 = arith.constant 16 : i32
          %mul3A_215 = arith.muli %scan3A_193, %mul3A_214 : i32
          %add3A_216 = arith.constant 0 : i32
          %add3A_217 = arith.addi %add3A_216, %mul3A_215 : i32
          %add3A_218 = arith.constant 0 : i32
          %add3A_219 = arith.addi %add3A_217, %add3A_218 : i32
          %slice3A = vector.extract_strided_slice %exp3A {offsets = [0], sizes = [1], strides = [1]} : vector<16xf32> to vector<1xf32>
          %squeeze3A = vector.extract %slice3A[0] : f32 from vector<1xf32>
          %broadcast_in_dim3A = vector.broadcast %squeeze3A : f32 to vector<16xf32>
          %get3A_220 = arith.index_cast %add3A_219 : i32 to index
          %get3A_221 = arith.constant 0 : index
          %get3A_222 = tpu.vector_load %arg13[%get3A_220, %get3A_221] {strides = array<i32>} : memref<256x32xf32, #tpu.memory_space<vmem>>, vector<1x16xf32>,
          %get3A_223 = vector.shape_cast %get3A_222 : vector<1x16xf32> to vector<16xf32>
          %mul3A_224 = arith.mulf %broadcast_in_dim3A, %get3A_223 : vector<16xf32>
          %swap3A = arith.index_cast %add3A_219 : i32 to index
          %swap3A_225 = arith.constant 0 : index
          %swap3A_226 = tpu.vector_load %arg16[%swap3A, %swap3A_225] {strides = array<i32>} : memref<256x32xf32, #tpu.memory_space<vmem>>, vector<1x16xf32>,
          %swap3A_227 = vector.shape_cast %swap3A_226 : vector<1x16xf32> to vector<16xf32>
          %swap3A_228 = vector.shape_cast %mul3A_224 : vector<16xf32> to vector<1x16xf32>
          tpu.vector_store %arg16[%swap3A, %swap3A_225], %swap3A_228 {strides = array<i32>} : memref<256x32xf32, #tpu.memory_space<vmem>>, vector<1x16xf32>,
          %get3A_229 = arith.index_cast %add3A_219 : i32 to index
          %get3A_230 = arith.constant 16 : index
          %get3A_231 = tpu.vector_load %arg13[%get3A_229, %get3A_230] {strides = array<i32>} : memref<256x32xf32, #tpu.memory_space<vmem>>, vector<1x16xf32>,
          %get3A_232 = vector.shape_cast %get3A_231 : vector<1x16xf32> to vector<16xf32>
          %mul3A_233 = arith.mulf %broadcast_in_dim3A, %get3A_232 : vector<16xf32>
          %swap3A_234 = arith.index_cast %add3A_219 : i32 to index
          %swap3A_235 = arith.constant 16 : index
          %swap3A_236 = tpu.vector_load %arg16[%swap3A_234, %swap3A_235] {strides = array<i32>} : memref<256x32xf32, #tpu.memory_space<vmem>>, vector<1x16xf32>,
          %swap3A_237 = vector.shape_cast %swap3A_236 : vector<1x16xf32> to vector<16xf32>
          %swap3A_238 = vector.shape_cast %mul3A_233 : vector<16xf32> to vector<1x16xf32>
          tpu.vector_store %arg16[%swap3A_234, %swap3A_235], %swap3A_238 {strides = array<i32>} : memref<256x32xf32, #tpu.memory_space<vmem>>, vector<1x16xf32>,
          %mul3A_239 = arith.constant 16 : i32
          %mul3A_240 = arith.muli %scan3A_193, %mul3A_239 : i32
          %add3A_241 = arith.constant 0 : i32
          %add3A_242 = arith.addi %add3A_241, %mul3A_240 : i32
          %add3A_243 = arith.constant 1 : i32
          %add3A_244 = arith.addi %add3A_242, %add3A_243 : i32
          %slice3A_245 = vector.extract_strided_slice %exp3A {offsets = [1], sizes = [1], strides = [1]} : vector<16xf32> to vector<1xf32>
          %squeeze3A_246 = vector.extract %slice3A_245[0] : f32 from vector<1xf32>
          %broadcast_in_dim3A_247 = vector.broadcast %squeeze3A_246 : f32 to vector<16xf32>
          %get3A_248 = arith.index_cast %add3A_244 : i32 to index
          %get3A_249 = arith.constant 0 : index
          %get3A_250 = tpu.vector_load %arg13[%get3A_248, %get3A_249] {strides = array<i32>} : memref<256x32xf32, #tpu.memory_space<vmem>>, vector<1x16xf32>,
          %get3A_251 = vector.shape_cast %get3A_250 : vector<1x16xf32> to vector<16xf32>
          %mul3A_252 = arith.mulf %broadcast_in_dim3A_247, %get3A_251 : vector<16xf32>
          %swap3A_253 = arith.index_cast %add3A_244 : i32 to index
          %swap3A_254 = arith.constant 0 : index
          %swap3A_255 = tpu.vector_load %arg16[%swap3A_253, %swap3A_254] {strides = array<i32>} : memref<256x32xf32, #tpu.memory_space<vmem>>, vector<1x16xf32>,
          %swap3A_256 = vector.shape_cast %swap3A_255 : vector<1x16xf32> to vector<16xf32>
          %swap3A_257 = vector.shape_cast %mul3A_252 : vector<16xf32> to vector<1x16xf32>
          tpu.vector_store %arg16[%swap3A_253, %swap3A_254], %swap3A_257 {strides = array<i32>} : memref<256x32xf32, #tpu.memory_space<vmem>>, vector<1x16xf32>,
          %get3A_258 = arith.index_cast %add3A_244 : i32 to index
          %get3A_259 = arith.constant 16 : index
          %get3A_260 = tpu.vector_load %arg13[%get3A_258, %get3A_259] {strides = array<i32>} : memref<256x32xf32, #tpu.memory_space<vmem>>, vector<1x16xf32>,
          %get3A_261 = vector.shape_cast %get3A_260 : vector<1x16xf32> to vector<16xf32>
          %mul3A_262 = arith.mulf %broadcast_in_dim3A_247, %get3A_261 : vector<16xf32>
          %swap3A_263 = arith.index_cast %add3A_244 : i32 to index
          %swap3A_264 = arith.constant 16 : index
          %swap3A_265 = tpu.vector_load %arg16[%swap3A_263, %swap3A_264] {strides = array<i32>} : memref<256x32xf32, #tpu.memory_space<vmem>>, vector<1x16xf32>,
          %swap3A_266 = vector.shape_cast %swap3A_265 : vector<1x16xf32> to vector<16xf32>
          %swap3A_267 = vector.shape_cast %mul3A_262 : vector<16xf32> to vector<1x16xf32>
          tpu.vector_store %arg16[%swap3A_263, %swap3A_264], %swap3A_267 {strides = array<i32>} : memref<256x32xf32, #tpu.memory_space<vmem>>, vector<1x16xf32>,
          %mul3A_268 = arith.constant 16 : i32
          %mul3A_269 = arith.muli %scan3A_193, %mul3A_268 : i32
          %add3A_270 = arith.constant 0 : i32
          %add3A_271 = arith.addi %add3A_270, %mul3A_269 : i32
          %add3A_272 = arith.constant 2 : i32
          %add3A_273 = arith.addi %add3A_271, %add3A_272 : i32
          %slice3A_274 = vector.extract_strided_slice %exp3A {offsets = [2], sizes = [1], strides = [1]} : vector<16xf32> to vector<1xf32>
          %squeeze3A_275 = vector.extract %slice3A_274[0] : f32 from vector<1xf32>
          %broadcast_in_dim3A_276 = vector.broadcast %squeeze3A_275 : f32 to vector<16xf32>
          %get3A_277 = arith.index_cast %add3A_273 : i32 to index
          %get3A_278 = arith.constant 0 : index
          %get3A_279 = tpu.vector_load %arg13[%get3A_277, %get3A_278] {strides = array<i32>} : memref<256x32xf32, #tpu.memory_space<vmem>>, vector<1x16xf32>,
          %get3A_280 = vector.shape_cast %get3A_279 : vector<1x16xf32> to vector<16xf32>
          %mul3A_281 = arith.mulf %broadcast_in_dim3A_276, %get3A_280 : vector<16xf32>
          %swap3A_282 = arith.index_cast %add3A_273 : i32 to index
          %swap3A_283 = arith.constant 0 : index
          %swap3A_284 = tpu.vector_load %arg16[%swap3A_282, %swap3A_283] {strides = array<i32>} : memref<256x32xf32, #tpu.memory_space<vmem>>, vector<1x16xf32>,
          %swap3A_285 = vector.shape_cast %swap3A_284 : vector<1x16xf32> to vector<16xf32>
          %swap3A_286 = vector.shape_cast %mul3A_281 : vector<16xf32> to vector<1x16xf32>
          tpu.vector_store %arg16[%swap3A_282, %swap3A_283], %swap3A_286 {strides = array<i32>} : memref<256x32xf32, #tpu.memory_space<vmem>>, vector<1x16xf32>,
          %get3A_287 = arith.index_cast %add3A_273 : i32 to index
          %get3A_288 = arith.constant 16 : index
          %get3A_289 = tpu.vector_load %arg13[%get3A_287, %get3A_288] {strides = array<i32>} : memref<256x32xf32, #tpu.memory_space<vmem>>, vector<1x16xf32>,
          %get3A_290 = vector.shape_cast %get3A_289 : vector<1x16xf32> to vector<16xf32>
          %mul3A_291 = arith.mulf %broadcast_in_dim3A_276, %get3A_290 : vector<16xf32>
          %swap3A_292 = arith.index_cast %add3A_273 : i32 to index
          %swap3A_293 = arith.constant 16 : index
          %swap3A_294 = tpu.vector_load %arg16[%swap3A_292, %swap3A_293] {strides = array<i32>} : memref<256x32xf32, #tpu.memory_space<vmem>>, vector<1x16xf32>,
          %swap3A_295 = vector.shape_cast %swap3A_294 : vector<1x16xf32> to vector<16xf32>
          %swap3A_296 = vector.shape_cast %mul3A_291 : vector<16xf32> to vector<1x16xf32>
          tpu.vector_store %arg16[%swap3A_292, %swap3A_293], %swap3A_296 {strides = array<i32>} : memref<256x32xf32, #tpu.memory_space<vmem>>, vector<1x16xf32>,
          %mul3A_297 = arith.constant 16 : i32
          %mul3A_298 = arith.muli %scan3A_193, %mul3A_297 : i32
          %add3A_299 = arith.constant 0 : i32
          %add3A_300 = arith.addi %add3A_299, %mul3A_298 : i32
          %add3A_301 = arith.constant 3 : i32
          %add3A_302 = arith.addi %add3A_300, %add3A_301 : i32
          %slice3A_303 = vector.extract_strided_slice %exp3A {offsets = [3], sizes = [1], strides = [1]} : vector<16xf32> to vector<1xf32>
          %squeeze3A_304 = vector.extract %slice3A_303[0] : f32 from vector<1xf32>
          %broadcast_in_dim3A_305 = vector.broadcast %squeeze3A_304 : f32 to vector<16xf32>
          %get3A_306 = arith.index_cast %add3A_302 : i32 to index
          %get3A_307 = arith.constant 0 : index
          %get3A_308 = tpu.vector_load %arg13[%get3A_306, %get3A_307] {strides = array<i32>} : memref<256x32xf32, #tpu.memory_space<vmem>>, vector<1x16xf32>,
          %get3A_309 = vector.shape_cast %get3A_308 : vector<1x16xf32> to vector<16xf32>
          %mul3A_310 = arith.mulf %broadcast_in_dim3A_305, %get3A_309 : vector<16xf32>
          %swap3A_311 = arith.index_cast %add3A_302 : i32 to index
          %swap3A_312 = arith.constant 0 : index
          %swap3A_313 = tpu.vector_load %arg16[%swap3A_311, %swap3A_312] {strides = array<i32>} : memref<256x32xf32, #tpu.memory_space<vmem>>, vector<1x16xf32>,
          %swap3A_314 = vector.shape_cast %swap3A_313 : vector<1x16xf32> to vector<16xf32>
          %swap3A_315 = vector.shape_cast %mul3A_310 : vector<16xf32> to vector<1x16xf32>
          tpu.vector_store %arg16[%swap3A_311, %swap3A_312], %swap3A_315 {strides = array<i32>} : memref<256x32xf32, #tpu.memory_space<vmem>>, vector<1x16xf32>,
          %get3A_316 = arith.index_cast %add3A_302 : i32 to index
          %get3A_317 = arith.constant 16 : index
          %get3A_318 = tpu.vector_load %arg13[%get3A_316, %get3A_317] {strides = array<i32>} : memref<256x32xf32, #tpu.memory_space<vmem>>, vector<1x16xf32>,
          %get3A_319 = vector.shape_cast %get3A_318 : vector<1x16xf32> to vector<16xf32>
          %mul3A_320 = arith.mulf %broadcast_in_dim3A_305, %get3A_319 : vector<16xf32>
          %swap3A_321 = arith.index_cast %add3A_302 : i32 to index
          %swap3A_322 = arith.constant 16 : index
          %swap3A_323 = tpu.vector_load %arg16[%swap3A_321, %swap3A_322] {strides = array<i32>} : memref<256x32xf32, #tpu.memory_space<vmem>>, vector<1x16xf32>,
          %swap3A_324 = vector.shape_cast %swap3A_323 : vector<1x16xf32> to vector<16xf32>
          %swap3A_325 = vector.shape_cast %mul3A_320 : vector<16xf32> to vector<1x16xf32>
          tpu.vector_store %arg16[%swap3A_321, %swap3A_322], %swap3A_325 {strides = array<i32>} : memref<256x32xf32, #tpu.memory_space<vmem>>, vector<1x16xf32>,
          %mul3A_326 = arith.constant 16 : i32
          %mul3A_327 = arith.muli %scan3A_193, %mul3A_326 : i32
          %add3A_328 = arith.constant 0 : i32
          %add3A_329 = arith.addi %add3A_328, %mul3A_327 : i32
          %add3A_330 = arith.constant 4 : i32
          %add3A_331 = arith.addi %add3A_329, %add3A_330 : i32
          %slice3A_332 = vector.extract_strided_slice %exp3A {offsets = [4], sizes = [1], strides = [1]} : vector<16xf32> to vector<1xf32>
          %squeeze3A_333 = vector.extract %slice3A_332[0] : f32 from vector<1xf32>
          %broadcast_in_dim3A_334 = vector.broadcast %squeeze3A_333 : f32 to vector<16xf32>
          %get3A_335 = arith.index_cast %add3A_331 : i32 to index
          %get3A_336 = arith.constant 0 : index
          %get3A_337 = tpu.vector_load %arg13[%get3A_335, %get3A_336] {strides = array<i32>} : memref<256x32xf32, #tpu.memory_space<vmem>>, vector<1x16xf32>,
          %get3A_338 = vector.shape_cast %get3A_337 : vector<1x16xf32> to vector<16xf32>
          %mul3A_339 = arith.mulf %broadcast_in_dim3A_334, %get3A_338 : vector<16xf32>
          %swap3A_340 = arith.index_cast %add3A_331 : i32 to index
          %swap3A_341 = arith.constant 0 : index
          %swap3A_342 = tpu.vector_load %arg16[%swap3A_340, %swap3A_341] {strides = array<i32>} : memref<256x32xf32, #tpu.memory_space<vmem>>, vector<1x16xf32>,
          %swap3A_343 = vector.shape_cast %swap3A_342 : vector<1x16xf32> to vector<16xf32>
          %swap3A_344 = vector.shape_cast %mul3A_339 : vector<16xf32> to vector<1x16xf32>
          tpu.vector_store %arg16[%swap3A_340, %swap3A_341], %swap3A_344 {strides = array<i32>} : memref<256x32xf32, #tpu.memory_space<vmem>>, vector<1x16xf32>,
          %get3A_345 = arith.index_cast %add3A_331 : i32 to index
          %get3A_346 = arith.constant 16 : index
          %get3A_347 = tpu.vector_load %arg13[%get3A_345, %get3A_346] {strides = array<i32>} : memref<256x32xf32, #tpu.memory_space<vmem>>, vector<1x16xf32>,
          %get3A_348 = vector.shape_cast %get3A_347 : vector<1x16xf32> to vector<16xf32>
          %mul3A_349 = arith.mulf %broadcast_in_dim3A_334, %get3A_348 : vector<16xf32>
          %swap3A_350 = arith.index_cast %add3A_331 : i32 to index
          %swap3A_351 = arith.constant 16 : index
          %swap3A_352 = tpu.vector_load %arg16[%swap3A_350, %swap3A_351] {strides = array<i32>} : memref<256x32xf32, #tpu.memory_space<vmem>>, vector<1x16xf32>,
          %swap3A_353 = vector.shape_cast %swap3A_352 : vector<1x16xf32> to vector<16xf32>
          %swap3A_354 = vector.shape_cast %mul3A_349 : vector<16xf32> to vector<1x16xf32>
          tpu.vector_store %arg16[%swap3A_350, %swap3A_351], %swap3A_354 {strides = array<i32>} : memref<256x32xf32, #tpu.memory_space<vmem>>, vector<1x16xf32>,
          %mul3A_355 = arith.constant 16 : i32
          %mul3A_356 = arith.muli %scan3A_193, %mul3A_355 : i32
          %add3A_357 = arith.constant 0 : i32
          %add3A_358 = arith.addi %add3A_357, %mul3A_356 : i32
          %add3A_359 = arith.constant 5 : i32
          %add3A_360 = arith.addi %add3A_358, %add3A_359 : i32
          %slice3A_361 = vector.extract_strided_slice %exp3A {offsets = [5], sizes = [1], strides = [1]} : vector<16xf32> to vector<1xf32>
          %squeeze3A_362 = vector.extract %slice3A_361[0] : f32 from vector<1xf32>
          %broadcast_in_dim3A_363 = vector.broadcast %squeeze3A_362 : f32 to vector<16xf32>
          %get3A_364 = arith.index_cast %add3A_360 : i32 to index
          %get3A_365 = arith.constant 0 : index
          %get3A_366 = tpu.vector_load %arg13[%get3A_364, %get3A_365] {strides = array<i32>} : memref<256x32xf32, #tpu.memory_space<vmem>>, vector<1x16xf32>,
          %get3A_367 = vector.shape_cast %get3A_366 : vector<1x16xf32> to vector<16xf32>
          %mul3A_368 = arith.mulf %broadcast_in_dim3A_363, %get3A_367 : vector<16xf32>
          %swap3A_369 = arith.index_cast %add3A_360 : i32 to index
          %swap3A_370 = arith.constant 0 : index
          %swap3A_371 = tpu.vector_load %arg16[%swap3A_369, %swap3A_370] {strides = array<i32>} : memref<256x32xf32, #tpu.memory_space<vmem>>, vector<1x16xf32>,
          %swap3A_372 = vector.shape_cast %swap3A_371 : vector<1x16xf32> to vector<16xf32>
          %swap3A_373 = vector.shape_cast %mul3A_368 : vector<16xf32> to vector<1x16xf32>
          tpu.vector_store %arg16[%swap3A_369, %swap3A_370], %swap3A_373 {strides = array<i32>} : memref<256x32xf32, #tpu.memory_space<vmem>>, vector<1x16xf32>,
          %get3A_374 = arith.index_cast %add3A_360 : i32 to index
          %get3A_375 = arith.constant 16 : index
          %get3A_376 = tpu.vector_load %arg13[%get3A_374, %get3A_375] {strides = array<i32>} : memref<256x32xf32, #tpu.memory_space<vmem>>, vector<1x16xf32>,
          %get3A_377 = vector.shape_cast %get3A_376 : vector<1x16xf32> to vector<16xf32>
          %mul3A_378 = arith.mulf %broadcast_in_dim3A_363, %get3A_377 : vector<16xf32>
          %swap3A_379 = arith.index_cast %add3A_360 : i32 to index
          %swap3A_380 = arith.constant 16 : index
          %swap3A_381 = tpu.vector_load %arg16[%swap3A_379, %swap3A_380] {strides = array<i32>} : memref<256x32xf32, #tpu.memory_space<vmem>>, vector<1x16xf32>,
          %swap3A_382 = vector.shape_cast %swap3A_381 : vector<1x16xf32> to vector<16xf32>
          %swap3A_383 = vector.shape_cast %mul3A_378 : vector<16xf32> to vector<1x16xf32>
          tpu.vector_store %arg16[%swap3A_379, %swap3A_380], %swap3A_383 {strides = array<i32>} : memref<256x32xf32, #tpu.memory_space<vmem>>, vector<1x16xf32>,
          %mul3A_384 = arith.constant 16 : i32
          %mul3A_385 = arith.muli %scan3A_193, %mul3A_384 : i32
          %add3A_386 = arith.constant 0 : i32
          %add3A_387 = arith.addi %add3A_386, %mul3A_385 : i32
          %add3A_388 = arith.constant 6 : i32
          %add3A_389 = arith.addi %add3A_387, %add3A_388 : i32
          %slice3A_390 = vector.extract_strided_slice %exp3A {offsets = [6], sizes = [1], strides = [1]} : vector<16xf32> to vector<1xf32>
          %squeeze3A_391 = vector.extract %slice3A_390[0] : f32 from vector<1xf32>
          %broadcast_in_dim3A_392 = vector.broadcast %squeeze3A_391 : f32 to vector<16xf32>
          %get3A_393 = arith.index_cast %add3A_389 : i32 to index
          %get3A_394 = arith.constant 0 : index
          %get3A_395 = tpu.vector_load %arg13[%get3A_393, %get3A_394] {strides = array<i32>} : memref<256x32xf32, #tpu.memory_space<vmem>>, vector<1x16xf32>,
          %get3A_396 = vector.shape_cast %get3A_395 : vector<1x16xf32> to vector<16xf32>
          %mul3A_397 = arith.mulf %broadcast_in_dim3A_392, %get3A_396 : vector<16xf32>
          %swap3A_398 = arith.index_cast %add3A_389 : i32 to index
          %swap3A_399 = arith.constant 0 : index
          %swap3A_400 = tpu.vector_load %arg16[%swap3A_398, %swap3A_399] {strides = array<i32>} : memref<256x32xf32, #tpu.memory_space<vmem>>, vector<1x16xf32>,
          %swap3A_401 = vector.shape_cast %swap3A_400 : vector<1x16xf32> to vector<16xf32>
          %swap3A_402 = vector.shape_cast %mul3A_397 : vector<16xf32> to vector<1x16xf32>
          tpu.vector_store %arg16[%swap3A_398, %swap3A_399], %swap3A_402 {strides = array<i32>} : memref<256x32xf32, #tpu.memory_space<vmem>>, vector<1x16xf32>,
          %get3A_403 = arith.index_cast %add3A_389 : i32 to index
          %get3A_404 = arith.constant 16 : index
          %get3A_405 = tpu.vector_load %arg13[%get3A_403, %get3A_404] {strides = array<i32>} : memref<256x32xf32, #tpu.memory_space<vmem>>, vector<1x16xf32>,
          %get3A_406 = vector.shape_cast %get3A_405 : vector<1x16xf32> to vector<16xf32>
          %mul3A_407 = arith.mulf %broadcast_in_dim3A_392, %get3A_406 : vector<16xf32>
          %swap3A_408 = arith.index_cast %add3A_389 : i32 to index
          %swap3A_409 = arith.constant 16 : index
          %swap3A_410 = tpu.vector_load %arg16[%swap3A_408, %swap3A_409] {strides = array<i32>} : memref<256x32xf32, #tpu.memory_space<vmem>>, vector<1x16xf32>,
          %swap3A_411 = vector.shape_cast %swap3A_410 : vector<1x16xf32> to vector<16xf32>
          %swap3A_412 = vector.shape_cast %mul3A_407 : vector<16xf32> to vector<1x16xf32>
          tpu.vector_store %arg16[%swap3A_408, %swap3A_409], %swap3A_412 {strides = array<i32>} : memref<256x32xf32, #tpu.memory_space<vmem>>, vector<1x16xf32>,
          %mul3A_413 = arith.constant 16 : i32
          %mul3A_414 = arith.muli %scan3A_193, %mul3A_413 : i32
          %add3A_415 = arith.constant 0 : i32
          %add3A_416 = arith.addi %add3A_415, %mul3A_414 : i32
          %add3A_417 = arith.constant 7 : i32
          %add3A_418 = arith.addi %add3A_416, %add3A_417 : i32
          %slice3A_419 = vector.extract_strided_slice %exp3A {offsets = [7], sizes = [1], strides = [1]} : vector<16xf32> to vector<1xf32>
          %squeeze3A_420 = vector.extract %slice3A_419[0] : f32 from vector<1xf32>
          %broadcast_in_dim3A_421 = vector.broadcast %squeeze3A_420 : f32 to vector<16xf32>
          %get3A_422 = arith.index_cast %add3A_418 : i32 to index
          %get3A_423 = arith.constant 0 : index
          %get3A_424 = tpu.vector_load %arg13[%get3A_422, %get3A_423] {strides = array<i32>} : memref<256x32xf32, #tpu.memory_space<vmem>>, vector<1x16xf32>,
          %get3A_425 = vector.shape_cast %get3A_424 : vector<1x16xf32> to vector<16xf32>
          %mul3A_426 = arith.mulf %broadcast_in_dim3A_421, %get3A_425 : vector<16xf32>
          %swap3A_427 = arith.index_cast %add3A_418 : i32 to index
          %swap3A_428 = arith.constant 0 : index
          %swap3A_429 = tpu.vector_load %arg16[%swap3A_427, %swap3A_428] {strides = array<i32>} : memref<256x32xf32, #tpu.memory_space<vmem>>, vector<1x16xf32>,
          %swap3A_430 = vector.shape_cast %swap3A_429 : vector<1x16xf32> to vector<16xf32>
          %swap3A_431 = vector.shape_cast %mul3A_426 : vector<16xf32> to vector<1x16xf32>
          tpu.vector_store %arg16[%swap3A_427, %swap3A_428], %swap3A_431 {strides = array<i32>} : memref<256x32xf32, #tpu.memory_space<vmem>>, vector<1x16xf32>,
          %get3A_432 = arith.index_cast %add3A_418 : i32 to index
          %get3A_433 = arith.constant 16 : index
          %get3A_434 = tpu.vector_load %arg13[%get3A_432, %get3A_433] {strides = array<i32>} : memref<256x32xf32, #tpu.memory_space<vmem>>, vector<1x16xf32>,
          %get3A_435 = vector.shape_cast %get3A_434 : vector<1x16xf32> to vector<16xf32>
          %mul3A_436 = arith.mulf %broadcast_in_dim3A_421, %get3A_435 : vector<16xf32>
          %swap3A_437 = arith.index_cast %add3A_418 : i32 to index
          %swap3A_438 = arith.constant 16 : index
          %swap3A_439 = tpu.vector_load %arg16[%swap3A_437, %swap3A_438] {strides = array<i32>} : memref<256x32xf32, #tpu.memory_space<vmem>>, vector<1x16xf32>,
          %swap3A_440 = vector.shape_cast %swap3A_439 : vector<1x16xf32> to vector<16xf32>
          %swap3A_441 = vector.shape_cast %mul3A_436 : vector<16xf32> to vector<1x16xf32>
          tpu.vector_store %arg16[%swap3A_437, %swap3A_438], %swap3A_441 {strides = array<i32>} : memref<256x32xf32, #tpu.memory_space<vmem>>, vector<1x16xf32>,
          %mul3A_442 = arith.constant 16 : i32
          %mul3A_443 = arith.muli %scan3A_193, %mul3A_442 : i32
          %add3A_444 = arith.constant 0 : i32
          %add3A_445 = arith.addi %add3A_444, %mul3A_443 : i32
          %add3A_446 = arith.constant 8 : i32
          %add3A_447 = arith.addi %add3A_445, %add3A_446 : i32
          %slice3A_448 = vector.extract_strided_slice %exp3A {offsets = [8], sizes = [1], strides = [1]} : vector<16xf32> to vector<1xf32>
          %squeeze3A_449 = vector.extract %slice3A_448[0] : f32 from vector<1xf32>
          %broadcast_in_dim3A_450 = vector.broadcast %squeeze3A_449 : f32 to vector<16xf32>
          %get3A_451 = arith.index_cast %add3A_447 : i32 to index
          %get3A_452 = arith.constant 0 : index
          %get3A_453 = tpu.vector_load %arg13[%get3A_451, %get3A_452] {strides = array<i32>} : memref<256x32xf32, #tpu.memory_space<vmem>>, vector<1x16xf32>,
          %get3A_454 = vector.shape_cast %get3A_453 : vector<1x16xf32> to vector<16xf32>
          %mul3A_455 = arith.mulf %broadcast_in_dim3A_450, %get3A_454 : vector<16xf32>
          %swap3A_456 = arith.index_cast %add3A_447 : i32 to index
          %swap3A_457 = arith.constant 0 : index
          %swap3A_458 = tpu.vector_load %arg16[%swap3A_456, %swap3A_457] {strides = array<i32>} : memref<256x32xf32, #tpu.memory_space<vmem>>, vector<1x16xf32>,
          %swap3A_459 = vector.shape_cast %swap3A_458 : vector<1x16xf32> to vector<16xf32>
          %swap3A_460 = vector.shape_cast %mul3A_455 : vector<16xf32> to vector<1x16xf32>
          tpu.vector_store %arg16[%swap3A_456, %swap3A_457], %swap3A_460 {strides = array<i32>} : memref<256x32xf32, #tpu.memory_space<vmem>>, vector<1x16xf32>,
          %get3A_461 = arith.index_cast %add3A_447 : i32 to index
          %get3A_462 = arith.constant 16 : index
          %get3A_463 = tpu.vector_load %arg13[%get3A_461, %get3A_462] {strides = array<i32>} : memref<256x32xf32, #tpu.memory_space<vmem>>, vector<1x16xf32>,
          %get3A_464 = vector.shape_cast %get3A_463 : vector<1x16xf32> to vector<16xf32>
          %mul3A_465 = arith.mulf %broadcast_in_dim3A_450, %get3A_464 : vector<16xf32>
          %swap3A_466 = arith.index_cast %add3A_447 : i32 to index
          %swap3A_467 = arith.constant 16 : index
          %swap3A_468 = tpu.vector_load %arg16[%swap3A_466, %swap3A_467] {strides = array<i32>} : memref<256x32xf32, #tpu.memory_space<vmem>>, vector<1x16xf32>,
          %swap3A_469 = vector.shape_cast %swap3A_468 : vector<1x16xf32> to vector<16xf32>
          %swap3A_470 = vector.shape_cast %mul3A_465 : vector<16xf32> to vector<1x16xf32>
          tpu.vector_store %arg16[%swap3A_466, %swap3A_467], %swap3A_470 {strides = array<i32>} : memref<256x32xf32, #tpu.memory_space<vmem>>, vector<1x16xf32>,
          %mul3A_471 = arith.constant 16 : i32
          %mul3A_472 = arith.muli %scan3A_193, %mul3A_471 : i32
          %add3A_473 = arith.constant 0 : i32
          %add3A_474 = arith.addi %add3A_473, %mul3A_472 : i32
          %add3A_475 = arith.constant 9 : i32
          %add3A_476 = arith.addi %add3A_474, %add3A_475 : i32
          %slice3A_477 = vector.extract_strided_slice %exp3A {offsets = [9], sizes = [1], strides = [1]} : vector<16xf32> to vector<1xf32>
          %squeeze3A_478 = vector.extract %slice3A_477[0] : f32 from vector<1xf32>
          %broadcast_in_dim3A_479 = vector.broadcast %squeeze3A_478 : f32 to vector<16xf32>
          %get3A_480 = arith.index_cast %add3A_476 : i32 to index
          %get3A_481 = arith.constant 0 : index
          %get3A_482 = tpu.vector_load %arg13[%get3A_480, %get3A_481] {strides = array<i32>} : memref<256x32xf32, #tpu.memory_space<vmem>>, vector<1x16xf32>,
          %get3A_483 = vector.shape_cast %get3A_482 : vector<1x16xf32> to vector<16xf32>
          %mul3A_484 = arith.mulf %broadcast_in_dim3A_479, %get3A_483 : vector<16xf32>
          %swap3A_485 = arith.index_cast %add3A_476 : i32 to index
          %swap3A_486 = arith.constant 0 : index
          %swap3A_487 = tpu.vector_load %arg16[%swap3A_485, %swap3A_486] {strides = array<i32>} : memref<256x32xf32, #tpu.memory_space<vmem>>, vector<1x16xf32>,
          %swap3A_488 = vector.shape_cast %swap3A_487 : vector<1x16xf32> to vector<16xf32>
          %swap3A_489 = vector.shape_cast %mul3A_484 : vector<16xf32> to vector<1x16xf32>
          tpu.vector_store %arg16[%swap3A_485, %swap3A_486], %swap3A_489 {strides = array<i32>} : memref<256x32xf32, #tpu.memory_space<vmem>>, vector<1x16xf32>,
          %get3A_490 = arith.index_cast %add3A_476 : i32 to index
          %get3A_491 = arith.constant 16 : index
          %get3A_492 = tpu.vector_load %arg13[%get3A_490, %get3A_491] {strides = array<i32>} : memref<256x32xf32, #tpu.memory_space<vmem>>, vector<1x16xf32>,
          %get3A_493 = vector.shape_cast %get3A_492 : vector<1x16xf32> to vector<16xf32>
          %mul3A_494 = arith.mulf %broadcast_in_dim3A_479, %get3A_493 : vector<16xf32>
          %swap3A_495 = arith.index_cast %add3A_476 : i32 to index
          %swap3A_496 = arith.constant 16 : index
          %swap3A_497 = tpu.vector_load %arg16[%swap3A_495, %swap3A_496] {strides = array<i32>} : memref<256x32xf32, #tpu.memory_space<vmem>>, vector<1x16xf32>,
          %swap3A_498 = vector.shape_cast %swap3A_497 : vector<1x16xf32> to vector<16xf32>
          %swap3A_499 = vector.shape_cast %mul3A_494 : vector<16xf32> to vector<1x16xf32>
          tpu.vector_store %arg16[%swap3A_495, %swap3A_496], %swap3A_499 {strides = array<i32>} : memref<256x32xf32, #tpu.memory_space<vmem>>, vector<1x16xf32>,
          %mul3A_500 = arith.constant 16 : i32
          %mul3A_501 = arith.muli %scan3A_193, %mul3A_500 : i32
          %add3A_502 = arith.constant 0 : i32
          %add3A_503 = arith.addi %add3A_502, %mul3A_501 : i32
          %add3A_504 = arith.constant 10 : i32
          %add3A_505 = arith.addi %add3A_503, %add3A_504 : i32
          %slice3A_506 = vector.extract_strided_slice %exp3A {offsets = [10], sizes = [1], strides = [1]} : vector<16xf32> to vector<1xf32>
          %squeeze3A_507 = vector.extract %slice3A_506[0] : f32 from vector<1xf32>
          %broadcast_in_dim3A_508 = vector.broadcast %squeeze3A_507 : f32 to vector<16xf32>
          %get3A_509 = arith.index_cast %add3A_505 : i32 to index
          %get3A_510 = arith.constant 0 : index
          %get3A_511 = tpu.vector_load %arg13[%get3A_509, %get3A_510] {strides = array<i32>} : memref<256x32xf32, #tpu.memory_space<vmem>>, vector<1x16xf32>,
          %get3A_512 = vector.shape_cast %get3A_511 : vector<1x16xf32> to vector<16xf32>
          %mul3A_513 = arith.mulf %broadcast_in_dim3A_508, %get3A_512 : vector<16xf32>
          %swap3A_514 = arith.index_cast %add3A_505 : i32 to index
          %swap3A_515 = arith.constant 0 : index
          %swap3A_516 = tpu.vector_load %arg16[%swap3A_514, %swap3A_515] {strides = array<i32>} : memref<256x32xf32, #tpu.memory_space<vmem>>, vector<1x16xf32>,
          %swap3A_517 = vector.shape_cast %swap3A_516 : vector<1x16xf32> to vector<16xf32>
          %swap3A_518 = vector.shape_cast %mul3A_513 : vector<16xf32> to vector<1x16xf32>
          tpu.vector_store %arg16[%swap3A_514, %swap3A_515], %swap3A_518 {strides = array<i32>} : memref<256x32xf32, #tpu.memory_space<vmem>>, vector<1x16xf32>,
          %get3A_519 = arith.index_cast %add3A_505 : i32 to index
          %get3A_520 = arith.constant 16 : index
          %get3A_521 = tpu.vector_load %arg13[%get3A_519, %get3A_520] {strides = array<i32>} : memref<256x32xf32, #tpu.memory_space<vmem>>, vector<1x16xf32>,
          %get3A_522 = vector.shape_cast %get3A_521 : vector<1x16xf32> to vector<16xf32>
          %mul3A_523 = arith.mulf %broadcast_in_dim3A_508, %get3A_522 : vector<16xf32>
          %swap3A_524 = arith.index_cast %add3A_505 : i32 to index
          %swap3A_525 = arith.constant 16 : index
          %swap3A_526 = tpu.vector_load %arg16[%swap3A_524, %swap3A_525] {strides = array<i32>} : memref<256x32xf32, #tpu.memory_space<vmem>>, vector<1x16xf32>,
          %swap3A_527 = vector.shape_cast %swap3A_526 : vector<1x16xf32> to vector<16xf32>
          %swap3A_528 = vector.shape_cast %mul3A_523 : vector<16xf32> to vector<1x16xf32>
          tpu.vector_store %arg16[%swap3A_524, %swap3A_525], %swap3A_528 {strides = array<i32>} : memref<256x32xf32, #tpu.memory_space<vmem>>, vector<1x16xf32>,
          %mul3A_529 = arith.constant 16 : i32
          %mul3A_530 = arith.muli %scan3A_193, %mul3A_529 : i32
          %add3A_531 = arith.constant 0 : i32
          %add3A_532 = arith.addi %add3A_531, %mul3A_530 : i32
          %add3A_533 = arith.constant 11 : i32
          %add3A_534 = arith.addi %add3A_532, %add3A_533 : i32
          %slice3A_535 = vector.extract_strided_slice %exp3A {offsets = [11], sizes = [1], strides = [1]} : vector<16xf32> to vector<1xf32>
          %squeeze3A_536 = vector.extract %slice3A_535[0] : f32 from vector<1xf32>
          %broadcast_in_dim3A_537 = vector.broadcast %squeeze3A_536 : f32 to vector<16xf32>
          %get3A_538 = arith.index_cast %add3A_534 : i32 to index
          %get3A_539 = arith.constant 0 : index
          %get3A_540 = tpu.vector_load %arg13[%get3A_538, %get3A_539] {strides = array<i32>} : memref<256x32xf32, #tpu.memory_space<vmem>>, vector<1x16xf32>,
          %get3A_541 = vector.shape_cast %get3A_540 : vector<1x16xf32> to vector<16xf32>
          %mul3A_542 = arith.mulf %broadcast_in_dim3A_537, %get3A_541 : vector<16xf32>
          %swap3A_543 = arith.index_cast %add3A_534 : i32 to index
          %swap3A_544 = arith.constant 0 : index
          %swap3A_545 = tpu.vector_load %arg16[%swap3A_543, %swap3A_544] {strides = array<i32>} : memref<256x32xf32, #tpu.memory_space<vmem>>, vector<1x16xf32>,
          %swap3A_546 = vector.shape_cast %swap3A_545 : vector<1x16xf32> to vector<16xf32>
          %swap3A_547 = vector.shape_cast %mul3A_542 : vector<16xf32> to vector<1x16xf32>
          tpu.vector_store %arg16[%swap3A_543, %swap3A_544], %swap3A_547 {strides = array<i32>} : memref<256x32xf32, #tpu.memory_space<vmem>>, vector<1x16xf32>,
          %get3A_548 = arith.index_cast %add3A_534 : i32 to index
          %get3A_549 = arith.constant 16 : index
          %get3A_550 = tpu.vector_load %arg13[%get3A_548, %get3A_549] {strides = array<i32>} : memref<256x32xf32, #tpu.memory_space<vmem>>, vector<1x16xf32>,
          %get3A_551 = vector.shape_cast %get3A_550 : vector<1x16xf32> to vector<16xf32>
          %mul3A_552 = arith.mulf %broadcast_in_dim3A_537, %get3A_551 : vector<16xf32>
          %swap3A_553 = arith.index_cast %add3A_534 : i32 to index
          %swap3A_554 = arith.constant 16 : index
          %swap3A_555 = tpu.vector_load %arg16[%swap3A_553, %swap3A_554] {strides = array<i32>} : memref<256x32xf32, #tpu.memory_space<vmem>>, vector<1x16xf32>,
          %swap3A_556 = vector.shape_cast %swap3A_555 : vector<1x16xf32> to vector<16xf32>
          %swap3A_557 = vector.shape_cast %mul3A_552 : vector<16xf32> to vector<1x16xf32>
          tpu.vector_store %arg16[%swap3A_553, %swap3A_554], %swap3A_557 {strides = array<i32>} : memref<256x32xf32, #tpu.memory_space<vmem>>, vector<1x16xf32>,
          %mul3A_558 = arith.constant 16 : i32
          %mul3A_559 = arith.muli %scan3A_193, %mul3A_558 : i32
          %add3A_560 = arith.constant 0 : i32
          %add3A_561 = arith.addi %add3A_560, %mul3A_559 : i32
          %add3A_562 = arith.constant 12 : i32
          %add3A_563 = arith.addi %add3A_561, %add3A_562 : i32
          %slice3A_564 = vector.extract_strided_slice %exp3A {offsets = [12], sizes = [1], strides = [1]} : vector<16xf32> to vector<1xf32>
          %squeeze3A_565 = vector.extract %slice3A_564[0] : f32 from vector<1xf32>
          %broadcast_in_dim3A_566 = vector.broadcast %squeeze3A_565 : f32 to vector<16xf32>
          %get3A_567 = arith.index_cast %add3A_563 : i32 to index
          %get3A_568 = arith.constant 0 : index
          %get3A_569 = tpu.vector_load %arg13[%get3A_567, %get3A_568] {strides = array<i32>} : memref<256x32xf32, #tpu.memory_space<vmem>>, vector<1x16xf32>,
          %get3A_570 = vector.shape_cast %get3A_569 : vector<1x16xf32> to vector<16xf32>
          %mul3A_571 = arith.mulf %broadcast_in_dim3A_566, %get3A_570 : vector<16xf32>
          %swap3A_572 = arith.index_cast %add3A_563 : i32 to index
          %swap3A_573 = arith.constant 0 : index
          %swap3A_574 = tpu.vector_load %arg16[%swap3A_572, %swap3A_573] {strides = array<i32>} : memref<256x32xf32, #tpu.memory_space<vmem>>, vector<1x16xf32>,
          %swap3A_575 = vector.shape_cast %swap3A_574 : vector<1x16xf32> to vector<16xf32>
          %swap3A_576 = vector.shape_cast %mul3A_571 : vector<16xf32> to vector<1x16xf32>
          tpu.vector_store %arg16[%swap3A_572, %swap3A_573], %swap3A_576 {strides = array<i32>} : memref<256x32xf32, #tpu.memory_space<vmem>>, vector<1x16xf32>,
          %get3A_577 = arith.index_cast %add3A_563 : i32 to index
          %get3A_578 = arith.constant 16 : index
          %get3A_579 = tpu.vector_load %arg13[%get3A_577, %get3A_578] {strides = array<i32>} : memref<256x32xf32, #tpu.memory_space<vmem>>, vector<1x16xf32>,
          %get3A_580 = vector.shape_cast %get3A_579 : vector<1x16xf32> to vector<16xf32>
          %mul3A_581 = arith.mulf %broadcast_in_dim3A_566, %get3A_580 : vector<16xf32>
          %swap3A_582 = arith.index_cast %add3A_563 : i32 to index
          %swap3A_583 = arith.constant 16 : index
          %swap3A_584 = tpu.vector_load %arg16[%swap3A_582, %swap3A_583] {strides = array<i32>} : memref<256x32xf32, #tpu.memory_space<vmem>>, vector<1x16xf32>,
          %swap3A_585 = vector.shape_cast %swap3A_584 : vector<1x16xf32> to vector<16xf32>
          %swap3A_586 = vector.shape_cast %mul3A_581 : vector<16xf32> to vector<1x16xf32>
          tpu.vector_store %arg16[%swap3A_582, %swap3A_583], %swap3A_586 {strides = array<i32>} : memref<256x32xf32, #tpu.memory_space<vmem>>, vector<1x16xf32>,
          %mul3A_587 = arith.constant 16 : i32
          %mul3A_588 = arith.muli %scan3A_193, %mul3A_587 : i32
          %add3A_589 = arith.constant 0 : i32
          %add3A_590 = arith.addi %add3A_589, %mul3A_588 : i32
          %add3A_591 = arith.constant 13 : i32
          %add3A_592 = arith.addi %add3A_590, %add3A_591 : i32
          %slice3A_593 = vector.extract_strided_slice %exp3A {offsets = [13], sizes = [1], strides = [1]} : vector<16xf32> to vector<1xf32>
          %squeeze3A_594 = vector.extract %slice3A_593[0] : f32 from vector<1xf32>
          %broadcast_in_dim3A_595 = vector.broadcast %squeeze3A_594 : f32 to vector<16xf32>
          %get3A_596 = arith.index_cast %add3A_592 : i32 to index
          %get3A_597 = arith.constant 0 : index
          %get3A_598 = tpu.vector_load %arg13[%get3A_596, %get3A_597] {strides = array<i32>} : memref<256x32xf32, #tpu.memory_space<vmem>>, vector<1x16xf32>,
          %get3A_599 = vector.shape_cast %get3A_598 : vector<1x16xf32> to vector<16xf32>
          %mul3A_600 = arith.mulf %broadcast_in_dim3A_595, %get3A_599 : vector<16xf32>
          %swap3A_601 = arith.index_cast %add3A_592 : i32 to index
          %swap3A_602 = arith.constant 0 : index
          %swap3A_603 = tpu.vector_load %arg16[%swap3A_601, %swap3A_602] {strides = array<i32>} : memref<256x32xf32, #tpu.memory_space<vmem>>, vector<1x16xf32>,
          %swap3A_604 = vector.shape_cast %swap3A_603 : vector<1x16xf32> to vector<16xf32>
          %swap3A_605 = vector.shape_cast %mul3A_600 : vector<16xf32> to vector<1x16xf32>
          tpu.vector_store %arg16[%swap3A_601, %swap3A_602], %swap3A_605 {strides = array<i32>} : memref<256x32xf32, #tpu.memory_space<vmem>>, vector<1x16xf32>,
          %get3A_606 = arith.index_cast %add3A_592 : i32 to index
          %get3A_607 = arith.constant 16 : index
          %get3A_608 = tpu.vector_load %arg13[%get3A_606, %get3A_607] {strides = array<i32>} : memref<256x32xf32, #tpu.memory_space<vmem>>, vector<1x16xf32>,
          %get3A_609 = vector.shape_cast %get3A_608 : vector<1x16xf32> to vector<16xf32>
          %mul3A_610 = arith.mulf %broadcast_in_dim3A_595, %get3A_609 : vector<16xf32>
          %swap3A_611 = arith.index_cast %add3A_592 : i32 to index
          %swap3A_612 = arith.constant 16 : index
          %swap3A_613 = tpu.vector_load %arg16[%swap3A_611, %swap3A_612] {strides = array<i32>} : memref<256x32xf32, #tpu.memory_space<vmem>>, vector<1x16xf32>,
          %swap3A_614 = vector.shape_cast %swap3A_613 : vector<1x16xf32> to vector<16xf32>
          %swap3A_615 = vector.shape_cast %mul3A_610 : vector<16xf32> to vector<1x16xf32>
          tpu.vector_store %arg16[%swap3A_611, %swap3A_612], %swap3A_615 {strides = array<i32>} : memref<256x32xf32, #tpu.memory_space<vmem>>, vector<1x16xf32>,
          %mul3A_616 = arith.constant 16 : i32
          %mul3A_617 = arith.muli %scan3A_193, %mul3A_616 : i32
          %add3A_618 = arith.constant 0 : i32
          %add3A_619 = arith.addi %add3A_618, %mul3A_617 : i32
          %add3A_620 = arith.constant 14 : i32
          %add3A_621 = arith.addi %add3A_619, %add3A_620 : i32
          %slice3A_622 = vector.extract_strided_slice %exp3A {offsets = [14], sizes = [1], strides = [1]} : vector<16xf32> to vector<1xf32>
          %squeeze3A_623 = vector.extract %slice3A_622[0] : f32 from vector<1xf32>
          %broadcast_in_dim3A_624 = vector.broadcast %squeeze3A_623 : f32 to vector<16xf32>
          %get3A_625 = arith.index_cast %add3A_621 : i32 to index
          %get3A_626 = arith.constant 0 : index
          %get3A_627 = tpu.vector_load %arg13[%get3A_625, %get3A_626] {strides = array<i32>} : memref<256x32xf32, #tpu.memory_space<vmem>>, vector<1x16xf32>,
          %get3A_628 = vector.shape_cast %get3A_627 : vector<1x16xf32> to vector<16xf32>
          %mul3A_629 = arith.mulf %broadcast_in_dim3A_624, %get3A_628 : vector<16xf32>
          %swap3A_630 = arith.index_cast %add3A_621 : i32 to index
          %swap3A_631 = arith.constant 0 : index
          %swap3A_632 = tpu.vector_load %arg16[%swap3A_630, %swap3A_631] {strides = array<i32>} : memref<256x32xf32, #tpu.memory_space<vmem>>, vector<1x16xf32>,
          %swap3A_633 = vector.shape_cast %swap3A_632 : vector<1x16xf32> to vector<16xf32>
          %swap3A_634 = vector.shape_cast %mul3A_629 : vector<16xf32> to vector<1x16xf32>
          tpu.vector_store %arg16[%swap3A_630, %swap3A_631], %swap3A_634 {strides = array<i32>} : memref<256x32xf32, #tpu.memory_space<vmem>>, vector<1x16xf32>,
          %get3A_635 = arith.index_cast %add3A_621 : i32 to index
          %get3A_636 = arith.constant 16 : index
          %get3A_637 = tpu.vector_load %arg13[%get3A_635, %get3A_636] {strides = array<i32>} : memref<256x32xf32, #tpu.memory_space<vmem>>, vector<1x16xf32>,
          %get3A_638 = vector.shape_cast %get3A_637 : vector<1x16xf32> to vector<16xf32>
          %mul3A_639 = arith.mulf %broadcast_in_dim3A_624, %get3A_638 : vector<16xf32>
          %swap3A_640 = arith.index_cast %add3A_621 : i32 to index
          %swap3A_641 = arith.constant 16 : index
          %swap3A_642 = tpu.vector_load %arg16[%swap3A_640, %swap3A_641] {strides = array<i32>} : memref<256x32xf32, #tpu.memory_space<vmem>>, vector<1x16xf32>,
          %swap3A_643 = vector.shape_cast %swap3A_642 : vector<1x16xf32> to vector<16xf32>
          %swap3A_644 = vector.shape_cast %mul3A_639 : vector<16xf32> to vector<1x16xf32>
          tpu.vector_store %arg16[%swap3A_640, %swap3A_641], %swap3A_644 {strides = array<i32>} : memref<256x32xf32, #tpu.memory_space<vmem>>, vector<1x16xf32>,
          %mul3A_645 = arith.constant 16 : i32
          %mul3A_646 = arith.muli %scan3A_193, %mul3A_645 : i32
          %add3A_647 = arith.constant 0 : i32
          %add3A_648 = arith.addi %add3A_647, %mul3A_646 : i32
          %add3A_649 = arith.constant 15 : i32
          %add3A_650 = arith.addi %add3A_648, %add3A_649 : i32
          %slice3A_651 = vector.extract_strided_slice %exp3A {offsets = [15], sizes = [1], strides = [1]} : vector<16xf32> to vector<1xf32>
          %squeeze3A_652 = vector.extract %slice3A_651[0] : f32 from vector<1xf32>
          %broadcast_in_dim3A_653 = vector.broadcast %squeeze3A_652 : f32 to vector<16xf32>
          %get3A_654 = arith.index_cast %add3A_650 : i32 to index
          %get3A_655 = arith.constant 0 : index
          %get3A_656 = tpu.vector_load %arg13[%get3A_654, %get3A_655] {strides = array<i32>} : memref<256x32xf32, #tpu.memory_space<vmem>>, vector<1x16xf32>,
          %get3A_657 = vector.shape_cast %get3A_656 : vector<1x16xf32> to vector<16xf32>
          %mul3A_658 = arith.mulf %broadcast_in_dim3A_653, %get3A_657 : vector<16xf32>
          %swap3A_659 = arith.index_cast %add3A_650 : i32 to index
          %swap3A_660 = arith.constant 0 : index
          %swap3A_661 = tpu.vector_load %arg16[%swap3A_659, %swap3A_660] {strides = array<i32>} : memref<256x32xf32, #tpu.memory_space<vmem>>, vector<1x16xf32>,
          %swap3A_662 = vector.shape_cast %swap3A_661 : vector<1x16xf32> to vector<16xf32>
          %swap3A_663 = vector.shape_cast %mul3A_658 : vector<16xf32> to vector<1x16xf32>
          tpu.vector_store %arg16[%swap3A_659, %swap3A_660], %swap3A_663 {strides = array<i32>} : memref<256x32xf32, #tpu.memory_space<vmem>>, vector<1x16xf32>,
          %get3A_664 = arith.index_cast %add3A_650 : i32 to index
          %get3A_665 = arith.constant 16 : index
          %get3A_666 = tpu.vector_load %arg13[%get3A_664, %get3A_665] {strides = array<i32>} : memref<256x32xf32, #tpu.memory_space<vmem>>, vector<1x16xf32>,
          %get3A_667 = vector.shape_cast %get3A_666 : vector<1x16xf32> to vector<16xf32>
          %mul3A_668 = arith.mulf %broadcast_in_dim3A_653, %get3A_667 : vector<16xf32>
          %swap3A_669 = arith.index_cast %add3A_650 : i32 to index
          %swap3A_670 = arith.constant 16 : index
          %swap3A_671 = tpu.vector_load %arg16[%swap3A_669, %swap3A_670] {strides = array<i32>} : memref<256x32xf32, #tpu.memory_space<vmem>>, vector<1x16xf32>,
          %swap3A_672 = vector.shape_cast %swap3A_671 : vector<1x16xf32> to vector<16xf32>
          %swap3A_673 = vector.shape_cast %mul3A_668 : vector<16xf32> to vector<1x16xf32>
          tpu.vector_store %arg16[%swap3A_669, %swap3A_670], %swap3A_673 {strides = array<i32>} : memref<256x32xf32, #tpu.memory_space<vmem>>, vector<1x16xf32>,
        }
        %scan3A_133 = arith.constant 8 : i32
        %dma_start3A_134 = arith.constant 0 : i32
        %dma_start3A_135 = arith.constant 0 : i32
        %dma_start3A_136 = tpu.memref_slice %arg16[%dma_start3A_134, %dma_start3A_135] : memref<256x32xf32, #tpu.memory_space<vmem>> -> memref<128x32xf32, #tpu.memory_space<vmem>>
        %dma_start3A_137 = arith.constant 0 : i32
        %dma_start3A_138 = tpu.memref_slice %arg12[%mul3A_69, %dma_start3A_137] : memref<20x128xi32, #tpu.memory_space<vmem>> -> memref<1x128xi32, #tpu.memory_space<vmem>>
        %dma_start3A_139 = tpu.memref_squeeze %dma_start3A_138 : memref<1x128xi32, #tpu.memory_space<vmem>> -> memref<128xi32, #tpu.memory_space<vmem>>
        %dma_start3A_140 = arith.constant 0 : i32
        %dma_start3A_141 = arith.constant 0 : i32
        %dma_start3A_142 = tpu.memref_slice %arg18[%dma_start3A_140, %dma_start3A_141] : memref<51200x32xf32, #tpu.memory_space<vmem_shared>> -> memref<51200x32xf32, #tpu.memory_space<vmem_shared>>
        tpu.enqueue_indirect_dma source(%dma_start3A_136 : memref<128x32xf32, #tpu.memory_space<vmem>>) target(%dma_start3A_142 : memref<51200x32xf32, #tpu.memory_space<vmem_shared>>) offsets(%dma_start3A_139 : memref<128xi32, #tpu.memory_space<vmem>>) semaphore(%arg21 : memref<!tpu.dma_semaphore, #tpu.memory_space<semaphore_mem>>) {add = true}
        %lt3A = arith.constant 9 : i32
        %lt3A_143 = arith.cmpi slt, %scan3A_67, %lt3A : i32
        %convert_element_type3A_144 = arith.extui %lt3A_143 : i1 to i32
        %cond3A_145 = arith.constant 0 : i32
        %cond3A_146 = arith.cmpi ne, %convert_element_type3A_144, %cond3A_145 : i32
        scf.if %cond3A_146 {
          %add3A_193 = arith.constant 2 : i32
          %add3A_194 = arith.addi %mul3A_69, %add3A_193 : i32
          %eq3A_195 = arith.constant 0 : i32
          %eq3A_196 = arith.cmpi eq, %arg0, %eq3A_195 : i32
          %convert_element_type3A_197 = arith.extui %eq3A_196 : i1 to i32
          %cond3A_198 = arith.constant 0 : i32
          %cond3A_199 = arith.cmpi ne, %convert_element_type3A_197, %cond3A_198 : i32
          scf.if %cond3A_199 {
            %dma_start3A_219 = arith.constant 0 : i32
            %dma_start3A_220 = arith.constant 0 : i32
            %dma_start3A_221 = tpu.memref_slice %arg13[%dma_start3A_219, %dma_start3A_220] : memref<256x32xf32, #tpu.memory_space<vmem>> -> memref<128x32xf32, #tpu.memory_space<vmem>>
            %dma_start3A_222 = arith.constant 0 : i32
            %dma_start3A_223 = tpu.memref_slice %arg11[%add3A_194, %dma_start3A_222] : memref<20x128xi32, #tpu.memory_space<vmem>> -> memref<1x128xi32, #tpu.memory_space<vmem>>
            %dma_start3A_224 = tpu.memref_squeeze %dma_start3A_223 : memref<1x128xi32, #tpu.memory_space<vmem>> -> memref<128xi32, #tpu.memory_space<vmem>>
            %dma_start3A_225 = arith.constant 0 : i32
            %dma_start3A_226 = arith.constant 0 : i32
            %dma_start3A_227 = tpu.memref_slice %arg2[%dma_start3A_225, %dma_start3A_226] : memref<51200x32xf32, #tpu.memory_space<hbm>> -> memref<51200x32xf32, #tpu.memory_space<hbm>>
            tpu.enqueue_indirect_dma source(%dma_start3A_227 : memref<51200x32xf32, #tpu.memory_space<hbm>>) target(%dma_start3A_221 : memref<128x32xf32, #tpu.memory_space<vmem>>) offsets(%dma_start3A_224 : memref<128xi32, #tpu.memory_space<vmem>>) semaphore(%arg19 : memref<!tpu.dma_semaphore, #tpu.memory_space<semaphore_mem>>)
          } else {
          }
          %eq3A_200 = arith.constant 1 : i32
          %eq3A_201 = arith.cmpi eq, %arg0, %eq3A_200 : i32
          %convert_element_type3A_202 = arith.extui %eq3A_201 : i1 to i32
          %cond3A_203 = arith.constant 0 : i32
          %cond3A_204 = arith.cmpi ne, %convert_element_type3A_202, %cond3A_203 : i32
          scf.if %cond3A_204 {
            %dma_start3A_219 = arith.constant 0 : i32
            %dma_start3A_220 = arith.constant 0 : i32
            %dma_start3A_221 = tpu.memref_slice %arg13[%dma_start3A_219, %dma_start3A_220] : memref<256x32xf32, #tpu.memory_space<vmem>> -> memref<128x32xf32, #tpu.memory_space<vmem>>
            %dma_start3A_222 = arith.constant 0 : i32
            %dma_start3A_223 = tpu.memref_slice %arg11[%add3A_194, %dma_start3A_222] : memref<20x128xi32, #tpu.memory_space<vmem>> -> memref<1x128xi32, #tpu.memory_space<vmem>>
            %dma_start3A_224 = tpu.memref_squeeze %dma_start3A_223 : memref<1x128xi32, #tpu.memory_space<vmem>> -> memref<128xi32, #tpu.memory_space<vmem>>
            %dma_start3A_225 = arith.constant 0 : i32
            %dma_start3A_226 = arith.constant 0 : i32
            %dma_start3A_227 = tpu.memref_slice %arg3[%dma_start3A_225, %dma_start3A_226] : memref<51200x32xf32, #tpu.memory_space<hbm>> -> memref<51200x32xf32, #tpu.memory_space<hbm>>
            tpu.enqueue_indirect_dma source(%dma_start3A_227 : memref<51200x32xf32, #tpu.memory_space<hbm>>) target(%dma_start3A_221 : memref<128x32xf32, #tpu.memory_space<vmem>>) offsets(%dma_start3A_224 : memref<128xi32, #tpu.memory_space<vmem>>) semaphore(%arg19 : memref<!tpu.dma_semaphore, #tpu.memory_space<semaphore_mem>>)
          } else {
          }
          %dma_start3A_205 = arith.constant 0 : i32
          %dma_start3A_206 = tpu.memref_slice %arg14[%dma_start3A_205] : memref<256xf32, #tpu.memory_space<vmem>> -> memref<128xf32, #tpu.memory_space<vmem>>
          %dma_start3A_207 = arith.constant 0 : i32
          %dma_start3A_208 = tpu.memref_slice %arg11[%add3A_194, %dma_start3A_207] : memref<20x128xi32, #tpu.memory_space<vmem>> -> memref<1x128xi32, #tpu.memory_space<vmem>>
          %dma_start3A_209 = tpu.memref_squeeze %dma_start3A_208 : memref<1x128xi32, #tpu.memory_space<vmem>> -> memref<128xi32, #tpu.memory_space<vmem>>
          %dma_start3A_210 = arith.constant 0 : i32
          %dma_start3A_211 = tpu.memref_slice %arg4[%dma_start3A_210] : memref<51200xf32, #tpu.memory_space<hbm>> -> memref<51200xf32, #tpu.memory_space<hbm>>
          tpu.enqueue_indirect_dma source(%dma_start3A_211 : memref<51200xf32, #tpu.memory_space<hbm>>) target(%dma_start3A_206 : memref<128xf32, #tpu.memory_space<vmem>>) offsets(%dma_start3A_209 : memref<128xi32, #tpu.memory_space<vmem>>) semaphore(%arg19 : memref<!tpu.dma_semaphore, #tpu.memory_space<semaphore_mem>>)
          %dma_start3A_212 = arith.constant 0 : i32
          %dma_start3A_213 = tpu.memref_slice %arg15[%dma_start3A_212] : memref<256xf32, #tpu.memory_space<vmem>> -> memref<128xf32, #tpu.memory_space<vmem>>
          %dma_start3A_214 = arith.constant 0 : i32
          %dma_start3A_215 = tpu.memref_slice %arg12[%add3A_194, %dma_start3A_214] : memref<20x128xi32, #tpu.memory_space<vmem>> -> memref<1x128xi32, #tpu.memory_space<vmem>>
          %dma_start3A_216 = tpu.memref_squeeze %dma_start3A_215 : memref<1x128xi32, #tpu.memory_space<vmem>> -> memref<128xi32, #tpu.memory_space<vmem>>
          %dma_start3A_217 = arith.constant 0 : i32
          %dma_start3A_218 = tpu.memref_slice %arg5[%dma_start3A_217] : memref<51200xf32, #tpu.memory_space<hbm>> -> memref<51200xf32, #tpu.memory_space<hbm>>
          tpu.enqueue_indirect_dma source(%dma_start3A_218 : memref<51200xf32, #tpu.memory_space<hbm>>) target(%dma_start3A_213 : memref<128xf32, #tpu.memory_space<vmem>>) offsets(%dma_start3A_216 : memref<128xi32, #tpu.memory_space<vmem>>) semaphore(%arg19 : memref<!tpu.dma_semaphore, #tpu.memory_space<semaphore_mem>>)
        } else {
        }
        %dma_wait3A_147 = arith.constant 0 : i32
        %dma_wait3A_148 = arith.constant 128 : i32
        %dma_wait3A_149 = arith.constant 0 : i32
        %dma_wait3A_150 = tpu.memref_slice %arg13[%dma_wait3A_148, %dma_wait3A_149] : memref<256x32xf32, #tpu.memory_space<vmem>> -> memref<128x32xf32, #tpu.memory_space<vmem>>
        %dma_wait3A_151 = arith.constant 0 : i32
        %dma_wait3A_152 = tpu.memref_slice %arg11[%dma_wait3A_147, %dma_wait3A_151] : memref<20x128xi32, #tpu.memory_space<vmem>> -> memref<1x128xi32, #tpu.memory_space<vmem>>
        %dma_wait3A_153 = tpu.memref_squeeze %dma_wait3A_152 : memref<1x128xi32, #tpu.memory_space<vmem>> -> memref<128xi32, #tpu.memory_space<vmem>>
        %dma_wait3A_154 = arith.constant 0 : i32
        %dma_wait3A_155 = arith.constant 0 : i32
        %dma_wait3A_156 = tpu.memref_slice %arg2[%dma_wait3A_154, %dma_wait3A_155] : memref<51200x32xf32, #tpu.memory_space<hbm>> -> memref<51200x32xf32, #tpu.memory_space<hbm>>
        tpu.wait_indirect_dma semaphore(%arg20 : memref<!tpu.dma_semaphore, #tpu.memory_space<semaphore_mem>>) src(%dma_wait3A_156 : memref<51200x32xf32, #tpu.memory_space<hbm>>) dst(%dma_wait3A_150 : memref<128x32xf32, #tpu.memory_space<vmem>>)
        %dma_wait3A_157 = arith.constant 0 : i32
        %dma_wait3A_158 = arith.constant 128 : i32
        %dma_wait3A_159 = tpu.memref_slice %arg14[%dma_wait3A_158] : memref<256xf32, #tpu.memory_space<vmem>> -> memref<128xf32, #tpu.memory_space<vmem>>
        %dma_wait3A_160 = arith.constant 0 : i32
        %dma_wait3A_161 = tpu.memref_slice %arg11[%dma_wait3A_157, %dma_wait3A_160] : memref<20x128xi32, #tpu.memory_space<vmem>> -> memref<1x128xi32, #tpu.memory_space<vmem>>
        %dma_wait3A_162 = tpu.memref_squeeze %dma_wait3A_161 : memref<1x128xi32, #tpu.memory_space<vmem>> -> memref<128xi32, #tpu.memory_space<vmem>>
        %dma_wait3A_163 = arith.constant 0 : i32
        %dma_wait3A_164 = tpu.memref_slice %arg4[%dma_wait3A_163] : memref<51200xf32, #tpu.memory_space<hbm>> -> memref<51200xf32, #tpu.memory_space<hbm>>
        tpu.wait_indirect_dma semaphore(%arg20 : memref<!tpu.dma_semaphore, #tpu.memory_space<semaphore_mem>>) src(%dma_wait3A_164 : memref<51200xf32, #tpu.memory_space<hbm>>) dst(%dma_wait3A_159 : memref<128xf32, #tpu.memory_space<vmem>>)
        %dma_wait3A_165 = arith.constant 0 : i32
        %dma_wait3A_166 = arith.constant 128 : i32
        %dma_wait3A_167 = tpu.memref_slice %arg15[%dma_wait3A_166] : memref<256xf32, #tpu.memory_space<vmem>> -> memref<128xf32, #tpu.memory_space<vmem>>
        %dma_wait3A_168 = arith.constant 0 : i32
        %dma_wait3A_169 = tpu.memref_slice %arg12[%dma_wait3A_165, %dma_wait3A_168] : memref<20x128xi32, #tpu.memory_space<vmem>> -> memref<1x128xi32, #tpu.memory_space<vmem>>
        %dma_wait3A_170 = tpu.memref_squeeze %dma_wait3A_169 : memref<1x128xi32, #tpu.memory_space<vmem>> -> memref<128xi32, #tpu.memory_space<vmem>>
        %dma_wait3A_171 = arith.constant 0 : i32
        %dma_wait3A_172 = tpu.memref_slice %arg5[%dma_wait3A_171] : memref<51200xf32, #tpu.memory_space<hbm>> -> memref<51200xf32, #tpu.memory_space<hbm>>
        tpu.wait_indirect_dma semaphore(%arg20 : memref<!tpu.dma_semaphore, #tpu.memory_space<semaphore_mem>>) src(%dma_wait3A_172 : memref<51200xf32, #tpu.memory_space<hbm>>) dst(%dma_wait3A_167 : memref<128xf32, #tpu.memory_space<vmem>>)
        %add3A_173 = arith.constant 1 : i32
        %add3A_174 = arith.addi %mul3A_69, %add3A_173 : i32
        %convert_element_type3A_175 = arith.extui %or3A : i1 to i32
        %cond3A_176 = arith.constant 0 : i32
        %cond3A_177 = arith.cmpi ne, %convert_element_type3A_175, %cond3A_176 : i32
        scf.if %cond3A_177 {
          %dma_wait3A_193 = arith.constant 0 : i32
          %dma_wait3A_194 = arith.constant 128 : i32
          %dma_wait3A_195 = arith.constant 0 : i32
          %dma_wait3A_196 = tpu.memref_slice %arg16[%dma_wait3A_194, %dma_wait3A_195] : memref<256x32xf32, #tpu.memory_space<vmem>> -> memref<128x32xf32, #tpu.memory_space<vmem>>
          %dma_wait3A_197 = arith.constant 0 : i32
          %dma_wait3A_198 = tpu.memref_slice %arg12[%dma_wait3A_193, %dma_wait3A_197] : memref<20x128xi32, #tpu.memory_space<vmem>> -> memref<1x128xi32, #tpu.memory_space<vmem>>
          %dma_wait3A_199 = tpu.memref_squeeze %dma_wait3A_198 : memref<1x128xi32, #tpu.memory_space<vmem>> -> memref<128xi32, #tpu.memory_space<vmem>>
          %dma_wait3A_200 = arith.constant 0 : i32
          %dma_wait3A_201 = arith.constant 0 : i32
          %dma_wait3A_202 = tpu.memref_slice %arg18[%dma_wait3A_200, %dma_wait3A_201] : memref<51200x32xf32, #tpu.memory_space<vmem_shared>> -> memref<51200x32xf32, #tpu.memory_space<vmem_shared>>
          tpu.wait_indirect_dma semaphore(%arg22 : memref<!tpu.dma_semaphore, #tpu.memory_space<semaphore_mem>>) src(%dma_wait3A_196 : memref<128x32xf32, #tpu.memory_space<vmem>>) dst(%dma_wait3A_202 : memref<51200x32xf32, #tpu.memory_space<vmem_shared>>)
        } else {
        }
        %scan3A_178 = arith.constant 0 : i32
        %scan3A_179 = arith.constant 0 : i32
        %scan3A_180 = arith.constant 8 : i32
        %scan3A_181 = arith.addi %scan3A_179, %scan3A_180 : i32
        %scan3A_182 = arith.constant 1 : i32
        scf.for %scan3A_193 = %scan3A_179 to %scan3A_181 step %scan3A_182  : i32 {
          %mul3A_194 = arith.constant 16 : i32
          %mul3A_195 = arith.muli %scan3A_193, %mul3A_194 : i32
          %add3A_196 = arith.constant 128 : i32
          %add3A_197 = arith.addi %add3A_196, %mul3A_195 : i32
          %get3A_198 = arith.index_cast %add3A_197 : i32 to index
          %get3A_199 = tpu.vector_load %arg14[%get3A_198] {strides = array<i32>} : memref<256xf32, #tpu.memory_space<vmem>>, vector<16xf32>,
          %get3A_200 = vector.shape_cast %get3A_199 : vector<16xf32> to vector<16xf32>
          %mul3A_201 = arith.constant 16 : i32
          %mul3A_202 = arith.muli %scan3A_193, %mul3A_201 : i32
          %add3A_203 = arith.constant 128 : i32
          %add3A_204 = arith.addi %add3A_203, %mul3A_202 : i32
          %get3A_205 = arith.index_cast %add3A_204 : i32 to index
          %get3A_206 = tpu.vector_load %arg15[%get3A_205] {strides = array<i32>} : memref<256xf32, #tpu.memory_space<vmem>>, vector<16xf32>,
          %get3A_207 = vector.shape_cast %get3A_206 : vector<16xf32> to vector<16xf32>
          %add3A_208 = arith.addf %get3A_200, %get3A_207 : vector<16xf32>
          %ge3A = arith.constant 0.000000e+00 : f32
          %ge3A_209 = vector.broadcast %ge3A : f32 to vector<16xf32>
          %ge3A_210 = arith.cmpf oge, %add3A_208, %ge3A_209 : vector<16xf32>
          %mul3A_211 = arith.constant 2.000000e-01 : f32
          %mul3A_212 = vector.broadcast %mul3A_211 : f32 to vector<16xf32>
          %mul3A_213 = arith.mulf %mul3A_212, %add3A_208 : vector<16xf32>
          %select_n3A = arith.select %ge3A_210, %add3A_208, %mul3A_213 : vector<16xi1>, vector<16xf32>
          %sub3A = arith.subf %select_n3A, %get3A_4 : vector<16xf32>
          %exp3A = math.exp %sub3A : vector<16xf32>
          %mul3A_214 = arith.constant 16 : i32
          %mul3A_215 = arith.muli %scan3A_193, %mul3A_214 : i32
          %add3A_216 = arith.constant 128 : i32
          %add3A_217 = arith.addi %add3A_216, %mul3A_215 : i32
          %add3A_218 = arith.constant 0 : i32
          %add3A_219 = arith.addi %add3A_217, %add3A_218 : i32
          %slice3A = vector.extract_strided_slice %exp3A {offsets = [0], sizes = [1], strides = [1]} : vector<16xf32> to vector<1xf32>
          %squeeze3A = vector.extract %slice3A[0] : f32 from vector<1xf32>
          %broadcast_in_dim3A = vector.broadcast %squeeze3A : f32 to vector<16xf32>
          %get3A_220 = arith.index_cast %add3A_219 : i32 to index
          %get3A_221 = arith.constant 0 : index
          %get3A_222 = tpu.vector_load %arg13[%get3A_220, %get3A_221] {strides = array<i32>} : memref<256x32xf32, #tpu.memory_space<vmem>>, vector<1x16xf32>,
          %get3A_223 = vector.shape_cast %get3A_222 : vector<1x16xf32> to vector<16xf32>
          %mul3A_224 = arith.mulf %broadcast_in_dim3A, %get3A_223 : vector<16xf32>
          %swap3A = arith.index_cast %add3A_219 : i32 to index
          %swap3A_225 = arith.constant 0 : index
          %swap3A_226 = tpu.vector_load %arg16[%swap3A, %swap3A_225] {strides = array<i32>} : memref<256x32xf32, #tpu.memory_space<vmem>>, vector<1x16xf32>,
          %swap3A_227 = vector.shape_cast %swap3A_226 : vector<1x16xf32> to vector<16xf32>
          %swap3A_228 = vector.shape_cast %mul3A_224 : vector<16xf32> to vector<1x16xf32>
          tpu.vector_store %arg16[%swap3A, %swap3A_225], %swap3A_228 {strides = array<i32>} : memref<256x32xf32, #tpu.memory_space<vmem>>, vector<1x16xf32>,
          %get3A_229 = arith.index_cast %add3A_219 : i32 to index
          %get3A_230 = arith.constant 16 : index
          %get3A_231 = tpu.vector_load %arg13[%get3A_229, %get3A_230] {strides = array<i32>} : memref<256x32xf32, #tpu.memory_space<vmem>>, vector<1x16xf32>,
          %get3A_232 = vector.shape_cast %get3A_231 : vector<1x16xf32> to vector<16xf32>
          %mul3A_233 = arith.mulf %broadcast_in_dim3A, %get3A_232 : vector<16xf32>
          %swap3A_234 = arith.index_cast %add3A_219 : i32 to index
          %swap3A_235 = arith.constant 16 : index
          %swap3A_236 = tpu.vector_load %arg16[%swap3A_234, %swap3A_235] {strides = array<i32>} : memref<256x32xf32, #tpu.memory_space<vmem>>, vector<1x16xf32>,
          %swap3A_237 = vector.shape_cast %swap3A_236 : vector<1x16xf32> to vector<16xf32>
          %swap3A_238 = vector.shape_cast %mul3A_233 : vector<16xf32> to vector<1x16xf32>
          tpu.vector_store %arg16[%swap3A_234, %swap3A_235], %swap3A_238 {strides = array<i32>} : memref<256x32xf32, #tpu.memory_space<vmem>>, vector<1x16xf32>,
          %mul3A_239 = arith.constant 16 : i32
          %mul3A_240 = arith.muli %scan3A_193, %mul3A_239 : i32
          %add3A_241 = arith.constant 128 : i32
          %add3A_242 = arith.addi %add3A_241, %mul3A_240 : i32
          %add3A_243 = arith.constant 1 : i32
          %add3A_244 = arith.addi %add3A_242, %add3A_243 : i32
          %slice3A_245 = vector.extract_strided_slice %exp3A {offsets = [1], sizes = [1], strides = [1]} : vector<16xf32> to vector<1xf32>
          %squeeze3A_246 = vector.extract %slice3A_245[0] : f32 from vector<1xf32>
          %broadcast_in_dim3A_247 = vector.broadcast %squeeze3A_246 : f32 to vector<16xf32>
          %get3A_248 = arith.index_cast %add3A_244 : i32 to index
          %get3A_249 = arith.constant 0 : index
          %get3A_250 = tpu.vector_load %arg13[%get3A_248, %get3A_249] {strides = array<i32>} : memref<256x32xf32, #tpu.memory_space<vmem>>, vector<1x16xf32>,
          %get3A_251 = vector.shape_cast %get3A_250 : vector<1x16xf32> to vector<16xf32>
          %mul3A_252 = arith.mulf %broadcast_in_dim3A_247, %get3A_251 : vector<16xf32>
          %swap3A_253 = arith.index_cast %add3A_244 : i32 to index
          %swap3A_254 = arith.constant 0 : index
          %swap3A_255 = tpu.vector_load %arg16[%swap3A_253, %swap3A_254] {strides = array<i32>} : memref<256x32xf32, #tpu.memory_space<vmem>>, vector<1x16xf32>,
          %swap3A_256 = vector.shape_cast %swap3A_255 : vector<1x16xf32> to vector<16xf32>
          %swap3A_257 = vector.shape_cast %mul3A_252 : vector<16xf32> to vector<1x16xf32>
          tpu.vector_store %arg16[%swap3A_253, %swap3A_254], %swap3A_257 {strides = array<i32>} : memref<256x32xf32, #tpu.memory_space<vmem>>, vector<1x16xf32>,
          %get3A_258 = arith.index_cast %add3A_244 : i32 to index
          %get3A_259 = arith.constant 16 : index
          %get3A_260 = tpu.vector_load %arg13[%get3A_258, %get3A_259] {strides = array<i32>} : memref<256x32xf32, #tpu.memory_space<vmem>>, vector<1x16xf32>,
          %get3A_261 = vector.shape_cast %get3A_260 : vector<1x16xf32> to vector<16xf32>
          %mul3A_262 = arith.mulf %broadcast_in_dim3A_247, %get3A_261 : vector<16xf32>
          %swap3A_263 = arith.index_cast %add3A_244 : i32 to index
          %swap3A_264 = arith.constant 16 : index
          %swap3A_265 = tpu.vector_load %arg16[%swap3A_263, %swap3A_264] {strides = array<i32>} : memref<256x32xf32, #tpu.memory_space<vmem>>, vector<1x16xf32>,
          %swap3A_266 = vector.shape_cast %swap3A_265 : vector<1x16xf32> to vector<16xf32>
          %swap3A_267 = vector.shape_cast %mul3A_262 : vector<16xf32> to vector<1x16xf32>
          tpu.vector_store %arg16[%swap3A_263, %swap3A_264], %swap3A_267 {strides = array<i32>} : memref<256x32xf32, #tpu.memory_space<vmem>>, vector<1x16xf32>,
          %mul3A_268 = arith.constant 16 : i32
          %mul3A_269 = arith.muli %scan3A_193, %mul3A_268 : i32
          %add3A_270 = arith.constant 128 : i32
          %add3A_271 = arith.addi %add3A_270, %mul3A_269 : i32
          %add3A_272 = arith.constant 2 : i32
          %add3A_273 = arith.addi %add3A_271, %add3A_272 : i32
          %slice3A_274 = vector.extract_strided_slice %exp3A {offsets = [2], sizes = [1], strides = [1]} : vector<16xf32> to vector<1xf32>
          %squeeze3A_275 = vector.extract %slice3A_274[0] : f32 from vector<1xf32>
          %broadcast_in_dim3A_276 = vector.broadcast %squeeze3A_275 : f32 to vector<16xf32>
          %get3A_277 = arith.index_cast %add3A_273 : i32 to index
          %get3A_278 = arith.constant 0 : index
          %get3A_279 = tpu.vector_load %arg13[%get3A_277, %get3A_278] {strides = array<i32>} : memref<256x32xf32, #tpu.memory_space<vmem>>, vector<1x16xf32>,
          %get3A_280 = vector.shape_cast %get3A_279 : vector<1x16xf32> to vector<16xf32>
          %mul3A_281 = arith.mulf %broadcast_in_dim3A_276, %get3A_280 : vector<16xf32>
          %swap3A_282 = arith.index_cast %add3A_273 : i32 to index
          %swap3A_283 = arith.constant 0 : index
          %swap3A_284 = tpu.vector_load %arg16[%swap3A_282, %swap3A_283] {strides = array<i32>} : memref<256x32xf32, #tpu.memory_space<vmem>>, vector<1x16xf32>,
          %swap3A_285 = vector.shape_cast %swap3A_284 : vector<1x16xf32> to vector<16xf32>
          %swap3A_286 = vector.shape_cast %mul3A_281 : vector<16xf32> to vector<1x16xf32>
          tpu.vector_store %arg16[%swap3A_282, %swap3A_283], %swap3A_286 {strides = array<i32>} : memref<256x32xf32, #tpu.memory_space<vmem>>, vector<1x16xf32>,
          %get3A_287 = arith.index_cast %add3A_273 : i32 to index
          %get3A_288 = arith.constant 16 : index
          %get3A_289 = tpu.vector_load %arg13[%get3A_287, %get3A_288] {strides = array<i32>} : memref<256x32xf32, #tpu.memory_space<vmem>>, vector<1x16xf32>,
          %get3A_290 = vector.shape_cast %get3A_289 : vector<1x16xf32> to vector<16xf32>
          %mul3A_291 = arith.mulf %broadcast_in_dim3A_276, %get3A_290 : vector<16xf32>
          %swap3A_292 = arith.index_cast %add3A_273 : i32 to index
          %swap3A_293 = arith.constant 16 : index
          %swap3A_294 = tpu.vector_load %arg16[%swap3A_292, %swap3A_293] {strides = array<i32>} : memref<256x32xf32, #tpu.memory_space<vmem>>, vector<1x16xf32>,
          %swap3A_295 = vector.shape_cast %swap3A_294 : vector<1x16xf32> to vector<16xf32>
          %swap3A_296 = vector.shape_cast %mul3A_291 : vector<16xf32> to vector<1x16xf32>
          tpu.vector_store %arg16[%swap3A_292, %swap3A_293], %swap3A_296 {strides = array<i32>} : memref<256x32xf32, #tpu.memory_space<vmem>>, vector<1x16xf32>,
          %mul3A_297 = arith.constant 16 : i32
          %mul3A_298 = arith.muli %scan3A_193, %mul3A_297 : i32
          %add3A_299 = arith.constant 128 : i32
          %add3A_300 = arith.addi %add3A_299, %mul3A_298 : i32
          %add3A_301 = arith.constant 3 : i32
          %add3A_302 = arith.addi %add3A_300, %add3A_301 : i32
          %slice3A_303 = vector.extract_strided_slice %exp3A {offsets = [3], sizes = [1], strides = [1]} : vector<16xf32> to vector<1xf32>
          %squeeze3A_304 = vector.extract %slice3A_303[0] : f32 from vector<1xf32>
          %broadcast_in_dim3A_305 = vector.broadcast %squeeze3A_304 : f32 to vector<16xf32>
          %get3A_306 = arith.index_cast %add3A_302 : i32 to index
          %get3A_307 = arith.constant 0 : index
          %get3A_308 = tpu.vector_load %arg13[%get3A_306, %get3A_307] {strides = array<i32>} : memref<256x32xf32, #tpu.memory_space<vmem>>, vector<1x16xf32>,
          %get3A_309 = vector.shape_cast %get3A_308 : vector<1x16xf32> to vector<16xf32>
          %mul3A_310 = arith.mulf %broadcast_in_dim3A_305, %get3A_309 : vector<16xf32>
          %swap3A_311 = arith.index_cast %add3A_302 : i32 to index
          %swap3A_312 = arith.constant 0 : index
          %swap3A_313 = tpu.vector_load %arg16[%swap3A_311, %swap3A_312] {strides = array<i32>} : memref<256x32xf32, #tpu.memory_space<vmem>>, vector<1x16xf32>,
          %swap3A_314 = vector.shape_cast %swap3A_313 : vector<1x16xf32> to vector<16xf32>
          %swap3A_315 = vector.shape_cast %mul3A_310 : vector<16xf32> to vector<1x16xf32>
          tpu.vector_store %arg16[%swap3A_311, %swap3A_312], %swap3A_315 {strides = array<i32>} : memref<256x32xf32, #tpu.memory_space<vmem>>, vector<1x16xf32>,
          %get3A_316 = arith.index_cast %add3A_302 : i32 to index
          %get3A_317 = arith.constant 16 : index
          %get3A_318 = tpu.vector_load %arg13[%get3A_316, %get3A_317] {strides = array<i32>} : memref<256x32xf32, #tpu.memory_space<vmem>>, vector<1x16xf32>,
          %get3A_319 = vector.shape_cast %get3A_318 : vector<1x16xf32> to vector<16xf32>
          %mul3A_320 = arith.mulf %broadcast_in_dim3A_305, %get3A_319 : vector<16xf32>
          %swap3A_321 = arith.index_cast %add3A_302 : i32 to index
          %swap3A_322 = arith.constant 16 : index
          %swap3A_323 = tpu.vector_load %arg16[%swap3A_321, %swap3A_322] {strides = array<i32>} : memref<256x32xf32, #tpu.memory_space<vmem>>, vector<1x16xf32>,
          %swap3A_324 = vector.shape_cast %swap3A_323 : vector<1x16xf32> to vector<16xf32>
          %swap3A_325 = vector.shape_cast %mul3A_320 : vector<16xf32> to vector<1x16xf32>
          tpu.vector_store %arg16[%swap3A_321, %swap3A_322], %swap3A_325 {strides = array<i32>} : memref<256x32xf32, #tpu.memory_space<vmem>>, vector<1x16xf32>,
          %mul3A_326 = arith.constant 16 : i32
          %mul3A_327 = arith.muli %scan3A_193, %mul3A_326 : i32
          %add3A_328 = arith.constant 128 : i32
          %add3A_329 = arith.addi %add3A_328, %mul3A_327 : i32
          %add3A_330 = arith.constant 4 : i32
          %add3A_331 = arith.addi %add3A_329, %add3A_330 : i32
          %slice3A_332 = vector.extract_strided_slice %exp3A {offsets = [4], sizes = [1], strides = [1]} : vector<16xf32> to vector<1xf32>
          %squeeze3A_333 = vector.extract %slice3A_332[0] : f32 from vector<1xf32>
          %broadcast_in_dim3A_334 = vector.broadcast %squeeze3A_333 : f32 to vector<16xf32>
          %get3A_335 = arith.index_cast %add3A_331 : i32 to index
          %get3A_336 = arith.constant 0 : index
          %get3A_337 = tpu.vector_load %arg13[%get3A_335, %get3A_336] {strides = array<i32>} : memref<256x32xf32, #tpu.memory_space<vmem>>, vector<1x16xf32>,
          %get3A_338 = vector.shape_cast %get3A_337 : vector<1x16xf32> to vector<16xf32>
          %mul3A_339 = arith.mulf %broadcast_in_dim3A_334, %get3A_338 : vector<16xf32>
          %swap3A_340 = arith.index_cast %add3A_331 : i32 to index
          %swap3A_341 = arith.constant 0 : index
          %swap3A_342 = tpu.vector_load %arg16[%swap3A_340, %swap3A_341] {strides = array<i32>} : memref<256x32xf32, #tpu.memory_space<vmem>>, vector<1x16xf32>,
          %swap3A_343 = vector.shape_cast %swap3A_342 : vector<1x16xf32> to vector<16xf32>
          %swap3A_344 = vector.shape_cast %mul3A_339 : vector<16xf32> to vector<1x16xf32>
          tpu.vector_store %arg16[%swap3A_340, %swap3A_341], %swap3A_344 {strides = array<i32>} : memref<256x32xf32, #tpu.memory_space<vmem>>, vector<1x16xf32>,
          %get3A_345 = arith.index_cast %add3A_331 : i32 to index
          %get3A_346 = arith.constant 16 : index
          %get3A_347 = tpu.vector_load %arg13[%get3A_345, %get3A_346] {strides = array<i32>} : memref<256x32xf32, #tpu.memory_space<vmem>>, vector<1x16xf32>,
          %get3A_348 = vector.shape_cast %get3A_347 : vector<1x16xf32> to vector<16xf32>
          %mul3A_349 = arith.mulf %broadcast_in_dim3A_334, %get3A_348 : vector<16xf32>
          %swap3A_350 = arith.index_cast %add3A_331 : i32 to index
          %swap3A_351 = arith.constant 16 : index
          %swap3A_352 = tpu.vector_load %arg16[%swap3A_350, %swap3A_351] {strides = array<i32>} : memref<256x32xf32, #tpu.memory_space<vmem>>, vector<1x16xf32>,
          %swap3A_353 = vector.shape_cast %swap3A_352 : vector<1x16xf32> to vector<16xf32>
          %swap3A_354 = vector.shape_cast %mul3A_349 : vector<16xf32> to vector<1x16xf32>
          tpu.vector_store %arg16[%swap3A_350, %swap3A_351], %swap3A_354 {strides = array<i32>} : memref<256x32xf32, #tpu.memory_space<vmem>>, vector<1x16xf32>,
          %mul3A_355 = arith.constant 16 : i32
          %mul3A_356 = arith.muli %scan3A_193, %mul3A_355 : i32
          %add3A_357 = arith.constant 128 : i32
          %add3A_358 = arith.addi %add3A_357, %mul3A_356 : i32
          %add3A_359 = arith.constant 5 : i32
          %add3A_360 = arith.addi %add3A_358, %add3A_359 : i32
          %slice3A_361 = vector.extract_strided_slice %exp3A {offsets = [5], sizes = [1], strides = [1]} : vector<16xf32> to vector<1xf32>
          %squeeze3A_362 = vector.extract %slice3A_361[0] : f32 from vector<1xf32>
          %broadcast_in_dim3A_363 = vector.broadcast %squeeze3A_362 : f32 to vector<16xf32>
          %get3A_364 = arith.index_cast %add3A_360 : i32 to index
          %get3A_365 = arith.constant 0 : index
          %get3A_366 = tpu.vector_load %arg13[%get3A_364, %get3A_365] {strides = array<i32>} : memref<256x32xf32, #tpu.memory_space<vmem>>, vector<1x16xf32>,
          %get3A_367 = vector.shape_cast %get3A_366 : vector<1x16xf32> to vector<16xf32>
          %mul3A_368 = arith.mulf %broadcast_in_dim3A_363, %get3A_367 : vector<16xf32>
          %swap3A_369 = arith.index_cast %add3A_360 : i32 to index
          %swap3A_370 = arith.constant 0 : index
          %swap3A_371 = tpu.vector_load %arg16[%swap3A_369, %swap3A_370] {strides = array<i32>} : memref<256x32xf32, #tpu.memory_space<vmem>>, vector<1x16xf32>,
          %swap3A_372 = vector.shape_cast %swap3A_371 : vector<1x16xf32> to vector<16xf32>
          %swap3A_373 = vector.shape_cast %mul3A_368 : vector<16xf32> to vector<1x16xf32>
          tpu.vector_store %arg16[%swap3A_369, %swap3A_370], %swap3A_373 {strides = array<i32>} : memref<256x32xf32, #tpu.memory_space<vmem>>, vector<1x16xf32>,
          %get3A_374 = arith.index_cast %add3A_360 : i32 to index
          %get3A_375 = arith.constant 16 : index
          %get3A_376 = tpu.vector_load %arg13[%get3A_374, %get3A_375] {strides = array<i32>} : memref<256x32xf32, #tpu.memory_space<vmem>>, vector<1x16xf32>,
          %get3A_377 = vector.shape_cast %get3A_376 : vector<1x16xf32> to vector<16xf32>
          %mul3A_378 = arith.mulf %broadcast_in_dim3A_363, %get3A_377 : vector<16xf32>
          %swap3A_379 = arith.index_cast %add3A_360 : i32 to index
          %swap3A_380 = arith.constant 16 : index
          %swap3A_381 = tpu.vector_load %arg16[%swap3A_379, %swap3A_380] {strides = array<i32>} : memref<256x32xf32, #tpu.memory_space<vmem>>, vector<1x16xf32>,
          %swap3A_382 = vector.shape_cast %swap3A_381 : vector<1x16xf32> to vector<16xf32>
          %swap3A_383 = vector.shape_cast %mul3A_378 : vector<16xf32> to vector<1x16xf32>
          tpu.vector_store %arg16[%swap3A_379, %swap3A_380], %swap3A_383 {strides = array<i32>} : memref<256x32xf32, #tpu.memory_space<vmem>>, vector<1x16xf32>,
          %mul3A_384 = arith.constant 16 : i32
          %mul3A_385 = arith.muli %scan3A_193, %mul3A_384 : i32
          %add3A_386 = arith.constant 128 : i32
          %add3A_387 = arith.addi %add3A_386, %mul3A_385 : i32
          %add3A_388 = arith.constant 6 : i32
          %add3A_389 = arith.addi %add3A_387, %add3A_388 : i32
          %slice3A_390 = vector.extract_strided_slice %exp3A {offsets = [6], sizes = [1], strides = [1]} : vector<16xf32> to vector<1xf32>
          %squeeze3A_391 = vector.extract %slice3A_390[0] : f32 from vector<1xf32>
          %broadcast_in_dim3A_392 = vector.broadcast %squeeze3A_391 : f32 to vector<16xf32>
          %get3A_393 = arith.index_cast %add3A_389 : i32 to index
          %get3A_394 = arith.constant 0 : index
          %get3A_395 = tpu.vector_load %arg13[%get3A_393, %get3A_394] {strides = array<i32>} : memref<256x32xf32, #tpu.memory_space<vmem>>, vector<1x16xf32>,
          %get3A_396 = vector.shape_cast %get3A_395 : vector<1x16xf32> to vector<16xf32>
          %mul3A_397 = arith.mulf %broadcast_in_dim3A_392, %get3A_396 : vector<16xf32>
          %swap3A_398 = arith.index_cast %add3A_389 : i32 to index
          %swap3A_399 = arith.constant 0 : index
          %swap3A_400 = tpu.vector_load %arg16[%swap3A_398, %swap3A_399] {strides = array<i32>} : memref<256x32xf32, #tpu.memory_space<vmem>>, vector<1x16xf32>,
          %swap3A_401 = vector.shape_cast %swap3A_400 : vector<1x16xf32> to vector<16xf32>
          %swap3A_402 = vector.shape_cast %mul3A_397 : vector<16xf32> to vector<1x16xf32>
          tpu.vector_store %arg16[%swap3A_398, %swap3A_399], %swap3A_402 {strides = array<i32>} : memref<256x32xf32, #tpu.memory_space<vmem>>, vector<1x16xf32>,
          %get3A_403 = arith.index_cast %add3A_389 : i32 to index
          %get3A_404 = arith.constant 16 : index
          %get3A_405 = tpu.vector_load %arg13[%get3A_403, %get3A_404] {strides = array<i32>} : memref<256x32xf32, #tpu.memory_space<vmem>>, vector<1x16xf32>,
          %get3A_406 = vector.shape_cast %get3A_405 : vector<1x16xf32> to vector<16xf32>
          %mul3A_407 = arith.mulf %broadcast_in_dim3A_392, %get3A_406 : vector<16xf32>
          %swap3A_408 = arith.index_cast %add3A_389 : i32 to index
          %swap3A_409 = arith.constant 16 : index
          %swap3A_410 = tpu.vector_load %arg16[%swap3A_408, %swap3A_409] {strides = array<i32>} : memref<256x32xf32, #tpu.memory_space<vmem>>, vector<1x16xf32>,
          %swap3A_411 = vector.shape_cast %swap3A_410 : vector<1x16xf32> to vector<16xf32>
          %swap3A_412 = vector.shape_cast %mul3A_407 : vector<16xf32> to vector<1x16xf32>
          tpu.vector_store %arg16[%swap3A_408, %swap3A_409], %swap3A_412 {strides = array<i32>} : memref<256x32xf32, #tpu.memory_space<vmem>>, vector<1x16xf32>,
          %mul3A_413 = arith.constant 16 : i32
          %mul3A_414 = arith.muli %scan3A_193, %mul3A_413 : i32
          %add3A_415 = arith.constant 128 : i32
          %add3A_416 = arith.addi %add3A_415, %mul3A_414 : i32
          %add3A_417 = arith.constant 7 : i32
          %add3A_418 = arith.addi %add3A_416, %add3A_417 : i32
          %slice3A_419 = vector.extract_strided_slice %exp3A {offsets = [7], sizes = [1], strides = [1]} : vector<16xf32> to vector<1xf32>
          %squeeze3A_420 = vector.extract %slice3A_419[0] : f32 from vector<1xf32>
          %broadcast_in_dim3A_421 = vector.broadcast %squeeze3A_420 : f32 to vector<16xf32>
          %get3A_422 = arith.index_cast %add3A_418 : i32 to index
          %get3A_423 = arith.constant 0 : index
          %get3A_424 = tpu.vector_load %arg13[%get3A_422, %get3A_423] {strides = array<i32>} : memref<256x32xf32, #tpu.memory_space<vmem>>, vector<1x16xf32>,
          %get3A_425 = vector.shape_cast %get3A_424 : vector<1x16xf32> to vector<16xf32>
          %mul3A_426 = arith.mulf %broadcast_in_dim3A_421, %get3A_425 : vector<16xf32>
          %swap3A_427 = arith.index_cast %add3A_418 : i32 to index
          %swap3A_428 = arith.constant 0 : index
          %swap3A_429 = tpu.vector_load %arg16[%swap3A_427, %swap3A_428] {strides = array<i32>} : memref<256x32xf32, #tpu.memory_space<vmem>>, vector<1x16xf32>,
          %swap3A_430 = vector.shape_cast %swap3A_429 : vector<1x16xf32> to vector<16xf32>
          %swap3A_431 = vector.shape_cast %mul3A_426 : vector<16xf32> to vector<1x16xf32>
          tpu.vector_store %arg16[%swap3A_427, %swap3A_428], %swap3A_431 {strides = array<i32>} : memref<256x32xf32, #tpu.memory_space<vmem>>, vector<1x16xf32>,
          %get3A_432 = arith.index_cast %add3A_418 : i32 to index
          %get3A_433 = arith.constant 16 : index
          %get3A_434 = tpu.vector_load %arg13[%get3A_432, %get3A_433] {strides = array<i32>} : memref<256x32xf32, #tpu.memory_space<vmem>>, vector<1x16xf32>,
          %get3A_435 = vector.shape_cast %get3A_434 : vector<1x16xf32> to vector<16xf32>
          %mul3A_436 = arith.mulf %broadcast_in_dim3A_421, %get3A_435 : vector<16xf32>
          %swap3A_437 = arith.index_cast %add3A_418 : i32 to index
          %swap3A_438 = arith.constant 16 : index
          %swap3A_439 = tpu.vector_load %arg16[%swap3A_437, %swap3A_438] {strides = array<i32>} : memref<256x32xf32, #tpu.memory_space<vmem>>, vector<1x16xf32>,
          %swap3A_440 = vector.shape_cast %swap3A_439 : vector<1x16xf32> to vector<16xf32>
          %swap3A_441 = vector.shape_cast %mul3A_436 : vector<16xf32> to vector<1x16xf32>
          tpu.vector_store %arg16[%swap3A_437, %swap3A_438], %swap3A_441 {strides = array<i32>} : memref<256x32xf32, #tpu.memory_space<vmem>>, vector<1x16xf32>,
          %mul3A_442 = arith.constant 16 : i32
          %mul3A_443 = arith.muli %scan3A_193, %mul3A_442 : i32
          %add3A_444 = arith.constant 128 : i32
          %add3A_445 = arith.addi %add3A_444, %mul3A_443 : i32
          %add3A_446 = arith.constant 8 : i32
          %add3A_447 = arith.addi %add3A_445, %add3A_446 : i32
          %slice3A_448 = vector.extract_strided_slice %exp3A {offsets = [8], sizes = [1], strides = [1]} : vector<16xf32> to vector<1xf32>
          %squeeze3A_449 = vector.extract %slice3A_448[0] : f32 from vector<1xf32>
          %broadcast_in_dim3A_450 = vector.broadcast %squeeze3A_449 : f32 to vector<16xf32>
          %get3A_451 = arith.index_cast %add3A_447 : i32 to index
          %get3A_452 = arith.constant 0 : index
          %get3A_453 = tpu.vector_load %arg13[%get3A_451, %get3A_452] {strides = array<i32>} : memref<256x32xf32, #tpu.memory_space<vmem>>, vector<1x16xf32>,
          %get3A_454 = vector.shape_cast %get3A_453 : vector<1x16xf32> to vector<16xf32>
          %mul3A_455 = arith.mulf %broadcast_in_dim3A_450, %get3A_454 : vector<16xf32>
          %swap3A_456 = arith.index_cast %add3A_447 : i32 to index
          %swap3A_457 = arith.constant 0 : index
          %swap3A_458 = tpu.vector_load %arg16[%swap3A_456, %swap3A_457] {strides = array<i32>} : memref<256x32xf32, #tpu.memory_space<vmem>>, vector<1x16xf32>,
          %swap3A_459 = vector.shape_cast %swap3A_458 : vector<1x16xf32> to vector<16xf32>
          %swap3A_460 = vector.shape_cast %mul3A_455 : vector<16xf32> to vector<1x16xf32>
          tpu.vector_store %arg16[%swap3A_456, %swap3A_457], %swap3A_460 {strides = array<i32>} : memref<256x32xf32, #tpu.memory_space<vmem>>, vector<1x16xf32>,
          %get3A_461 = arith.index_cast %add3A_447 : i32 to index
          %get3A_462 = arith.constant 16 : index
          %get3A_463 = tpu.vector_load %arg13[%get3A_461, %get3A_462] {strides = array<i32>} : memref<256x32xf32, #tpu.memory_space<vmem>>, vector<1x16xf32>,
          %get3A_464 = vector.shape_cast %get3A_463 : vector<1x16xf32> to vector<16xf32>
          %mul3A_465 = arith.mulf %broadcast_in_dim3A_450, %get3A_464 : vector<16xf32>
          %swap3A_466 = arith.index_cast %add3A_447 : i32 to index
          %swap3A_467 = arith.constant 16 : index
          %swap3A_468 = tpu.vector_load %arg16[%swap3A_466, %swap3A_467] {strides = array<i32>} : memref<256x32xf32, #tpu.memory_space<vmem>>, vector<1x16xf32>,
          %swap3A_469 = vector.shape_cast %swap3A_468 : vector<1x16xf32> to vector<16xf32>
          %swap3A_470 = vector.shape_cast %mul3A_465 : vector<16xf32> to vector<1x16xf32>
          tpu.vector_store %arg16[%swap3A_466, %swap3A_467], %swap3A_470 {strides = array<i32>} : memref<256x32xf32, #tpu.memory_space<vmem>>, vector<1x16xf32>,
          %mul3A_471 = arith.constant 16 : i32
          %mul3A_472 = arith.muli %scan3A_193, %mul3A_471 : i32
          %add3A_473 = arith.constant 128 : i32
          %add3A_474 = arith.addi %add3A_473, %mul3A_472 : i32
          %add3A_475 = arith.constant 9 : i32
          %add3A_476 = arith.addi %add3A_474, %add3A_475 : i32
          %slice3A_477 = vector.extract_strided_slice %exp3A {offsets = [9], sizes = [1], strides = [1]} : vector<16xf32> to vector<1xf32>
          %squeeze3A_478 = vector.extract %slice3A_477[0] : f32 from vector<1xf32>
          %broadcast_in_dim3A_479 = vector.broadcast %squeeze3A_478 : f32 to vector<16xf32>
          %get3A_480 = arith.index_cast %add3A_476 : i32 to index
          %get3A_481 = arith.constant 0 : index
          %get3A_482 = tpu.vector_load %arg13[%get3A_480, %get3A_481] {strides = array<i32>} : memref<256x32xf32, #tpu.memory_space<vmem>>, vector<1x16xf32>,
          %get3A_483 = vector.shape_cast %get3A_482 : vector<1x16xf32> to vector<16xf32>
          %mul3A_484 = arith.mulf %broadcast_in_dim3A_479, %get3A_483 : vector<16xf32>
          %swap3A_485 = arith.index_cast %add3A_476 : i32 to index
          %swap3A_486 = arith.constant 0 : index
          %swap3A_487 = tpu.vector_load %arg16[%swap3A_485, %swap3A_486] {strides = array<i32>} : memref<256x32xf32, #tpu.memory_space<vmem>>, vector<1x16xf32>,
          %swap3A_488 = vector.shape_cast %swap3A_487 : vector<1x16xf32> to vector<16xf32>
          %swap3A_489 = vector.shape_cast %mul3A_484 : vector<16xf32> to vector<1x16xf32>
          tpu.vector_store %arg16[%swap3A_485, %swap3A_486], %swap3A_489 {strides = array<i32>} : memref<256x32xf32, #tpu.memory_space<vmem>>, vector<1x16xf32>,
          %get3A_490 = arith.index_cast %add3A_476 : i32 to index
          %get3A_491 = arith.constant 16 : index
          %get3A_492 = tpu.vector_load %arg13[%get3A_490, %get3A_491] {strides = array<i32>} : memref<256x32xf32, #tpu.memory_space<vmem>>, vector<1x16xf32>,
          %get3A_493 = vector.shape_cast %get3A_492 : vector<1x16xf32> to vector<16xf32>
          %mul3A_494 = arith.mulf %broadcast_in_dim3A_479, %get3A_493 : vector<16xf32>
          %swap3A_495 = arith.index_cast %add3A_476 : i32 to index
          %swap3A_496 = arith.constant 16 : index
          %swap3A_497 = tpu.vector_load %arg16[%swap3A_495, %swap3A_496] {strides = array<i32>} : memref<256x32xf32, #tpu.memory_space<vmem>>, vector<1x16xf32>,
          %swap3A_498 = vector.shape_cast %swap3A_497 : vector<1x16xf32> to vector<16xf32>
          %swap3A_499 = vector.shape_cast %mul3A_494 : vector<16xf32> to vector<1x16xf32>
          tpu.vector_store %arg16[%swap3A_495, %swap3A_496], %swap3A_499 {strides = array<i32>} : memref<256x32xf32, #tpu.memory_space<vmem>>, vector<1x16xf32>,
          %mul3A_500 = arith.constant 16 : i32
          %mul3A_501 = arith.muli %scan3A_193, %mul3A_500 : i32
          %add3A_502 = arith.constant 128 : i32
          %add3A_503 = arith.addi %add3A_502, %mul3A_501 : i32
          %add3A_504 = arith.constant 10 : i32
          %add3A_505 = arith.addi %add3A_503, %add3A_504 : i32
          %slice3A_506 = vector.extract_strided_slice %exp3A {offsets = [10], sizes = [1], strides = [1]} : vector<16xf32> to vector<1xf32>
          %squeeze3A_507 = vector.extract %slice3A_506[0] : f32 from vector<1xf32>
          %broadcast_in_dim3A_508 = vector.broadcast %squeeze3A_507 : f32 to vector<16xf32>
          %get3A_509 = arith.index_cast %add3A_505 : i32 to index
          %get3A_510 = arith.constant 0 : index
          %get3A_511 = tpu.vector_load %arg13[%get3A_509, %get3A_510] {strides = array<i32>} : memref<256x32xf32, #tpu.memory_space<vmem>>, vector<1x16xf32>,
          %get3A_512 = vector.shape_cast %get3A_511 : vector<1x16xf32> to vector<16xf32>
          %mul3A_513 = arith.mulf %broadcast_in_dim3A_508, %get3A_512 : vector<16xf32>
          %swap3A_514 = arith.index_cast %add3A_505 : i32 to index
          %swap3A_515 = arith.constant 0 : index
          %swap3A_516 = tpu.vector_load %arg16[%swap3A_514, %swap3A_515] {strides = array<i32>} : memref<256x32xf32, #tpu.memory_space<vmem>>, vector<1x16xf32>,
          %swap3A_517 = vector.shape_cast %swap3A_516 : vector<1x16xf32> to vector<16xf32>
          %swap3A_518 = vector.shape_cast %mul3A_513 : vector<16xf32> to vector<1x16xf32>
          tpu.vector_store %arg16[%swap3A_514, %swap3A_515], %swap3A_518 {strides = array<i32>} : memref<256x32xf32, #tpu.memory_space<vmem>>, vector<1x16xf32>,
          %get3A_519 = arith.index_cast %add3A_505 : i32 to index
          %get3A_520 = arith.constant 16 : index
          %get3A_521 = tpu.vector_load %arg13[%get3A_519, %get3A_520] {strides = array<i32>} : memref<256x32xf32, #tpu.memory_space<vmem>>, vector<1x16xf32>,
          %get3A_522 = vector.shape_cast %get3A_521 : vector<1x16xf32> to vector<16xf32>
          %mul3A_523 = arith.mulf %broadcast_in_dim3A_508, %get3A_522 : vector<16xf32>
          %swap3A_524 = arith.index_cast %add3A_505 : i32 to index
          %swap3A_525 = arith.constant 16 : index
          %swap3A_526 = tpu.vector_load %arg16[%swap3A_524, %swap3A_525] {strides = array<i32>} : memref<256x32xf32, #tpu.memory_space<vmem>>, vector<1x16xf32>,
          %swap3A_527 = vector.shape_cast %swap3A_526 : vector<1x16xf32> to vector<16xf32>
          %swap3A_528 = vector.shape_cast %mul3A_523 : vector<16xf32> to vector<1x16xf32>
          tpu.vector_store %arg16[%swap3A_524, %swap3A_525], %swap3A_528 {strides = array<i32>} : memref<256x32xf32, #tpu.memory_space<vmem>>, vector<1x16xf32>,
          %mul3A_529 = arith.constant 16 : i32
          %mul3A_530 = arith.muli %scan3A_193, %mul3A_529 : i32
          %add3A_531 = arith.constant 128 : i32
          %add3A_532 = arith.addi %add3A_531, %mul3A_530 : i32
          %add3A_533 = arith.constant 11 : i32
          %add3A_534 = arith.addi %add3A_532, %add3A_533 : i32
          %slice3A_535 = vector.extract_strided_slice %exp3A {offsets = [11], sizes = [1], strides = [1]} : vector<16xf32> to vector<1xf32>
          %squeeze3A_536 = vector.extract %slice3A_535[0] : f32 from vector<1xf32>
          %broadcast_in_dim3A_537 = vector.broadcast %squeeze3A_536 : f32 to vector<16xf32>
          %get3A_538 = arith.index_cast %add3A_534 : i32 to index
          %get3A_539 = arith.constant 0 : index
          %get3A_540 = tpu.vector_load %arg13[%get3A_538, %get3A_539] {strides = array<i32>} : memref<256x32xf32, #tpu.memory_space<vmem>>, vector<1x16xf32>,
          %get3A_541 = vector.shape_cast %get3A_540 : vector<1x16xf32> to vector<16xf32>
          %mul3A_542 = arith.mulf %broadcast_in_dim3A_537, %get3A_541 : vector<16xf32>
          %swap3A_543 = arith.index_cast %add3A_534 : i32 to index
          %swap3A_544 = arith.constant 0 : index
          %swap3A_545 = tpu.vector_load %arg16[%swap3A_543, %swap3A_544] {strides = array<i32>} : memref<256x32xf32, #tpu.memory_space<vmem>>, vector<1x16xf32>,
          %swap3A_546 = vector.shape_cast %swap3A_545 : vector<1x16xf32> to vector<16xf32>
          %swap3A_547 = vector.shape_cast %mul3A_542 : vector<16xf32> to vector<1x16xf32>
          tpu.vector_store %arg16[%swap3A_543, %swap3A_544], %swap3A_547 {strides = array<i32>} : memref<256x32xf32, #tpu.memory_space<vmem>>, vector<1x16xf32>,
          %get3A_548 = arith.index_cast %add3A_534 : i32 to index
          %get3A_549 = arith.constant 16 : index
          %get3A_550 = tpu.vector_load %arg13[%get3A_548, %get3A_549] {strides = array<i32>} : memref<256x32xf32, #tpu.memory_space<vmem>>, vector<1x16xf32>,
          %get3A_551 = vector.shape_cast %get3A_550 : vector<1x16xf32> to vector<16xf32>
          %mul3A_552 = arith.mulf %broadcast_in_dim3A_537, %get3A_551 : vector<16xf32>
          %swap3A_553 = arith.index_cast %add3A_534 : i32 to index
          %swap3A_554 = arith.constant 16 : index
          %swap3A_555 = tpu.vector_load %arg16[%swap3A_553, %swap3A_554] {strides = array<i32>} : memref<256x32xf32, #tpu.memory_space<vmem>>, vector<1x16xf32>,
          %swap3A_556 = vector.shape_cast %swap3A_555 : vector<1x16xf32> to vector<16xf32>
          %swap3A_557 = vector.shape_cast %mul3A_552 : vector<16xf32> to vector<1x16xf32>
          tpu.vector_store %arg16[%swap3A_553, %swap3A_554], %swap3A_557 {strides = array<i32>} : memref<256x32xf32, #tpu.memory_space<vmem>>, vector<1x16xf32>,
          %mul3A_558 = arith.constant 16 : i32
          %mul3A_559 = arith.muli %scan3A_193, %mul3A_558 : i32
          %add3A_560 = arith.constant 128 : i32
          %add3A_561 = arith.addi %add3A_560, %mul3A_559 : i32
          %add3A_562 = arith.constant 12 : i32
          %add3A_563 = arith.addi %add3A_561, %add3A_562 : i32
          %slice3A_564 = vector.extract_strided_slice %exp3A {offsets = [12], sizes = [1], strides = [1]} : vector<16xf32> to vector<1xf32>
          %squeeze3A_565 = vector.extract %slice3A_564[0] : f32 from vector<1xf32>
          %broadcast_in_dim3A_566 = vector.broadcast %squeeze3A_565 : f32 to vector<16xf32>
          %get3A_567 = arith.index_cast %add3A_563 : i32 to index
          %get3A_568 = arith.constant 0 : index
          %get3A_569 = tpu.vector_load %arg13[%get3A_567, %get3A_568] {strides = array<i32>} : memref<256x32xf32, #tpu.memory_space<vmem>>, vector<1x16xf32>,
          %get3A_570 = vector.shape_cast %get3A_569 : vector<1x16xf32> to vector<16xf32>
          %mul3A_571 = arith.mulf %broadcast_in_dim3A_566, %get3A_570 : vector<16xf32>
          %swap3A_572 = arith.index_cast %add3A_563 : i32 to index
          %swap3A_573 = arith.constant 0 : index
          %swap3A_574 = tpu.vector_load %arg16[%swap3A_572, %swap3A_573] {strides = array<i32>} : memref<256x32xf32, #tpu.memory_space<vmem>>, vector<1x16xf32>,
          %swap3A_575 = vector.shape_cast %swap3A_574 : vector<1x16xf32> to vector<16xf32>
          %swap3A_576 = vector.shape_cast %mul3A_571 : vector<16xf32> to vector<1x16xf32>
          tpu.vector_store %arg16[%swap3A_572, %swap3A_573], %swap3A_576 {strides = array<i32>} : memref<256x32xf32, #tpu.memory_space<vmem>>, vector<1x16xf32>,
          %get3A_577 = arith.index_cast %add3A_563 : i32 to index
          %get3A_578 = arith.constant 16 : index
          %get3A_579 = tpu.vector_load %arg13[%get3A_577, %get3A_578] {strides = array<i32>} : memref<256x32xf32, #tpu.memory_space<vmem>>, vector<1x16xf32>,
          %get3A_580 = vector.shape_cast %get3A_579 : vector<1x16xf32> to vector<16xf32>
          %mul3A_581 = arith.mulf %broadcast_in_dim3A_566, %get3A_580 : vector<16xf32>
          %swap3A_582 = arith.index_cast %add3A_563 : i32 to index
          %swap3A_583 = arith.constant 16 : index
          %swap3A_584 = tpu.vector_load %arg16[%swap3A_582, %swap3A_583] {strides = array<i32>} : memref<256x32xf32, #tpu.memory_space<vmem>>, vector<1x16xf32>,
          %swap3A_585 = vector.shape_cast %swap3A_584 : vector<1x16xf32> to vector<16xf32>
          %swap3A_586 = vector.shape_cast %mul3A_581 : vector<16xf32> to vector<1x16xf32>
          tpu.vector_store %arg16[%swap3A_582, %swap3A_583], %swap3A_586 {strides = array<i32>} : memref<256x32xf32, #tpu.memory_space<vmem>>, vector<1x16xf32>,
          %mul3A_587 = arith.constant 16 : i32
          %mul3A_588 = arith.muli %scan3A_193, %mul3A_587 : i32
          %add3A_589 = arith.constant 128 : i32
          %add3A_590 = arith.addi %add3A_589, %mul3A_588 : i32
          %add3A_591 = arith.constant 13 : i32
          %add3A_592 = arith.addi %add3A_590, %add3A_591 : i32
          %slice3A_593 = vector.extract_strided_slice %exp3A {offsets = [13], sizes = [1], strides = [1]} : vector<16xf32> to vector<1xf32>
          %squeeze3A_594 = vector.extract %slice3A_593[0] : f32 from vector<1xf32>
          %broadcast_in_dim3A_595 = vector.broadcast %squeeze3A_594 : f32 to vector<16xf32>
          %get3A_596 = arith.index_cast %add3A_592 : i32 to index
          %get3A_597 = arith.constant 0 : index
          %get3A_598 = tpu.vector_load %arg13[%get3A_596, %get3A_597] {strides = array<i32>} : memref<256x32xf32, #tpu.memory_space<vmem>>, vector<1x16xf32>,
          %get3A_599 = vector.shape_cast %get3A_598 : vector<1x16xf32> to vector<16xf32>
          %mul3A_600 = arith.mulf %broadcast_in_dim3A_595, %get3A_599 : vector<16xf32>
          %swap3A_601 = arith.index_cast %add3A_592 : i32 to index
          %swap3A_602 = arith.constant 0 : index
          %swap3A_603 = tpu.vector_load %arg16[%swap3A_601, %swap3A_602] {strides = array<i32>} : memref<256x32xf32, #tpu.memory_space<vmem>>, vector<1x16xf32>,
          %swap3A_604 = vector.shape_cast %swap3A_603 : vector<1x16xf32> to vector<16xf32>
          %swap3A_605 = vector.shape_cast %mul3A_600 : vector<16xf32> to vector<1x16xf32>
          tpu.vector_store %arg16[%swap3A_601, %swap3A_602], %swap3A_605 {strides = array<i32>} : memref<256x32xf32, #tpu.memory_space<vmem>>, vector<1x16xf32>,
          %get3A_606 = arith.index_cast %add3A_592 : i32 to index
          %get3A_607 = arith.constant 16 : index
          %get3A_608 = tpu.vector_load %arg13[%get3A_606, %get3A_607] {strides = array<i32>} : memref<256x32xf32, #tpu.memory_space<vmem>>, vector<1x16xf32>,
          %get3A_609 = vector.shape_cast %get3A_608 : vector<1x16xf32> to vector<16xf32>
          %mul3A_610 = arith.mulf %broadcast_in_dim3A_595, %get3A_609 : vector<16xf32>
          %swap3A_611 = arith.index_cast %add3A_592 : i32 to index
          %swap3A_612 = arith.constant 16 : index
          %swap3A_613 = tpu.vector_load %arg16[%swap3A_611, %swap3A_612] {strides = array<i32>} : memref<256x32xf32, #tpu.memory_space<vmem>>, vector<1x16xf32>,
          %swap3A_614 = vector.shape_cast %swap3A_613 : vector<1x16xf32> to vector<16xf32>
          %swap3A_615 = vector.shape_cast %mul3A_610 : vector<16xf32> to vector<1x16xf32>
          tpu.vector_store %arg16[%swap3A_611, %swap3A_612], %swap3A_615 {strides = array<i32>} : memref<256x32xf32, #tpu.memory_space<vmem>>, vector<1x16xf32>,
          %mul3A_616 = arith.constant 16 : i32
          %mul3A_617 = arith.muli %scan3A_193, %mul3A_616 : i32
          %add3A_618 = arith.constant 128 : i32
          %add3A_619 = arith.addi %add3A_618, %mul3A_617 : i32
          %add3A_620 = arith.constant 14 : i32
          %add3A_621 = arith.addi %add3A_619, %add3A_620 : i32
          %slice3A_622 = vector.extract_strided_slice %exp3A {offsets = [14], sizes = [1], strides = [1]} : vector<16xf32> to vector<1xf32>
          %squeeze3A_623 = vector.extract %slice3A_622[0] : f32 from vector<1xf32>
          %broadcast_in_dim3A_624 = vector.broadcast %squeeze3A_623 : f32 to vector<16xf32>
          %get3A_625 = arith.index_cast %add3A_621 : i32 to index
          %get3A_626 = arith.constant 0 : index
          %get3A_627 = tpu.vector_load %arg13[%get3A_625, %get3A_626] {strides = array<i32>} : memref<256x32xf32, #tpu.memory_space<vmem>>, vector<1x16xf32>,
          %get3A_628 = vector.shape_cast %get3A_627 : vector<1x16xf32> to vector<16xf32>
          %mul3A_629 = arith.mulf %broadcast_in_dim3A_624, %get3A_628 : vector<16xf32>
          %swap3A_630 = arith.index_cast %add3A_621 : i32 to index
          %swap3A_631 = arith.constant 0 : index
          %swap3A_632 = tpu.vector_load %arg16[%swap3A_630, %swap3A_631] {strides = array<i32>} : memref<256x32xf32, #tpu.memory_space<vmem>>, vector<1x16xf32>,
          %swap3A_633 = vector.shape_cast %swap3A_632 : vector<1x16xf32> to vector<16xf32>
          %swap3A_634 = vector.shape_cast %mul3A_629 : vector<16xf32> to vector<1x16xf32>
          tpu.vector_store %arg16[%swap3A_630, %swap3A_631], %swap3A_634 {strides = array<i32>} : memref<256x32xf32, #tpu.memory_space<vmem>>, vector<1x16xf32>,
          %get3A_635 = arith.index_cast %add3A_621 : i32 to index
          %get3A_636 = arith.constant 16 : index
          %get3A_637 = tpu.vector_load %arg13[%get3A_635, %get3A_636] {strides = array<i32>} : memref<256x32xf32, #tpu.memory_space<vmem>>, vector<1x16xf32>,
          %get3A_638 = vector.shape_cast %get3A_637 : vector<1x16xf32> to vector<16xf32>
          %mul3A_639 = arith.mulf %broadcast_in_dim3A_624, %get3A_638 : vector<16xf32>
          %swap3A_640 = arith.index_cast %add3A_621 : i32 to index
          %swap3A_641 = arith.constant 16 : index
          %swap3A_642 = tpu.vector_load %arg16[%swap3A_640, %swap3A_641] {strides = array<i32>} : memref<256x32xf32, #tpu.memory_space<vmem>>, vector<1x16xf32>,
          %swap3A_643 = vector.shape_cast %swap3A_642 : vector<1x16xf32> to vector<16xf32>
          %swap3A_644 = vector.shape_cast %mul3A_639 : vector<16xf32> to vector<1x16xf32>
          tpu.vector_store %arg16[%swap3A_640, %swap3A_641], %swap3A_644 {strides = array<i32>} : memref<256x32xf32, #tpu.memory_space<vmem>>, vector<1x16xf32>,
          %mul3A_645 = arith.constant 16 : i32
          %mul3A_646 = arith.muli %scan3A_193, %mul3A_645 : i32
          %add3A_647 = arith.constant 128 : i32
          %add3A_648 = arith.addi %add3A_647, %mul3A_646 : i32
          %add3A_649 = arith.constant 15 : i32
          %add3A_650 = arith.addi %add3A_648, %add3A_649 : i32
          %slice3A_651 = vector.extract_strided_slice %exp3A {offsets = [15], sizes = [1], strides = [1]} : vector<16xf32> to vector<1xf32>
          %squeeze3A_652 = vector.extract %slice3A_651[0] : f32 from vector<1xf32>
          %broadcast_in_dim3A_653 = vector.broadcast %squeeze3A_652 : f32 to vector<16xf32>
          %get3A_654 = arith.index_cast %add3A_650 : i32 to index
          %get3A_655 = arith.constant 0 : index
          %get3A_656 = tpu.vector_load %arg13[%get3A_654, %get3A_655] {strides = array<i32>} : memref<256x32xf32, #tpu.memory_space<vmem>>, vector<1x16xf32>,
          %get3A_657 = vector.shape_cast %get3A_656 : vector<1x16xf32> to vector<16xf32>
          %mul3A_658 = arith.mulf %broadcast_in_dim3A_653, %get3A_657 : vector<16xf32>
          %swap3A_659 = arith.index_cast %add3A_650 : i32 to index
          %swap3A_660 = arith.constant 0 : index
          %swap3A_661 = tpu.vector_load %arg16[%swap3A_659, %swap3A_660] {strides = array<i32>} : memref<256x32xf32, #tpu.memory_space<vmem>>, vector<1x16xf32>,
          %swap3A_662 = vector.shape_cast %swap3A_661 : vector<1x16xf32> to vector<16xf32>
          %swap3A_663 = vector.shape_cast %mul3A_658 : vector<16xf32> to vector<1x16xf32>
          tpu.vector_store %arg16[%swap3A_659, %swap3A_660], %swap3A_663 {strides = array<i32>} : memref<256x32xf32, #tpu.memory_space<vmem>>, vector<1x16xf32>,
          %get3A_664 = arith.index_cast %add3A_650 : i32 to index
          %get3A_665 = arith.constant 16 : index
          %get3A_666 = tpu.vector_load %arg13[%get3A_664, %get3A_665] {strides = array<i32>} : memref<256x32xf32, #tpu.memory_space<vmem>>, vector<1x16xf32>,
          %get3A_667 = vector.shape_cast %get3A_666 : vector<1x16xf32> to vector<16xf32>
          %mul3A_668 = arith.mulf %broadcast_in_dim3A_653, %get3A_667 : vector<16xf32>
          %swap3A_669 = arith.index_cast %add3A_650 : i32 to index
          %swap3A_670 = arith.constant 16 : index
          %swap3A_671 = tpu.vector_load %arg16[%swap3A_669, %swap3A_670] {strides = array<i32>} : memref<256x32xf32, #tpu.memory_space<vmem>>, vector<1x16xf32>,
          %swap3A_672 = vector.shape_cast %swap3A_671 : vector<1x16xf32> to vector<16xf32>
          %swap3A_673 = vector.shape_cast %mul3A_668 : vector<16xf32> to vector<1x16xf32>
          tpu.vector_store %arg16[%swap3A_669, %swap3A_670], %swap3A_673 {strides = array<i32>} : memref<256x32xf32, #tpu.memory_space<vmem>>, vector<1x16xf32>,
        }
        %scan3A_183 = arith.constant 8 : i32
        %dma_start3A_184 = arith.constant 128 : i32
        %dma_start3A_185 = arith.constant 0 : i32
        %dma_start3A_186 = tpu.memref_slice %arg16[%dma_start3A_184, %dma_start3A_185] : memref<256x32xf32, #tpu.memory_space<vmem>> -> memref<128x32xf32, #tpu.memory_space<vmem>>
        %dma_start3A_187 = arith.constant 0 : i32
        %dma_start3A_188 = tpu.memref_slice %arg12[%add3A_174, %dma_start3A_187] : memref<20x128xi32, #tpu.memory_space<vmem>> -> memref<1x128xi32, #tpu.memory_space<vmem>>
        %dma_start3A_189 = tpu.memref_squeeze %dma_start3A_188 : memref<1x128xi32, #tpu.memory_space<vmem>> -> memref<128xi32, #tpu.memory_space<vmem>>
        %dma_start3A_190 = arith.constant 0 : i32
        %dma_start3A_191 = arith.constant 0 : i32
        %dma_start3A_192 = tpu.memref_slice %arg18[%dma_start3A_190, %dma_start3A_191] : memref<51200x32xf32, #tpu.memory_space<vmem_shared>> -> memref<51200x32xf32, #tpu.memory_space<vmem_shared>>
        tpu.enqueue_indirect_dma source(%dma_start3A_186 : memref<128x32xf32, #tpu.memory_space<vmem>>) target(%dma_start3A_192 : memref<51200x32xf32, #tpu.memory_space<vmem_shared>>) offsets(%dma_start3A_189 : memref<128xi32, #tpu.memory_space<vmem>>) semaphore(%arg22 : memref<!tpu.dma_semaphore, #tpu.memory_space<semaphore_mem>>) {add = true}
      }
      %scan3A_66 = arith.constant 10 : i32
    }
    %scan3A_9 = arith.constant 20 : i32
    %dma_wait3A = arith.constant 0 : i32
    %dma_wait3A_10 = arith.constant 0 : i32
    %dma_wait3A_11 = arith.constant 0 : i32
    %dma_wait3A_12 = tpu.memref_slice %arg16[%dma_wait3A_10, %dma_wait3A_11] : memref<256x32xf32, #tpu.memory_space<vmem>> -> memref<128x32xf32, #tpu.memory_space<vmem>>
    %dma_wait3A_13 = arith.constant 0 : i32
    %dma_wait3A_14 = tpu.memref_slice %arg12[%dma_wait3A, %dma_wait3A_13] : memref<20x128xi32, #tpu.memory_space<vmem>> -> memref<1x128xi32, #tpu.memory_space<vmem>>
    %dma_wait3A_15 = tpu.memref_squeeze %dma_wait3A_14 : memref<1x128xi32, #tpu.memory_space<vmem>> -> memref<128xi32, #tpu.memory_space<vmem>>
    %dma_wait3A_16 = arith.constant 0 : i32
    %dma_wait3A_17 = arith.constant 0 : i32
    %dma_wait3A_18 = tpu.memref_slice %arg18[%dma_wait3A_16, %dma_wait3A_17] : memref<51200x32xf32, #tpu.memory_space<vmem_shared>> -> memref<51200x32xf32, #tpu.memory_space<vmem_shared>>
    tpu.wait_indirect_dma semaphore(%arg21 : memref<!tpu.dma_semaphore, #tpu.memory_space<semaphore_mem>>) src(%dma_wait3A_12 : memref<128x32xf32, #tpu.memory_space<vmem>>) dst(%dma_wait3A_18 : memref<51200x32xf32, #tpu.memory_space<vmem_shared>>)
    %dma_wait3A_19 = arith.constant 0 : i32
    %dma_wait3A_20 = arith.constant 128 : i32
    %dma_wait3A_21 = arith.constant 0 : i32
    %dma_wait3A_22 = tpu.memref_slice %arg16[%dma_wait3A_20, %dma_wait3A_21] : memref<256x32xf32, #tpu.memory_space<vmem>> -> memref<128x32xf32, #tpu.memory_space<vmem>>
    %dma_wait3A_23 = arith.constant 0 : i32
    %dma_wait3A_24 = tpu.memref_slice %arg12[%dma_wait3A_19, %dma_wait3A_23] : memref<20x128xi32, #tpu.memory_space<vmem>> -> memref<1x128xi32, #tpu.memory_space<vmem>>
    %dma_wait3A_25 = tpu.memref_squeeze %dma_wait3A_24 : memref<1x128xi32, #tpu.memory_space<vmem>> -> memref<128xi32, #tpu.memory_space<vmem>>
    %dma_wait3A_26 = arith.constant 0 : i32
    %dma_wait3A_27 = arith.constant 0 : i32
    %dma_wait3A_28 = tpu.memref_slice %arg18[%dma_wait3A_26, %dma_wait3A_27] : memref<51200x32xf32, #tpu.memory_space<vmem_shared>> -> memref<51200x32xf32, #tpu.memory_space<vmem_shared>>
    tpu.wait_indirect_dma semaphore(%arg22 : memref<!tpu.dma_semaphore, #tpu.memory_space<semaphore_mem>>) src(%dma_wait3A_22 : memref<128x32xf32, #tpu.memory_space<vmem>>) dst(%dma_wait3A_28 : memref<51200x32xf32, #tpu.memory_space<vmem_shared>>)
    %barrier3A_29 = arith.constant 0 : index
    tpu.barrier barrier_id(%barrier3A_29)
    %mul3A_30 = arith.constant 1600 : i32
    %mul3A_31 = arith.muli %arg1, %mul3A_30 : i32
    %mul3A_32 = arith.constant 1600 : i32
    %mul3A_33 = arith.muli %arg1, %mul3A_32 : i32
    "tpu.region"() ({
      %run_scoped3A = tpu.sem_alloc : memref<!tpu.dma_semaphore, #tpu.memory_space<semaphore_mem>>
      %dma_start3A = arith.constant 0 : i32
      %dma_start3A_34 = arith.constant 0 : i32
      %dma_start3A_35 = tpu.memref_slice %arg10[%arg0, %dma_start3A, %dma_start3A_34] : memref<2x51200x32xf32, #tpu.memory_space<hbm>> -> memref<1x51200x32xf32, #tpu.memory_space<hbm>>
      %dma_start3A_36 = tpu.memref_squeeze %dma_start3A_35 : memref<1x51200x32xf32, #tpu.memory_space<hbm>> -> memref<51200x32xf32, #tpu.memory_space<hbm>>
      %dma_start3A_37 = arith.constant 0 : i32
      %dma_start3A_38 = tpu.memref_slice %dma_start3A_36[%mul3A_33, %dma_start3A_37] : memref<51200x32xf32, #tpu.memory_space<hbm>> -> memref<1600x32xf32, #tpu.memory_space<hbm>>
      %dma_start3A_39 = arith.constant 0 : i32
      %dma_start3A_40 = tpu.memref_slice %arg18[%mul3A_31, %dma_start3A_39] : memref<51200x32xf32, #tpu.memory_space<vmem_shared>> -> memref<1600x32xf32, #tpu.memory_space<vmem_shared>>
      tpu.enqueue_dma source(%dma_start3A_40 : memref<1600x32xf32, #tpu.memory_space<vmem_shared>>) target(%dma_start3A_38 : memref<1600x32xf32, #tpu.memory_space<hbm>>) target_semaphore(%run_scoped3A : memref<!tpu.dma_semaphore, #tpu.memory_space<semaphore_mem>>)
      %dma_wait3A_41 = arith.constant 0 : i32
      %dma_wait3A_42 = arith.constant 0 : i32
      %dma_wait3A_43 = tpu.memref_slice %arg10[%arg0, %dma_wait3A_41, %dma_wait3A_42] : memref<2x51200x32xf32, #tpu.memory_space<hbm>> -> memref<1x51200x32xf32, #tpu.memory_space<hbm>>
      %dma_wait3A_44 = tpu.memref_squeeze %dma_wait3A_43 : memref<1x51200x32xf32, #tpu.memory_space<hbm>> -> memref<51200x32xf32, #tpu.memory_space<hbm>>
      %dma_wait3A_45 = arith.constant 0 : i32
      %dma_wait3A_46 = tpu.memref_slice %dma_wait3A_44[%mul3A_33, %dma_wait3A_45] : memref<51200x32xf32, #tpu.memory_space<hbm>> -> memref<1600x32xf32, #tpu.memory_space<hbm>>
      %dma_wait3A_47 = arith.constant 0 : i32
      %dma_wait3A_48 = tpu.memref_slice %arg18[%mul3A_31, %dma_wait3A_47] : memref<51200x32xf32, #tpu.memory_space<vmem_shared>> -> memref<1600x32xf32, #tpu.memory_space<vmem_shared>>
      tpu.wait_dma2 semaphore(%run_scoped3A : memref<!tpu.dma_semaphore, #tpu.memory_space<semaphore_mem>>) src(%dma_wait3A_48 : memref<1600x32xf32, #tpu.memory_space<vmem_shared>>) dst(%dma_wait3A_46 : memref<1600x32xf32, #tpu.memory_space<hbm>>)
      tpu.yield
    }) : () -> ()
    return
  }
}

#map = affine_map<(d0, d1) -> (0, 0)>
#map1 = affine_map<(d0, d1) -> (0)>
#map2 = affine_map<(d0, d1) -> (0, 0, 0)>
module attributes {stable_mosaic.version = 14 : i64} {
  func.func @_s1_body(%arg0: i32, %arg1: i32, %arg2: memref<51200x32xf32, #tpu.memory_space<hbm>>, %arg3: memref<51200x16xf32, #tpu.memory_space<hbm>>, %arg4: memref<6400x128xi32, #tpu.memory_space<hbm>>, %arg5: memref<6400x128xi32, #tpu.memory_space<hbm>>, %arg6: memref<16xf32, #tpu.memory_space<hbm>>, %arg7: memref<51200x16xf32, #tpu.memory_space<hbm>>, %arg8: memref<2x51200x16xf32, #tpu.memory_space<hbm>>, %arg9: memref<40x128xi32, #tpu.memory_space<vmem>>, %arg10: memref<40x128xi32, #tpu.memory_space<vmem>>, %arg11: memref<512x32xf32, #tpu.memory_space<vmem>>, %arg12: memref<512x16xf32, #tpu.memory_space<vmem>>, %arg13: memref<512x16xf32, #tpu.memory_space<vmem>>, %arg14: memref<16xf32, #tpu.memory_space<vmem>>, %arg15: memref<51200x16xf32, #tpu.memory_space<vmem_shared>>, %arg16: memref<!tpu.dma_semaphore, #tpu.memory_space<semaphore_mem>>, %arg17: memref<!tpu.dma_semaphore, #tpu.memory_space<semaphore_mem>>, %arg18: memref<!tpu.dma_semaphore, #tpu.memory_space<semaphore_mem>>, %arg19: memref<!tpu.dma_semaphore, #tpu.memory_space<semaphore_mem>>) attributes {dimension_semantics = [#tpu.dimension_semantics<core_parallel>, #tpu.dimension_semantics<subcore_parallel>], iteration_bounds = array<i64: 2, 16>, scalar_prefetch = 0 : i64, scratch_operands = 11 : i64, tpu.core_type = #tpu.core_type<sc_vector_subcore>, window_params = [{transform_indices = #map}, {transform_indices = #map}, {transform_indices = #map}, {transform_indices = #map}, {transform_indices = #map1}, {transform_indices = #map}, {transform_indices = #map2}]} {
    %mul3A = arith.constant 16 : i32
    %mul3A_0 = arith.muli %arg0, %mul3A : i32
    %add3A = arith.addi %mul3A_0, %arg1 : i32
    %mul3A_1 = arith.constant 1600 : i32
    %mul3A_2 = arith.muli %arg1, %mul3A_1 : i32
    %mul3A_3 = arith.constant 1600 : i32
    %mul3A_4 = arith.muli %arg1, %mul3A_3 : i32
    "tpu.region"() ({
      %run_scoped3A = tpu.sem_alloc : memref<!tpu.dma_semaphore, #tpu.memory_space<semaphore_mem>>
      %dma_start3A = arith.constant 0 : i32
      %dma_start3A_56 = tpu.memref_slice %arg15[%mul3A_4, %dma_start3A] : memref<51200x16xf32, #tpu.memory_space<vmem_shared>> -> memref<1600x16xf32, #tpu.memory_space<vmem_shared>>
      %dma_start3A_57 = arith.constant 0 : i32
      %dma_start3A_58 = tpu.memref_slice %arg7[%mul3A_2, %dma_start3A_57] : memref<51200x16xf32, #tpu.memory_space<hbm>> -> memref<1600x16xf32, #tpu.memory_space<hbm>>
      tpu.enqueue_dma source(%dma_start3A_58 : memref<1600x16xf32, #tpu.memory_space<hbm>>) target(%dma_start3A_56 : memref<1600x16xf32, #tpu.memory_space<vmem_shared>>) target_semaphore(%run_scoped3A : memref<!tpu.dma_semaphore, #tpu.memory_space<semaphore_mem>>)
      %dma_wait3A_59 = arith.constant 0 : i32
      %dma_wait3A_60 = tpu.memref_slice %arg15[%mul3A_4, %dma_wait3A_59] : memref<51200x16xf32, #tpu.memory_space<vmem_shared>> -> memref<1600x16xf32, #tpu.memory_space<vmem_shared>>
      %dma_wait3A_61 = arith.constant 0 : i32
      %dma_wait3A_62 = tpu.memref_slice %arg7[%mul3A_2, %dma_wait3A_61] : memref<51200x16xf32, #tpu.memory_space<hbm>> -> memref<1600x16xf32, #tpu.memory_space<hbm>>
      tpu.wait_dma2 semaphore(%run_scoped3A : memref<!tpu.dma_semaphore, #tpu.memory_space<semaphore_mem>>) src(%dma_wait3A_62 : memref<1600x16xf32, #tpu.memory_space<hbm>>) dst(%dma_wait3A_60 : memref<1600x16xf32, #tpu.memory_space<vmem_shared>>)
      tpu.yield
    }) : () -> ()
    "tpu.region"() ({
      %run_scoped3A = tpu.sem_alloc : memref<!tpu.dma_semaphore, #tpu.memory_space<semaphore_mem>>
      tpu.enqueue_dma source(%arg6 : memref<16xf32, #tpu.memory_space<hbm>>) target(%arg14 : memref<16xf32, #tpu.memory_space<vmem>>) target_semaphore(%run_scoped3A : memref<!tpu.dma_semaphore, #tpu.memory_space<semaphore_mem>>)
      tpu.wait_dma2 semaphore(%run_scoped3A : memref<!tpu.dma_semaphore, #tpu.memory_space<semaphore_mem>>) src(%arg6 : memref<16xf32, #tpu.memory_space<hbm>>) dst(%arg14 : memref<16xf32, #tpu.memory_space<vmem>>)
      tpu.yield
    }) : () -> ()
    %get3A = arith.constant 0 : index
    %get3A_5 = tpu.vector_load %arg14[%get3A] {strides = array<i32>} : memref<16xf32, #tpu.memory_space<vmem>>, vector<16xf32>,
    %get3A_6 = vector.shape_cast %get3A_5 : vector<16xf32> to vector<16xf32>
    %barrier3A = arith.constant 0 : index
    tpu.barrier barrier_id(%barrier3A)
    %scan3A = arith.constant 0 : i32
    %scan3A_7 = arith.constant 0 : i32
    %scan3A_8 = arith.constant 5 : i32
    %scan3A_9 = arith.addi %scan3A_7, %scan3A_8 : i32
    %scan3A_10 = arith.constant 1 : i32
    scf.for %scan3A_56 = %scan3A_7 to %scan3A_9 step %scan3A_10  : i32 {
      %mul3A_57 = arith.constant 200 : i32
      %mul3A_58 = arith.muli %add3A, %mul3A_57 : i32
      %mul3A_59 = arith.constant 40 : i32
      %mul3A_60 = arith.muli %scan3A_56, %mul3A_59 : i32
      %add3A_61 = arith.addi %mul3A_58, %mul3A_60 : i32
      "tpu.region"() ({
        %run_scoped3A = tpu.sem_alloc : memref<!tpu.dma_semaphore, #tpu.memory_space<semaphore_mem>>
        %dma_start3A_107 = arith.constant 0 : i32
        %dma_start3A_108 = tpu.memref_slice %arg4[%add3A_61, %dma_start3A_107] : memref<6400x128xi32, #tpu.memory_space<hbm>> -> memref<40x128xi32, #tpu.memory_space<hbm>>
        %dma_start3A_109 = arith.constant 0 : i32
        %dma_start3A_110 = tpu.memref_slice %arg4[%add3A_61, %dma_start3A_109] : memref<6400x128xi32, #tpu.memory_space<hbm>> -> memref<40x128xi32, #tpu.memory_space<hbm>>
        tpu.enqueue_dma source(%dma_start3A_110 : memref<40x128xi32, #tpu.memory_space<hbm>>) target(%arg9 : memref<40x128xi32, #tpu.memory_space<vmem>>) target_semaphore(%run_scoped3A : memref<!tpu.dma_semaphore, #tpu.memory_space<semaphore_mem>>)
        %dma_wait3A_111 = arith.constant 0 : i32
        %dma_wait3A_112 = tpu.memref_slice %arg4[%add3A_61, %dma_wait3A_111] : memref<6400x128xi32, #tpu.memory_space<hbm>> -> memref<40x128xi32, #tpu.memory_space<hbm>>
        %dma_wait3A_113 = arith.constant 0 : i32
        %dma_wait3A_114 = tpu.memref_slice %arg4[%add3A_61, %dma_wait3A_113] : memref<6400x128xi32, #tpu.memory_space<hbm>> -> memref<40x128xi32, #tpu.memory_space<hbm>>
        tpu.wait_dma2 semaphore(%run_scoped3A : memref<!tpu.dma_semaphore, #tpu.memory_space<semaphore_mem>>) src(%dma_wait3A_114 : memref<40x128xi32, #tpu.memory_space<hbm>>) dst(%arg9 : memref<40x128xi32, #tpu.memory_space<vmem>>)
        tpu.yield
      }) : () -> ()
      "tpu.region"() ({
        %run_scoped3A = tpu.sem_alloc : memref<!tpu.dma_semaphore, #tpu.memory_space<semaphore_mem>>
        %dma_start3A_107 = arith.constant 0 : i32
        %dma_start3A_108 = tpu.memref_slice %arg5[%add3A_61, %dma_start3A_107] : memref<6400x128xi32, #tpu.memory_space<hbm>> -> memref<40x128xi32, #tpu.memory_space<hbm>>
        %dma_start3A_109 = arith.constant 0 : i32
        %dma_start3A_110 = tpu.memref_slice %arg5[%add3A_61, %dma_start3A_109] : memref<6400x128xi32, #tpu.memory_space<hbm>> -> memref<40x128xi32, #tpu.memory_space<hbm>>
        tpu.enqueue_dma source(%dma_start3A_110 : memref<40x128xi32, #tpu.memory_space<hbm>>) target(%arg10 : memref<40x128xi32, #tpu.memory_space<vmem>>) target_semaphore(%run_scoped3A : memref<!tpu.dma_semaphore, #tpu.memory_space<semaphore_mem>>)
        %dma_wait3A_111 = arith.constant 0 : i32
        %dma_wait3A_112 = tpu.memref_slice %arg5[%add3A_61, %dma_wait3A_111] : memref<6400x128xi32, #tpu.memory_space<hbm>> -> memref<40x128xi32, #tpu.memory_space<hbm>>
        %dma_wait3A_113 = arith.constant 0 : i32
        %dma_wait3A_114 = tpu.memref_slice %arg5[%add3A_61, %dma_wait3A_113] : memref<6400x128xi32, #tpu.memory_space<hbm>> -> memref<40x128xi32, #tpu.memory_space<hbm>>
        tpu.wait_dma2 semaphore(%run_scoped3A : memref<!tpu.dma_semaphore, #tpu.memory_space<semaphore_mem>>) src(%dma_wait3A_114 : memref<40x128xi32, #tpu.memory_space<hbm>>) dst(%arg10 : memref<40x128xi32, #tpu.memory_space<vmem>>)
        tpu.yield
      }) : () -> ()
      %dma_start3A = arith.constant 0 : i32
      %dma_start3A_62 = arith.constant 0 : i32
      %dma_start3A_63 = arith.constant 0 : i32
      %dma_start3A_64 = tpu.memref_slice %arg11[%dma_start3A_62, %dma_start3A_63] : memref<512x32xf32, #tpu.memory_space<vmem>> -> memref<128x32xf32, #tpu.memory_space<vmem>>
      %dma_start3A_65 = arith.constant 0 : i32
      %dma_start3A_66 = tpu.memref_slice %arg9[%dma_start3A, %dma_start3A_65] : memref<40x128xi32, #tpu.memory_space<vmem>> -> memref<1x128xi32, #tpu.memory_space<vmem>>
      %dma_start3A_67 = tpu.memref_squeeze %dma_start3A_66 : memref<1x128xi32, #tpu.memory_space<vmem>> -> memref<128xi32, #tpu.memory_space<vmem>>
      %dma_start3A_68 = arith.constant 0 : i32
      %dma_start3A_69 = arith.constant 0 : i32
      %dma_start3A_70 = tpu.memref_slice %arg2[%dma_start3A_68, %dma_start3A_69] : memref<51200x32xf32, #tpu.memory_space<hbm>> -> memref<51200x32xf32, #tpu.memory_space<hbm>>
      tpu.enqueue_indirect_dma source(%dma_start3A_70 : memref<51200x32xf32, #tpu.memory_space<hbm>>) target(%dma_start3A_64 : memref<128x32xf32, #tpu.memory_space<vmem>>) offsets(%dma_start3A_67 : memref<128xi32, #tpu.memory_space<vmem>>) semaphore(%arg16 : memref<!tpu.dma_semaphore, #tpu.memory_space<semaphore_mem>>)
      %dma_start3A_71 = arith.constant 0 : i32
      %dma_start3A_72 = arith.constant 0 : i32
      %dma_start3A_73 = arith.constant 0 : i32
      %dma_start3A_74 = tpu.memref_slice %arg12[%dma_start3A_72, %dma_start3A_73] : memref<512x16xf32, #tpu.memory_space<vmem>> -> memref<128x16xf32, #tpu.memory_space<vmem>>
      %dma_start3A_75 = arith.constant 0 : i32
      %dma_start3A_76 = tpu.memref_slice %arg10[%dma_start3A_71, %dma_start3A_75] : memref<40x128xi32, #tpu.memory_space<vmem>> -> memref<1x128xi32, #tpu.memory_space<vmem>>
      %dma_start3A_77 = tpu.memref_squeeze %dma_start3A_76 : memref<1x128xi32, #tpu.memory_space<vmem>> -> memref<128xi32, #tpu.memory_space<vmem>>
      %dma_start3A_78 = arith.constant 0 : i32
      %dma_start3A_79 = arith.constant 0 : i32
      %dma_start3A_80 = tpu.memref_slice %arg3[%dma_start3A_78, %dma_start3A_79] : memref<51200x16xf32, #tpu.memory_space<hbm>> -> memref<51200x16xf32, #tpu.memory_space<hbm>>
      tpu.enqueue_indirect_dma source(%dma_start3A_80 : memref<51200x16xf32, #tpu.memory_space<hbm>>) target(%dma_start3A_74 : memref<128x16xf32, #tpu.memory_space<vmem>>) offsets(%dma_start3A_77 : memref<128xi32, #tpu.memory_space<vmem>>) semaphore(%arg16 : memref<!tpu.dma_semaphore, #tpu.memory_space<semaphore_mem>>)
      %dma_start3A_81 = arith.constant 1 : i32
      %dma_start3A_82 = arith.constant 128 : i32
      %dma_start3A_83 = arith.constant 0 : i32
      %dma_start3A_84 = tpu.memref_slice %arg11[%dma_start3A_82, %dma_start3A_83] : memref<512x32xf32, #tpu.memory_space<vmem>> -> memref<128x32xf32, #tpu.memory_space<vmem>>
      %dma_start3A_85 = arith.constant 0 : i32
      %dma_start3A_86 = tpu.memref_slice %arg9[%dma_start3A_81, %dma_start3A_85] : memref<40x128xi32, #tpu.memory_space<vmem>> -> memref<1x128xi32, #tpu.memory_space<vmem>>
      %dma_start3A_87 = tpu.memref_squeeze %dma_start3A_86 : memref<1x128xi32, #tpu.memory_space<vmem>> -> memref<128xi32, #tpu.memory_space<vmem>>
      %dma_start3A_88 = arith.constant 0 : i32
      %dma_start3A_89 = arith.constant 0 : i32
      %dma_start3A_90 = tpu.memref_slice %arg2[%dma_start3A_88, %dma_start3A_89] : memref<51200x32xf32, #tpu.memory_space<hbm>> -> memref<51200x32xf32, #tpu.memory_space<hbm>>
      tpu.enqueue_indirect_dma source(%dma_start3A_90 : memref<51200x32xf32, #tpu.memory_space<hbm>>) target(%dma_start3A_84 : memref<128x32xf32, #tpu.memory_space<vmem>>) offsets(%dma_start3A_87 : memref<128xi32, #tpu.memory_space<vmem>>) semaphore(%arg16 : memref<!tpu.dma_semaphore, #tpu.memory_space<semaphore_mem>>)
      %dma_start3A_91 = arith.constant 1 : i32
      %dma_start3A_92 = arith.constant 128 : i32
      %dma_start3A_93 = arith.constant 0 : i32
      %dma_start3A_94 = tpu.memref_slice %arg12[%dma_start3A_92, %dma_start3A_93] : memref<512x16xf32, #tpu.memory_space<vmem>> -> memref<128x16xf32, #tpu.memory_space<vmem>>
      %dma_start3A_95 = arith.constant 0 : i32
      %dma_start3A_96 = tpu.memref_slice %arg10[%dma_start3A_91, %dma_start3A_95] : memref<40x128xi32, #tpu.memory_space<vmem>> -> memref<1x128xi32, #tpu.memory_space<vmem>>
      %dma_start3A_97 = tpu.memref_squeeze %dma_start3A_96 : memref<1x128xi32, #tpu.memory_space<vmem>> -> memref<128xi32, #tpu.memory_space<vmem>>
      %dma_start3A_98 = arith.constant 0 : i32
      %dma_start3A_99 = arith.constant 0 : i32
      %dma_start3A_100 = tpu.memref_slice %arg3[%dma_start3A_98, %dma_start3A_99] : memref<51200x16xf32, #tpu.memory_space<hbm>> -> memref<51200x16xf32, #tpu.memory_space<hbm>>
      tpu.enqueue_indirect_dma source(%dma_start3A_100 : memref<51200x16xf32, #tpu.memory_space<hbm>>) target(%dma_start3A_94 : memref<128x16xf32, #tpu.memory_space<vmem>>) offsets(%dma_start3A_97 : memref<128xi32, #tpu.memory_space<vmem>>) semaphore(%arg16 : memref<!tpu.dma_semaphore, #tpu.memory_space<semaphore_mem>>)
      %scan3A_101 = arith.constant 0 : i32
      %scan3A_102 = arith.constant 0 : i32
      %scan3A_103 = arith.constant 10 : i32
      %scan3A_104 = arith.addi %scan3A_102, %scan3A_103 : i32
      %scan3A_105 = arith.constant 1 : i32
      scf.for %scan3A_107 = %scan3A_102 to %scan3A_104 step %scan3A_105  : i32 {
        %mul3A_108 = arith.constant 2 : i32
        %mul3A_109 = arith.muli %mul3A_108, %scan3A_107 : i32
        %gt3A = arith.constant 0 : i32
        %gt3A_110 = arith.cmpi sgt, %scan3A_56, %gt3A : i32
        %gt3A_111 = arith.constant 0 : i32
        %gt3A_112 = arith.cmpi sgt, %scan3A_107, %gt3A_111 : i32
        %or3A = arith.ori %gt3A_110, %gt3A_112 : i1
        %add3A_113 = arith.constant 1 : i32
        %add3A_114 = arith.addi %mul3A_109, %add3A_113 : i32
        %mul3A_115 = arith.constant 2 : i32
        %mul3A_116 = arith.muli %add3A_114, %mul3A_115 : i32
        %add3A_117 = arith.constant 0 : i32
        %add3A_118 = arith.addi %mul3A_116, %add3A_117 : i32
        %dma_start3A_119 = arith.constant 256 : i32
        %dma_start3A_120 = arith.constant 0 : i32
        %dma_start3A_121 = tpu.memref_slice %arg11[%dma_start3A_119, %dma_start3A_120] : memref<512x32xf32, #tpu.memory_space<vmem>> -> memref<128x32xf32, #tpu.memory_space<vmem>>
        %dma_start3A_122 = arith.constant 0 : i32
        %dma_start3A_123 = tpu.memref_slice %arg9[%add3A_118, %dma_start3A_122] : memref<40x128xi32, #tpu.memory_space<vmem>> -> memref<1x128xi32, #tpu.memory_space<vmem>>
        %dma_start3A_124 = tpu.memref_squeeze %dma_start3A_123 : memref<1x128xi32, #tpu.memory_space<vmem>> -> memref<128xi32, #tpu.memory_space<vmem>>
        %dma_start3A_125 = arith.constant 0 : i32
        %dma_start3A_126 = arith.constant 0 : i32
        %dma_start3A_127 = tpu.memref_slice %arg2[%dma_start3A_125, %dma_start3A_126] : memref<51200x32xf32, #tpu.memory_space<hbm>> -> memref<51200x32xf32, #tpu.memory_space<hbm>>
        tpu.enqueue_indirect_dma source(%dma_start3A_127 : memref<51200x32xf32, #tpu.memory_space<hbm>>) target(%dma_start3A_121 : memref<128x32xf32, #tpu.memory_space<vmem>>) offsets(%dma_start3A_124 : memref<128xi32, #tpu.memory_space<vmem>>) semaphore(%arg17 : memref<!tpu.dma_semaphore, #tpu.memory_space<semaphore_mem>>)
        %mul3A_128 = arith.constant 2 : i32
        %mul3A_129 = arith.muli %add3A_114, %mul3A_128 : i32
        %add3A_130 = arith.constant 0 : i32
        %add3A_131 = arith.addi %mul3A_129, %add3A_130 : i32
        %dma_start3A_132 = arith.constant 256 : i32
        %dma_start3A_133 = arith.constant 0 : i32
        %dma_start3A_134 = tpu.memref_slice %arg12[%dma_start3A_132, %dma_start3A_133] : memref<512x16xf32, #tpu.memory_space<vmem>> -> memref<128x16xf32, #tpu.memory_space<vmem>>
        %dma_start3A_135 = arith.constant 0 : i32
        %dma_start3A_136 = tpu.memref_slice %arg10[%add3A_131, %dma_start3A_135] : memref<40x128xi32, #tpu.memory_space<vmem>> -> memref<1x128xi32, #tpu.memory_space<vmem>>
        %dma_start3A_137 = tpu.memref_squeeze %dma_start3A_136 : memref<1x128xi32, #tpu.memory_space<vmem>> -> memref<128xi32, #tpu.memory_space<vmem>>
        %dma_start3A_138 = arith.constant 0 : i32
        %dma_start3A_139 = arith.constant 0 : i32
        %dma_start3A_140 = tpu.memref_slice %arg3[%dma_start3A_138, %dma_start3A_139] : memref<51200x16xf32, #tpu.memory_space<hbm>> -> memref<51200x16xf32, #tpu.memory_space<hbm>>
        tpu.enqueue_indirect_dma source(%dma_start3A_140 : memref<51200x16xf32, #tpu.memory_space<hbm>>) target(%dma_start3A_134 : memref<128x16xf32, #tpu.memory_space<vmem>>) offsets(%dma_start3A_137 : memref<128xi32, #tpu.memory_space<vmem>>) semaphore(%arg17 : memref<!tpu.dma_semaphore, #tpu.memory_space<semaphore_mem>>)
        %mul3A_141 = arith.constant 2 : i32
        %mul3A_142 = arith.muli %add3A_114, %mul3A_141 : i32
        %add3A_143 = arith.constant 1 : i32
        %add3A_144 = arith.addi %mul3A_142, %add3A_143 : i32
        %dma_start3A_145 = arith.constant 384 : i32
        %dma_start3A_146 = arith.constant 0 : i32
        %dma_start3A_147 = tpu.memref_slice %arg11[%dma_start3A_145, %dma_start3A_146] : memref<512x32xf32, #tpu.memory_space<vmem>> -> memref<128x32xf32, #tpu.memory_space<vmem>>
        %dma_start3A_148 = arith.constant 0 : i32
        %dma_start3A_149 = tpu.memref_slice %arg9[%add3A_144, %dma_start3A_148] : memref<40x128xi32, #tpu.memory_space<vmem>> -> memref<1x128xi32, #tpu.memory_space<vmem>>
        %dma_start3A_150 = tpu.memref_squeeze %dma_start3A_149 : memref<1x128xi32, #tpu.memory_space<vmem>> -> memref<128xi32, #tpu.memory_space<vmem>>
        %dma_start3A_151 = arith.constant 0 : i32
        %dma_start3A_152 = arith.constant 0 : i32
        %dma_start3A_153 = tpu.memref_slice %arg2[%dma_start3A_151, %dma_start3A_152] : memref<51200x32xf32, #tpu.memory_space<hbm>> -> memref<51200x32xf32, #tpu.memory_space<hbm>>
        tpu.enqueue_indirect_dma source(%dma_start3A_153 : memref<51200x32xf32, #tpu.memory_space<hbm>>) target(%dma_start3A_147 : memref<128x32xf32, #tpu.memory_space<vmem>>) offsets(%dma_start3A_150 : memref<128xi32, #tpu.memory_space<vmem>>) semaphore(%arg17 : memref<!tpu.dma_semaphore, #tpu.memory_space<semaphore_mem>>)
        %mul3A_154 = arith.constant 2 : i32
        %mul3A_155 = arith.muli %add3A_114, %mul3A_154 : i32
        %add3A_156 = arith.constant 1 : i32
        %add3A_157 = arith.addi %mul3A_155, %add3A_156 : i32
        %dma_start3A_158 = arith.constant 384 : i32
        %dma_start3A_159 = arith.constant 0 : i32
        %dma_start3A_160 = tpu.memref_slice %arg12[%dma_start3A_158, %dma_start3A_159] : memref<512x16xf32, #tpu.memory_space<vmem>> -> memref<128x16xf32, #tpu.memory_space<vmem>>
        %dma_start3A_161 = arith.constant 0 : i32
        %dma_start3A_162 = tpu.memref_slice %arg10[%add3A_157, %dma_start3A_161] : memref<40x128xi32, #tpu.memory_space<vmem>> -> memref<1x128xi32, #tpu.memory_space<vmem>>
        %dma_start3A_163 = tpu.memref_squeeze %dma_start3A_162 : memref<1x128xi32, #tpu.memory_space<vmem>> -> memref<128xi32, #tpu.memory_space<vmem>>
        %dma_start3A_164 = arith.constant 0 : i32
        %dma_start3A_165 = arith.constant 0 : i32
        %dma_start3A_166 = tpu.memref_slice %arg3[%dma_start3A_164, %dma_start3A_165] : memref<51200x16xf32, #tpu.memory_space<hbm>> -> memref<51200x16xf32, #tpu.memory_space<hbm>>
        tpu.enqueue_indirect_dma source(%dma_start3A_166 : memref<51200x16xf32, #tpu.memory_space<hbm>>) target(%dma_start3A_160 : memref<128x16xf32, #tpu.memory_space<vmem>>) offsets(%dma_start3A_163 : memref<128xi32, #tpu.memory_space<vmem>>) semaphore(%arg17 : memref<!tpu.dma_semaphore, #tpu.memory_space<semaphore_mem>>)
        %dma_wait3A_167 = arith.constant 0 : i32
        %dma_wait3A_168 = arith.constant 0 : i32
        %dma_wait3A_169 = arith.constant 0 : i32
        %dma_wait3A_170 = tpu.memref_slice %arg11[%dma_wait3A_168, %dma_wait3A_169] : memref<512x32xf32, #tpu.memory_space<vmem>> -> memref<128x32xf32, #tpu.memory_space<vmem>>
        %dma_wait3A_171 = arith.constant 0 : i32
        %dma_wait3A_172 = tpu.memref_slice %arg9[%dma_wait3A_167, %dma_wait3A_171] : memref<40x128xi32, #tpu.memory_space<vmem>> -> memref<1x128xi32, #tpu.memory_space<vmem>>
        %dma_wait3A_173 = tpu.memref_squeeze %dma_wait3A_172 : memref<1x128xi32, #tpu.memory_space<vmem>> -> memref<128xi32, #tpu.memory_space<vmem>>
        %dma_wait3A_174 = arith.constant 0 : i32
        %dma_wait3A_175 = arith.constant 0 : i32
        %dma_wait3A_176 = tpu.memref_slice %arg2[%dma_wait3A_174, %dma_wait3A_175] : memref<51200x32xf32, #tpu.memory_space<hbm>> -> memref<51200x32xf32, #tpu.memory_space<hbm>>
        tpu.wait_indirect_dma semaphore(%arg16 : memref<!tpu.dma_semaphore, #tpu.memory_space<semaphore_mem>>) src(%dma_wait3A_176 : memref<51200x32xf32, #tpu.memory_space<hbm>>) dst(%dma_wait3A_170 : memref<128x32xf32, #tpu.memory_space<vmem>>)
        %dma_wait3A_177 = arith.constant 0 : i32
        %dma_wait3A_178 = arith.constant 0 : i32
        %dma_wait3A_179 = arith.constant 0 : i32
        %dma_wait3A_180 = tpu.memref_slice %arg12[%dma_wait3A_178, %dma_wait3A_179] : memref<512x16xf32, #tpu.memory_space<vmem>> -> memref<128x16xf32, #tpu.memory_space<vmem>>
        %dma_wait3A_181 = arith.constant 0 : i32
        %dma_wait3A_182 = tpu.memref_slice %arg10[%dma_wait3A_177, %dma_wait3A_181] : memref<40x128xi32, #tpu.memory_space<vmem>> -> memref<1x128xi32, #tpu.memory_space<vmem>>
        %dma_wait3A_183 = tpu.memref_squeeze %dma_wait3A_182 : memref<1x128xi32, #tpu.memory_space<vmem>> -> memref<128xi32, #tpu.memory_space<vmem>>
        %dma_wait3A_184 = arith.constant 0 : i32
        %dma_wait3A_185 = arith.constant 0 : i32
        %dma_wait3A_186 = tpu.memref_slice %arg3[%dma_wait3A_184, %dma_wait3A_185] : memref<51200x16xf32, #tpu.memory_space<hbm>> -> memref<51200x16xf32, #tpu.memory_space<hbm>>
        tpu.wait_indirect_dma semaphore(%arg16 : memref<!tpu.dma_semaphore, #tpu.memory_space<semaphore_mem>>) src(%dma_wait3A_186 : memref<51200x16xf32, #tpu.memory_space<hbm>>) dst(%dma_wait3A_180 : memref<128x16xf32, #tpu.memory_space<vmem>>)
        %dma_wait3A_187 = arith.constant 1 : i32
        %dma_wait3A_188 = arith.constant 128 : i32
        %dma_wait3A_189 = arith.constant 0 : i32
        %dma_wait3A_190 = tpu.memref_slice %arg11[%dma_wait3A_188, %dma_wait3A_189] : memref<512x32xf32, #tpu.memory_space<vmem>> -> memref<128x32xf32, #tpu.memory_space<vmem>>
        %dma_wait3A_191 = arith.constant 0 : i32
        %dma_wait3A_192 = tpu.memref_slice %arg9[%dma_wait3A_187, %dma_wait3A_191] : memref<40x128xi32, #tpu.memory_space<vmem>> -> memref<1x128xi32, #tpu.memory_space<vmem>>
        %dma_wait3A_193 = tpu.memref_squeeze %dma_wait3A_192 : memref<1x128xi32, #tpu.memory_space<vmem>> -> memref<128xi32, #tpu.memory_space<vmem>>
        %dma_wait3A_194 = arith.constant 0 : i32
        %dma_wait3A_195 = arith.constant 0 : i32
        %dma_wait3A_196 = tpu.memref_slice %arg2[%dma_wait3A_194, %dma_wait3A_195] : memref<51200x32xf32, #tpu.memory_space<hbm>> -> memref<51200x32xf32, #tpu.memory_space<hbm>>
        tpu.wait_indirect_dma semaphore(%arg16 : memref<!tpu.dma_semaphore, #tpu.memory_space<semaphore_mem>>) src(%dma_wait3A_196 : memref<51200x32xf32, #tpu.memory_space<hbm>>) dst(%dma_wait3A_190 : memref<128x32xf32, #tpu.memory_space<vmem>>)
        %dma_wait3A_197 = arith.constant 1 : i32
        %dma_wait3A_198 = arith.constant 128 : i32
        %dma_wait3A_199 = arith.constant 0 : i32
        %dma_wait3A_200 = tpu.memref_slice %arg12[%dma_wait3A_198, %dma_wait3A_199] : memref<512x16xf32, #tpu.memory_space<vmem>> -> memref<128x16xf32, #tpu.memory_space<vmem>>
        %dma_wait3A_201 = arith.constant 0 : i32
        %dma_wait3A_202 = tpu.memref_slice %arg10[%dma_wait3A_197, %dma_wait3A_201] : memref<40x128xi32, #tpu.memory_space<vmem>> -> memref<1x128xi32, #tpu.memory_space<vmem>>
        %dma_wait3A_203 = tpu.memref_squeeze %dma_wait3A_202 : memref<1x128xi32, #tpu.memory_space<vmem>> -> memref<128xi32, #tpu.memory_space<vmem>>
        %dma_wait3A_204 = arith.constant 0 : i32
        %dma_wait3A_205 = arith.constant 0 : i32
        %dma_wait3A_206 = tpu.memref_slice %arg3[%dma_wait3A_204, %dma_wait3A_205] : memref<51200x16xf32, #tpu.memory_space<hbm>> -> memref<51200x16xf32, #tpu.memory_space<hbm>>
        tpu.wait_indirect_dma semaphore(%arg16 : memref<!tpu.dma_semaphore, #tpu.memory_space<semaphore_mem>>) src(%dma_wait3A_206 : memref<51200x16xf32, #tpu.memory_space<hbm>>) dst(%dma_wait3A_200 : memref<128x16xf32, #tpu.memory_space<vmem>>)
        %convert_element_type3A = arith.extui %or3A : i1 to i32
        %cond3A = arith.constant 0 : i32
        %cond3A_207 = arith.cmpi ne, %convert_element_type3A, %cond3A : i32
        scf.if %cond3A_207 {
          %dma_wait3A_314 = arith.constant 0 : i32
          %dma_wait3A_315 = arith.constant 0 : i32
          %dma_wait3A_316 = arith.constant 0 : i32
          %dma_wait3A_317 = tpu.memref_slice %arg13[%dma_wait3A_315, %dma_wait3A_316] : memref<512x16xf32, #tpu.memory_space<vmem>> -> memref<128x16xf32, #tpu.memory_space<vmem>>
          %dma_wait3A_318 = arith.constant 0 : i32
          %dma_wait3A_319 = tpu.memref_slice %arg10[%dma_wait3A_314, %dma_wait3A_318] : memref<40x128xi32, #tpu.memory_space<vmem>> -> memref<1x128xi32, #tpu.memory_space<vmem>>
          %dma_wait3A_320 = tpu.memref_squeeze %dma_wait3A_319 : memref<1x128xi32, #tpu.memory_space<vmem>> -> memref<128xi32, #tpu.memory_space<vmem>>
          %dma_wait3A_321 = arith.constant 0 : i32
          %dma_wait3A_322 = arith.constant 0 : i32
          %dma_wait3A_323 = tpu.memref_slice %arg15[%dma_wait3A_321, %dma_wait3A_322] : memref<51200x16xf32, #tpu.memory_space<vmem_shared>> -> memref<51200x16xf32, #tpu.memory_space<vmem_shared>>
          tpu.wait_indirect_dma semaphore(%arg18 : memref<!tpu.dma_semaphore, #tpu.memory_space<semaphore_mem>>) src(%dma_wait3A_317 : memref<128x16xf32, #tpu.memory_space<vmem>>) dst(%dma_wait3A_323 : memref<51200x16xf32, #tpu.memory_space<vmem_shared>>)
          %dma_wait3A_324 = arith.constant 1 : i32
          %dma_wait3A_325 = arith.constant 128 : i32
          %dma_wait3A_326 = arith.constant 0 : i32
          %dma_wait3A_327 = tpu.memref_slice %arg13[%dma_wait3A_325, %dma_wait3A_326] : memref<512x16xf32, #tpu.memory_space<vmem>> -> memref<128x16xf32, #tpu.memory_space<vmem>>
          %dma_wait3A_328 = arith.constant 0 : i32
          %dma_wait3A_329 = tpu.memref_slice %arg10[%dma_wait3A_324, %dma_wait3A_328] : memref<40x128xi32, #tpu.memory_space<vmem>> -> memref<1x128xi32, #tpu.memory_space<vmem>>
          %dma_wait3A_330 = tpu.memref_squeeze %dma_wait3A_329 : memref<1x128xi32, #tpu.memory_space<vmem>> -> memref<128xi32, #tpu.memory_space<vmem>>
          %dma_wait3A_331 = arith.constant 0 : i32
          %dma_wait3A_332 = arith.constant 0 : i32
          %dma_wait3A_333 = tpu.memref_slice %arg15[%dma_wait3A_331, %dma_wait3A_332] : memref<51200x16xf32, #tpu.memory_space<vmem_shared>> -> memref<51200x16xf32, #tpu.memory_space<vmem_shared>>
          tpu.wait_indirect_dma semaphore(%arg18 : memref<!tpu.dma_semaphore, #tpu.memory_space<semaphore_mem>>) src(%dma_wait3A_327 : memref<128x16xf32, #tpu.memory_space<vmem>>) dst(%dma_wait3A_333 : memref<51200x16xf32, #tpu.memory_space<vmem_shared>>)
        } else {
        }
        %parallel_loop3A = arith.constant 0 : i32
        %parallel_loop3A_208 = arith.constant 256 : i32
        %parallel_loop3A_209 = arith.constant 1 : i32
        scf.for %parallel_loop3A_314 = %parallel_loop3A to %parallel_loop3A_208 step %parallel_loop3A_209  : i32 {
          %parallel_loop3A_315 = arith.constant 0 : i32
          %parallel_loop3A_316 = arith.addi %parallel_loop3A_315, %parallel_loop3A_314 : i32
          %parallel_loop3A_317 = arith.index_cast %parallel_loop3A_316 : i32 to index
          %parallel_loop3A_318 = arith.constant 0 : index
          %parallel_loop3A_319 = tpu.vector_load %arg11[%parallel_loop3A_317, %parallel_loop3A_318] {strides = array<i32>} : memref<512x32xf32, #tpu.memory_space<vmem>>, vector<1x16xf32>,
          %parallel_loop3A_320 = vector.shape_cast %parallel_loop3A_319 : vector<1x16xf32> to vector<16xf32>
          %parallel_loop3A_321 = arith.constant 0 : i32
          %parallel_loop3A_322 = arith.addi %parallel_loop3A_321, %parallel_loop3A_314 : i32
          %parallel_loop3A_323 = arith.index_cast %parallel_loop3A_322 : i32 to index
          %parallel_loop3A_324 = arith.constant 16 : index
          %parallel_loop3A_325 = tpu.vector_load %arg11[%parallel_loop3A_323, %parallel_loop3A_324] {strides = array<i32>} : memref<512x32xf32, #tpu.memory_space<vmem>>, vector<1x16xf32>,
          %parallel_loop3A_326 = vector.shape_cast %parallel_loop3A_325 : vector<1x16xf32> to vector<16xf32>
          %parallel_loop3A_327 = arith.constant 0 : i32
          %parallel_loop3A_328 = arith.addi %parallel_loop3A_327, %parallel_loop3A_314 : i32
          %parallel_loop3A_329 = arith.index_cast %parallel_loop3A_328 : i32 to index
          %parallel_loop3A_330 = arith.constant 0 : index
          %parallel_loop3A_331 = tpu.vector_load %arg12[%parallel_loop3A_329, %parallel_loop3A_330] {strides = array<i32>} : memref<512x16xf32, #tpu.memory_space<vmem>>, vector<1x16xf32>,
          %parallel_loop3A_332 = vector.shape_cast %parallel_loop3A_331 : vector<1x16xf32> to vector<16xf32>
          %parallel_loop3A_333 = arith.addf %parallel_loop3A_320, %parallel_loop3A_332 : vector<16xf32>
          %parallel_loop3A_334 = arith.constant 0.000000e+00 : f32
          %parallel_loop3A_335 = vector.broadcast %parallel_loop3A_334 : f32 to vector<16xf32>
          %parallel_loop3A_336 = arith.cmpf oge, %parallel_loop3A_333, %parallel_loop3A_335 : vector<16xf32>
          %parallel_loop3A_337 = arith.constant 2.000000e-01 : f32
          %parallel_loop3A_338 = vector.broadcast %parallel_loop3A_337 : f32 to vector<16xf32>
          %parallel_loop3A_339 = arith.mulf %parallel_loop3A_338, %parallel_loop3A_333 : vector<16xf32>
          %parallel_loop3A_340 = arith.select %parallel_loop3A_336, %parallel_loop3A_333, %parallel_loop3A_339 : vector<16xi1>, vector<16xf32>
          %parallel_loop3A_341 = arith.subf %parallel_loop3A_340, %get3A_6 : vector<16xf32>
          %parallel_loop3A_342 = math.exp %parallel_loop3A_341 : vector<16xf32>
          %parallel_loop3A_343 = arith.mulf %parallel_loop3A_342, %parallel_loop3A_326 : vector<16xf32>
          %parallel_loop3A_344 = arith.constant 0 : i32
          %parallel_loop3A_345 = arith.addi %parallel_loop3A_344, %parallel_loop3A_314 : i32
          %parallel_loop3A_346 = arith.index_cast %parallel_loop3A_345 : i32 to index
          %parallel_loop3A_347 = arith.constant 0 : index
          %parallel_loop3A_348 = tpu.vector_load %arg13[%parallel_loop3A_346, %parallel_loop3A_347] {strides = array<i32>} : memref<512x16xf32, #tpu.memory_space<vmem>>, vector<1x16xf32>,
          %parallel_loop3A_349 = vector.shape_cast %parallel_loop3A_348 : vector<1x16xf32> to vector<16xf32>
          %parallel_loop3A_350 = vector.shape_cast %parallel_loop3A_343 : vector<16xf32> to vector<1x16xf32>
          tpu.vector_store %arg13[%parallel_loop3A_346, %parallel_loop3A_347], %parallel_loop3A_350 {strides = array<i32>} : memref<512x16xf32, #tpu.memory_space<vmem>>, vector<1x16xf32>,
        } {sc.loop_unroll_factor = 8 : i64, sc.parallel_access}
        %mul3A_210 = arith.constant 2 : i32
        %mul3A_211 = arith.muli %mul3A_109, %mul3A_210 : i32
        %add3A_212 = arith.constant 0 : i32
        %add3A_213 = arith.addi %mul3A_211, %add3A_212 : i32
        %dma_start3A_214 = arith.constant 0 : i32
        %dma_start3A_215 = arith.constant 0 : i32
        %dma_start3A_216 = tpu.memref_slice %arg13[%dma_start3A_214, %dma_start3A_215] : memref<512x16xf32, #tpu.memory_space<vmem>> -> memref<128x16xf32, #tpu.memory_space<vmem>>
        %dma_start3A_217 = arith.constant 0 : i32
        %dma_start3A_218 = tpu.memref_slice %arg10[%add3A_213, %dma_start3A_217] : memref<40x128xi32, #tpu.memory_space<vmem>> -> memref<1x128xi32, #tpu.memory_space<vmem>>
        %dma_start3A_219 = tpu.memref_squeeze %dma_start3A_218 : memref<1x128xi32, #tpu.memory_space<vmem>> -> memref<128xi32, #tpu.memory_space<vmem>>
        %dma_start3A_220 = arith.constant 0 : i32
        %dma_start3A_221 = arith.constant 0 : i32
        %dma_start3A_222 = tpu.memref_slice %arg15[%dma_start3A_220, %dma_start3A_221] : memref<51200x16xf32, #tpu.memory_space<vmem_shared>> -> memref<51200x16xf32, #tpu.memory_space<vmem_shared>>
        tpu.enqueue_indirect_dma source(%dma_start3A_216 : memref<128x16xf32, #tpu.memory_space<vmem>>) target(%dma_start3A_222 : memref<51200x16xf32, #tpu.memory_space<vmem_shared>>) offsets(%dma_start3A_219 : memref<128xi32, #tpu.memory_space<vmem>>) semaphore(%arg18 : memref<!tpu.dma_semaphore, #tpu.memory_space<semaphore_mem>>) {add = true}
        %mul3A_223 = arith.constant 2 : i32
        %mul3A_224 = arith.muli %mul3A_109, %mul3A_223 : i32
        %add3A_225 = arith.constant 1 : i32
        %add3A_226 = arith.addi %mul3A_224, %add3A_225 : i32
        %dma_start3A_227 = arith.constant 128 : i32
        %dma_start3A_228 = arith.constant 0 : i32
        %dma_start3A_229 = tpu.memref_slice %arg13[%dma_start3A_227, %dma_start3A_228] : memref<512x16xf32, #tpu.memory_space<vmem>> -> memref<128x16xf32, #tpu.memory_space<vmem>>
        %dma_start3A_230 = arith.constant 0 : i32
        %dma_start3A_231 = tpu.memref_slice %arg10[%add3A_226, %dma_start3A_230] : memref<40x128xi32, #tpu.memory_space<vmem>> -> memref<1x128xi32, #tpu.memory_space<vmem>>
        %dma_start3A_232 = tpu.memref_squeeze %dma_start3A_231 : memref<1x128xi32, #tpu.memory_space<vmem>> -> memref<128xi32, #tpu.memory_space<vmem>>
        %dma_start3A_233 = arith.constant 0 : i32
        %dma_start3A_234 = arith.constant 0 : i32
        %dma_start3A_235 = tpu.memref_slice %arg15[%dma_start3A_233, %dma_start3A_234] : memref<51200x16xf32, #tpu.memory_space<vmem_shared>> -> memref<51200x16xf32, #tpu.memory_space<vmem_shared>>
        tpu.enqueue_indirect_dma source(%dma_start3A_229 : memref<128x16xf32, #tpu.memory_space<vmem>>) target(%dma_start3A_235 : memref<51200x16xf32, #tpu.memory_space<vmem_shared>>) offsets(%dma_start3A_232 : memref<128xi32, #tpu.memory_space<vmem>>) semaphore(%arg18 : memref<!tpu.dma_semaphore, #tpu.memory_space<semaphore_mem>>) {add = true}
        %lt3A = arith.constant 9 : i32
        %lt3A_236 = arith.cmpi slt, %scan3A_107, %lt3A : i32
        %convert_element_type3A_237 = arith.extui %lt3A_236 : i1 to i32
        %cond3A_238 = arith.constant 0 : i32
        %cond3A_239 = arith.cmpi ne, %convert_element_type3A_237, %cond3A_238 : i32
        scf.if %cond3A_239 {
          %add3A_314 = arith.constant 2 : i32
          %add3A_315 = arith.addi %mul3A_109, %add3A_314 : i32
          %mul3A_316 = arith.constant 2 : i32
          %mul3A_317 = arith.muli %add3A_315, %mul3A_316 : i32
          %add3A_318 = arith.constant 0 : i32
          %add3A_319 = arith.addi %mul3A_317, %add3A_318 : i32
          %dma_start3A_320 = arith.constant 0 : i32
          %dma_start3A_321 = arith.constant 0 : i32
          %dma_start3A_322 = tpu.memref_slice %arg11[%dma_start3A_320, %dma_start3A_321] : memref<512x32xf32, #tpu.memory_space<vmem>> -> memref<128x32xf32, #tpu.memory_space<vmem>>
          %dma_start3A_323 = arith.constant 0 : i32
          %dma_start3A_324 = tpu.memref_slice %arg9[%add3A_319, %dma_start3A_323] : memref<40x128xi32, #tpu.memory_space<vmem>> -> memref<1x128xi32, #tpu.memory_space<vmem>>
          %dma_start3A_325 = tpu.memref_squeeze %dma_start3A_324 : memref<1x128xi32, #tpu.memory_space<vmem>> -> memref<128xi32, #tpu.memory_space<vmem>>
          %dma_start3A_326 = arith.constant 0 : i32
          %dma_start3A_327 = arith.constant 0 : i32
          %dma_start3A_328 = tpu.memref_slice %arg2[%dma_start3A_326, %dma_start3A_327] : memref<51200x32xf32, #tpu.memory_space<hbm>> -> memref<51200x32xf32, #tpu.memory_space<hbm>>
          tpu.enqueue_indirect_dma source(%dma_start3A_328 : memref<51200x32xf32, #tpu.memory_space<hbm>>) target(%dma_start3A_322 : memref<128x32xf32, #tpu.memory_space<vmem>>) offsets(%dma_start3A_325 : memref<128xi32, #tpu.memory_space<vmem>>) semaphore(%arg16 : memref<!tpu.dma_semaphore, #tpu.memory_space<semaphore_mem>>)
          %mul3A_329 = arith.constant 2 : i32
          %mul3A_330 = arith.muli %add3A_315, %mul3A_329 : i32
          %add3A_331 = arith.constant 0 : i32
          %add3A_332 = arith.addi %mul3A_330, %add3A_331 : i32
          %dma_start3A_333 = arith.constant 0 : i32
          %dma_start3A_334 = arith.constant 0 : i32
          %dma_start3A_335 = tpu.memref_slice %arg12[%dma_start3A_333, %dma_start3A_334] : memref<512x16xf32, #tpu.memory_space<vmem>> -> memref<128x16xf32, #tpu.memory_space<vmem>>
          %dma_start3A_336 = arith.constant 0 : i32
          %dma_start3A_337 = tpu.memref_slice %arg10[%add3A_332, %dma_start3A_336] : memref<40x128xi32, #tpu.memory_space<vmem>> -> memref<1x128xi32, #tpu.memory_space<vmem>>
          %dma_start3A_338 = tpu.memref_squeeze %dma_start3A_337 : memref<1x128xi32, #tpu.memory_space<vmem>> -> memref<128xi32, #tpu.memory_space<vmem>>
          %dma_start3A_339 = arith.constant 0 : i32
          %dma_start3A_340 = arith.constant 0 : i32
          %dma_start3A_341 = tpu.memref_slice %arg3[%dma_start3A_339, %dma_start3A_340] : memref<51200x16xf32, #tpu.memory_space<hbm>> -> memref<51200x16xf32, #tpu.memory_space<hbm>>
          tpu.enqueue_indirect_dma source(%dma_start3A_341 : memref<51200x16xf32, #tpu.memory_space<hbm>>) target(%dma_start3A_335 : memref<128x16xf32, #tpu.memory_space<vmem>>) offsets(%dma_start3A_338 : memref<128xi32, #tpu.memory_space<vmem>>) semaphore(%arg16 : memref<!tpu.dma_semaphore, #tpu.memory_space<semaphore_mem>>)
          %mul3A_342 = arith.constant 2 : i32
          %mul3A_343 = arith.muli %add3A_315, %mul3A_342 : i32
          %add3A_344 = arith.constant 1 : i32
          %add3A_345 = arith.addi %mul3A_343, %add3A_344 : i32
          %dma_start3A_346 = arith.constant 128 : i32
          %dma_start3A_347 = arith.constant 0 : i32
          %dma_start3A_348 = tpu.memref_slice %arg11[%dma_start3A_346, %dma_start3A_347] : memref<512x32xf32, #tpu.memory_space<vmem>> -> memref<128x32xf32, #tpu.memory_space<vmem>>
          %dma_start3A_349 = arith.constant 0 : i32
          %dma_start3A_350 = tpu.memref_slice %arg9[%add3A_345, %dma_start3A_349] : memref<40x128xi32, #tpu.memory_space<vmem>> -> memref<1x128xi32, #tpu.memory_space<vmem>>
          %dma_start3A_351 = tpu.memref_squeeze %dma_start3A_350 : memref<1x128xi32, #tpu.memory_space<vmem>> -> memref<128xi32, #tpu.memory_space<vmem>>
          %dma_start3A_352 = arith.constant 0 : i32
          %dma_start3A_353 = arith.constant 0 : i32
          %dma_start3A_354 = tpu.memref_slice %arg2[%dma_start3A_352, %dma_start3A_353] : memref<51200x32xf32, #tpu.memory_space<hbm>> -> memref<51200x32xf32, #tpu.memory_space<hbm>>
          tpu.enqueue_indirect_dma source(%dma_start3A_354 : memref<51200x32xf32, #tpu.memory_space<hbm>>) target(%dma_start3A_348 : memref<128x32xf32, #tpu.memory_space<vmem>>) offsets(%dma_start3A_351 : memref<128xi32, #tpu.memory_space<vmem>>) semaphore(%arg16 : memref<!tpu.dma_semaphore, #tpu.memory_space<semaphore_mem>>)
          %mul3A_355 = arith.constant 2 : i32
          %mul3A_356 = arith.muli %add3A_315, %mul3A_355 : i32
          %add3A_357 = arith.constant 1 : i32
          %add3A_358 = arith.addi %mul3A_356, %add3A_357 : i32
          %dma_start3A_359 = arith.constant 128 : i32
          %dma_start3A_360 = arith.constant 0 : i32
          %dma_start3A_361 = tpu.memref_slice %arg12[%dma_start3A_359, %dma_start3A_360] : memref<512x16xf32, #tpu.memory_space<vmem>> -> memref<128x16xf32, #tpu.memory_space<vmem>>
          %dma_start3A_362 = arith.constant 0 : i32
          %dma_start3A_363 = tpu.memref_slice %arg10[%add3A_358, %dma_start3A_362] : memref<40x128xi32, #tpu.memory_space<vmem>> -> memref<1x128xi32, #tpu.memory_space<vmem>>
          %dma_start3A_364 = tpu.memref_squeeze %dma_start3A_363 : memref<1x128xi32, #tpu.memory_space<vmem>> -> memref<128xi32, #tpu.memory_space<vmem>>
          %dma_start3A_365 = arith.constant 0 : i32
          %dma_start3A_366 = arith.constant 0 : i32
          %dma_start3A_367 = tpu.memref_slice %arg3[%dma_start3A_365, %dma_start3A_366] : memref<51200x16xf32, #tpu.memory_space<hbm>> -> memref<51200x16xf32, #tpu.memory_space<hbm>>
          tpu.enqueue_indirect_dma source(%dma_start3A_367 : memref<51200x16xf32, #tpu.memory_space<hbm>>) target(%dma_start3A_361 : memref<128x16xf32, #tpu.memory_space<vmem>>) offsets(%dma_start3A_364 : memref<128xi32, #tpu.memory_space<vmem>>) semaphore(%arg16 : memref<!tpu.dma_semaphore, #tpu.memory_space<semaphore_mem>>)
        } else {
        }
        %dma_wait3A_240 = arith.constant 0 : i32
        %dma_wait3A_241 = arith.constant 256 : i32
        %dma_wait3A_242 = arith.constant 0 : i32
        %dma_wait3A_243 = tpu.memref_slice %arg11[%dma_wait3A_241, %dma_wait3A_242] : memref<512x32xf32, #tpu.memory_space<vmem>> -> memref<128x32xf32, #tpu.memory_space<vmem>>
        %dma_wait3A_244 = arith.constant 0 : i32
        %dma_wait3A_245 = tpu.memref_slice %arg9[%dma_wait3A_240, %dma_wait3A_244] : memref<40x128xi32, #tpu.memory_space<vmem>> -> memref<1x128xi32, #tpu.memory_space<vmem>>
        %dma_wait3A_246 = tpu.memref_squeeze %dma_wait3A_245 : memref<1x128xi32, #tpu.memory_space<vmem>> -> memref<128xi32, #tpu.memory_space<vmem>>
        %dma_wait3A_247 = arith.constant 0 : i32
        %dma_wait3A_248 = arith.constant 0 : i32
        %dma_wait3A_249 = tpu.memref_slice %arg2[%dma_wait3A_247, %dma_wait3A_248] : memref<51200x32xf32, #tpu.memory_space<hbm>> -> memref<51200x32xf32, #tpu.memory_space<hbm>>
        tpu.wait_indirect_dma semaphore(%arg17 : memref<!tpu.dma_semaphore, #tpu.memory_space<semaphore_mem>>) src(%dma_wait3A_249 : memref<51200x32xf32, #tpu.memory_space<hbm>>) dst(%dma_wait3A_243 : memref<128x32xf32, #tpu.memory_space<vmem>>)
        %dma_wait3A_250 = arith.constant 0 : i32
        %dma_wait3A_251 = arith.constant 256 : i32
        %dma_wait3A_252 = arith.constant 0 : i32
        %dma_wait3A_253 = tpu.memref_slice %arg12[%dma_wait3A_251, %dma_wait3A_252] : memref<512x16xf32, #tpu.memory_space<vmem>> -> memref<128x16xf32, #tpu.memory_space<vmem>>
        %dma_wait3A_254 = arith.constant 0 : i32
        %dma_wait3A_255 = tpu.memref_slice %arg10[%dma_wait3A_250, %dma_wait3A_254] : memref<40x128xi32, #tpu.memory_space<vmem>> -> memref<1x128xi32, #tpu.memory_space<vmem>>
        %dma_wait3A_256 = tpu.memref_squeeze %dma_wait3A_255 : memref<1x128xi32, #tpu.memory_space<vmem>> -> memref<128xi32, #tpu.memory_space<vmem>>
        %dma_wait3A_257 = arith.constant 0 : i32
        %dma_wait3A_258 = arith.constant 0 : i32
        %dma_wait3A_259 = tpu.memref_slice %arg3[%dma_wait3A_257, %dma_wait3A_258] : memref<51200x16xf32, #tpu.memory_space<hbm>> -> memref<51200x16xf32, #tpu.memory_space<hbm>>
        tpu.wait_indirect_dma semaphore(%arg17 : memref<!tpu.dma_semaphore, #tpu.memory_space<semaphore_mem>>) src(%dma_wait3A_259 : memref<51200x16xf32, #tpu.memory_space<hbm>>) dst(%dma_wait3A_253 : memref<128x16xf32, #tpu.memory_space<vmem>>)
        %dma_wait3A_260 = arith.constant 1 : i32
        %dma_wait3A_261 = arith.constant 384 : i32
        %dma_wait3A_262 = arith.constant 0 : i32
        %dma_wait3A_263 = tpu.memref_slice %arg11[%dma_wait3A_261, %dma_wait3A_262] : memref<512x32xf32, #tpu.memory_space<vmem>> -> memref<128x32xf32, #tpu.memory_space<vmem>>
        %dma_wait3A_264 = arith.constant 0 : i32
        %dma_wait3A_265 = tpu.memref_slice %arg9[%dma_wait3A_260, %dma_wait3A_264] : memref<40x128xi32, #tpu.memory_space<vmem>> -> memref<1x128xi32, #tpu.memory_space<vmem>>
        %dma_wait3A_266 = tpu.memref_squeeze %dma_wait3A_265 : memref<1x128xi32, #tpu.memory_space<vmem>> -> memref<128xi32, #tpu.memory_space<vmem>>
        %dma_wait3A_267 = arith.constant 0 : i32
        %dma_wait3A_268 = arith.constant 0 : i32
        %dma_wait3A_269 = tpu.memref_slice %arg2[%dma_wait3A_267, %dma_wait3A_268] : memref<51200x32xf32, #tpu.memory_space<hbm>> -> memref<51200x32xf32, #tpu.memory_space<hbm>>
        tpu.wait_indirect_dma semaphore(%arg17 : memref<!tpu.dma_semaphore, #tpu.memory_space<semaphore_mem>>) src(%dma_wait3A_269 : memref<51200x32xf32, #tpu.memory_space<hbm>>) dst(%dma_wait3A_263 : memref<128x32xf32, #tpu.memory_space<vmem>>)
        %dma_wait3A_270 = arith.constant 1 : i32
        %dma_wait3A_271 = arith.constant 384 : i32
        %dma_wait3A_272 = arith.constant 0 : i32
        %dma_wait3A_273 = tpu.memref_slice %arg12[%dma_wait3A_271, %dma_wait3A_272] : memref<512x16xf32, #tpu.memory_space<vmem>> -> memref<128x16xf32, #tpu.memory_space<vmem>>
        %dma_wait3A_274 = arith.constant 0 : i32
        %dma_wait3A_275 = tpu.memref_slice %arg10[%dma_wait3A_270, %dma_wait3A_274] : memref<40x128xi32, #tpu.memory_space<vmem>> -> memref<1x128xi32, #tpu.memory_space<vmem>>
        %dma_wait3A_276 = tpu.memref_squeeze %dma_wait3A_275 : memref<1x128xi32, #tpu.memory_space<vmem>> -> memref<128xi32, #tpu.memory_space<vmem>>
        %dma_wait3A_277 = arith.constant 0 : i32
        %dma_wait3A_278 = arith.constant 0 : i32
        %dma_wait3A_279 = tpu.memref_slice %arg3[%dma_wait3A_277, %dma_wait3A_278] : memref<51200x16xf32, #tpu.memory_space<hbm>> -> memref<51200x16xf32, #tpu.memory_space<hbm>>
        tpu.wait_indirect_dma semaphore(%arg17 : memref<!tpu.dma_semaphore, #tpu.memory_space<semaphore_mem>>) src(%dma_wait3A_279 : memref<51200x16xf32, #tpu.memory_space<hbm>>) dst(%dma_wait3A_273 : memref<128x16xf32, #tpu.memory_space<vmem>>)
        %add3A_280 = arith.constant 1 : i32
        %add3A_281 = arith.addi %mul3A_109, %add3A_280 : i32
        %convert_element_type3A_282 = arith.extui %or3A : i1 to i32
        %cond3A_283 = arith.constant 0 : i32
        %cond3A_284 = arith.cmpi ne, %convert_element_type3A_282, %cond3A_283 : i32
        scf.if %cond3A_284 {
          %dma_wait3A_314 = arith.constant 0 : i32
          %dma_wait3A_315 = arith.constant 256 : i32
          %dma_wait3A_316 = arith.constant 0 : i32
          %dma_wait3A_317 = tpu.memref_slice %arg13[%dma_wait3A_315, %dma_wait3A_316] : memref<512x16xf32, #tpu.memory_space<vmem>> -> memref<128x16xf32, #tpu.memory_space<vmem>>
          %dma_wait3A_318 = arith.constant 0 : i32
          %dma_wait3A_319 = tpu.memref_slice %arg10[%dma_wait3A_314, %dma_wait3A_318] : memref<40x128xi32, #tpu.memory_space<vmem>> -> memref<1x128xi32, #tpu.memory_space<vmem>>
          %dma_wait3A_320 = tpu.memref_squeeze %dma_wait3A_319 : memref<1x128xi32, #tpu.memory_space<vmem>> -> memref<128xi32, #tpu.memory_space<vmem>>
          %dma_wait3A_321 = arith.constant 0 : i32
          %dma_wait3A_322 = arith.constant 0 : i32
          %dma_wait3A_323 = tpu.memref_slice %arg15[%dma_wait3A_321, %dma_wait3A_322] : memref<51200x16xf32, #tpu.memory_space<vmem_shared>> -> memref<51200x16xf32, #tpu.memory_space<vmem_shared>>
          tpu.wait_indirect_dma semaphore(%arg19 : memref<!tpu.dma_semaphore, #tpu.memory_space<semaphore_mem>>) src(%dma_wait3A_317 : memref<128x16xf32, #tpu.memory_space<vmem>>) dst(%dma_wait3A_323 : memref<51200x16xf32, #tpu.memory_space<vmem_shared>>)
          %dma_wait3A_324 = arith.constant 1 : i32
          %dma_wait3A_325 = arith.constant 384 : i32
          %dma_wait3A_326 = arith.constant 0 : i32
          %dma_wait3A_327 = tpu.memref_slice %arg13[%dma_wait3A_325, %dma_wait3A_326] : memref<512x16xf32, #tpu.memory_space<vmem>> -> memref<128x16xf32, #tpu.memory_space<vmem>>
          %dma_wait3A_328 = arith.constant 0 : i32
          %dma_wait3A_329 = tpu.memref_slice %arg10[%dma_wait3A_324, %dma_wait3A_328] : memref<40x128xi32, #tpu.memory_space<vmem>> -> memref<1x128xi32, #tpu.memory_space<vmem>>
          %dma_wait3A_330 = tpu.memref_squeeze %dma_wait3A_329 : memref<1x128xi32, #tpu.memory_space<vmem>> -> memref<128xi32, #tpu.memory_space<vmem>>
          %dma_wait3A_331 = arith.constant 0 : i32
          %dma_wait3A_332 = arith.constant 0 : i32
          %dma_wait3A_333 = tpu.memref_slice %arg15[%dma_wait3A_331, %dma_wait3A_332] : memref<51200x16xf32, #tpu.memory_space<vmem_shared>> -> memref<51200x16xf32, #tpu.memory_space<vmem_shared>>
          tpu.wait_indirect_dma semaphore(%arg19 : memref<!tpu.dma_semaphore, #tpu.memory_space<semaphore_mem>>) src(%dma_wait3A_327 : memref<128x16xf32, #tpu.memory_space<vmem>>) dst(%dma_wait3A_333 : memref<51200x16xf32, #tpu.memory_space<vmem_shared>>)
        } else {
        }
        %parallel_loop3A_285 = arith.constant 0 : i32
        %parallel_loop3A_286 = arith.constant 256 : i32
        %parallel_loop3A_287 = arith.constant 1 : i32
        scf.for %parallel_loop3A_314 = %parallel_loop3A_285 to %parallel_loop3A_286 step %parallel_loop3A_287  : i32 {
          %parallel_loop3A_315 = arith.constant 256 : i32
          %parallel_loop3A_316 = arith.addi %parallel_loop3A_315, %parallel_loop3A_314 : i32
          %parallel_loop3A_317 = arith.index_cast %parallel_loop3A_316 : i32 to index
          %parallel_loop3A_318 = arith.constant 0 : index
          %parallel_loop3A_319 = tpu.vector_load %arg11[%parallel_loop3A_317, %parallel_loop3A_318] {strides = array<i32>} : memref<512x32xf32, #tpu.memory_space<vmem>>, vector<1x16xf32>,
          %parallel_loop3A_320 = vector.shape_cast %parallel_loop3A_319 : vector<1x16xf32> to vector<16xf32>
          %parallel_loop3A_321 = arith.constant 256 : i32
          %parallel_loop3A_322 = arith.addi %parallel_loop3A_321, %parallel_loop3A_314 : i32
          %parallel_loop3A_323 = arith.index_cast %parallel_loop3A_322 : i32 to index
          %parallel_loop3A_324 = arith.constant 16 : index
          %parallel_loop3A_325 = tpu.vector_load %arg11[%parallel_loop3A_323, %parallel_loop3A_324] {strides = array<i32>} : memref<512x32xf32, #tpu.memory_space<vmem>>, vector<1x16xf32>,
          %parallel_loop3A_326 = vector.shape_cast %parallel_loop3A_325 : vector<1x16xf32> to vector<16xf32>
          %parallel_loop3A_327 = arith.constant 256 : i32
          %parallel_loop3A_328 = arith.addi %parallel_loop3A_327, %parallel_loop3A_314 : i32
          %parallel_loop3A_329 = arith.index_cast %parallel_loop3A_328 : i32 to index
          %parallel_loop3A_330 = arith.constant 0 : index
          %parallel_loop3A_331 = tpu.vector_load %arg12[%parallel_loop3A_329, %parallel_loop3A_330] {strides = array<i32>} : memref<512x16xf32, #tpu.memory_space<vmem>>, vector<1x16xf32>,
          %parallel_loop3A_332 = vector.shape_cast %parallel_loop3A_331 : vector<1x16xf32> to vector<16xf32>
          %parallel_loop3A_333 = arith.addf %parallel_loop3A_320, %parallel_loop3A_332 : vector<16xf32>
          %parallel_loop3A_334 = arith.constant 0.000000e+00 : f32
          %parallel_loop3A_335 = vector.broadcast %parallel_loop3A_334 : f32 to vector<16xf32>
          %parallel_loop3A_336 = arith.cmpf oge, %parallel_loop3A_333, %parallel_loop3A_335 : vector<16xf32>
          %parallel_loop3A_337 = arith.constant 2.000000e-01 : f32
          %parallel_loop3A_338 = vector.broadcast %parallel_loop3A_337 : f32 to vector<16xf32>
          %parallel_loop3A_339 = arith.mulf %parallel_loop3A_338, %parallel_loop3A_333 : vector<16xf32>
          %parallel_loop3A_340 = arith.select %parallel_loop3A_336, %parallel_loop3A_333, %parallel_loop3A_339 : vector<16xi1>, vector<16xf32>
          %parallel_loop3A_341 = arith.subf %parallel_loop3A_340, %get3A_6 : vector<16xf32>
          %parallel_loop3A_342 = math.exp %parallel_loop3A_341 : vector<16xf32>
          %parallel_loop3A_343 = arith.mulf %parallel_loop3A_342, %parallel_loop3A_326 : vector<16xf32>
          %parallel_loop3A_344 = arith.constant 256 : i32
          %parallel_loop3A_345 = arith.addi %parallel_loop3A_344, %parallel_loop3A_314 : i32
          %parallel_loop3A_346 = arith.index_cast %parallel_loop3A_345 : i32 to index
          %parallel_loop3A_347 = arith.constant 0 : index
          %parallel_loop3A_348 = tpu.vector_load %arg13[%parallel_loop3A_346, %parallel_loop3A_347] {strides = array<i32>} : memref<512x16xf32, #tpu.memory_space<vmem>>, vector<1x16xf32>,
          %parallel_loop3A_349 = vector.shape_cast %parallel_loop3A_348 : vector<1x16xf32> to vector<16xf32>
          %parallel_loop3A_350 = vector.shape_cast %parallel_loop3A_343 : vector<16xf32> to vector<1x16xf32>
          tpu.vector_store %arg13[%parallel_loop3A_346, %parallel_loop3A_347], %parallel_loop3A_350 {strides = array<i32>} : memref<512x16xf32, #tpu.memory_space<vmem>>, vector<1x16xf32>,
        } {sc.loop_unroll_factor = 8 : i64, sc.parallel_access}
        %mul3A_288 = arith.constant 2 : i32
        %mul3A_289 = arith.muli %add3A_281, %mul3A_288 : i32
        %add3A_290 = arith.constant 0 : i32
        %add3A_291 = arith.addi %mul3A_289, %add3A_290 : i32
        %dma_start3A_292 = arith.constant 256 : i32
        %dma_start3A_293 = arith.constant 0 : i32
        %dma_start3A_294 = tpu.memref_slice %arg13[%dma_start3A_292, %dma_start3A_293] : memref<512x16xf32, #tpu.memory_space<vmem>> -> memref<128x16xf32, #tpu.memory_space<vmem>>
        %dma_start3A_295 = arith.constant 0 : i32
        %dma_start3A_296 = tpu.memref_slice %arg10[%add3A_291, %dma_start3A_295] : memref<40x128xi32, #tpu.memory_space<vmem>> -> memref<1x128xi32, #tpu.memory_space<vmem>>
        %dma_start3A_297 = tpu.memref_squeeze %dma_start3A_296 : memref<1x128xi32, #tpu.memory_space<vmem>> -> memref<128xi32, #tpu.memory_space<vmem>>
        %dma_start3A_298 = arith.constant 0 : i32
        %dma_start3A_299 = arith.constant 0 : i32
        %dma_start3A_300 = tpu.memref_slice %arg15[%dma_start3A_298, %dma_start3A_299] : memref<51200x16xf32, #tpu.memory_space<vmem_shared>> -> memref<51200x16xf32, #tpu.memory_space<vmem_shared>>
        tpu.enqueue_indirect_dma source(%dma_start3A_294 : memref<128x16xf32, #tpu.memory_space<vmem>>) target(%dma_start3A_300 : memref<51200x16xf32, #tpu.memory_space<vmem_shared>>) offsets(%dma_start3A_297 : memref<128xi32, #tpu.memory_space<vmem>>) semaphore(%arg19 : memref<!tpu.dma_semaphore, #tpu.memory_space<semaphore_mem>>) {add = true}
        %mul3A_301 = arith.constant 2 : i32
        %mul3A_302 = arith.muli %add3A_281, %mul3A_301 : i32
        %add3A_303 = arith.constant 1 : i32
        %add3A_304 = arith.addi %mul3A_302, %add3A_303 : i32
        %dma_start3A_305 = arith.constant 384 : i32
        %dma_start3A_306 = arith.constant 0 : i32
        %dma_start3A_307 = tpu.memref_slice %arg13[%dma_start3A_305, %dma_start3A_306] : memref<512x16xf32, #tpu.memory_space<vmem>> -> memref<128x16xf32, #tpu.memory_space<vmem>>
        %dma_start3A_308 = arith.constant 0 : i32
        %dma_start3A_309 = tpu.memref_slice %arg10[%add3A_304, %dma_start3A_308] : memref<40x128xi32, #tpu.memory_space<vmem>> -> memref<1x128xi32, #tpu.memory_space<vmem>>
        %dma_start3A_310 = tpu.memref_squeeze %dma_start3A_309 : memref<1x128xi32, #tpu.memory_space<vmem>> -> memref<128xi32, #tpu.memory_space<vmem>>
        %dma_start3A_311 = arith.constant 0 : i32
        %dma_start3A_312 = arith.constant 0 : i32
        %dma_start3A_313 = tpu.memref_slice %arg15[%dma_start3A_311, %dma_start3A_312] : memref<51200x16xf32, #tpu.memory_space<vmem_shared>> -> memref<51200x16xf32, #tpu.memory_space<vmem_shared>>
        tpu.enqueue_indirect_dma source(%dma_start3A_307 : memref<128x16xf32, #tpu.memory_space<vmem>>) target(%dma_start3A_313 : memref<51200x16xf32, #tpu.memory_space<vmem_shared>>) offsets(%dma_start3A_310 : memref<128xi32, #tpu.memory_space<vmem>>) semaphore(%arg19 : memref<!tpu.dma_semaphore, #tpu.memory_space<semaphore_mem>>) {add = true}
      }
      %scan3A_106 = arith.constant 10 : i32
    }
    %scan3A_11 = arith.constant 5 : i32
    %dma_wait3A = arith.constant 0 : i32
    %dma_wait3A_12 = arith.constant 0 : i32
    %dma_wait3A_13 = arith.constant 0 : i32
    %dma_wait3A_14 = tpu.memref_slice %arg13[%dma_wait3A_12, %dma_wait3A_13] : memref<512x16xf32, #tpu.memory_space<vmem>> -> memref<128x16xf32, #tpu.memory_space<vmem>>
    %dma_wait3A_15 = arith.constant 0 : i32
    %dma_wait3A_16 = tpu.memref_slice %arg10[%dma_wait3A, %dma_wait3A_15] : memref<40x128xi32, #tpu.memory_space<vmem>> -> memref<1x128xi32, #tpu.memory_space<vmem>>
    %dma_wait3A_17 = tpu.memref_squeeze %dma_wait3A_16 : memref<1x128xi32, #tpu.memory_space<vmem>> -> memref<128xi32, #tpu.memory_space<vmem>>
    %dma_wait3A_18 = arith.constant 0 : i32
    %dma_wait3A_19 = arith.constant 0 : i32
    %dma_wait3A_20 = tpu.memref_slice %arg15[%dma_wait3A_18, %dma_wait3A_19] : memref<51200x16xf32, #tpu.memory_space<vmem_shared>> -> memref<51200x16xf32, #tpu.memory_space<vmem_shared>>
    tpu.wait_indirect_dma semaphore(%arg18 : memref<!tpu.dma_semaphore, #tpu.memory_space<semaphore_mem>>) src(%dma_wait3A_14 : memref<128x16xf32, #tpu.memory_space<vmem>>) dst(%dma_wait3A_20 : memref<51200x16xf32, #tpu.memory_space<vmem_shared>>)
    %dma_wait3A_21 = arith.constant 1 : i32
    %dma_wait3A_22 = arith.constant 128 : i32
    %dma_wait3A_23 = arith.constant 0 : i32
    %dma_wait3A_24 = tpu.memref_slice %arg13[%dma_wait3A_22, %dma_wait3A_23] : memref<512x16xf32, #tpu.memory_space<vmem>> -> memref<128x16xf32, #tpu.memory_space<vmem>>
    %dma_wait3A_25 = arith.constant 0 : i32
    %dma_wait3A_26 = tpu.memref_slice %arg10[%dma_wait3A_21, %dma_wait3A_25] : memref<40x128xi32, #tpu.memory_space<vmem>> -> memref<1x128xi32, #tpu.memory_space<vmem>>
    %dma_wait3A_27 = tpu.memref_squeeze %dma_wait3A_26 : memref<1x128xi32, #tpu.memory_space<vmem>> -> memref<128xi32, #tpu.memory_space<vmem>>
    %dma_wait3A_28 = arith.constant 0 : i32
    %dma_wait3A_29 = arith.constant 0 : i32
    %dma_wait3A_30 = tpu.memref_slice %arg15[%dma_wait3A_28, %dma_wait3A_29] : memref<51200x16xf32, #tpu.memory_space<vmem_shared>> -> memref<51200x16xf32, #tpu.memory_space<vmem_shared>>
    tpu.wait_indirect_dma semaphore(%arg18 : memref<!tpu.dma_semaphore, #tpu.memory_space<semaphore_mem>>) src(%dma_wait3A_24 : memref<128x16xf32, #tpu.memory_space<vmem>>) dst(%dma_wait3A_30 : memref<51200x16xf32, #tpu.memory_space<vmem_shared>>)
    %dma_wait3A_31 = arith.constant 0 : i32
    %dma_wait3A_32 = arith.constant 256 : i32
    %dma_wait3A_33 = arith.constant 0 : i32
    %dma_wait3A_34 = tpu.memref_slice %arg13[%dma_wait3A_32, %dma_wait3A_33] : memref<512x16xf32, #tpu.memory_space<vmem>> -> memref<128x16xf32, #tpu.memory_space<vmem>>
    %dma_wait3A_35 = arith.constant 0 : i32
    %dma_wait3A_36 = tpu.memref_slice %arg10[%dma_wait3A_31, %dma_wait3A_35] : memref<40x128xi32, #tpu.memory_space<vmem>> -> memref<1x128xi32, #tpu.memory_space<vmem>>
    %dma_wait3A_37 = tpu.memref_squeeze %dma_wait3A_36 : memref<1x128xi32, #tpu.memory_space<vmem>> -> memref<128xi32, #tpu.memory_space<vmem>>
    %dma_wait3A_38 = arith.constant 0 : i32
    %dma_wait3A_39 = arith.constant 0 : i32
    %dma_wait3A_40 = tpu.memref_slice %arg15[%dma_wait3A_38, %dma_wait3A_39] : memref<51200x16xf32, #tpu.memory_space<vmem_shared>> -> memref<51200x16xf32, #tpu.memory_space<vmem_shared>>
    tpu.wait_indirect_dma semaphore(%arg19 : memref<!tpu.dma_semaphore, #tpu.memory_space<semaphore_mem>>) src(%dma_wait3A_34 : memref<128x16xf32, #tpu.memory_space<vmem>>) dst(%dma_wait3A_40 : memref<51200x16xf32, #tpu.memory_space<vmem_shared>>)
    %dma_wait3A_41 = arith.constant 1 : i32
    %dma_wait3A_42 = arith.constant 384 : i32
    %dma_wait3A_43 = arith.constant 0 : i32
    %dma_wait3A_44 = tpu.memref_slice %arg13[%dma_wait3A_42, %dma_wait3A_43] : memref<512x16xf32, #tpu.memory_space<vmem>> -> memref<128x16xf32, #tpu.memory_space<vmem>>
    %dma_wait3A_45 = arith.constant 0 : i32
    %dma_wait3A_46 = tpu.memref_slice %arg10[%dma_wait3A_41, %dma_wait3A_45] : memref<40x128xi32, #tpu.memory_space<vmem>> -> memref<1x128xi32, #tpu.memory_space<vmem>>
    %dma_wait3A_47 = tpu.memref_squeeze %dma_wait3A_46 : memref<1x128xi32, #tpu.memory_space<vmem>> -> memref<128xi32, #tpu.memory_space<vmem>>
    %dma_wait3A_48 = arith.constant 0 : i32
    %dma_wait3A_49 = arith.constant 0 : i32
    %dma_wait3A_50 = tpu.memref_slice %arg15[%dma_wait3A_48, %dma_wait3A_49] : memref<51200x16xf32, #tpu.memory_space<vmem_shared>> -> memref<51200x16xf32, #tpu.memory_space<vmem_shared>>
    tpu.wait_indirect_dma semaphore(%arg19 : memref<!tpu.dma_semaphore, #tpu.memory_space<semaphore_mem>>) src(%dma_wait3A_44 : memref<128x16xf32, #tpu.memory_space<vmem>>) dst(%dma_wait3A_50 : memref<51200x16xf32, #tpu.memory_space<vmem_shared>>)
    %barrier3A_51 = arith.constant 0 : index
    tpu.barrier barrier_id(%barrier3A_51)
    %mul3A_52 = arith.constant 1600 : i32
    %mul3A_53 = arith.muli %arg1, %mul3A_52 : i32
    %mul3A_54 = arith.constant 1600 : i32
    %mul3A_55 = arith.muli %arg1, %mul3A_54 : i32
    "tpu.region"() ({
      %run_scoped3A = tpu.sem_alloc : memref<!tpu.dma_semaphore, #tpu.memory_space<semaphore_mem>>
      %dma_start3A = arith.constant 0 : i32
      %dma_start3A_56 = arith.constant 0 : i32
      %dma_start3A_57 = tpu.memref_slice %arg8[%arg0, %dma_start3A, %dma_start3A_56] : memref<2x51200x16xf32, #tpu.memory_space<hbm>> -> memref<1x51200x16xf32, #tpu.memory_space<hbm>>
      %dma_start3A_58 = tpu.memref_squeeze %dma_start3A_57 : memref<1x51200x16xf32, #tpu.memory_space<hbm>> -> memref<51200x16xf32, #tpu.memory_space<hbm>>
      %dma_start3A_59 = arith.constant 0 : i32
      %dma_start3A_60 = tpu.memref_slice %dma_start3A_58[%mul3A_55, %dma_start3A_59] : memref<51200x16xf32, #tpu.memory_space<hbm>> -> memref<1600x16xf32, #tpu.memory_space<hbm>>
      %dma_start3A_61 = arith.constant 0 : i32
      %dma_start3A_62 = tpu.memref_slice %arg15[%mul3A_53, %dma_start3A_61] : memref<51200x16xf32, #tpu.memory_space<vmem_shared>> -> memref<1600x16xf32, #tpu.memory_space<vmem_shared>>
      tpu.enqueue_dma source(%dma_start3A_62 : memref<1600x16xf32, #tpu.memory_space<vmem_shared>>) target(%dma_start3A_60 : memref<1600x16xf32, #tpu.memory_space<hbm>>) target_semaphore(%run_scoped3A : memref<!tpu.dma_semaphore, #tpu.memory_space<semaphore_mem>>)
      %dma_wait3A_63 = arith.constant 0 : i32
      %dma_wait3A_64 = arith.constant 0 : i32
      %dma_wait3A_65 = tpu.memref_slice %arg8[%arg0, %dma_wait3A_63, %dma_wait3A_64] : memref<2x51200x16xf32, #tpu.memory_space<hbm>> -> memref<1x51200x16xf32, #tpu.memory_space<hbm>>
      %dma_wait3A_66 = tpu.memref_squeeze %dma_wait3A_65 : memref<1x51200x16xf32, #tpu.memory_space<hbm>> -> memref<51200x16xf32, #tpu.memory_space<hbm>>
      %dma_wait3A_67 = arith.constant 0 : i32
      %dma_wait3A_68 = tpu.memref_slice %dma_wait3A_66[%mul3A_55, %dma_wait3A_67] : memref<51200x16xf32, #tpu.memory_space<hbm>> -> memref<1600x16xf32, #tpu.memory_space<hbm>>
      %dma_wait3A_69 = arith.constant 0 : i32
      %dma_wait3A_70 = tpu.memref_slice %arg15[%mul3A_53, %dma_wait3A_69] : memref<51200x16xf32, #tpu.memory_space<vmem_shared>> -> memref<1600x16xf32, #tpu.memory_space<vmem_shared>>
      tpu.wait_dma2 semaphore(%run_scoped3A : memref<!tpu.dma_semaphore, #tpu.memory_space<semaphore_mem>>) src(%dma_wait3A_70 : memref<1600x16xf32, #tpu.memory_space<vmem_shared>>) dst(%dma_wait3A_68 : memref<1600x16xf32, #tpu.memory_space<hbm>>)
      tpu.yield
    }) : () -> ()
    return
  }
}

module attributes {stable_mosaic.version = 14 : i64} {
  func.func @_a_body(%arg0: i32, %arg1: memref<1024x128xf32, #tpu.memory_space<vmem>>, %arg2: memref<128x256xf32, #tpu.memory_space<vmem>>, %arg3: memref<256xf32, #tpu.memory_space<vmem>>, %arg4: memref<256x256xf32, #tpu.memory_space<vmem>>, %arg5: memref<256xf32, #tpu.memory_space<vmem>>, %arg6: memref<256x128xf32, #tpu.memory_space<vmem>>, %arg7: memref<128xf32, #tpu.memory_space<vmem>>, %arg8: memref<128x32xf32, #tpu.memory_space<vmem>>, %arg9: memref<32xf32, #tpu.memory_space<vmem>>, %arg10: memref<128x16xf32, #tpu.memory_space<vmem>>, %arg11: memref<1024x32xf32, #tpu.memory_space<vmem>>, %arg12: memref<1024x16xf32, #tpu.memory_space<vmem>>, %arg13: memref<1x1x8xf32, #tpu.memory_space<vmem>>) attributes {dimension_semantics = [#tpu.dimension_semantics<arbitrary>], iteration_bounds = array<i64: 50>, scalar_prefetch = 0 : i64, scratch_operands = 0 : i64, tpu.core_type = #tpu.core_type<tc>, window_params = [{transform_indices = @transform_0, window_bounds = array<i64: 1024, 128>}, {pipeline_mode = #tpu.pipeline_mode<synchronous>, transform_indices = @transform_1, window_bounds = array<i64: 128, 256>}, {pipeline_mode = #tpu.pipeline_mode<synchronous>, transform_indices = @transform_2, window_bounds = array<i64: 256>}, {pipeline_mode = #tpu.pipeline_mode<synchronous>, transform_indices = @transform_3, window_bounds = array<i64: 256, 256>}, {pipeline_mode = #tpu.pipeline_mode<synchronous>, transform_indices = @transform_4, window_bounds = array<i64: 256>}, {pipeline_mode = #tpu.pipeline_mode<synchronous>, transform_indices = @transform_5, window_bounds = array<i64: 256, 128>}, {pipeline_mode = #tpu.pipeline_mode<synchronous>, transform_indices = @transform_6, window_bounds = array<i64: 128>}, {pipeline_mode = #tpu.pipeline_mode<synchronous>, transform_indices = @transform_7, window_bounds = array<i64: 128, 32>}, {pipeline_mode = #tpu.pipeline_mode<synchronous>, transform_indices = @transform_8, window_bounds = array<i64: 32>}, {pipeline_mode = #tpu.pipeline_mode<synchronous>, transform_indices = @transform_9, window_bounds = array<i64: 128, 16>}, {transform_indices = @transform_10, window_bounds = array<i64: 1024, 32>}, {transform_indices = @transform_11, window_bounds = array<i64: 1024, 16>}, {transform_indices = @transform_12, window_bounds = array<i64: 1, 1, 8>}]} {
    %get3A = arith.constant 0 : index
    %get3A_0 = arith.constant 0 : index
    %get3A_1 = vector.load %arg1[%get3A, %get3A_0] : memref<1024x128xf32, #tpu.memory_space<vmem>>, vector<1024x128xf32>
    %get3A_2 = arith.constant 0 : index
    %get3A_3 = arith.constant 0 : index
    %get3A_4 = vector.load %arg2[%get3A_2, %get3A_3] : memref<128x256xf32, #tpu.memory_space<vmem>>, vector<128x256xf32>
    %dot_general3A = arith.constant dense<0.000000e+00> : vector<1024x256xf32>
    %dot_general3A_5 = tpu.matmul %get3A_1, %get3A_4, %dot_general3A {dimension_numbers = #tpu.dot_dimension_numbers<[1], [0], [0], [1], [0, 0, 1, 1], [], []>, transpose_lhs_hint = false} : vector<1024x128xf32>, vector<128x256xf32>, vector<1024x256xf32> -> vector<1024x256xf32>
    %get3A_6 = arith.constant 0 : index
    %get3A_7 = vector.load %arg3[%get3A_6] : memref<256xf32, #tpu.memory_space<vmem>>, vector<256xf32>
    %broadcast_in_dim3A = vector.shape_cast %get3A_7 : vector<256xf32> to vector<1x256xf32>
    %add3A = vector.broadcast %broadcast_in_dim3A : vector<1x256xf32> to vector<1024x256xf32>
    %add3A_8 = arith.addf %dot_general3A_5, %add3A : vector<1024x256xf32>
    %max3A = arith.constant 0.000000e+00 : f32
    %max3A_9 = vector.broadcast %max3A : f32 to vector<1024x256xf32>
    %max3A_10 = arith.maximumf %add3A_8, %max3A_9 : vector<1024x256xf32>
    %get3A_11 = arith.constant 0 : index
    %get3A_12 = arith.constant 0 : index
    %get3A_13 = vector.load %arg4[%get3A_11, %get3A_12] : memref<256x256xf32, #tpu.memory_space<vmem>>, vector<256x256xf32>
    %dot_general3A_14 = arith.constant dense<0.000000e+00> : vector<1024x256xf32>
    %dot_general3A_15 = tpu.matmul %max3A_10, %get3A_13, %dot_general3A_14 {dimension_numbers = #tpu.dot_dimension_numbers<[1], [0], [0], [1], [0, 0, 1, 1], [], []>, transpose_lhs_hint = false} : vector<1024x256xf32>, vector<256x256xf32>, vector<1024x256xf32> -> vector<1024x256xf32>
    %get3A_16 = arith.constant 0 : index
    %get3A_17 = vector.load %arg5[%get3A_16] : memref<256xf32, #tpu.memory_space<vmem>>, vector<256xf32>
    %broadcast_in_dim3A_18 = vector.shape_cast %get3A_17 : vector<256xf32> to vector<1x256xf32>
    %add3A_19 = vector.broadcast %broadcast_in_dim3A_18 : vector<1x256xf32> to vector<1024x256xf32>
    %add3A_20 = arith.addf %dot_general3A_15, %add3A_19 : vector<1024x256xf32>
    %max3A_21 = arith.constant 0.000000e+00 : f32
    %max3A_22 = vector.broadcast %max3A_21 : f32 to vector<1024x256xf32>
    %max3A_23 = arith.maximumf %add3A_20, %max3A_22 : vector<1024x256xf32>
    %get3A_24 = arith.constant 0 : index
    %get3A_25 = arith.constant 0 : index
    %get3A_26 = vector.load %arg6[%get3A_24, %get3A_25] : memref<256x128xf32, #tpu.memory_space<vmem>>, vector<256x128xf32>
    %dot_general3A_27 = arith.constant dense<0.000000e+00> : vector<1024x128xf32>
    %dot_general3A_28 = tpu.matmul %max3A_23, %get3A_26, %dot_general3A_27 {dimension_numbers = #tpu.dot_dimension_numbers<[1], [0], [0], [1], [0, 0, 1, 1], [], []>, transpose_lhs_hint = false} : vector<1024x256xf32>, vector<256x128xf32>, vector<1024x128xf32> -> vector<1024x128xf32>
    %get3A_29 = arith.constant 0 : index
    %get3A_30 = vector.load %arg7[%get3A_29] : memref<128xf32, #tpu.memory_space<vmem>>, vector<128xf32>
    %broadcast_in_dim3A_31 = vector.shape_cast %get3A_30 : vector<128xf32> to vector<1x128xf32>
    %add3A_32 = vector.broadcast %broadcast_in_dim3A_31 : vector<1x128xf32> to vector<1024x128xf32>
    %add3A_33 = arith.addf %dot_general3A_28, %add3A_32 : vector<1024x128xf32>
    %get3A_34 = arith.constant 0 : index
    %get3A_35 = arith.constant 0 : index
    %get3A_36 = vector.load %arg8[%get3A_34, %get3A_35] : memref<128x32xf32, #tpu.memory_space<vmem>>, vector<128x32xf32>
    %dot_general3A_37 = arith.constant dense<0.000000e+00> : vector<1024x32xf32>
    %dot_general3A_38 = tpu.matmul %add3A_33, %get3A_36, %dot_general3A_37 {dimension_numbers = #tpu.dot_dimension_numbers<[1], [0], [0], [1], [0, 0, 1, 1], [], []>, transpose_lhs_hint = false} : vector<1024x128xf32>, vector<128x32xf32>, vector<1024x32xf32> -> vector<1024x32xf32>
    %get3A_39 = arith.constant 0 : index
    %get3A_40 = vector.load %arg9[%get3A_39] : memref<32xf32, #tpu.memory_space<vmem>>, vector<32xf32>
    %broadcast_in_dim3A_41 = vector.shape_cast %get3A_40 : vector<32xf32> to vector<1x32xf32>
    %add3A_42 = vector.broadcast %broadcast_in_dim3A_41 : vector<1x32xf32> to vector<1024x32xf32>
    %add3A_43 = arith.addf %dot_general3A_38, %add3A_42 : vector<1024x32xf32>
    %get3A_44 = arith.constant 0 : index
    %get3A_45 = arith.constant 0 : index
    %get3A_46 = vector.load %arg10[%get3A_44, %get3A_45] : memref<128x16xf32, #tpu.memory_space<vmem>>, vector<128x16xf32>
    %dot_general3A_47 = arith.constant dense<0.000000e+00> : vector<1024x16xf32>
    %dot_general3A_48 = tpu.matmul %add3A_33, %get3A_46, %dot_general3A_47 {dimension_numbers = #tpu.dot_dimension_numbers<[1], [0], [0], [1], [0, 0, 1, 1], [], []>, transpose_lhs_hint = false} : vector<1024x128xf32>, vector<128x16xf32>, vector<1024x16xf32> -> vector<1024x16xf32>
    %swap3A = arith.constant 0 : index
    %swap3A_49 = arith.constant 0 : index
    %swap3A_50 = vector.load %arg11[%swap3A, %swap3A_49] : memref<1024x32xf32, #tpu.memory_space<vmem>>, vector<1024x32xf32>
    tpu.vector_store %arg11[%swap3A, %swap3A_49], %add3A_43 {strides = array<i32>} : memref<1024x32xf32, #tpu.memory_space<vmem>>, vector<1024x32xf32>,
    %swap3A_51 = arith.constant 0 : index
    %swap3A_52 = arith.constant 0 : index
    %swap3A_53 = vector.load %arg12[%swap3A_51, %swap3A_52] : memref<1024x16xf32, #tpu.memory_space<vmem>>, vector<1024x16xf32>
    tpu.vector_store %arg12[%swap3A_51, %swap3A_52], %dot_general3A_48 {strides = array<i32>} : memref<1024x16xf32, #tpu.memory_space<vmem>>, vector<1024x16xf32>,
    %slice3A = vector.extract_strided_slice %add3A_43 {offsets = [0, 0], sizes = [1024, 4], strides = [1, 1]} : vector<1024x32xf32> to vector<1024x4xf32>
    %reduce_max3A = arith.constant dense<0xFF800000> : vector<4xf32>
    %reduce_max3A_54 = vector.multi_reduction <maximumf>, %slice3A, %reduce_max3A [0] : vector<1024x4xf32> to vector<4xf32>
    %broadcast_in_dim3A_55 = vector.shape_cast %reduce_max3A_54 : vector<4xf32> to vector<1x4xf32>
    %slice3A_56 = vector.extract_strided_slice %dot_general3A_48 {offsets = [0, 0], sizes = [1024, 4], strides = [1, 1]} : vector<1024x16xf32> to vector<1024x4xf32>
    %reduce_max3A_57 = arith.constant dense<0xFF800000> : vector<4xf32>
    %reduce_max3A_58 = vector.multi_reduction <maximumf>, %slice3A_56, %reduce_max3A_57 [0] : vector<1024x4xf32> to vector<4xf32>
    %broadcast_in_dim3A_59 = vector.shape_cast %reduce_max3A_58 : vector<4xf32> to vector<1x4xf32>
    %concatenate3A = tpu.concatenate %broadcast_in_dim3A_55, %broadcast_in_dim3A_59 in 1 : vector<1x4xf32>, vector<1x4xf32> -> vector<1x8xf32>
    %broadcast_in_dim3A_60 = vector.shape_cast %concatenate3A : vector<1x8xf32> to vector<1x1x8xf32>
    %swap3A_61 = arith.constant 0 : index
    %swap3A_62 = arith.constant 0 : index
    %swap3A_63 = arith.constant 0 : index
    %swap3A_64 = vector.load %arg13[%swap3A_61, %swap3A_62, %swap3A_63] : memref<1x1x8xf32, #tpu.memory_space<vmem>>, vector<1x1x8xf32>
    tpu.vector_store %arg13[%swap3A_61, %swap3A_62, %swap3A_63], %broadcast_in_dim3A_60 {strides = array<i32>} : memref<1x1x8xf32, #tpu.memory_space<vmem>>, vector<1x1x8xf32>,
    return
  }
  func.func @transform_0(%arg0: i32) -> (i32, i32) {
    %c0_i32 = arith.constant 0 : i32
    %c0_i32_0 = arith.constant 0 : i32
    return %arg0, %c0_i32 : i32, i32
  }
  func.func @transform_1(%arg0: i32) -> (i32, i32) {
    %c0_i32 = arith.constant 0 : i32
    %c0_i32_0 = arith.constant 0 : i32
    %c0_i32_1 = arith.constant 0 : i32
    return %c0_i32, %c0_i32_0 : i32, i32
  }
  func.func @transform_2(%arg0: i32) -> i32 {
    %c0_i32 = arith.constant 0 : i32
    %c0_i32_0 = arith.constant 0 : i32
    return %c0_i32 : i32
  }
  func.func @transform_3(%arg0: i32) -> (i32, i32) {
    %c0_i32 = arith.constant 0 : i32
    %c0_i32_0 = arith.constant 0 : i32
    %c0_i32_1 = arith.constant 0 : i32
    return %c0_i32, %c0_i32_0 : i32, i32
  }
  func.func @transform_4(%arg0: i32) -> i32 {
    %c0_i32 = arith.constant 0 : i32
    %c0_i32_0 = arith.constant 0 : i32
    return %c0_i32 : i32
  }
  func.func @transform_5(%arg0: i32) -> (i32, i32) {
    %c0_i32 = arith.constant 0 : i32
    %c0_i32_0 = arith.constant 0 : i32
    %c0_i32_1 = arith.constant 0 : i32
    return %c0_i32, %c0_i32_0 : i32, i32
  }
  func.func @transform_6(%arg0: i32) -> i32 {
    %c0_i32 = arith.constant 0 : i32
    %c0_i32_0 = arith.constant 0 : i32
    return %c0_i32 : i32
  }
  func.func @transform_7(%arg0: i32) -> (i32, i32) {
    %c0_i32 = arith.constant 0 : i32
    %c0_i32_0 = arith.constant 0 : i32
    %c0_i32_1 = arith.constant 0 : i32
    return %c0_i32, %c0_i32_0 : i32, i32
  }
  func.func @transform_8(%arg0: i32) -> i32 {
    %c0_i32 = arith.constant 0 : i32
    %c0_i32_0 = arith.constant 0 : i32
    return %c0_i32 : i32
  }
  func.func @transform_9(%arg0: i32) -> (i32, i32) {
    %c0_i32 = arith.constant 0 : i32
    %c0_i32_0 = arith.constant 0 : i32
    %c0_i32_1 = arith.constant 0 : i32
    return %c0_i32, %c0_i32_0 : i32, i32
  }
  func.func @transform_10(%arg0: i32) -> (i32, i32) {
    %c0_i32 = arith.constant 0 : i32
    %c0_i32_0 = arith.constant 0 : i32
    return %arg0, %c0_i32 : i32, i32
  }
  func.func @transform_11(%arg0: i32) -> (i32, i32) {
    %c0_i32 = arith.constant 0 : i32
    %c0_i32_0 = arith.constant 0 : i32
    return %arg0, %c0_i32 : i32, i32
  }
  func.func @transform_12(%arg0: i32) -> (i32, i32, i32) {
    %c0_i32 = arith.constant 0 : i32
    %c0_i32_0 = arith.constant 0 : i32
    %c0_i32_1 = arith.constant 0 : i32
    return %arg0, %c0_i32, %c0_i32_0 : i32, i32, i32
  }
}

module attributes {stable_mosaic.version = 14 : i64} {
  func.func @_b_body(%arg0: i32, %arg1: memref<1024x16xf32, #tpu.memory_space<vmem>>, %arg2: memref<1024x16xf32, #tpu.memory_space<vmem>>, %arg3: memref<1024x32xf32, #tpu.memory_space<vmem>>, %arg4: memref<1024x16xf32, #tpu.memory_space<vmem>>, %arg5: memref<1x128xf32, #tpu.memory_space<vmem>>, %arg6: memref<8x40xf32, #tpu.memory_space<vmem>>, %arg7: memref<40xf32, #tpu.memory_space<vmem>>, %arg8: memref<40x1xf32, #tpu.memory_space<vmem>>, %arg9: memref<40x1xf32, #tpu.memory_space<vmem>>, %arg10: memref<4x8xf32, #tpu.memory_space<vmem>>, %arg11: memref<40x32xf32, #tpu.memory_space<vmem>>, %arg12: memref<40x32xf32, #tpu.memory_space<vmem>>, %arg13: memref<32xf32, #tpu.memory_space<vmem>>, %arg14: memref<1024x32xf32, #tpu.memory_space<vmem>>, %arg15: memref<1024x32xf32, #tpu.memory_space<vmem>>, %arg16: memref<1024x1xf32, #tpu.memory_space<vmem>>, %arg17: memref<1024x1xf32, #tpu.memory_space<vmem>>, %arg18: memref<1x1x8xf32, #tpu.memory_space<vmem>>) attributes {dimension_semantics = [#tpu.dimension_semantics<arbitrary>], iteration_bounds = array<i64: 50>, scalar_prefetch = 0 : i64, scratch_operands = 0 : i64, tpu.core_type = #tpu.core_type<tc>, window_params = [{transform_indices = @transform_0, window_bounds = array<i64: 1024, 16>}, {transform_indices = @transform_1, window_bounds = array<i64: 1024, 16>}, {transform_indices = @transform_2, window_bounds = array<i64: 1024, 32>}, {transform_indices = @transform_3, window_bounds = array<i64: 1024, 16>}, {pipeline_mode = #tpu.pipeline_mode<synchronous>, transform_indices = @transform_4, window_bounds = array<i64: 1, 128>}, {pipeline_mode = #tpu.pipeline_mode<synchronous>, transform_indices = @transform_5, window_bounds = array<i64: 8, 40>}, {pipeline_mode = #tpu.pipeline_mode<synchronous>, transform_indices = @transform_6, window_bounds = array<i64: 40>}, {pipeline_mode = #tpu.pipeline_mode<synchronous>, transform_indices = @transform_7, window_bounds = array<i64: 40, 1>}, {pipeline_mode = #tpu.pipeline_mode<synchronous>, transform_indices = @transform_8, window_bounds = array<i64: 40, 1>}, {pipeline_mode = #tpu.pipeline_mode<synchronous>, transform_indices = @transform_9, window_bounds = array<i64: 4, 8>}, {pipeline_mode = #tpu.pipeline_mode<synchronous>, transform_indices = @transform_10, window_bounds = array<i64: 40, 32>}, {pipeline_mode = #tpu.pipeline_mode<synchronous>, transform_indices = @transform_11, window_bounds = array<i64: 40, 32>}, {pipeline_mode = #tpu.pipeline_mode<synchronous>, transform_indices = @transform_12, window_bounds = array<i64: 32>}, {transform_indices = @transform_13, window_bounds = array<i64: 1024, 32>}, {transform_indices = @transform_14, window_bounds = array<i64: 1024, 32>}, {transform_indices = @transform_15, window_bounds = array<i64: 1024, 1>}, {transform_indices = @transform_16, window_bounds = array<i64: 1024, 1>}, {transform_indices = @transform_17, window_bounds = array<i64: 1, 1, 8>}]} {
    %get3A = arith.constant 0 : index
    %get3A_0 = arith.constant 0 : index
    %get3A_1 = vector.load %arg5[%get3A, %get3A_0] : memref<1x128xf32, #tpu.memory_space<vmem>>, vector<1x1xf32>
    %get3A_2 = vector.extract %get3A_1[0, 0] : f32 from vector<1x1xf32>
    %get3A_3 = arith.constant 0 : index
    %get3A_4 = arith.constant 0 : index
    %get3A_5 = vector.load %arg3[%get3A_3, %get3A_4] : memref<1024x32xf32, #tpu.memory_space<vmem>>, vector<1024x4xf32>
    %get3A_6 = arith.constant 0 : index
    %get3A_7 = arith.constant 0 : index
    %get3A_8 = vector.load %arg4[%get3A_6, %get3A_7] : memref<1024x16xf32, #tpu.memory_space<vmem>>, vector<1024x4xf32>
    %add3A = arith.addf %get3A_5, %get3A_8 : vector<1024x4xf32>
    %ge3A = arith.constant 0.000000e+00 : f32
    %ge3A_9 = vector.broadcast %ge3A : f32 to vector<1024x4xf32>
    %ge3A_10 = arith.cmpf oge, %add3A, %ge3A_9 : vector<1024x4xf32>
    %mul3A = arith.constant 2.000000e-01 : f32
    %mul3A_11 = vector.broadcast %mul3A : f32 to vector<1024x4xf32>
    %mul3A_12 = arith.mulf %mul3A_11, %add3A : vector<1024x4xf32>
    %select_n3A = arith.select %ge3A_10, %add3A, %mul3A_12 : vector<1024x4xi1>, vector<1024x4xf32>
    %sub3A = vector.broadcast %get3A_2 : f32 to vector<1024x4xf32>
    %sub3A_13 = arith.subf %select_n3A, %sub3A : vector<1024x4xf32>
    %exp3A = math.exp %sub3A_13 : vector<1024x4xf32>
    %get3A_14 = arith.constant 0 : index
    %get3A_15 = arith.constant 0 : index
    %get3A_16 = vector.load %arg1[%get3A_14, %get3A_15] : memref<1024x16xf32, #tpu.memory_space<vmem>>, vector<1024x4xf32>
    %get3A_17 = arith.constant 0 : index
    %get3A_18 = arith.constant 0 : index
    %get3A_19 = vector.load %arg2[%get3A_17, %get3A_18] : memref<1024x16xf32, #tpu.memory_space<vmem>>, vector<1024x4xf32>
    %add3A_20 = arith.addf %get3A_16, %get3A_19 : vector<1024x4xf32>
    %add3A_21 = arith.addf %add3A_20, %exp3A : vector<1024x4xf32>
    %get3A_22 = arith.constant 0 : index
    %get3A_23 = arith.constant 0 : index
    %get3A_24 = vector.load %arg10[%get3A_22, %get3A_23] : memref<4x8xf32, #tpu.memory_space<vmem>>, vector<4x8xf32>
    %dot_general3A = arith.constant dense<0.000000e+00> : vector<1024x8xf32>
    %dot_general3A_25 = tpu.matmul %exp3A, %get3A_24, %dot_general3A {dimension_numbers = #tpu.dot_dimension_numbers<[1], [0], [0], [1], [0, 0, 1, 1], [], []>, transpose_lhs_hint = false} : vector<1024x4xf32>, vector<4x8xf32>, vector<1024x8xf32> -> vector<1024x8xf32>
    %get3A_26 = arith.constant 0 : index
    %get3A_27 = arith.constant 20 : index
    %get3A_28 = vector.load %arg3[%get3A_26, %get3A_27] : memref<1024x32xf32, #tpu.memory_space<vmem>>, vector<1024x8xf32>
    %mul3A_29 = arith.mulf %dot_general3A_25, %get3A_28 : vector<1024x8xf32>
    %get3A_30 = arith.constant 0 : index
    %get3A_31 = arith.constant 4 : index
    %get3A_32 = vector.load %arg1[%get3A_30, %get3A_31] : memref<1024x16xf32, #tpu.memory_space<vmem>>, vector<1024x8xf32>
    %get3A_33 = arith.constant 0 : index
    %get3A_34 = arith.constant 4 : index
    %get3A_35 = vector.load %arg2[%get3A_33, %get3A_34] : memref<1024x16xf32, #tpu.memory_space<vmem>>, vector<1024x8xf32>
    %add3A_36 = arith.addf %get3A_32, %get3A_35 : vector<1024x8xf32>
    %add3A_37 = arith.addf %add3A_36, %mul3A_29 : vector<1024x8xf32>
    %get3A_38 = arith.constant 0 : index
    %get3A_39 = arith.constant 0 : index
    %get3A_40 = vector.load %arg10[%get3A_38, %get3A_39] : memref<4x8xf32, #tpu.memory_space<vmem>>, vector<4x8xf32>
    %dot_general3A_41 = arith.constant dense<0.000000e+00> : vector<1024x8xf32>
    %dot_general3A_42 = tpu.matmul %add3A_21, %get3A_40, %dot_general3A_41 {dimension_numbers = #tpu.dot_dimension_numbers<[1], [0], [0], [1], [0, 0, 1, 1], [], []>, transpose_lhs_hint = false} : vector<1024x4xf32>, vector<4x8xf32>, vector<1024x8xf32> -> vector<1024x8xf32>
    %div3A = arith.divf %add3A_37, %dot_general3A_42 : vector<1024x8xf32>
    %get3A_43 = arith.constant 0 : index
    %get3A_44 = arith.constant 0 : index
    %get3A_45 = vector.load %arg6[%get3A_43, %get3A_44] : memref<8x40xf32, #tpu.memory_space<vmem>>, vector<8x40xf32>
    %dot_general3A_46 = arith.constant dense<0.000000e+00> : vector<1024x40xf32>
    %dot_general3A_47 = tpu.matmul %div3A, %get3A_45, %dot_general3A_46 {dimension_numbers = #tpu.dot_dimension_numbers<[1], [0], [0], [1], [0, 0, 1, 1], [], []>, transpose_lhs_hint = false} : vector<1024x8xf32>, vector<8x40xf32>, vector<1024x40xf32> -> vector<1024x40xf32>
    %get3A_48 = arith.constant 0 : index
    %get3A_49 = vector.load %arg7[%get3A_48] : memref<40xf32, #tpu.memory_space<vmem>>, vector<40xf32>
    %broadcast_in_dim3A = vector.shape_cast %get3A_49 : vector<40xf32> to vector<1x40xf32>
    %add3A_50 = vector.broadcast %broadcast_in_dim3A : vector<1x40xf32> to vector<1024x40xf32>
    %add3A_51 = arith.addf %dot_general3A_47, %add3A_50 : vector<1024x40xf32>
    %max3A = arith.constant 0.000000e+00 : f32
    %max3A_52 = vector.broadcast %max3A : f32 to vector<1024x40xf32>
    %max3A_53 = arith.maximumf %add3A_51, %max3A_52 : vector<1024x40xf32>
    %mul3A_54 = arith.constant 1024 : i32
    %mul3A_55 = arith.muli %arg0, %mul3A_54 : i32
    %iota3A = tpu.iota {dimensions = array<i32: 0>} : vector<1024x1xi32>
    %add3A_56 = vector.broadcast %mul3A_55 : i32 to vector<1024x1xi32>
    %add3A_57 = arith.addi %add3A_56, %iota3A : vector<1024x1xi32>
    %lt3A = arith.constant 50000 : i32
    %lt3A_58 = vector.broadcast %lt3A : i32 to vector<1024x1xi32>
    %lt3A_59 = arith.cmpi slt, %add3A_57, %lt3A_58 : vector<1024x1xi32>
    %jit3A = arith.constant 0.000000e+00 : f32
    %broadcast_in_dim3A_60 = vector.shape_cast %lt3A_59 : vector<1024x1xi1> to vector<1024x1xi1>
    %broadcast_in_dim3A_61 = vector.broadcast %broadcast_in_dim3A_60 : vector<1024x1xi1> to vector<1024x40xi1>
    %broadcast_in_dim3A_62 = vector.broadcast %jit3A : f32 to vector<1024x40xf32>
    %select_n3A_63 = arith.select %broadcast_in_dim3A_61, %max3A_53, %broadcast_in_dim3A_62 : vector<1024x40xi1>, vector<1024x40xf32>
    %get3A_64 = arith.constant 0 : index
    %get3A_65 = arith.constant 0 : index
    %get3A_66 = vector.load %arg8[%get3A_64, %get3A_65] : memref<40x1xf32, #tpu.memory_space<vmem>>, vector<40x1xf32>
    %dot_general3A_67 = arith.constant dense<0.000000e+00> : vector<1024x1xf32>
    %dot_general3A_68 = tpu.matmul %select_n3A_63, %get3A_66, %dot_general3A_67 {dimension_numbers = #tpu.dot_dimension_numbers<[1], [0], [0], [1], [0, 0, 1, 1], [], []>, transpose_lhs_hint = false} : vector<1024x40xf32>, vector<40x1xf32>, vector<1024x1xf32> -> vector<1024x1xf32>
    %get3A_69 = arith.constant 0 : index
    %get3A_70 = arith.constant 0 : index
    %get3A_71 = vector.load %arg9[%get3A_69, %get3A_70] : memref<40x1xf32, #tpu.memory_space<vmem>>, vector<40x1xf32>
    %dot_general3A_72 = arith.constant dense<0.000000e+00> : vector<1024x1xf32>
    %dot_general3A_73 = tpu.matmul %select_n3A_63, %get3A_71, %dot_general3A_72 {dimension_numbers = #tpu.dot_dimension_numbers<[1], [0], [0], [1], [0, 0, 1, 1], [], []>, transpose_lhs_hint = false} : vector<1024x40xf32>, vector<40x1xf32>, vector<1024x1xf32> -> vector<1024x1xf32>
    %get3A_74 = arith.constant 0 : index
    %get3A_75 = arith.constant 0 : index
    %get3A_76 = vector.load %arg11[%get3A_74, %get3A_75] : memref<40x32xf32, #tpu.memory_space<vmem>>, vector<40x32xf32>
    %dot_general3A_77 = arith.constant dense<0.000000e+00> : vector<1024x32xf32>
    %dot_general3A_78 = tpu.matmul %select_n3A_63, %get3A_76, %dot_general3A_77 {dimension_numbers = #tpu.dot_dimension_numbers<[1], [0], [0], [1], [0, 0, 1, 1], [], []>, transpose_lhs_hint = false} : vector<1024x40xf32>, vector<40x32xf32>, vector<1024x32xf32> -> vector<1024x32xf32>
    %get3A_79 = arith.constant 0 : index
    %get3A_80 = vector.load %arg13[%get3A_79] : memref<32xf32, #tpu.memory_space<vmem>>, vector<32xf32>
    %broadcast_in_dim3A_81 = vector.shape_cast %get3A_80 : vector<32xf32> to vector<1x32xf32>
    %add3A_82 = vector.broadcast %broadcast_in_dim3A_81 : vector<1x32xf32> to vector<1024x32xf32>
    %add3A_83 = arith.addf %dot_general3A_78, %add3A_82 : vector<1024x32xf32>
    %swap3A = arith.constant 0 : index
    %swap3A_84 = arith.constant 0 : index
    %swap3A_85 = vector.load %arg14[%swap3A, %swap3A_84] : memref<1024x32xf32, #tpu.memory_space<vmem>>, vector<1024x32xf32>
    tpu.vector_store %arg14[%swap3A, %swap3A_84], %add3A_83 {strides = array<i32>} : memref<1024x32xf32, #tpu.memory_space<vmem>>, vector<1024x32xf32>,
    %get3A_86 = arith.constant 0 : index
    %get3A_87 = arith.constant 0 : index
    %get3A_88 = vector.load %arg12[%get3A_86, %get3A_87] : memref<40x32xf32, #tpu.memory_space<vmem>>, vector<40x32xf32>
    %dot_general3A_89 = arith.constant dense<0.000000e+00> : vector<1024x32xf32>
    %dot_general3A_90 = tpu.matmul %select_n3A_63, %get3A_88, %dot_general3A_89 {dimension_numbers = #tpu.dot_dimension_numbers<[1], [0], [0], [1], [0, 0, 1, 1], [], []>, transpose_lhs_hint = false} : vector<1024x40xf32>, vector<40x32xf32>, vector<1024x32xf32> -> vector<1024x32xf32>
    %get3A_91 = arith.constant 0 : index
    %get3A_92 = vector.load %arg13[%get3A_91] : memref<32xf32, #tpu.memory_space<vmem>>, vector<32xf32>
    %broadcast_in_dim3A_93 = vector.shape_cast %get3A_92 : vector<32xf32> to vector<1x32xf32>
    %add3A_94 = vector.broadcast %broadcast_in_dim3A_93 : vector<1x32xf32> to vector<1024x32xf32>
    %add3A_95 = arith.addf %dot_general3A_90, %add3A_94 : vector<1024x32xf32>
    %swap3A_96 = arith.constant 0 : index
    %swap3A_97 = arith.constant 0 : index
    %swap3A_98 = vector.load %arg15[%swap3A_96, %swap3A_97] : memref<1024x32xf32, #tpu.memory_space<vmem>>, vector<1024x32xf32>
    tpu.vector_store %arg15[%swap3A_96, %swap3A_97], %add3A_95 {strides = array<i32>} : memref<1024x32xf32, #tpu.memory_space<vmem>>, vector<1024x32xf32>,
    %swap3A_99 = arith.constant 0 : index
    %swap3A_100 = arith.constant 0 : index
    %swap3A_101 = vector.load %arg16[%swap3A_99, %swap3A_100] : memref<1024x1xf32, #tpu.memory_space<vmem>>, vector<1024x1xf32>
    tpu.vector_store %arg16[%swap3A_99, %swap3A_100], %dot_general3A_68 {strides = array<i32>} : memref<1024x1xf32, #tpu.memory_space<vmem>>, vector<1024x1xf32>,
    %swap3A_102 = arith.constant 0 : index
    %swap3A_103 = arith.constant 0 : index
    %swap3A_104 = vector.load %arg17[%swap3A_102, %swap3A_103] : memref<1024x1xf32, #tpu.memory_space<vmem>>, vector<1024x1xf32>
    tpu.vector_store %arg17[%swap3A_102, %swap3A_103], %dot_general3A_73 {strides = array<i32>} : memref<1024x1xf32, #tpu.memory_space<vmem>>, vector<1024x1xf32>,
    %reduce_max3A = arith.constant dense<0xFF800000> : vector<1xf32>
    %reduce_max3A_105 = vector.multi_reduction <maximumf>, %dot_general3A_68, %reduce_max3A [0] : vector<1024x1xf32> to vector<1xf32>
    %broadcast_in_dim3A_106 = vector.shape_cast %reduce_max3A_105 : vector<1xf32> to vector<1x1xf32>
    %reduce_max3A_107 = arith.constant dense<0xFF800000> : vector<1xf32>
    %reduce_max3A_108 = vector.multi_reduction <maximumf>, %dot_general3A_73, %reduce_max3A_107 [0] : vector<1024x1xf32> to vector<1xf32>
    %broadcast_in_dim3A_109 = vector.shape_cast %reduce_max3A_108 : vector<1xf32> to vector<1x1xf32>
    %broadcast_in_dim3A_110 = arith.constant 0.000000e+00 : f32
    %broadcast_in_dim3A_111 = vector.broadcast %broadcast_in_dim3A_110 : f32 to vector<1x6xf32>
    %concatenate3A = tpu.concatenate %broadcast_in_dim3A_106, %broadcast_in_dim3A_109, %broadcast_in_dim3A_111 in 1 : vector<1x1xf32>, vector<1x1xf32>, vector<1x6xf32> -> vector<1x8xf32>
    %broadcast_in_dim3A_112 = vector.shape_cast %concatenate3A : vector<1x8xf32> to vector<1x1x8xf32>
    %swap3A_113 = arith.constant 0 : index
    %swap3A_114 = arith.constant 0 : index
    %swap3A_115 = arith.constant 0 : index
    %swap3A_116 = vector.load %arg18[%swap3A_113, %swap3A_114, %swap3A_115] : memref<1x1x8xf32, #tpu.memory_space<vmem>>, vector<1x1x8xf32>
    tpu.vector_store %arg18[%swap3A_113, %swap3A_114, %swap3A_115], %broadcast_in_dim3A_112 {strides = array<i32>} : memref<1x1x8xf32, #tpu.memory_space<vmem>>, vector<1x1x8xf32>,
    return
  }
  func.func @transform_0(%arg0: i32) -> (i32, i32) {
    %c0_i32 = arith.constant 0 : i32
    %c0_i32_0 = arith.constant 0 : i32
    return %arg0, %c0_i32 : i32, i32
  }
  func.func @transform_1(%arg0: i32) -> (i32, i32) {
    %c0_i32 = arith.constant 0 : i32
    %c0_i32_0 = arith.constant 0 : i32
    return %arg0, %c0_i32 : i32, i32
  }
  func.func @transform_2(%arg0: i32) -> (i32, i32) {
    %c0_i32 = arith.constant 0 : i32
    %c0_i32_0 = arith.constant 0 : i32
    return %arg0, %c0_i32 : i32, i32
  }
  func.func @transform_3(%arg0: i32) -> (i32, i32) {
    %c0_i32 = arith.constant 0 : i32
    %c0_i32_0 = arith.constant 0 : i32
    return %arg0, %c0_i32 : i32, i32
  }
  func.func @transform_4(%arg0: i32) -> (i32, i32) {
    %c0_i32 = arith.constant 0 : i32
    %c0_i32_0 = arith.constant 0 : i32
    %c0_i32_1 = arith.constant 0 : i32
    return %c0_i32, %c0_i32_0 : i32, i32
  }
  func.func @transform_5(%arg0: i32) -> (i32, i32) {
    %c0_i32 = arith.constant 0 : i32
    %c0_i32_0 = arith.constant 0 : i32
    %c0_i32_1 = arith.constant 0 : i32
    return %c0_i32, %c0_i32_0 : i32, i32
  }
  func.func @transform_6(%arg0: i32) -> i32 {
    %c0_i32 = arith.constant 0 : i32
    %c0_i32_0 = arith.constant 0 : i32
    return %c0_i32 : i32
  }
  func.func @transform_7(%arg0: i32) -> (i32, i32) {
    %c0_i32 = arith.constant 0 : i32
    %c0_i32_0 = arith.constant 0 : i32
    %c0_i32_1 = arith.constant 0 : i32
    return %c0_i32, %c0_i32_0 : i32, i32
  }
  func.func @transform_8(%arg0: i32) -> (i32, i32) {
    %c0_i32 = arith.constant 0 : i32
    %c0_i32_0 = arith.constant 0 : i32
    %c0_i32_1 = arith.constant 0 : i32
    return %c0_i32, %c0_i32_0 : i32, i32
  }
  func.func @transform_9(%arg0: i32) -> (i32, i32) {
    %c0_i32 = arith.constant 0 : i32
    %c0_i32_0 = arith.constant 0 : i32
    %c0_i32_1 = arith.constant 0 : i32
    return %c0_i32, %c0_i32_0 : i32, i32
  }
  func.func @transform_10(%arg0: i32) -> (i32, i32) {
    %c0_i32 = arith.constant 0 : i32
    %c0_i32_0 = arith.constant 0 : i32
    %c0_i32_1 = arith.constant 0 : i32
    return %c0_i32, %c0_i32_0 : i32, i32
  }
  func.func @transform_11(%arg0: i32) -> (i32, i32) {
    %c0_i32 = arith.constant 0 : i32
    %c0_i32_0 = arith.constant 0 : i32
    %c0_i32_1 = arith.constant 0 : i32
    return %c0_i32, %c0_i32_0 : i32, i32
  }
  func.func @transform_12(%arg0: i32) -> i32 {
    %c0_i32 = arith.constant 0 : i32
    %c0_i32_0 = arith.constant 0 : i32
    return %c0_i32 : i32
  }
  func.func @transform_13(%arg0: i32) -> (i32, i32) {
    %c0_i32 = arith.constant 0 : i32
    %c0_i32_0 = arith.constant 0 : i32
    return %arg0, %c0_i32 : i32, i32
  }
  func.func @transform_14(%arg0: i32) -> (i32, i32) {
    %c0_i32 = arith.constant 0 : i32
    %c0_i32_0 = arith.constant 0 : i32
    return %arg0, %c0_i32 : i32, i32
  }
  func.func @transform_15(%arg0: i32) -> (i32, i32) {
    %c0_i32 = arith.constant 0 : i32
    %c0_i32_0 = arith.constant 0 : i32
    return %arg0, %c0_i32 : i32, i32
  }
  func.func @transform_16(%arg0: i32) -> (i32, i32) {
    %c0_i32 = arith.constant 0 : i32
    %c0_i32_0 = arith.constant 0 : i32
    return %arg0, %c0_i32 : i32, i32
  }
  func.func @transform_17(%arg0: i32) -> (i32, i32, i32) {
    %c0_i32 = arith.constant 0 : i32
    %c0_i32_0 = arith.constant 0 : i32
    %c0_i32_1 = arith.constant 0 : i32
    return %arg0, %c0_i32, %c0_i32_0 : i32, i32, i32
  }
}

module attributes {stable_mosaic.version = 14 : i64} {
  func.func @_c_body(%arg0: i32, %arg1: memref<1024x32xf32, #tpu.memory_space<vmem>>, %arg2: memref<1024x32xf32, #tpu.memory_space<vmem>>, %arg3: memref<1024x32xf32, #tpu.memory_space<vmem>>, %arg4: memref<1024x32xf32, #tpu.memory_space<vmem>>, %arg5: memref<1024x1xf32, #tpu.memory_space<vmem>>, %arg6: memref<1024x1xf32, #tpu.memory_space<vmem>>, %arg7: memref<1x128xf32, #tpu.memory_space<vmem>>, %arg8: memref<40x128xf32, #tpu.memory_space<vmem>>, %arg9: memref<128xf32, #tpu.memory_space<vmem>>, %arg10: memref<1024x128xf32, #tpu.memory_space<vmem>>) attributes {dimension_semantics = [#tpu.dimension_semantics<arbitrary>], iteration_bounds = array<i64: 50>, scalar_prefetch = 0 : i64, scratch_operands = 0 : i64, tpu.core_type = #tpu.core_type<tc>, window_params = [{transform_indices = @transform_0, window_bounds = array<i64: 1024, 32>}, {transform_indices = @transform_1, window_bounds = array<i64: 1024, 32>}, {transform_indices = @transform_2, window_bounds = array<i64: 1024, 32>}, {transform_indices = @transform_3, window_bounds = array<i64: 1024, 32>}, {transform_indices = @transform_4, window_bounds = array<i64: 1024, 1>}, {transform_indices = @transform_5, window_bounds = array<i64: 1024, 1>}, {pipeline_mode = #tpu.pipeline_mode<synchronous>, transform_indices = @transform_6, window_bounds = array<i64: 1, 128>}, {pipeline_mode = #tpu.pipeline_mode<synchronous>, transform_indices = @transform_7, window_bounds = array<i64: 40, 128>}, {pipeline_mode = #tpu.pipeline_mode<synchronous>, transform_indices = @transform_8, window_bounds = array<i64: 128>}, {transform_indices = @transform_9, window_bounds = array<i64: 1024, 128>}]} {
    %get3A = arith.constant 0 : index
    %get3A_0 = arith.constant 0 : index
    %get3A_1 = vector.load %arg7[%get3A, %get3A_0] : memref<1x128xf32, #tpu.memory_space<vmem>>, vector<1x1xf32>
    %get3A_2 = vector.extract %get3A_1[0, 0] : f32 from vector<1x1xf32>
    %get3A_3 = arith.constant 0 : index
    %get3A_4 = arith.constant 0 : index
    %get3A_5 = vector.load %arg5[%get3A_3, %get3A_4] : memref<1024x1xf32, #tpu.memory_space<vmem>>, vector<1024x1xf32>
    %get3A_6 = arith.constant 0 : index
    %get3A_7 = arith.constant 0 : index
    %get3A_8 = vector.load %arg6[%get3A_6, %get3A_7] : memref<1024x1xf32, #tpu.memory_space<vmem>>, vector<1024x1xf32>
    %get3A_9 = arith.constant 0 : index
    %get3A_10 = arith.constant 1 : index
    %get3A_11 = vector.load %arg3[%get3A_9, %get3A_10] : memref<1024x32xf32, #tpu.memory_space<vmem>>, vector<1024x20xf32>
    %get3A_12 = arith.constant 0 : index
    %get3A_13 = arith.constant 1 : index
    %get3A_14 = vector.load %arg4[%get3A_12, %get3A_13] : memref<1024x32xf32, #tpu.memory_space<vmem>>, vector<1024x20xf32>
    %concatenate3A = tpu.concatenate %get3A_11, %get3A_14 in 1 : vector<1024x20xf32>, vector<1024x20xf32> -> vector<1024x40xf32>
    %add3A = arith.addf %get3A_5, %get3A_8 : vector<1024x1xf32>
    %ge3A = arith.constant 0.000000e+00 : f32
    %ge3A_15 = vector.broadcast %ge3A : f32 to vector<1024x1xf32>
    %ge3A_16 = arith.cmpf oge, %add3A, %ge3A_15 : vector<1024x1xf32>
    %mul3A = arith.constant 2.000000e-01 : f32
    %mul3A_17 = vector.broadcast %mul3A : f32 to vector<1024x1xf32>
    %mul3A_18 = arith.mulf %mul3A_17, %add3A : vector<1024x1xf32>
    %select_n3A = arith.select %ge3A_16, %add3A, %mul3A_18 : vector<1024x1xi1>, vector<1024x1xf32>
    %sub3A = vector.broadcast %get3A_2 : f32 to vector<1024x1xf32>
    %sub3A_19 = arith.subf %select_n3A, %sub3A : vector<1024x1xf32>
    %exp3A = math.exp %sub3A_19 : vector<1024x1xf32>
    %get3A_20 = arith.constant 0 : index
    %get3A_21 = arith.constant 0 : index
    %get3A_22 = vector.load %arg1[%get3A_20, %get3A_21] : memref<1024x32xf32, #tpu.memory_space<vmem>>, vector<1024x1xf32>
    %get3A_23 = arith.constant 0 : index
    %get3A_24 = arith.constant 0 : index
    %get3A_25 = vector.load %arg2[%get3A_23, %get3A_24] : memref<1024x32xf32, #tpu.memory_space<vmem>>, vector<1024x1xf32>
    %add3A_26 = arith.addf %get3A_22, %get3A_25 : vector<1024x1xf32>
    %add3A_27 = arith.addf %add3A_26, %exp3A : vector<1024x1xf32>
    %get3A_28 = arith.constant 0 : index
    %get3A_29 = arith.constant 1 : index
    %get3A_30 = vector.load %arg1[%get3A_28, %get3A_29] : memref<1024x32xf32, #tpu.memory_space<vmem>>, vector<1024x20xf32>
    %get3A_31 = arith.constant 0 : index
    %get3A_32 = arith.constant 1 : index
    %get3A_33 = vector.load %arg2[%get3A_31, %get3A_32] : memref<1024x32xf32, #tpu.memory_space<vmem>>, vector<1024x20xf32>
    %concatenate3A_34 = tpu.concatenate %get3A_30, %get3A_33 in 1 : vector<1024x20xf32>, vector<1024x20xf32> -> vector<1024x40xf32>
    %mul3A_35 = vector.broadcast %exp3A : vector<1024x1xf32> to vector<1024x40xf32>
    %mul3A_36 = arith.mulf %mul3A_35, %concatenate3A : vector<1024x40xf32>
    %add3A_37 = arith.addf %concatenate3A_34, %mul3A_36 : vector<1024x40xf32>
    %div3A = vector.broadcast %add3A_27 : vector<1024x1xf32> to vector<1024x40xf32>
    %div3A_38 = arith.divf %add3A_37, %div3A : vector<1024x40xf32>
    %get3A_39 = arith.constant 0 : index
    %get3A_40 = arith.constant 0 : index
    %get3A_41 = vector.load %arg8[%get3A_39, %get3A_40] : memref<40x128xf32, #tpu.memory_space<vmem>>, vector<40x128xf32>
    %dot_general3A = arith.constant dense<0.000000e+00> : vector<1024x128xf32>
    %dot_general3A_42 = tpu.matmul %div3A_38, %get3A_41, %dot_general3A {dimension_numbers = #tpu.dot_dimension_numbers<[1], [0], [0], [1], [0, 0, 1, 1], [], []>, transpose_lhs_hint = false} : vector<1024x40xf32>, vector<40x128xf32>, vector<1024x128xf32> -> vector<1024x128xf32>
    %get3A_43 = arith.constant 0 : index
    %get3A_44 = vector.load %arg9[%get3A_43] : memref<128xf32, #tpu.memory_space<vmem>>, vector<128xf32>
    %broadcast_in_dim3A = vector.shape_cast %get3A_44 : vector<128xf32> to vector<1x128xf32>
    %add3A_45 = vector.broadcast %broadcast_in_dim3A : vector<1x128xf32> to vector<1024x128xf32>
    %add3A_46 = arith.addf %dot_general3A_42, %add3A_45 : vector<1024x128xf32>
    %logistic3A = arith.negf %add3A_46 : vector<1024x128xf32>
    %logistic3A_47 = math.exp %logistic3A : vector<1024x128xf32>
    %logistic3A_48 = arith.constant 1.000000e+00 : f32
    %logistic3A_49 = vector.broadcast %logistic3A_48 : f32 to vector<1024x128xf32>
    %logistic3A_50 = arith.addf %logistic3A_49, %logistic3A_47 : vector<1024x128xf32>
    %logistic3A_51 = arith.divf %logistic3A_49, %logistic3A_50 : vector<1024x128xf32>
    %mul3A_52 = arith.constant 2.560000e+02 : f32
    %mul3A_53 = vector.broadcast %mul3A_52 : f32 to vector<1024x128xf32>
    %mul3A_54 = arith.mulf %logistic3A_51, %mul3A_53 : vector<1024x128xf32>
    %swap3A = arith.constant 0 : index
    %swap3A_55 = arith.constant 0 : index
    %swap3A_56 = vector.load %arg10[%swap3A, %swap3A_55] : memref<1024x128xf32, #tpu.memory_space<vmem>>, vector<1024x128xf32>
    tpu.vector_store %arg10[%swap3A, %swap3A_55], %mul3A_54 {strides = array<i32>} : memref<1024x128xf32, #tpu.memory_space<vmem>>, vector<1024x128xf32>,
    return
  }
  func.func @transform_0(%arg0: i32) -> (i32, i32) {
    %c0_i32 = arith.constant 0 : i32
    %c0_i32_0 = arith.constant 0 : i32
    return %arg0, %c0_i32 : i32, i32
  }
  func.func @transform_1(%arg0: i32) -> (i32, i32) {
    %c0_i32 = arith.constant 0 : i32
    %c0_i32_0 = arith.constant 0 : i32
    return %arg0, %c0_i32 : i32, i32
  }
  func.func @transform_2(%arg0: i32) -> (i32, i32) {
    %c0_i32 = arith.constant 0 : i32
    %c0_i32_0 = arith.constant 0 : i32
    return %arg0, %c0_i32 : i32, i32
  }
  func.func @transform_3(%arg0: i32) -> (i32, i32) {
    %c0_i32 = arith.constant 0 : i32
    %c0_i32_0 = arith.constant 0 : i32
    return %arg0, %c0_i32 : i32, i32
  }
  func.func @transform_4(%arg0: i32) -> (i32, i32) {
    %c0_i32 = arith.constant 0 : i32
    %c0_i32_0 = arith.constant 0 : i32
    return %arg0, %c0_i32 : i32, i32
  }
  func.func @transform_5(%arg0: i32) -> (i32, i32) {
    %c0_i32 = arith.constant 0 : i32
    %c0_i32_0 = arith.constant 0 : i32
    return %arg0, %c0_i32 : i32, i32
  }
  func.func @transform_6(%arg0: i32) -> (i32, i32) {
    %c0_i32 = arith.constant 0 : i32
    %c0_i32_0 = arith.constant 0 : i32
    %c0_i32_1 = arith.constant 0 : i32
    return %c0_i32, %c0_i32_0 : i32, i32
  }
  func.func @transform_7(%arg0: i32) -> (i32, i32) {
    %c0_i32 = arith.constant 0 : i32
    %c0_i32_0 = arith.constant 0 : i32
    %c0_i32_1 = arith.constant 0 : i32
    return %c0_i32, %c0_i32_0 : i32, i32
  }
  func.func @transform_8(%arg0: i32) -> i32 {
    %c0_i32 = arith.constant 0 : i32
    %c0_i32_0 = arith.constant 0 : i32
    return %c0_i32 : i32
  }
  func.func @transform_9(%arg0: i32) -> (i32, i32) {
    %c0_i32 = arith.constant 0 : i32
    %c0_i32_0 = arith.constant 0 : i32
    return %arg0, %c0_i32 : i32, i32
  }
}

</mosaic_0001>

<sc_bundles>
// kernel: kernel.10.cloned.1.call-start
scs
__scs_entry_jumppad:
0x0: {  	(pc) =	sbr.rel $0x88, $3  }
0x1: {  	(tag) =	ssettag $0x0;
	lr =	simm.s32 $0x1  }
0x2: {  	[smem:$0x3F91] =	sst lr;
	_ =	strace $0xD0000000  }
0x3: {  	_ = 	snop  }
0x4: {  	_ = 	snop  }
0x5: {  	_ = 	snop  }
0x6: {  	_ = 	snop  }
0x7: {  	_ = 	snop  }
__scs_overlays_trampoline_lowered:
0x8: {  	[smem:$0x3FA0] =	sst s0  }
0x9: {  	[smem:$0x3FA1] =	sst s1  }
0xa: {  	[smem:$0x3FA2] =	sst s2  }
0xb: {  	[smem:$0x3FA3] =	sst s3  }
0xc: {  	[smem:$0x3FA4] =	sst s4  }
0xd: {  	[smem:$0x3FA5] =	sst s5  }
0xe: {  	[smem:$0x3FA6] =	sst s6  }
0xf: {  	[smem:$0x3FA7] =	sst s7  }
0x10: {  	[smem:$0x3FA8] =	sst s8  }
0x11: {  	[smem:$0x3FA9] =	sst s9;
	s0 =	simm.s32 @!p0 $0x0  }
0x12: {  	s1 =	sld [smem:$0x3F8F];
	s0 =	simm.s32 @p0 $0x1  }
0x13: {  	[smem:$0x3FAA] =	sst s0;
	s0 =	simm.s32 @!p1 $0x0  }
0x14: {  	s2 =	sld [smem:$0x3F8E];
	s0 =	simm.s32 @p1 $0x1  }
0x15: {  	[smem:$0x3FAB] =	sst s0;
	s0 =	simm.s32 @!p2 $0x0  }
0x16: {  	s3 =	sld [smem:$0x3FDB];
	s0 =	simm.s32 @p2 $0x1  }
0x17: {  	s4 =	simm.s32 $0x1BF5;
	[smem:$0x3FAD] =	sst s0  }
0x18: {  	s0 =	sld [smem:$0x3F90];
	_ =	swait.ge [sflag:s4], $0x0  }
0x19: {  	s7 =	sld [smem:$0x3F91]  }
0x1a: {  	s8 =	sadd.s32 $0xFFFFE003, lr  }
0x1b: {  	s9 =	sadd.s32 $0xFFFFFEF7, lr;
	s5 =	simm.s32 $0xFFFFFFFF;
	p2 =	slt.u32 s8, $0xFFFFF086  }
0x1c: {  	p1 =	slt.u32 s9, $0xF7A;
	s5 =	simm.s32 @!p2 $0x0  }
0x1d: {  	s5 =	simm.s32 @p1 $0x1;
	p0 =	seq.s32 s7, s2  }
0x1e: {  	s7 =	smul.u32 @!p0 $0xF7A, s2;
	p2 =	seq.s32 @!p0 s5, $0x0  }
0x1f: {  	s9 =	smul.u32 $0xF7A, s1;
	s8 =	simm.s32 @!p0 $0x1BF5;
	p2 =	por !p2, p0  }
0x20: {  	[sflag:s8] =	ssyncset.s32 @!p0 $0xFFFFF086;
	s6 =	sadd.s32 @!p0 s3, s7;
	s7 =	simm.s32 @!p0 $0x108  }
0x21: {  	s3 =	sadd.s32 s3, s9;
	s6 =	sadd.s32 @!p0 $0x88, s6;
	s7 =	simm.s32 @p2 $0x1082  }
0x22: {  	[simem:s7], [sflag:s8] =	dma.local @!p0 [hbm:s6], $0xF7A  }
0x23: {  	s9 =	sor.u32 $0xD0000000, s2;
	s6 =	simm.s32 $0x108;
	_ =	swait.ge @!p0 [sflag:s8], $0x0  }
0x24: {  	s3 =	sadd.s32 $0x88, s3;
	s6 =	simm.s32 @!p1 $0x1082;
	[sflag:s4] =	ssyncset.s32 $0xFFFFF086  }
0x25: {  	[simem:s6], [sflag:s4] =	dma.local [hbm:s3], $0xF7A  }
0x26: {  	[smem:$0x3F91] =	sst s1;
	(tag) =	ssettag s2;
	_ =	strace s9  }
0x27: {  	s1 =	sld [smem:$0x3FA1]  }
0x28: {  	s2 =	sld [smem:$0x3FA2]  }
0x29: {  	s4 =	sld [smem:$0x3FA4]  }
0x2a: {  	p0 =	seq.s32 s5, $0x0;
	s5 =	sld [smem:$0x3FA5]  }
0x2b: {  	s6 =	sld [smem:$0x3FA6]  }
0x2c: {  	s7 =	sld [smem:$0x3FA7]  }
0x2d: {  	s3 =	simm.s32 $0x108;
	s8 =	sld [smem:$0x3FA8]  }
0x2e: {  	s3 =	simm.s32 @!p0 $0x1082;
	s9 =	sld [smem:$0x3FA9]  }
0x2f: {  	lr =	sadd.s32 s0, s3;
	s0 =	sld [smem:$0x3FA0]  }
0x30: {  	s3 =	sld [smem:$0x3FA3]  }
0x31: {  	[smem:$0x3FAC] =	sst s10  }
0x32: {  	s10 =	sld [smem:$0x3FAA];
	_ =	sdelay $0x3  }
0x33: {  	p0 =	seq.s32 s10, $0x1;
	s10 =	sld [smem:$0x3FAC];
	_ =	sdelay $0x3  }
0x34: {  	[smem:$0x3FAC] =	sst s10  }
0x35: {  	s10 =	sld [smem:$0x3FAB];
	_ =	sdelay $0x3  }
0x36: {  	p1 =	seq.s32 s10, $0x1;
	s10 =	sld [smem:$0x3FAC];
	_ =	sdelay $0x3  }
0x37: {  	[smem:$0x3FAC] =	sst s10  }
0x38: {  	s10 =	sld [smem:$0x3FAD]  }
0x39: {  	_ = 	snop;
	(pc) =	sbr.ind lr, $3  }
0x3a: {  	_ = 	snop  }
0x3b: {  	_ = 	snop  }
0x3c: {  	p2 =	seq.s32 s10, $0x1;
	s10 =	sld [smem:$0x3FAC]  }
0x3d: {  	_ =	shalt  }
0x3e: {  	_ =	shalt  }
0x3f: {  	_ =	shalt  }
0x40: {  	_ =	shalt  }
0x41: {  	_ =	shalt  }
0x42: {  	_ =	shalt  }
0x43: {  	_ =	shalt  }
0x44: {  	_ =	shalt  }
0x45: {  	_ =	shalt  }
0x46: {  	_ =	shalt  }
0x47: {  	_ =	shalt  }
0x48: {  	_ =	shalt  }
0x49: {  	_ =	shalt  }
0x4a: {  	_ =	shalt  }
0x4b: {  	_ =	shalt  }
0x4c: {  	_ =	shalt  }
0x4d: {  	_ =	shalt  }
0x4e: {  	_ =	shalt  }
0x4f: {  	_ =	shalt  }
0x50: {  	_ =	shalt  }
0x51: {  	_ =	shalt  }
0x52: {  	_ =	shalt  }
0x53: {  	_ =	shalt  }
0x54: {  	_ =	shalt  }
0x55: {  	_ =	shalt  }
0x56: {  	_ =	shalt  }
0x57: {  	_ =	shalt  }
0x58: {  	_ =	shalt  }
0x59: {  	_ =	shalt  }
0x5a: {  	_ =	shalt  }
0x5b: {  	_ =	shalt  }
0x5c: {  	_ =	shalt  }
0x5d: {  	_ =	shalt  }
0x5e: {  	_ =	shalt  }
0x5f: {  	_ =	shalt  }
0x60: {  	_ =	shalt  }
0x61: {  	_ =	shalt  }
0x62: {  	_ =	shalt  }
0x63: {  	_ =	shalt  }
0x64: {  	_ =	shalt  }
0x65: {  	_ =	shalt  }
0x66: {  	_ =	shalt  }
0x67: {  	_ =	shalt  }
0x68: {  	_ =	shalt  }
0x69: {  	_ =	shalt  }
0x6a: {  	_ =	shalt  }
0x6b: {  	_ =	shalt  }
0x6c: {  	_ =	shalt  }
0x6d: {  	_ =	shalt  }
0x6e: {  	_ =	shalt  }
0x6f: {  	_ =	shalt  }
0x70: {  	_ =	shalt  }
0x71: {  	_ =	shalt  }
0x72: {  	_ =	shalt  }
0x73: {  	_ =	shalt  }
0x74: {  	_ =	shalt  }
0x75: {  	_ =	shalt  }
0x76: {  	_ =	shalt  }
0x77: {  	_ =	shalt  }
0x78: {  	_ =	shalt  }
0x79: {  	_ =	shalt  }
0x7a: {  	_ =	shalt  }
0x7b: {  	_ =	shalt  }
0x7c: {  	_ =	shalt  }
0x7d: {  	_ =	shalt  }
0x7e: {  	_ =	shalt  }
0x7f: {  	_ =	shalt  }
0x80: {  	_ =	shalt  }
0x81: {  	_ =	shalt  }
0x82: {  	_ =	shalt  }
0x83: {  	_ =	shalt  }
0x84: {  	_ =	shalt  }
0x85: {  	_ =	shalt  }
0x86: {  	_ =	shalt  }
0x87: {  	_ =	shalt  }
.Lfunc_end0:
.L_simem_size_0:
called_computation.1_lowered:
.L_overlay_start_0:
0x88: {  	s2 =	sld [smem:$0x3FD9]  }
0x89: {  	s3 =	sld [smem:$0x3FFE];
	_ =	sdelay $0x1  }
0x8a: {  	s1 =	srdreg.scid  }
0x8b: {  	s0 =	sand.u32 $0x1, s1  }
0x8c: {  	s17 =	sshll.u32 s0, $0xA;
	s2 =	sadd.s32 s3, s2  }
0x8d: {  	s2 =	sadd.s32 s2, s17  }
0x8e: {  	[smem:$0x3FB8] =	sst s2  }
0x8f: {  	_ = 	snop  }
0x90: {  	s2 =	sld [smem:$0x3FD0];
	(tm) =	ssettm $0x1  }
0x91: {  	s18 =	sld [smem:$0x3FFB];
	_ =	sdelay $0x3  }
0x92: {  	_ =	strace s18  }
0x93: {  	s3 =	sld [smem:$0x3FFC];
	_ =	sdelay $0x3  }
0x94: {  	_ =	strace s3  }
0x95: {  	s3 =	sld [smem:$0x3FFD];
	_ =	sdelay $0x3  }
0x96: {  	_ =	strace s3  }
0x97: {  	_ =	strace $0x8FFFFFFF  }
0x98: {  	s19 =	sld [smem:$0x3FDB];
	_ =	sdelay $0x1  }
0x99: {  	s4 =	simm.s32 $_scs_section_size  }
0x9a: {  	s5 =	simm.s32 $_size__tile_overlayer_lowered;
	s6 =	simm.s32 $_tile_overlayer_lowered  }
0x9b: {  	s22 =	simm.s32 $0x1BFF;
	s21 =	sshll.u32 s6, $0x1;
	s3 =	sadd.s32 s4, s19  }
0x9c: {  	s7 =	simm.s32 $0x0;
	s20 =	sshll.u32 s5, $0x1;
	s5 =	sadd.s32 s21, s3  }
0x9d: {  	[timem:s7], [sflag:s22] =	dma.local [hbm:s5], s20  }
0x9e: {  	_ =	swait.ge [sflag:s22], s20  }
0x9f: {  	s4 =	ssub.s32 $0x0, s20;
	[sflag:s22] =	ssyncset.done $0x0  }
0xa0: {  	[sflag:s22] =	ssyncadd.s32 s4;
	_ =	sdelay $0x1  }
0xa1: {  	s23 =	simm.s32 $0x1B8B  }
0xa2: {  	_ =	swait.ge [sflag:s23], $0x1  }
0xa3: {  	[sflag:s23] =	ssyncset.done $0x0  }
0xa4: {  	s25 =	simm.s32 $0x1B8E;
	s24 =	sld [smem:$0x3FFE];
	[sflag:s23] =	ssyncadd.s32 $0xFFFFFFFF  }
0xa5: {  	s26 =	simm.s32 $execute0_lowered;
	[smem:$0x3FD2] =	sst s25  }
0xa6: {  	s5 =	sshll.u32 s26, $0x1;
	_ =	strace $0x80000049;
	[dreg:$0x1] =	wrdreg $0xFFFFFFFF  }
0xa7: {  	s28 =	simm.s32 $_size_execute0_lowered;
	s3 =	sadd.s32 s3, s5;
	[dreg:$0x0] =	wrdreg $0x0  }
0xa8: {  	s5 =	sshll.u32 s28, $0x1;
	[dreg:$0x2] =	wrdreg s3  }
0xa9: {  	[dreg:$0x3] =	wrdreg s5  }
0xaa: {  	[dreg:$0x4] =	wrdreg $0xC0  }
0xab: {  	_ =	task [dreg:s7], $0x5FFFF  }
0xac: {  	[dreg:$0x1] =	wrdreg $0xFFFFFFFF  }
0xad: {  	[dreg:$0x0] =	wrdreg $0x60  }
0xae: {  	[dreg:$0x2] =	wrdreg s24  }
0xaf: {  	[dreg:$0x3] =	wrdreg s2  }
0xb0: {  	[dreg:$0x4] =	wrdreg $0x56100  }
0xb1: {  	[dreg:$0x5] =	wrdreg $0x9  }
0xb2: {  	_ =	task.clear_ibuf [dreg:s7], $0x6FFFF;
	_ =	strace $0x90000049  }
0xb3: {  	s29 =	simm.s32 $0x9;
	_ =	strace $0x8000004B  }
0xb4: {  	_ =	swait.ge [sflag:s29], $0x1  }
0xb5: {  	[sflag:s29] =	ssyncadd.s32 $0xFFFFFFFF  }
0xb6: {  	_ =	strace $0x9000004B  }
0xb7: {  	_ =	sfence  }
0xb8: {  	s30 =	sld [smem:$0x0];
	_ =	sdelay $0x2  }
0xb9: {  	s31 =	sshll.u32 s1, $0xD;
	s1 =	sshrl.u32 s1, $0x2  }
0xba: {  	s3 =	sand.u32 $0x4000, s31;
	s1 =	sadd.s32 s1, s30  }
0xbb: {  	s0 =	sor.u32 s3, s0;
	s1 =	sshll.u32 s1, $0x11  }
0xbc: {  	s0 =	sor.u32 s1, s0  }
0xbd: {  	s0 =	sadd.s32 $0x8F2B, s0  }
0xbe: {  	[sflag:s0] =	ssyncadd.remote.s32 $0x1  }
0xbf: {  	_ =	sfence.sel $0xFFFF  }
0xc0: {  	[dreg:$0x0] =	wrdreg $0xFFFFFFFF;
	(pc) =	sbr.abs _section_cstart, $3  }
0xc1: {  	[dreg:$0x1] =	wrdreg $0xFFFFFFFF  }
0xc2: {  	_ =	task.clear_ibuf [dreg:s7], $0x2FFFF;
	_ =	strace $0x9FFFFFFF  }
0xc3: {  	(tm) =	ssettm $0x7FFFFFFF  }
tec
execute0_lowered:
.L_overlay_start_1:
0x0: {  	(tag) =	ssettag $0x1  }
0x1: {  	s0 =	rddreg [dreg:$0x0]  }
0x2: {  	s2 =	rddreg [dreg:$0x1]  }
0x3: {  	s1 =	rddreg [dreg:$0x2]  }
0x4: {  	s3 =	simm.s32 $0x0;
	s13 =	stileid.u32;
	s15 =	srdreg.scid  }
0x5: {  	s17 =	simm.s32 $0xA00;
	s18 =	simm.s32 $0x80;
	s19 =	simm.s32 $0x1400  }
0x6: {  	s20 =	simm.s32 $0x3400;
	s21 =	simm.s32 $0x3500;
	s22 =	simm.s32 $0x2400  }
0x7: {  	s23 =	simm.s32 $0x3480;
	s28 =	simm.s32 $0x3600;
	s29 =	simm.s32 $0x2  }
0x8: {  	s30 =	simm.s32 $0x4600;
	[smem:$0x7FF] =	sst s3;
	s4 =	sadd.s32 $0x1C00, s0  }
0x9: {  	s5 =	sadd.s32 $0x200, s0;
	s8 =	smul.u32 $0xC800, s13;
	s3 =	sand.u32 $0x1, s15  }
0xa: {  	s6 =	sadd.s32 $0x32200, s0;
	s7 =	sadd.s32 $0x19200, s0;
	s10 =	sadd.s32 $0x3600, s0  }
0xb: {  	s25 =	sshll.u32 s13, $0x6;
	_ =	strace $0x8000004A;
	s9 =	ssub.s32 $0x2, s3  }
0xc: {  	[dreg:$0x4] =	wrdreg s10;
	s26 =	smul.u32 $0x32000, s3;
	s14 =	sor.u32 $0x1C05, s25  }
0xd: {  	p0 =	seq.s32 s3, $0x0;
	s3 =	simm.s32 $0x41A200;
	s16 =	sshrl.u32 s8, $0x3  }
0xe: {  	s11 =	sshrl.u32 s9, $0x1;
	s8 =	sadd.s32 s8, s1;
	s3 =	simm.s32 @!p0 $0x3E8200  }
0xf: {  	[dreg:$0x6] =	wrdreg s14;
	s12 =	sadd.s32 s16, s0;
	s9 =	ssub.s32 s9, s11  }
0x10: {  	s11 =	smul.u32 $0x190, s13;
	s13 =	sadd.s32 s3, s0;
	s3 =	sshrl.u32 s8, $0x3  }
0x11: {  	s15 =	simm.s32 $0x5;
	s24 =	sadd.s32 $0x44C200, s12;
	[dreg:$0x8] =	wrdreg s3  }
0x12: {  	s2 =	sadd.s32 s2, s26;
	s9 =	smax.u32 s9, $0x1;
	[dreg:$0x5] =	wrdreg s24  }
0x13: {  	s25 =	simm.s32 $0x3580;
	s31 =	sadd.s32 s16, s2;
	[dreg:$0x7] =	wrdreg s9  }
0x14: {  	s26 =	simm.s32 $0x1;
	s2 =	simm.s32 $0x0;
	[dreg:$0x9] =	wrdreg s31  }
.LBB2_1:
0x15: {  	s0 =	rddreg [dreg:$0x5]  }
0x16: {  	[spmem:s3], [sflag:s14] =	dma.local [hbm:s0], $0x1900  }
0x17: {  	_ =	swait.ge [sflag:s15], $0x1900  }
0x18: {  	s24 =	simm.s32 $0x0;
	[sflag:s15] =	ssyncset.done $0x0  }
0x19: {  	s8 =	simm.s32 $0x5600;
	s31 =	rddreg [dreg:$0x4];
	[sflag:s15] =	ssyncadd.s32 $0xFFFFE700  }
0x1a: {  	[tilespmem:s8], [sflag:$0x5] =	stream.linear.gather [hbm4b:s31+s24], $0x10, $0x38;
	[tilespmem:$0x1E610] =	vst v63  }
0x1b: {  	_ =	swait.ge [sflag:s15], $0x10  }
0x1c: {  	[sflag:s15] =	ssyncset.done $0x0  }
0x1d: {  	[sflag:s15] =	ssyncadd.s32 $0xFFFFFFF0  }
0x1e: {  	s16 =	simm.s32 $0x0;
	v0 =	vld [tilespmem:$0x5600];
	[bflag:$0x0] =	sbarrier.arrive $0xFFFF  }
.LBB2_2:
0x1f: {  	s0 =	smul.u32 $0x14, s16;
	_ =	sdelay $0x1  }
0x20: {  	s0 =	sadd.s32 s11, s0  }
0x21: {  	s0 =	sshll.u32 s0, $0x4  }
0x22: {  	s3 =	simm.s32 $0x0;
	s8 =	sadd.s32 s6, s0  }
0x23: {  	[tilespmem:s3], [sflag:$0x5] =	stream.linear.gather [hbm4b:s8+s3], $0xA00, $0x38;
	[tilespmem:$0x1E610] =	vst v63  }
0x24: {  	_ =	swait.ge [sflag:s15], $0xA00  }
0x25: {  	[sflag:s15] =	ssyncset.done $0x0  }
0x26: {  	s0 =	sadd.s32 s7, s0;
	[sflag:s15] =	ssyncadd.s32 $0xFFFFF600  }
0x27: {  	[tilespmem:s17], [sflag:$0x5] =	stream.linear.gather [hbm4b:s0+s3], $0xA00, $0x38;
	[tilespmem:$0x1E610] =	vst v63  }
0x28: {  	_ =	swait.ge [sflag:s15], $0xA00  }
0x29: {  	[sflag:s15] =	ssyncset.done $0x0  }
0x2a: {  	[sflag:s15] =	ssyncadd.s32 $0xFFFFF600  }
0x2b: {  	[tilespmem:s19], [sflag:$0x1] =	stream.indirect.gather [hbm4b:s13+s18], $0x20, s3, s18, $0xb8;
	[tilespmem:$0x1E610] =	vst v63  }
0x2c: {  	_ = 	snop  }
0x2d: {  	[tilespmem:s20], [sflag:$0x1] =	stream.indirect.gather [hbm4b:s4+s18], $0x1, s3, s18, $0xb8;
	[tilespmem:$0x1E610] =	vst v63  }
0x2e: {  	_ = 	snop  }
0x2f: {  	[tilespmem:s21], [sflag:$0x1] =	stream.indirect.gather [hbm4b:s5+s18], $0x1, s17, s18, $0xb8;
	[tilespmem:$0x1E610] =	vst v63  }
.LBB2_3:
0x30: {  	s9 =	sshll.u32 s3, $0x8  }
0x31: {  	s0 =	sor.u32 $0x80, s9  }
0x32: {  	s8 =	sand.u32 $0x3FFFFF80, s0  }
0x33: {  	[tilespmem:s22], [sflag:$0x2] =	stream.indirect.gather [hbm4b:s13+s18], $0x20, s8, s18, $0xb8;
	[tilespmem:$0x1E610] =	vst v63  }
0x34: {  	_ = 	snop  }
0x35: {  	[tilespmem:s23], [sflag:$0x2] =	stream.indirect.gather [hbm4b:s4+s18], $0x1, s0, s18, $0xb8;
	[tilespmem:$0x1E610] =	vst v63  }
0x36: {  	s8 =	sadd.s32 $0xA80, s9  }
0x37: {  	[tilespmem:s25], [sflag:$0x2] =	stream.indirect.gather [hbm4b:s5+s18], $0x1, s8, s18, $0xb8;
	[tilespmem:$0x1E610] =	vst v63  }
0x38: {  	_ =	swait.ge [sflag:s26], $0x1000  }
0x39: {  	[sflag:s26] =	ssyncset.done $0x0  }
0x3a: {  	[sflag:s26] =	ssyncadd.s32 $0xFFFFF000  }
0x3b: {  	_ =	swait.ge [sflag:s26], $0x80  }
0x3c: {  	[sflag:s26] =	ssyncset.done $0x0  }
0x3d: {  	[sflag:s26] =	ssyncadd.s32 $0xFFFFFF80  }
0x3e: {  	s14 =	sor.u32 s16, s3;
	_ =	swait.ge [sflag:s26], $0x80  }
0x3f: {  	p0 =	seq.s32 s14, $0x0;
	[sflag:s26] =	ssyncset.done $0x0  }
0x40: {  	s0 =	simm.s32 @!p0 $0x3;
	[sflag:s26] =	ssyncadd.s32 $0xFFFFFF80  }
0x41: {  	_ =	swait.ge @!p0 [sflag:s0], $0x1000  }
0x42: {  	[sflag:s0] =	ssyncset.done @!p0 $0x0  }
0x43: {  	s24 =	simm.s32 $0x0;
	[sflag:s0] =	ssyncadd.s32 @!p0 $0xFFFFF000  }
0x44: {  	v1 =	vld [tilespmem:s24+$0x3400]  }
0x45: {  	v2 =	vld [tilespmem:s24+$0x3500];
	_ =	sdelay $0x4  }
0x46: {  	v1 =	vadd.f32 v2, v1;
	_ =	sdelay $0x1  }
0x47: {  	v2 =	vmul.f32 $2.000000030e-01, v1  }
0x48: {  	vm0 =	vge.f32 v1, $0.0e+00  }
0x49: {  	v1 =	vsel vm0, v1, v2  }
0x4a: {  	v1 =	vsub.f32 v1, v0;
	_ =	sdelay $0x1  }
0x4b: {  	v1 =	vmul.f32 $1.442695020e+00, v1;
	_ =	sdelay $0x1  }
0x4c: {  	(erf) = vpow2.f32 v1;
	_ =	sdelay $0x5  }
0x4d: {  	s12 =	simm.s32 $0x1500  }
0x4e: {  	v1 =	vld [tilespmem:s12+$0xFFFFFF00];
	_ =	sdelay $0x1  }
0x4f: {  	v2 =	vpop (erf)  }
0x50: {  	v3 =	vbroadcast v2, $0x0;
	_ =	sdelay $0x1  }
0x51: {  	v1 =	vmul.f32 v3, v1  }
0x52: {  	s24 =	simm.s32 $0x3700  }
0x53: {  	[tilespmem:s24+$0xFFFFFF00] =	vst v1  }
0x54: {  	v1 =	vld [tilespmem:s12+$0xFFFFFF10];
	_ =	sdelay $0x4  }
0x55: {  	v1 =	vmul.f32 v3, v1;
	_ =	sdelay $0x1  }
0x56: {  	[tilespmem:s24+$0xFFFFFF10] =	vst v1  }
0x57: {  	v1 =	vld [tilespmem:s12+$0xFFFFFF20];
	_ =	sdelay $0x2  }
0x58: {  	v3 =	vbroadcast v2, $0x1;
	_ =	sdelay $0x1  }
0x59: {  	v1 =	vmul.f32 v3, v1;
	_ =	sdelay $0x1  }
0x5a: {  	[tilespmem:s24+$0xFFFFFF20] =	vst v1  }
0x5b: {  	v1 =	vld [tilespmem:s12+$0xFFFFFF30];
	_ =	sdelay $0x4  }
0x5c: {  	v1 =	vmul.f32 v1, v3;
	_ =	sdelay $0x1  }
0x5d: {  	[tilespmem:s24+$0xFFFFFF30] =	vst v1  }
0x5e: {  	v1 =	vld [tilespmem:s12+$0xFFFFFF40];
	_ =	sdelay $0x2  }
0x5f: {  	v3 =	vbroadcast v2, $0x2;
	_ =	sdelay $0x1  }
0x60: {  	v1 =	vmul.f32 v1, v3;
	_ =	sdelay $0x1  }
0x61: {  	[tilespmem:s24+$0xFFFFFF40] =	vst v1  }
0x62: {  	v1 =	vld [tilespmem:s12+$0xFFFFFF50];
	_ =	sdelay $0x4  }
0x63: {  	v1 =	vmul.f32 v1, v3;
	_ =	sdelay $0x1  }
0x64: {  	[tilespmem:s24+$0xFFFFFF50] =	vst v1  }
0x65: {  	v1 =	vld [tilespmem:s12+$0xFFFFFF60];
	_ =	sdelay $0x2  }
0x66: {  	v3 =	vbroadcast v2, $0x3;
	_ =	sdelay $0x1  }
0x67: {  	v1 =	vmul.f32 v1, v3;
	_ =	sdelay $0x1  }
0x68: {  	[tilespmem:s24+$0xFFFFFF60] =	vst v1  }
0x69: {  	v1 =	vld [tilespmem:s12+$0xFFFFFF70];
	_ =	sdelay $0x4  }
0x6a: {  	v1 =	vmul.f32 v1, v3;
	_ =	sdelay $0x1  }
0x6b: {  	[tilespmem:s24+$0xFFFFFF70] =	vst v1  }
0x6c: {  	v1 =	vld [tilespmem:s12+$0xFFFFFF80];
	_ =	sdelay $0x2  }
0x6d: {  	v3 =	vbroadcast v2, $0x4;
	_ =	sdelay $0x1  }
0x6e: {  	v1 =	vmul.f32 v1, v3;
	_ =	sdelay $0x1  }
0x6f: {  	[tilespmem:s24+$0xFFFFFF80] =	vst v1  }
0x70: {  	v1 =	vld [tilespmem:s12+$0xFFFFFF90];
	_ =	sdelay $0x4  }
0x71: {  	v1 =	vmul.f32 v1, v3;
	_ =	sdelay $0x1  }
0x72: {  	[tilespmem:s24+$0xFFFFFF90] =	vst v1  }
0x73: {  	v1 =	vld [tilespmem:s12+$0xFFFFFFA0];
	_ =	sdelay $0x2  }
0x74: {  	v3 =	vbroadcast v2, $0x5;
	_ =	sdelay $0x1  }
0x75: {  	v1 =	vmul.f32 v1, v3;
	_ =	sdelay $0x1  }
0x76: {  	[tilespmem:s24+$0xFFFFFFA0] =	vst v1  }
0x77: {  	v1 =	vld [tilespmem:s12+$0xFFFFFFB0];
	_ =	sdelay $0x4  }
0x78: {  	v1 =	vmul.f32 v1, v3;
	_ =	sdelay $0x1  }
0x79: {  	[tilespmem:s24+$0xFFFFFFB0] =	vst v1  }
0x7a: {  	v1 =	vld [tilespmem:s12+$0xFFFFFFC0];
	_ =	sdelay $0x2  }
0x7b: {  	v3 =	vbroadcast v2, $0x6;
	_ =	sdelay $0x1  }
0x7c: {  	v1 =	vmul.f32 v1, v3;
	_ =	sdelay $0x1  }
0x7d: {  	[tilespmem:s24+$0xFFFFFFC0] =	vst v1  }
0x7e: {  	v1 =	vld [tilespmem:s12+$0xFFFFFFD0];
	_ =	sdelay $0x4  }
0x7f: {  	v1 =	vmul.f32 v1, v3;
	_ =	sdelay $0x1  }
0x80: {  	[tilespmem:s24+$0xFFFFFFD0] =	vst v1  }
0x81: {  	v1 =	vld [tilespmem:s12+$0xFFFFFFE0];
	_ =	sdelay $0x2  }
0x82: {  	v3 =	vbroadcast v2, $0x7;
	_ =	sdelay $0x1  }
0x83: {  	v1 =	vmul.f32 v1, v3;
	_ =	sdelay $0x1  }
0x84: {  	[tilespmem:s24+$0xFFFFFFE0] =	vst v1  }
0x85: {  	v1 =	vld [tilespmem:s12+$0xFFFFFFF0];
	_ =	sdelay $0x4  }
0x86: {  	v1 =	vmul.f32 v1, v3;
	_ =	sdelay $0x1  }
0x87: {  	[tilespmem:s24+$0xFFFFFFF0] =	vst v1  }
0x88: {  	v1 =	vld [tilespmem:s12+$0x0];
	_ =	sdelay $0x2  }
0x89: {  	v3 =	vbroadcast v2, $0x8;
	_ =	sdelay $0x1  }
0x8a: {  	v1 =	vmul.f32 v1, v3;
	_ =	sdelay $0x1  }
0x8b: {  	[tilespmem:s24+$0x0] =	vst v1  }
0x8c: {  	v1 =	vld [tilespmem:s12+$0x10];
	_ =	sdelay $0x4  }
0x8d: {  	v1 =	vmul.f32 v1, v3;
	_ =	sdelay $0x1  }
0x8e: {  	[tilespmem:s24+$0x10] =	vst v1  }
0x8f: {  	v1 =	vld [tilespmem:s12+$0x20];
	_ =	sdelay $0x2  }
0x90: {  	v3 =	vbroadcast v2, $0x9;
	_ =	sdelay $0x1  }
0x91: {  	v1 =	vmul.f32 v1, v3;
	_ =	sdelay $0x1  }
0x92: {  	[tilespmem:s24+$0x20] =	vst v1  }
0x93: {  	v1 =	vld [tilespmem:s12+$0x30];
	_ =	sdelay $0x4  }
0x94: {  	v1 =	vmul.f32 v1, v3;
	_ =	sdelay $0x1  }
0x95: {  	[tilespmem:s24+$0x30] =	vst v1  }
0x96: {  	v1 =	vld [tilespmem:s12+$0x40];
	_ =	sdelay $0x2  }
0x97: {  	v3 =	vbroadcast v2, $0xA;
	_ =	sdelay $0x1  }
0x98: {  	v1 =	vmul.f32 v1, v3;
	_ =	sdelay $0x1  }
0x99: {  	[tilespmem:s24+$0x40] =	vst v1  }
0x9a: {  	v1 =	vld [tilespmem:s12+$0x50];
	_ =	sdelay $0x4  }
0x9b: {  	v1 =	vmul.f32 v1, v3;
	_ =	sdelay $0x1  }
0x9c: {  	[tilespmem:s24+$0x50] =	vst v1  }
0x9d: {  	v1 =	vld [tilespmem:s12+$0x60];
	_ =	sdelay $0x2  }
0x9e: {  	v3 =	vbroadcast v2, $0xB;
	_ =	sdelay $0x1  }
0x9f: {  	v1 =	vmul.f32 v1, v3;
	_ =	sdelay $0x1  }
0xa0: {  	[tilespmem:s24+$0x60] =	vst v1  }
0xa1: {  	v1 =	vld [tilespmem:s12+$0x70];
	_ =	sdelay $0x4  }
0xa2: {  	v1 =	vmul.f32 v1, v3;
	_ =	sdelay $0x1  }
0xa3: {  	[tilespmem:s24+$0x70] =	vst v1  }
0xa4: {  	v1 =	vld [tilespmem:s12+$0x80];
	_ =	sdelay $0x2  }
0xa5: {  	v3 =	vbroadcast v2, $0xC;
	_ =	sdelay $0x1  }
0xa6: {  	v1 =	vmul.f32 v1, v3;
	_ =	sdelay $0x1  }
0xa7: {  	[tilespmem:s24+$0x80] =	vst v1  }
0xa8: {  	v1 =	vld [tilespmem:s12+$0x90];
	_ =	sdelay $0x4  }
0xa9: {  	v1 =	vmul.f32 v1, v3;
	_ =	sdelay $0x1  }
0xaa: {  	[tilespmem:s24+$0x90] =	vst v1  }
0xab: {  	v1 =	vld [tilespmem:s12+$0xA0];
	_ =	sdelay $0x2  }
0xac: {  	v3 =	vbroadcast v2, $0xD;
	_ =	sdelay $0x1  }
0xad: {  	v1 =	vmul.f32 v1, v3;
	_ =	sdelay $0x1  }
0xae: {  	[tilespmem:s24+$0xA0] =	vst v1  }
0xaf: {  	v1 =	vld [tilespmem:s12+$0xB0];
	_ =	sdelay $0x4  }
0xb0: {  	v1 =	vmul.f32 v1, v3;
	_ =	sdelay $0x1  }
0xb1: {  	[tilespmem:s24+$0xB0] =	vst v1  }
0xb2: {  	v1 =	vld [tilespmem:s12+$0xC0];
	_ =	sdelay $0x2  }
0xb3: {  	v3 =	vbroadcast v2, $0xE;
	_ =	sdelay $0x1  }
0xb4: {  	v1 =	vmul.f32 v1, v3;
	_ =	sdelay $0x1  }
0xb5: {  	[tilespmem:s24+$0xC0] =	vst v1  }
0xb6: {  	v1 =	vld [tilespmem:s12+$0xD0];
	_ =	sdelay $0x4  }
0xb7: {  	v1 =	vmul.f32 v1, v3;
	_ =	sdelay $0x1  }
0xb8: {  	[tilespmem:s24+$0xD0] =	vst v1  }
0xb9: {  	v1 =	vld [tilespmem:s12+$0xE0];
	_ =	sdelay $0x2  }
0xba: {  	v2 =	vbroadcast v2, $0xF;
	_ =	sdelay $0x1  }
0xbb: {  	v1 =	vmul.f32 v1, v2;
	_ =	sdelay $0x1  }
0xbc: {  	[tilespmem:s24+$0xE0] =	vst v1  }
0xbd: {  	v1 =	vld [tilespmem:s12+$0xF0];
	_ =	sdelay $0x4  }
0xbe: {  	s31 =	sshll.u32 s3, $0x1;
	s10 =	simm.s32 $0x3700;
	s0 =	simm.s32 $0x40;
	v1 =	vmul.f32 v1, v2  }
.LBB2_4:
0xbf: {  	p1 =	sne.s32 s0, $0x1C0;
	s24 =	sadd.s32 $0x200, s24;
	s12 =	sadd.s32 $0x200, s12  }
0xc0: {  	s14 =	sshra.s32 s0, $0x2;
	s0 =	sadd.s32 $0x40, s0;
	[tilespmem:s10+$0xF0] =	vst v1;
	s10 =	smov.u32 s24  }
0xc1: {  	v1 =	vld [tilespmem:s14+$0x3400]  }
0xc2: {  	v2 =	vld [tilespmem:s14+$0x3500];
	_ =	sdelay $0x4  }
0xc3: {  	v1 =	vadd.f32 v2, v1;
	_ =	sdelay $0x1  }
0xc4: {  	vm0 =	vge.f32 v1, $0.0e+00;
	v2 =	vmul.f32 $2.000000030e-01, v1;
	_ =	sdelay $0x1  }
0xc5: {  	v1 =	vsel vm0, v1, v2  }
0xc6: {  	v1 =	vsub.f32 v1, v0;
	_ =	sdelay $0x1  }
0xc7: {  	v1 =	vmul.f32 $1.442695020e+00, v1;
	_ =	sdelay $0x1  }
0xc8: {  	(erf) = vpow2.f32 v1;
	_ =	sdelay $0x5  }
0xc9: {  	v2 =	vld [tilespmem:s12+$0xFFFFFF00];
	_ =	sdelay $0x2  }
0xca: {  	v1 =	vpop (erf)  }
0xcb: {  	v3 =	vbroadcast v1, $0x0;
	_ =	sdelay $0x1  }
0xcc: {  	v2 =	vmul.f32 v3, v2;
	_ =	sdelay $0x1  }
0xcd: {  	[tilespmem:s24+$0xFFFFFF00] =	vst v2  }
0xce: {  	v2 =	vld [tilespmem:s12+$0xFFFFFF10];
	_ =	sdelay $0x4  }
0xcf: {  	v2 =	vmul.f32 v3, v2;
	_ =	sdelay $0x1  }
0xd0: {  	[tilespmem:s24+$0xFFFFFF10] =	vst v2  }
0xd1: {  	v2 =	vld [tilespmem:s12+$0xFFFFFF20];
	_ =	sdelay $0x1  }
0xd2: {  	v3 =	vbroadcast v1, $0x1;
	_ =	sdelay $0x2  }
0xd3: {  	v2 =	vmul.f32 v3, v2;
	_ =	sdelay $0x1  }
0xd4: {  	[tilespmem:s24+$0xFFFFFF20] =	vst v2  }
0xd5: {  	v2 =	vld [tilespmem:s12+$0xFFFFFF30];
	_ =	sdelay $0x4  }
0xd6: {  	v2 =	vmul.f32 v2, v3;
	_ =	sdelay $0x1  }
0xd7: {  	[tilespmem:s24+$0xFFFFFF30] =	vst v2  }
0xd8: {  	v2 =	vld [tilespmem:s12+$0xFFFFFF40];
	_ =	sdelay $0x1  }
0xd9: {  	v3 =	vbroadcast v1, $0x2;
	_ =	sdelay $0x2  }
0xda: {  	v2 =	vmul.f32 v2, v3;
	_ =	sdelay $0x1  }
0xdb: {  	[tilespmem:s24+$0xFFFFFF40] =	vst v2  }
0xdc: {  	v2 =	vld [tilespmem:s12+$0xFFFFFF50];
	_ =	sdelay $0x4  }
0xdd: {  	v2 =	vmul.f32 v2, v3;
	_ =	sdelay $0x1  }
0xde: {  	[tilespmem:s24+$0xFFFFFF50] =	vst v2  }
0xdf: {  	v2 =	vld [tilespmem:s12+$0xFFFFFF60];
	_ =	sdelay $0x1  }
0xe0: {  	v3 =	vbroadcast v1, $0x3;
	_ =	sdelay $0x2  }
0xe1: {  	v2 =	vmul.f32 v2, v3;
	_ =	sdelay $0x1  }
0xe2: {  	[tilespmem:s24+$0xFFFFFF60] =	vst v2  }
0xe3: {  	v2 =	vld [tilespmem:s12+$0xFFFFFF70];
	_ =	sdelay $0x4  }
0xe4: {  	v2 =	vmul.f32 v2, v3;
	_ =	sdelay $0x1  }
0xe5: {  	[tilespmem:s24+$0xFFFFFF70] =	vst v2  }
0xe6: {  	v2 =	vld [tilespmem:s12+$0xFFFFFF80];
	_ =	sdelay $0x1  }
0xe7: {  	v3 =	vbroadcast v1, $0x4;
	_ =	sdelay $0x2  }
0xe8: {  	v2 =	vmul.f32 v2, v3;
	_ =	sdelay $0x1  }
0xe9: {  	[tilespmem:s24+$0xFFFFFF80] =	vst v2  }
0xea: {  	v2 =	vld [tilespmem:s12+$0xFFFFFF90];
	_ =	sdelay $0x4  }
0xeb: {  	v2 =	vmul.f32 v2, v3;
	_ =	sdelay $0x1  }
0xec: {  	[tilespmem:s24+$0xFFFFFF90] =	vst v2  }
0xed: {  	v2 =	vld [tilespmem:s12+$0xFFFFFFA0];
	_ =	sdelay $0x1  }
0xee: {  	v3 =	vbroadcast v1, $0x5;
	_ =	sdelay $0x2  }
0xef: {  	v2 =	vmul.f32 v2, v3;
	_ =	sdelay $0x1  }
0xf0: {  	[tilespmem:s24+$0xFFFFFFA0] =	vst v2  }
0xf1: {  	v2 =	vld [tilespmem:s12+$0xFFFFFFB0];
	_ =	sdelay $0x4  }
0xf2: {  	v2 =	vmul.f32 v2, v3;
	_ =	sdelay $0x1  }
0xf3: {  	[tilespmem:s24+$0xFFFFFFB0] =	vst v2  }
0xf4: {  	v2 =	vld [tilespmem:s12+$0xFFFFFFC0];
	_ =	sdelay $0x1  }
0xf5: {  	v3 =	vbroadcast v1, $0x6;
	_ =	sdelay $0x2  }
0xf6: {  	v2 =	vmul.f32 v2, v3;
	_ =	sdelay $0x1  }
0xf7: {  	[tilespmem:s24+$0xFFFFFFC0] =	vst v2  }
0xf8: {  	v2 =	vld [tilespmem:s12+$0xFFFFFFD0];
	_ =	sdelay $0x4  }
0xf9: {  	v2 =	vmul.f32 v2, v3;
	_ =	sdelay $0x1  }
0xfa: {  	[tilespmem:s24+$0xFFFFFFD0] =	vst v2  }
0xfb: {  	v2 =	vld [tilespmem:s12+$0xFFFFFFE0];
	_ =	sdelay $0x1  }
0xfc: {  	v3 =	vbroadcast v1, $0x7;
	_ =	sdelay $0x2  }
0xfd: {  	v2 =	vmul.f32 v2, v3;
	_ =	sdelay $0x1  }
0xfe: {  	[tilespmem:s24+$0xFFFFFFE0] =	vst v2  }
0xff: {  	v2 =	vld [tilespmem:s12+$0xFFFFFFF0];
	_ =	sdelay $0x4  }
0x100: {  	v2 =	vmul.f32 v2, v3;
	_ =	sdelay $0x1  }
0x101: {  	[tilespmem:s24+$0xFFFFFFF0] =	vst v2  }
0x102: {  	v2 =	vld [tilespmem:s12+$0x0];
	_ =	sdelay $0x1  }
0x103: {  	v3 =	vbroadcast v1, $0x8;
	_ =	sdelay $0x2  }
0x104: {  	v2 =	vmul.f32 v2, v3;
	_ =	sdelay $0x1  }
0x105: {  	[tilespmem:s24+$0x0] =	vst v2  }
0x106: {  	v2 =	vld [tilespmem:s12+$0x10];
	_ =	sdelay $0x4  }
0x107: {  	v2 =	vmul.f32 v2, v3;
	_ =	sdelay $0x1  }
0x108: {  	[tilespmem:s24+$0x10] =	vst v2  }
0x109: {  	v2 =	vld [tilespmem:s12+$0x20];
	_ =	sdelay $0x1  }
0x10a: {  	v3 =	vbroadcast v1, $0x9;
	_ =	sdelay $0x2  }
0x10b: {  	v2 =	vmul.f32 v2, v3;
	_ =	sdelay $0x1  }
0x10c: {  	[tilespmem:s24+$0x20] =	vst v2  }
0x10d: {  	v2 =	vld [tilespmem:s12+$0x30];
	_ =	sdelay $0x4  }
0x10e: {  	v2 =	vmul.f32 v2, v3;
	_ =	sdelay $0x1  }
0x10f: {  	[tilespmem:s24+$0x30] =	vst v2  }
0x110: {  	v2 =	vld [tilespmem:s12+$0x40];
	_ =	sdelay $0x1  }
0x111: {  	v3 =	vbroadcast v1, $0xA;
	_ =	sdelay $0x2  }
0x112: {  	v2 =	vmul.f32 v2, v3;
	_ =	sdelay $0x1  }
0x113: {  	[tilespmem:s24+$0x40] =	vst v2  }
0x114: {  	v2 =	vld [tilespmem:s12+$0x50];
	_ =	sdelay $0x4  }
0x115: {  	v2 =	vmul.f32 v2, v3;
	_ =	sdelay $0x1  }
0x116: {  	[tilespmem:s24+$0x50] =	vst v2  }
0x117: {  	v2 =	vld [tilespmem:s12+$0x60];
	_ =	sdelay $0x1  }
0x118: {  	v3 =	vbroadcast v1, $0xB;
	_ =	sdelay $0x2  }
0x119: {  	v2 =	vmul.f32 v2, v3;
	_ =	sdelay $0x1  }
0x11a: {  	[tilespmem:s24+$0x60] =	vst v2  }
0x11b: {  	v2 =	vld [tilespmem:s12+$0x70];
	_ =	sdelay $0x4  }
0x11c: {  	v2 =	vmul.f32 v2, v3;
	_ =	sdelay $0x1  }
0x11d: {  	[tilespmem:s24+$0x70] =	vst v2  }
0x11e: {  	v2 =	vld [tilespmem:s12+$0x80];
	_ =	sdelay $0x1  }
0x11f: {  	v3 =	vbroadcast v1, $0xC;
	_ =	sdelay $0x2  }
0x120: {  	v2 =	vmul.f32 v2, v3;
	_ =	sdelay $0x1  }
0x121: {  	[tilespmem:s24+$0x80] =	vst v2  }
0x122: {  	v2 =	vld [tilespmem:s12+$0x90];
	_ =	sdelay $0x4  }
0x123: {  	v2 =	vmul.f32 v2, v3;
	_ =	sdelay $0x1  }
0x124: {  	[tilespmem:s24+$0x90] =	vst v2  }
0x125: {  	v2 =	vld [tilespmem:s12+$0xA0];
	_ =	sdelay $0x1  }
0x126: {  	v3 =	vbroadcast v1, $0xD;
	_ =	sdelay $0x2  }
0x127: {  	v2 =	vmul.f32 v2, v3;
	_ =	sdelay $0x1  }
0x128: {  	[tilespmem:s24+$0xA0] =	vst v2  }
0x129: {  	v2 =	vld [tilespmem:s12+$0xB0];
	_ =	sdelay $0x4  }
0x12a: {  	v2 =	vmul.f32 v2, v3;
	_ =	sdelay $0x1  }
0x12b: {  	[tilespmem:s24+$0xB0] =	vst v2  }
0x12c: {  	v2 =	vld [tilespmem:s12+$0xC0];
	_ =	sdelay $0x1  }
0x12d: {  	v3 =	vbroadcast v1, $0xE;
	_ =	sdelay $0x2  }
0x12e: {  	v2 =	vmul.f32 v2, v3;
	_ =	sdelay $0x1  }
0x12f: {  	[tilespmem:s24+$0xC0] =	vst v2  }
0x130: {  	v2 =	vld [tilespmem:s12+$0xD0];
	_ =	sdelay $0x4  }
0x131: {  	v2 =	vmul.f32 v2, v3;
	_ =	sdelay $0x1  }
0x132: {  	[tilespmem:s24+$0xD0] =	vst v2  }
0x133: {  	v2 =	vld [tilespmem:s12+$0xE0];
	_ =	sdelay $0x1  }
0x134: {  	v1 =	vbroadcast v1, $0xF;
	_ =	sdelay $0x2  }
0x135: {  	v2 =	vmul.f32 v2, v1;
	_ =	sdelay $0x1  }
0x136: {  	[tilespmem:s24+$0xE0] =	vst v2  }
0x137: {  	v2 =	vld [tilespmem:s12+$0xF0]  }
.Ltmp0:
0x138: {  	(pc) =	sbr.rel @p1 .LBB2_4-.Ltmp0, $2  }
0x139: {  	_ =	sdelay $0x2  }
0x13a: {  	v1 =	vmul.f32 v2, v1  }
0x13b: {  	s0 =	sand.u32 $0x3FFFFF00, s9  }
0x13c: {  	p1 =	seq.s32 s3, $0x9;
	[tilespmem:s10+$0xF0] =	vst v1;
	s0 =	sadd.s32 $0xA00, s0  }
0x13d: {  	[spmem:s1] =	stream.indirect.scatter.add.f32 [tilespmem:s28], [sflag:$0x3], $0x20, s0, s18, $0xb8;
	[tilespmem:$0x1E610] =	vst v63  }
0x13e: {  	s0 =	sshll.u32 @!p1 s31, $0x7  }
0x13f: {  	s9 =	sadd.s32 @!p1 $0x100, s0  }
0x140: {  	s12 =	simm.s32 @!p1 $0x80;
	s14 =	simm.s32 @!p1 $0x1400;
	s10 =	sand.u32 @!p1 $0x3FFFFF80, s9  }
0x141: {  	[tilespmem:s14], [sflag:$0x1] =	stream.indirect.gather @!p1 [hbm4b:s13+s12], $0x20, s10, s12, $0xb8;
	[tilespmem:$0x1E610] =	vst v63  }
0x142: {  	s10 =	simm.s32 @!p1 $0x3400  }
0x143: {  	[tilespmem:s10], [sflag:$0x1] =	stream.indirect.gather @!p1 [hbm4b:s4+s12], $0x1, s9, s12, $0xb8;
	[tilespmem:$0x1E610] =	vst v63  }
0x144: {  	s0 =	sadd.s32 @!p1 $0xB00, s0;
	s9 =	simm.s32 @!p1 $0x3500  }
0x145: {  	[tilespmem:s9], [sflag:$0x1] =	stream.indirect.gather @!p1 [hbm4b:s5+s12], $0x1, s0, s12, $0xb8;
	[tilespmem:$0x1E610] =	vst v63  }
0x146: {  	_ =	swait.ge [sflag:s29], $0x1000  }
0x147: {  	[sflag:s29] =	ssyncset.done $0x0  }
0x148: {  	[sflag:s29] =	ssyncadd.s32 $0xFFFFF000  }
0x149: {  	_ =	swait.ge [sflag:s29], $0x80  }
0x14a: {  	[sflag:s29] =	ssyncset.done $0x0  }
0x14b: {  	[sflag:s29] =	ssyncadd.s32 $0xFFFFFF80  }
0x14c: {  	_ =	swait.ge [sflag:s29], $0x80  }
0x14d: {  	[sflag:s29] =	ssyncset.done $0x0  }
0x14e: {  	s0 =	simm.s32 @!p0 $0x4;
	[sflag:s29] =	ssyncadd.s32 $0xFFFFFF80  }
0x14f: {  	_ =	swait.ge @!p0 [sflag:s0], $0x1000  }
0x150: {  	[sflag:s0] =	ssyncset.done @!p0 $0x0  }
0x151: {  	s31 =	simm.s32 $0x0;
	[sflag:s0] =	ssyncadd.s32 @!p0 $0xFFFFF000  }
0x152: {  	v1 =	vld [tilespmem:s31+$0x3480]  }
0x153: {  	v2 =	vld [tilespmem:s31+$0x3580];
	_ =	sdelay $0x4  }
0x154: {  	v1 =	vadd.f32 v2, v1;
	_ =	sdelay $0x1  }
0x155: {  	v2 =	vmul.f32 $2.000000030e-01, v1  }
0x156: {  	vm0 =	vge.f32 v1, $0.0e+00  }
0x157: {  	v1 =	vsel vm0, v1, v2  }
0x158: {  	v1 =	vsub.f32 v1, v0;
	_ =	sdelay $0x1  }
0x159: {  	v1 =	vmul.f32 $1.442695020e+00, v1;
	_ =	sdelay $0x1  }
0x15a: {  	(erf) = vpow2.f32 v1;
	_ =	sdelay $0x5  }
0x15b: {  	s9 =	simm.s32 $0x25F0  }
0x15c: {  	v1 =	vld [tilespmem:s9+$0xFFFFFE10];
	_ =	sdelay $0x1  }
0x15d: {  	v2 =	vpop (erf)  }
0x15e: {  	v3 =	vbroadcast v2, $0x0;
	_ =	sdelay $0x1  }
0x15f: {  	v1 =	vmul.f32 v3, v1  }
0x160: {  	s12 =	simm.s32 $0x47F0  }
0x161: {  	[tilespmem:s12+$0xFFFFFE10] =	vst v1  }
0x162: {  	v1 =	vld [tilespmem:s9+$0xFFFFFE20];
	_ =	sdelay $0x4  }
0x163: {  	v1 =	vmul.f32 v3, v1;
	_ =	sdelay $0x1  }
0x164: {  	[tilespmem:s12+$0xFFFFFE20] =	vst v1  }
0x165: {  	v1 =	vld [tilespmem:s9+$0xFFFFFE30];
	_ =	sdelay $0x2  }
0x166: {  	v3 =	vbroadcast v2, $0x1;
	_ =	sdelay $0x1  }
0x167: {  	v1 =	vmul.f32 v3, v1;
	_ =	sdelay $0x1  }
0x168: {  	[tilespmem:s12+$0xFFFFFE30] =	vst v1  }
0x169: {  	v1 =	vld [tilespmem:s9+$0xFFFFFE40];
	_ =	sdelay $0x4  }
0x16a: {  	v1 =	vmul.f32 v1, v3;
	_ =	sdelay $0x1  }
0x16b: {  	[tilespmem:s12+$0xFFFFFE40] =	vst v1  }
0x16c: {  	v1 =	vld [tilespmem:s9+$0xFFFFFE50];
	_ =	sdelay $0x2  }
0x16d: {  	v3 =	vbroadcast v2, $0x2;
	_ =	sdelay $0x1  }
0x16e: {  	v1 =	vmul.f32 v1, v3;
	_ =	sdelay $0x1  }
0x16f: {  	[tilespmem:s12+$0xFFFFFE50] =	vst v1  }
0x170: {  	v1 =	vld [tilespmem:s9+$0xFFFFFE60];
	_ =	sdelay $0x4  }
0x171: {  	v1 =	vmul.f32 v1, v3;
	_ =	sdelay $0x1  }
0x172: {  	[tilespmem:s12+$0xFFFFFE60] =	vst v1  }
0x173: {  	v1 =	vld [tilespmem:s9+$0xFFFFFE70];
	_ =	sdelay $0x2  }
0x174: {  	v3 =	vbroadcast v2, $0x3;
	_ =	sdelay $0x1  }
0x175: {  	v1 =	vmul.f32 v1, v3;
	_ =	sdelay $0x1  }
0x176: {  	[tilespmem:s12+$0xFFFFFE70] =	vst v1  }
0x177: {  	v1 =	vld [tilespmem:s9+$0xFFFFFE80];
	_ =	sdelay $0x4  }
0x178: {  	v1 =	vmul.f32 v1, v3;
	_ =	sdelay $0x1  }
0x179: {  	[tilespmem:s12+$0xFFFFFE80] =	vst v1  }
0x17a: {  	v1 =	vld [tilespmem:s9+$0xFFFFFE90];
	_ =	sdelay $0x2  }
0x17b: {  	v3 =	vbroadcast v2, $0x4;
	_ =	sdelay $0x1  }
0x17c: {  	v1 =	vmul.f32 v1, v3;
	_ =	sdelay $0x1  }
0x17d: {  	[tilespmem:s12+$0xFFFFFE90] =	vst v1  }
0x17e: {  	v1 =	vld [tilespmem:s9+$0xFFFFFEA0];
	_ =	sdelay $0x4  }
0x17f: {  	v1 =	vmul.f32 v1, v3;
	_ =	sdelay $0x1  }
0x180: {  	[tilespmem:s12+$0xFFFFFEA0] =	vst v1  }
0x181: {  	v1 =	vld [tilespmem:s9+$0xFFFFFEB0];
	_ =	sdelay $0x2  }
0x182: {  	v3 =	vbroadcast v2, $0x5;
	_ =	sdelay $0x1  }
0x183: {  	v1 =	vmul.f32 v1, v3;
	_ =	sdelay $0x1  }
0x184: {  	[tilespmem:s12+$0xFFFFFEB0] =	vst v1  }
0x185: {  	v1 =	vld [tilespmem:s9+$0xFFFFFEC0];
	_ =	sdelay $0x4  }
0x186: {  	v1 =	vmul.f32 v1, v3;
	_ =	sdelay $0x1  }
0x187: {  	[tilespmem:s12+$0xFFFFFEC0] =	vst v1  }
0x188: {  	v1 =	vld [tilespmem:s9+$0xFFFFFED0];
	_ =	sdelay $0x2  }
0x189: {  	v3 =	vbroadcast v2, $0x6;
	_ =	sdelay $0x1  }
0x18a: {  	v1 =	vmul.f32 v1, v3;
	_ =	sdelay $0x1  }
0x18b: {  	[tilespmem:s12+$0xFFFFFED0] =	vst v1  }
0x18c: {  	v1 =	vld [tilespmem:s9+$0xFFFFFEE0];
	_ =	sdelay $0x4  }
0x18d: {  	v1 =	vmul.f32 v1, v3;
	_ =	sdelay $0x1  }
0x18e: {  	[tilespmem:s12+$0xFFFFFEE0] =	vst v1  }
0x18f: {  	v1 =	vld [tilespmem:s9+$0xFFFFFEF0];
	_ =	sdelay $0x2  }
0x190: {  	v3 =	vbroadcast v2, $0x7;
	_ =	sdelay $0x1  }
0x191: {  	v1 =	vmul.f32 v1, v3;
	_ =	sdelay $0x1  }
0x192: {  	[tilespmem:s12+$0xFFFFFEF0] =	vst v1  }
0x193: {  	v1 =	vld [tilespmem:s9+$0xFFFFFF00];
	_ =	sdelay $0x4  }
0x194: {  	v1 =	vmul.f32 v1, v3;
	_ =	sdelay $0x1  }
0x195: {  	[tilespmem:s12+$0xFFFFFF00] =	vst v1  }
0x196: {  	v1 =	vld [tilespmem:s9+$0xFFFFFF10];
	_ =	sdelay $0x2  }
0x197: {  	v3 =	vbroadcast v2, $0x8;
	_ =	sdelay $0x1  }
0x198: {  	v1 =	vmul.f32 v1, v3;
	_ =	sdelay $0x1  }
0x199: {  	[tilespmem:s12+$0xFFFFFF10] =	vst v1  }
0x19a: {  	v1 =	vld [tilespmem:s9+$0xFFFFFF20];
	_ =	sdelay $0x4  }
0x19b: {  	v1 =	vmul.f32 v1, v3;
	_ =	sdelay $0x1  }
0x19c: {  	[tilespmem:s12+$0xFFFFFF20] =	vst v1  }
0x19d: {  	v1 =	vld [tilespmem:s9+$0xFFFFFF30];
	_ =	sdelay $0x2  }
0x19e: {  	v3 =	vbroadcast v2, $0x9;
	_ =	sdelay $0x1  }
0x19f: {  	v1 =	vmul.f32 v1, v3;
	_ =	sdelay $0x1  }
0x1a0: {  	[tilespmem:s12+$0xFFFFFF30] =	vst v1  }
0x1a1: {  	v1 =	vld [tilespmem:s9+$0xFFFFFF40];
	_ =	sdelay $0x4  }
0x1a2: {  	v1 =	vmul.f32 v1, v3;
	_ =	sdelay $0x1  }
0x1a3: {  	[tilespmem:s12+$0xFFFFFF40] =	vst v1  }
0x1a4: {  	v1 =	vld [tilespmem:s9+$0xFFFFFF50];
	_ =	sdelay $0x2  }
0x1a5: {  	v3 =	vbroadcast v2, $0xA;
	_ =	sdelay $0x1  }
0x1a6: {  	v1 =	vmul.f32 v1, v3;
	_ =	sdelay $0x1  }
0x1a7: {  	[tilespmem:s12+$0xFFFFFF50] =	vst v1  }
0x1a8: {  	v1 =	vld [tilespmem:s9+$0xFFFFFF60];
	_ =	sdelay $0x4  }
0x1a9: {  	v1 =	vmul.f32 v1, v3;
	_ =	sdelay $0x1  }
0x1aa: {  	[tilespmem:s12+$0xFFFFFF60] =	vst v1  }
0x1ab: {  	v1 =	vld [tilespmem:s9+$0xFFFFFF70];
	_ =	sdelay $0x2  }
0x1ac: {  	v3 =	vbroadcast v2, $0xB;
	_ =	sdelay $0x1  }
0x1ad: {  	v1 =	vmul.f32 v1, v3;
	_ =	sdelay $0x1  }
0x1ae: {  	[tilespmem:s12+$0xFFFFFF70] =	vst v1  }
0x1af: {  	v1 =	vld [tilespmem:s9+$0xFFFFFF80];
	_ =	sdelay $0x4  }
0x1b0: {  	v1 =	vmul.f32 v1, v3;
	_ =	sdelay $0x1  }
0x1b1: {  	[tilespmem:s12+$0xFFFFFF80] =	vst v1  }
0x1b2: {  	v1 =	vld [tilespmem:s9+$0xFFFFFF90];
	_ =	sdelay $0x2  }
0x1b3: {  	v3 =	vbroadcast v2, $0xC;
	_ =	sdelay $0x1  }
0x1b4: {  	v1 =	vmul.f32 v1, v3;
	_ =	sdelay $0x1  }
0x1b5: {  	[tilespmem:s12+$0xFFFFFF90] =	vst v1  }
0x1b6: {  	v1 =	vld [tilespmem:s9+$0xFFFFFFA0];
	_ =	sdelay $0x4  }
0x1b7: {  	v1 =	vmul.f32 v1, v3;
	_ =	sdelay $0x1  }
0x1b8: {  	[tilespmem:s12+$0xFFFFFFA0] =	vst v1  }
0x1b9: {  	v1 =	vld [tilespmem:s9+$0xFFFFFFB0];
	_ =	sdelay $0x2  }
0x1ba: {  	v3 =	vbroadcast v2, $0xD;
	_ =	sdelay $0x1  }
0x1bb: {  	v1 =	vmul.f32 v1, v3;
	_ =	sdelay $0x1  }
0x1bc: {  	[tilespmem:s12+$0xFFFFFFB0] =	vst v1  }
0x1bd: {  	v1 =	vld [tilespmem:s9+$0xFFFFFFC0];
	_ =	sdelay $0x4  }
0x1be: {  	v1 =	vmul.f32 v1, v3;
	_ =	sdelay $0x1  }
0x1bf: {  	[tilespmem:s12+$0xFFFFFFC0] =	vst v1  }
0x1c0: {  	v1 =	vld [tilespmem:s9+$0xFFFFFFD0];
	_ =	sdelay $0x2  }
0x1c1: {  	v3 =	vbroadcast v2, $0xE;
	_ =	sdelay $0x1  }
0x1c2: {  	v1 =	vmul.f32 v1, v3;
	_ =	sdelay $0x1  }
0x1c3: {  	[tilespmem:s12+$0xFFFFFFD0] =	vst v1  }
0x1c4: {  	v1 =	vld [tilespmem:s9+$0xFFFFFFE0];
	_ =	sdelay $0x4  }
0x1c5: {  	v1 =	vmul.f32 v1, v3;
	_ =	sdelay $0x1  }
0x1c6: {  	[tilespmem:s12+$0xFFFFFFE0] =	vst v1  }
0x1c7: {  	v1 =	vld [tilespmem:s9+$0xFFFFFFF0];
	_ =	sdelay $0x2  }
0x1c8: {  	v2 =	vbroadcast v2, $0xF;
	_ =	sdelay $0x1  }
0x1c9: {  	v1 =	vmul.f32 v1, v2;
	_ =	sdelay $0x1  }
0x1ca: {  	[tilespmem:s12+$0xFFFFFFF0] =	vst v1  }
0x1cb: {  	v1 =	vld [tilespmem:s9+$0x0];
	_ =	sdelay $0x4  }
0x1cc: {  	s10 =	simm.s32 $0x47F0;
	s0 =	simm.s32 $0x40;
	v1 =	vmul.f32 v1, v2  }
.LBB2_6:
0x1cd: {  	p0 =	sne.s32 s0, $0x1C0;
	s9 =	sadd.s32 $0x200, s9;
	s12 =	sadd.s32 $0x200, s12  }
0x1ce: {  	s14 =	sshra.s32 s0, $0x2;
	s0 =	sadd.s32 $0x40, s0;
	[tilespmem:s10+$0x0] =	vst v1;
	s10 =	smov.u32 s12  }
0x1cf: {  	v1 =	vld [tilespmem:s14+$0x3480]  }
0x1d0: {  	v2 =	vld [tilespmem:s14+$0x3580];
	_ =	sdelay $0x4  }
0x1d1: {  	v1 =	vadd.f32 v2, v1;
	_ =	sdelay $0x1  }
0x1d2: {  	vm0 =	vge.f32 v1, $0.0e+00;
	v2 =	vmul.f32 $2.000000030e-01, v1;
	_ =	sdelay $0x1  }
0x1d3: {  	v1 =	vsel vm0, v1, v2  }
0x1d4: {  	v1 =	vsub.f32 v1, v0;
	_ =	sdelay $0x1  }
0x1d5: {  	v1 =	vmul.f32 $1.442695020e+00, v1;
	_ =	sdelay $0x1  }
0x1d6: {  	(erf) = vpow2.f32 v1;
	_ =	sdelay $0x5  }
0x1d7: {  	v2 =	vld [tilespmem:s9+$0xFFFFFE10];
	_ =	sdelay $0x2  }
0x1d8: {  	v1 =	vpop (erf)  }
0x1d9: {  	v3 =	vbroadcast v1, $0x0;
	_ =	sdelay $0x1  }
0x1da: {  	v2 =	vmul.f32 v3, v2;
	_ =	sdelay $0x1  }
0x1db: {  	[tilespmem:s12+$0xFFFFFE10] =	vst v2  }
0x1dc: {  	v2 =	vld [tilespmem:s9+$0xFFFFFE20];
	_ =	sdelay $0x4  }
0x1dd: {  	v2 =	vmul.f32 v3, v2;
	_ =	sdelay $0x1  }
0x1de: {  	[tilespmem:s12+$0xFFFFFE20] =	vst v2  }
0x1df: {  	v2 =	vld [tilespmem:s9+$0xFFFFFE30];
	_ =	sdelay $0x1  }
0x1e0: {  	v3 =	vbroadcast v1, $0x1;
	_ =	sdelay $0x2  }
0x1e1: {  	v2 =	vmul.f32 v3, v2;
	_ =	sdelay $0x1  }
0x1e2: {  	[tilespmem:s12+$0xFFFFFE30] =	vst v2  }
0x1e3: {  	v2 =	vld [tilespmem:s9+$0xFFFFFE40];
	_ =	sdelay $0x4  }
0x1e4: {  	v2 =	vmul.f32 v2, v3;
	_ =	sdelay $0x1  }
0x1e5: {  	[tilespmem:s12+$0xFFFFFE40] =	vst v2  }
0x1e6: {  	v2 =	vld [tilespmem:s9+$0xFFFFFE50];
	_ =	sdelay $0x1  }
0x1e7: {  	v3 =	vbroadcast v1, $0x2;
	_ =	sdelay $0x2  }
0x1e8: {  	v2 =	vmul.f32 v2, v3;
	_ =	sdelay $0x1  }
0x1e9: {  	[tilespmem:s12+$0xFFFFFE50] =	vst v2  }
0x1ea: {  	v2 =	vld [tilespmem:s9+$0xFFFFFE60];
	_ =	sdelay $0x4  }
0x1eb: {  	v2 =	vmul.f32 v2, v3;
	_ =	sdelay $0x1  }
0x1ec: {  	[tilespmem:s12+$0xFFFFFE60] =	vst v2  }
0x1ed: {  	v2 =	vld [tilespmem:s9+$0xFFFFFE70];
	_ =	sdelay $0x1  }
0x1ee: {  	v3 =	vbroadcast v1, $0x3;
	_ =	sdelay $0x2  }
0x1ef: {  	v2 =	vmul.f32 v2, v3;
	_ =	sdelay $0x1  }
0x1f0: {  	[tilespmem:s12+$0xFFFFFE70] =	vst v2  }
0x1f1: {  	v2 =	vld [tilespmem:s9+$0xFFFFFE80];
	_ =	sdelay $0x4  }
0x1f2: {  	v2 =	vmul.f32 v2, v3;
	_ =	sdelay $0x1  }
0x1f3: {  	[tilespmem:s12+$0xFFFFFE80] =	vst v2  }
0x1f4: {  	v2 =	vld [tilespmem:s9+$0xFFFFFE90];
	_ =	sdelay $0x1  }
0x1f5: {  	v3 =	vbroadcast v1, $0x4;
	_ =	sdelay $0x2  }
0x1f6: {  	v2 =	vmul.f32 v2, v3;
	_ =	sdelay $0x1  }
0x1f7: {  	[tilespmem:s12+$0xFFFFFE90] =	vst v2  }
0x1f8: {  	v2 =	vld [tilespmem:s9+$0xFFFFFEA0];
	_ =	sdelay $0x4  }
0x1f9: {  	v2 =	vmul.f32 v2, v3;
	_ =	sdelay $0x1  }
0x1fa: {  	[tilespmem:s12+$0xFFFFFEA0] =	vst v2  }
0x1fb: {  	v2 =	vld [tilespmem:s9+$0xFFFFFEB0];
	_ =	sdelay $0x1  }
0x1fc: {  	v3 =	vbroadcast v1, $0x5;
	_ =	sdelay $0x2  }
0x1fd: {  	v2 =	vmul.f32 v2, v3;
	_ =	sdelay $0x1  }
0x1fe: {  	[tilespmem:s12+$0xFFFFFEB0] =	vst v2  }
0x1ff: {  	v2 =	vld [tilespmem:s9+$0xFFFFFEC0];
	_ =	sdelay $0x4  }
0x200: {  	v2 =	vmul.f32 v2, v3;
	_ =	sdelay $0x1  }
0x201: {  	[tilespmem:s12+$0xFFFFFEC0] =	vst v2  }
0x202: {  	v2 =	vld [tilespmem:s9+$0xFFFFFED0];
	_ =	sdelay $0x1  }
0x203: {  	v3 =	vbroadcast v1, $0x6;
	_ =	sdelay $0x2  }
0x204: {  	v2 =	vmul.f32 v2, v3;
	_ =	sdelay $0x1  }
0x205: {  	[tilespmem:s12+$0xFFFFFED0] =	vst v2  }
0x206: {  	v2 =	vld [tilespmem:s9+$0xFFFFFEE0];
	_ =	sdelay $0x4  }
0x207: {  	v2 =	vmul.f32 v2, v3;
	_ =	sdelay $0x1  }
0x208: {  	[tilespmem:s12+$0xFFFFFEE0] =	vst v2  }
0x209: {  	v2 =	vld [tilespmem:s9+$0xFFFFFEF0];
	_ =	sdelay $0x1  }
0x20a: {  	v3 =	vbroadcast v1, $0x7;
	_ =	sdelay $0x2  }
0x20b: {  	v2 =	vmul.f32 v2, v3;
	_ =	sdelay $0x1  }
0x20c: {  	[tilespmem:s12+$0xFFFFFEF0] =	vst v2  }
0x20d: {  	v2 =	vld [tilespmem:s9+$0xFFFFFF00];
	_ =	sdelay $0x4  }
0x20e: {  	v2 =	vmul.f32 v2, v3;
	_ =	sdelay $0x1  }
0x20f: {  	[tilespmem:s12+$0xFFFFFF00] =	vst v2  }
0x210: {  	v2 =	vld [tilespmem:s9+$0xFFFFFF10];
	_ =	sdelay $0x1  }
0x211: {  	v3 =	vbroadcast v1, $0x8;
	_ =	sdelay $0x2  }
0x212: {  	v2 =	vmul.f32 v2, v3;
	_ =	sdelay $0x1  }
0x213: {  	[tilespmem:s12+$0xFFFFFF10] =	vst v2  }
0x214: {  	v2 =	vld [tilespmem:s9+$0xFFFFFF20];
	_ =	sdelay $0x4  }
0x215: {  	v2 =	vmul.f32 v2, v3;
	_ =	sdelay $0x1  }
0x216: {  	[tilespmem:s12+$0xFFFFFF20] =	vst v2  }
0x217: {  	v2 =	vld [tilespmem:s9+$0xFFFFFF30];
	_ =	sdelay $0x1  }
0x218: {  	v3 =	vbroadcast v1, $0x9;
	_ =	sdelay $0x2  }
0x219: {  	v2 =	vmul.f32 v2, v3;
	_ =	sdelay $0x1  }
0x21a: {  	[tilespmem:s12+$0xFFFFFF30] =	vst v2  }
0x21b: {  	v2 =	vld [tilespmem:s9+$0xFFFFFF40];
	_ =	sdelay $0x4  }
0x21c: {  	v2 =	vmul.f32 v2, v3;
	_ =	sdelay $0x1  }
0x21d: {  	[tilespmem:s12+$0xFFFFFF40] =	vst v2  }
0x21e: {  	v2 =	vld [tilespmem:s9+$0xFFFFFF50];
	_ =	sdelay $0x1  }
0x21f: {  	v3 =	vbroadcast v1, $0xA;
	_ =	sdelay $0x2  }
0x220: {  	v2 =	vmul.f32 v2, v3;
	_ =	sdelay $0x1  }
0x221: {  	[tilespmem:s12+$0xFFFFFF50] =	vst v2  }
0x222: {  	v2 =	vld [tilespmem:s9+$0xFFFFFF60];
	_ =	sdelay $0x4  }
0x223: {  	v2 =	vmul.f32 v2, v3;
	_ =	sdelay $0x1  }
0x224: {  	[tilespmem:s12+$0xFFFFFF60] =	vst v2  }
0x225: {  	v2 =	vld [tilespmem:s9+$0xFFFFFF70];
	_ =	sdelay $0x1  }
0x226: {  	v3 =	vbroadcast v1, $0xB;
	_ =	sdelay $0x2  }
0x227: {  	v2 =	vmul.f32 v2, v3;
	_ =	sdelay $0x1  }
0x228: {  	[tilespmem:s12+$0xFFFFFF70] =	vst v2  }
0x229: {  	v2 =	vld [tilespmem:s9+$0xFFFFFF80];
	_ =	sdelay $0x4  }
0x22a: {  	v2 =	vmul.f32 v2, v3;
	_ =	sdelay $0x1  }
0x22b: {  	[tilespmem:s12+$0xFFFFFF80] =	vst v2  }
0x22c: {  	v2 =	vld [tilespmem:s9+$0xFFFFFF90];
	_ =	sdelay $0x1  }
0x22d: {  	v3 =	vbroadcast v1, $0xC;
	_ =	sdelay $0x2  }
0x22e: {  	v2 =	vmul.f32 v2, v3;
	_ =	sdelay $0x1  }
0x22f: {  	[tilespmem:s12+$0xFFFFFF90] =	vst v2  }
0x230: {  	v2 =	vld [tilespmem:s9+$0xFFFFFFA0];
	_ =	sdelay $0x4  }
0x231: {  	v2 =	vmul.f32 v2, v3;
	_ =	sdelay $0x1  }
0x232: {  	[tilespmem:s12+$0xFFFFFFA0] =	vst v2  }
0x233: {  	v2 =	vld [tilespmem:s9+$0xFFFFFFB0];
	_ =	sdelay $0x1  }
0x234: {  	v3 =	vbroadcast v1, $0xD;
	_ =	sdelay $0x2  }
0x235: {  	v2 =	vmul.f32 v2, v3;
	_ =	sdelay $0x1  }
0x236: {  	[tilespmem:s12+$0xFFFFFFB0] =	vst v2  }
0x237: {  	v2 =	vld [tilespmem:s9+$0xFFFFFFC0];
	_ =	sdelay $0x4  }
0x238: {  	v2 =	vmul.f32 v2, v3;
	_ =	sdelay $0x1  }
0x239: {  	[tilespmem:s12+$0xFFFFFFC0] =	vst v2  }
0x23a: {  	v2 =	vld [tilespmem:s9+$0xFFFFFFD0];
	_ =	sdelay $0x1  }
0x23b: {  	v3 =	vbroadcast v1, $0xE;
	_ =	sdelay $0x2  }
0x23c: {  	v2 =	vmul.f32 v2, v3;
	_ =	sdelay $0x1  }
0x23d: {  	[tilespmem:s12+$0xFFFFFFD0] =	vst v2  }
0x23e: {  	v2 =	vld [tilespmem:s9+$0xFFFFFFE0];
	_ =	sdelay $0x4  }
0x23f: {  	v2 =	vmul.f32 v2, v3;
	_ =	sdelay $0x1  }
0x240: {  	[tilespmem:s12+$0xFFFFFFE0] =	vst v2  }
0x241: {  	v2 =	vld [tilespmem:s9+$0xFFFFFFF0];
	_ =	sdelay $0x1  }
0x242: {  	v1 =	vbroadcast v1, $0xF;
	_ =	sdelay $0x2  }
0x243: {  	v2 =	vmul.f32 v2, v1;
	_ =	sdelay $0x1  }
0x244: {  	[tilespmem:s12+$0xFFFFFFF0] =	vst v2  }
0x245: {  	v2 =	vld [tilespmem:s9+$0x0]  }
.Ltmp1:
0x246: {  	(pc) =	sbr.rel @p0 .LBB2_6-.Ltmp1, $2  }
0x247: {  	_ =	sdelay $0x2  }
0x248: {  	v1 =	vmul.f32 v2, v1  }
0x249: {  	s3 =	sadd.s32 $0x1, s3  }
0x24a: {  	p0 =	sne.s32 s3, $0xA  }
.Ltmp2:
0x24b: {  	_ = 	snop;
	(pc) =	sbr.rel @p0 .LBB2_3-.Ltmp2, $3  }
0x24c: {  	_ =	sdelay $0x1  }
0x24d: {  	[tilespmem:s10+$0x0] =	vst v1  }
0x24e: {  	[spmem:s1] =	stream.indirect.scatter.add.f32 [tilespmem:s30], [sflag:$0x4], $0x20, s8, s18, $0xb8;
	[tilespmem:$0x1E610] =	vst v63  }
0x24f: {  	s16 =	sadd.s32 $0x1, s16  }
0x250: {  	p0 =	sne.s32 s16, $0x14  }
.Ltmp3:
0x251: {  	_ = 	snop;
	(pc) =	sbr.rel @p0 .LBB2_2-.Ltmp3, $1  }
0x252: {  	_ =	sdelay $0x3  }
0x253: {  	s0 =	simm.s32 $0x3  }
0x254: {  	_ =	swait.ge [sflag:s0], $0x1000  }
0x255: {  	[sflag:s0] =	ssyncset.done $0x0  }
0x256: {  	s16 =	simm.s32 $0x4;
	[sflag:s0] =	ssyncadd.s32 $0xFFFFF000  }
0x257: {  	_ =	swait.ge [sflag:s16], $0x1000  }
0x258: {  	[sflag:s16] =	ssyncset.done $0x0  }
0x259: {  	[sflag:s16] =	ssyncadd.s32 $0xFFFFF000  }
0x25a: {  	[bflag:$0x0] =	sbarrier.arrive $0xFFFF  }
0x25b: {  	s14 =	rddreg [dreg:$0x6]  }
0x25c: {  	s3 =	rddreg [dreg:$0x8]  }
0x25d: {  	s24 =	rddreg [dreg:$0x9]  }
0x25e: {  	[hbm:s24], [sflag:s14] =	dma.local [spmem:s3], $0x1900  }
0x25f: {  	_ =	swait.ge [sflag:s15], $0x1900  }
0x260: {  	s2 =	sadd.s32 $0x1, s2;
	s31 =	rddreg [dreg:$0x7]  }
0x261: {  	p0 =	sne.s32 s2, s31  }
.Ltmp4:
0x262: {  	_ = 	snop;
	(pc) =	sbr.rel @p0 .LBB2_1-.Ltmp4, $3  }
0x263: {  	_ =	sdelay $0x1  }
0x264: {  	[sflag:s15] =	ssyncset.done $0x0  }
0x265: {  	[sflag:s15] =	ssyncadd.s32 $0xFFFFE700  }
0x266: {  	_ =	sfence.sel $0x180000  }
0x267: {  	[bflag:$0x0] =	sbarrier.arrive $0xFFFF  }
0x268: {  	_ =	strace $0x9000004A  }
0x269: {  	s0 =	stileid.u32;
	[bflag:$0x2] =	sbarrier.arrive $0xFFFF  }
0x26a: {  	p0 =	sne.s32 s0, $0x0;
	s0 =	rddreg [dreg:$0x3]  }
0x26b: {  	s0 =	sadd.s32 @!p0 $0x100000, s0  }
0x26c: {  	[sflag:s0] =	ssyncadd.tile.s32 @!p0 $0x1;
	_ =	shalt  }
.Lfunc_end2:
_tile_overlayer_lowered:
.L_overlay_start_2:
0x26d: {  	(tag) =	ssettag $0x2  }
0x26e: {  	s0 =	rddreg [dreg:$0x0];
	s2 =	stileid.u32  }
0x26f: {  	s1 =	rddreg [dreg:$0x1];
	p0 =	sne.s32 s2, $0x0  }
0x270: {  	s3 =	rddreg [dreg:$0x2];
	[bflag:$0x3] =	sbarrier.arrive $0xFFFF;
	s2 =	simm.s32 @!p0 $0x1C05  }
0x271: {  	[timem:s3], [sflag:s2] =	dma.local @!p0 [hbm:s0], s1  }
0x272: {  	s0 =	simm.s32 @!p0 $0x5  }
0x273: {  	_ =	swait.ge @!p0 [sflag:s0], s1  }
0x274: {  	s1 =	ssub.s32 @!p0 $0x0, s1;
	[sflag:s0] =	ssyncset.done @!p0 $0x0  }
0x275: {  	[sflag:s0] =	ssyncadd.s32 @!p0 s1  }
0x276: {  	[bflag:$0x3] =	sbarrier.arrive $0xFFFF  }
0x277: {  	_ =	shalt  }

// kernel: kernel.7.cloned.1.call-start
scs
__scs_entry_jumppad:
0x0: {  	(pc) =	sbr.rel $0x88, $3  }
0x1: {  	(tag) =	ssettag $0x0;
	lr =	simm.s32 $0x1  }
0x2: {  	[smem:$0x3F91] =	sst lr;
	_ =	strace $0xD0000000  }
0x3: {  	_ = 	snop  }
0x4: {  	_ = 	snop  }
0x5: {  	_ = 	snop  }
0x6: {  	_ = 	snop  }
0x7: {  	_ = 	snop  }
__scs_overlays_trampoline_lowered:
0x8: {  	[smem:$0x3FA0] =	sst s0  }
0x9: {  	[smem:$0x3FA1] =	sst s1  }
0xa: {  	[smem:$0x3FA2] =	sst s2  }
0xb: {  	[smem:$0x3FA3] =	sst s3  }
0xc: {  	[smem:$0x3FA4] =	sst s4  }
0xd: {  	[smem:$0x3FA5] =	sst s5  }
0xe: {  	[smem:$0x3FA6] =	sst s6  }
0xf: {  	[smem:$0x3FA7] =	sst s7  }
0x10: {  	[smem:$0x3FA8] =	sst s8  }
0x11: {  	[smem:$0x3FA9] =	sst s9;
	s0 =	simm.s32 @!p0 $0x0  }
0x12: {  	s1 =	sld [smem:$0x3F8F];
	s0 =	simm.s32 @p0 $0x1  }
0x13: {  	[smem:$0x3FAA] =	sst s0;
	s0 =	simm.s32 @!p1 $0x0  }
0x14: {  	s2 =	sld [smem:$0x3F8E];
	s0 =	simm.s32 @p1 $0x1  }
0x15: {  	[smem:$0x3FAB] =	sst s0;
	s0 =	simm.s32 @!p2 $0x0  }
0x16: {  	s3 =	sld [smem:$0x3FDB];
	s0 =	simm.s32 @p2 $0x1  }
0x17: {  	s4 =	simm.s32 $0x1BF5;
	[smem:$0x3FAD] =	sst s0  }
0x18: {  	s0 =	sld [smem:$0x3F90];
	_ =	swait.ge [sflag:s4], $0x0  }
0x19: {  	s7 =	sld [smem:$0x3F91]  }
0x1a: {  	s8 =	sadd.s32 $0xFFFFE003, lr  }
0x1b: {  	s9 =	sadd.s32 $0xFFFFFEF7, lr;
	s5 =	simm.s32 $0xFFFFFFFF;
	p2 =	slt.u32 s8, $0xFFFFF086  }
0x1c: {  	p1 =	slt.u32 s9, $0xF7A;
	s5 =	simm.s32 @!p2 $0x0  }
0x1d: {  	s5 =	simm.s32 @p1 $0x1;
	p0 =	seq.s32 s7, s2  }
0x1e: {  	s7 =	smul.u32 @!p0 $0xF7A, s2;
	p2 =	seq.s32 @!p0 s5, $0x0  }
0x1f: {  	s9 =	smul.u32 $0xF7A, s1;
	s8 =	simm.s32 @!p0 $0x1BF5;
	p2 =	por !p2, p0  }
0x20: {  	[sflag:s8] =	ssyncset.s32 @!p0 $0xFFFFF086;
	s6 =	sadd.s32 @!p0 s3, s7;
	s7 =	simm.s32 @!p0 $0x108  }
0x21: {  	s3 =	sadd.s32 s3, s9;
	s6 =	sadd.s32 @!p0 $0x88, s6;
	s7 =	simm.s32 @p2 $0x1082  }
0x22: {  	[simem:s7], [sflag:s8] =	dma.local @!p0 [hbm:s6], $0xF7A  }
0x23: {  	s9 =	sor.u32 $0xD0000000, s2;
	s6 =	simm.s32 $0x108;
	_ =	swait.ge @!p0 [sflag:s8], $0x0  }
0x24: {  	s3 =	sadd.s32 $0x88, s3;
	s6 =	simm.s32 @!p1 $0x1082;
	[sflag:s4] =	ssyncset.s32 $0xFFFFF086  }
0x25: {  	[simem:s6], [sflag:s4] =	dma.local [hbm:s3], $0xF7A  }
0x26: {  	[smem:$0x3F91] =	sst s1;
	(tag) =	ssettag s2;
	_ =	strace s9  }
0x27: {  	s1 =	sld [smem:$0x3FA1]  }
0x28: {  	s2 =	sld [smem:$0x3FA2]  }
0x29: {  	s4 =	sld [smem:$0x3FA4]  }
0x2a: {  	p0 =	seq.s32 s5, $0x0;
	s5 =	sld [smem:$0x3FA5]  }
0x2b: {  	s6 =	sld [smem:$0x3FA6]  }
0x2c: {  	s7 =	sld [smem:$0x3FA7]  }
0x2d: {  	s3 =	simm.s32 $0x108;
	s8 =	sld [smem:$0x3FA8]  }
0x2e: {  	s3 =	simm.s32 @!p0 $0x1082;
	s9 =	sld [smem:$0x3FA9]  }
0x2f: {  	lr =	sadd.s32 s0, s3;
	s0 =	sld [smem:$0x3FA0]  }
0x30: {  	s3 =	sld [smem:$0x3FA3]  }
0x31: {  	[smem:$0x3FAC] =	sst s10  }
0x32: {  	s10 =	sld [smem:$0x3FAA];
	_ =	sdelay $0x3  }
0x33: {  	p0 =	seq.s32 s10, $0x1;
	s10 =	sld [smem:$0x3FAC];
	_ =	sdelay $0x3  }
0x34: {  	[smem:$0x3FAC] =	sst s10  }
0x35: {  	s10 =	sld [smem:$0x3FAB];
	_ =	sdelay $0x3  }
0x36: {  	p1 =	seq.s32 s10, $0x1;
	s10 =	sld [smem:$0x3FAC];
	_ =	sdelay $0x3  }
0x37: {  	[smem:$0x3FAC] =	sst s10  }
0x38: {  	s10 =	sld [smem:$0x3FAD]  }
0x39: {  	_ = 	snop;
	(pc) =	sbr.ind lr, $3  }
0x3a: {  	_ = 	snop  }
0x3b: {  	_ = 	snop  }
0x3c: {  	p2 =	seq.s32 s10, $0x1;
	s10 =	sld [smem:$0x3FAC]  }
0x3d: {  	_ =	shalt  }
0x3e: {  	_ =	shalt  }
0x3f: {  	_ =	shalt  }
0x40: {  	_ =	shalt  }
0x41: {  	_ =	shalt  }
0x42: {  	_ =	shalt  }
0x43: {  	_ =	shalt  }
0x44: {  	_ =	shalt  }
0x45: {  	_ =	shalt  }
0x46: {  	_ =	shalt  }
0x47: {  	_ =	shalt  }
0x48: {  	_ =	shalt  }
0x49: {  	_ =	shalt  }
0x4a: {  	_ =	shalt  }
0x4b: {  	_ =	shalt  }
0x4c: {  	_ =	shalt  }
0x4d: {  	_ =	shalt  }
0x4e: {  	_ =	shalt  }
0x4f: {  	_ =	shalt  }
0x50: {  	_ =	shalt  }
0x51: {  	_ =	shalt  }
0x52: {  	_ =	shalt  }
0x53: {  	_ =	shalt  }
0x54: {  	_ =	shalt  }
0x55: {  	_ =	shalt  }
0x56: {  	_ =	shalt  }
0x57: {  	_ =	shalt  }
0x58: {  	_ =	shalt  }
0x59: {  	_ =	shalt  }
0x5a: {  	_ =	shalt  }
0x5b: {  	_ =	shalt  }
0x5c: {  	_ =	shalt  }
0x5d: {  	_ =	shalt  }
0x5e: {  	_ =	shalt  }
0x5f: {  	_ =	shalt  }
0x60: {  	_ =	shalt  }
0x61: {  	_ =	shalt  }
0x62: {  	_ =	shalt  }
0x63: {  	_ =	shalt  }
0x64: {  	_ =	shalt  }
0x65: {  	_ =	shalt  }
0x66: {  	_ =	shalt  }
0x67: {  	_ =	shalt  }
0x68: {  	_ =	shalt  }
0x69: {  	_ =	shalt  }
0x6a: {  	_ =	shalt  }
0x6b: {  	_ =	shalt  }
0x6c: {  	_ =	shalt  }
0x6d: {  	_ =	shalt  }
0x6e: {  	_ =	shalt  }
0x6f: {  	_ =	shalt  }
0x70: {  	_ =	shalt  }
0x71: {  	_ =	shalt  }
0x72: {  	_ =	shalt  }
0x73: {  	_ =	shalt  }
0x74: {  	_ =	shalt  }
0x75: {  	_ =	shalt  }
0x76: {  	_ =	shalt  }
0x77: {  	_ =	shalt  }
0x78: {  	_ =	shalt  }
0x79: {  	_ =	shalt  }
0x7a: {  	_ =	shalt  }
0x7b: {  	_ =	shalt  }
0x7c: {  	_ =	shalt  }
0x7d: {  	_ =	shalt  }
0x7e: {  	_ =	shalt  }
0x7f: {  	_ =	shalt  }
0x80: {  	_ =	shalt  }
0x81: {  	_ =	shalt  }
0x82: {  	_ =	shalt  }
0x83: {  	_ =	shalt  }
0x84: {  	_ =	shalt  }
0x85: {  	_ =	shalt  }
0x86: {  	_ =	shalt  }
0x87: {  	_ =	shalt  }
.Lfunc_end0:
.L_simem_size_0:
called_computation_lowered:
.L_overlay_start_0:
0x88: {  	s2 =	sld [smem:$0x3FD9]  }
0x89: {  	s3 =	sld [smem:$0x3FFE];
	_ =	sdelay $0x1  }
0x8a: {  	s1 =	srdreg.scid  }
0x8b: {  	s0 =	sand.u32 $0x1, s1  }
0x8c: {  	s17 =	sshll.u32 s0, $0xA;
	s2 =	sadd.s32 s3, s2  }
0x8d: {  	s2 =	sadd.s32 s2, s17  }
0x8e: {  	[smem:$0x3FB8] =	sst s2  }
0x8f: {  	_ = 	snop  }
0x90: {  	s2 =	sld [smem:$0x3FD0];
	(tm) =	ssettm $0x1  }
0x91: {  	s18 =	sld [smem:$0x3FFB];
	_ =	sdelay $0x3  }
0x92: {  	_ =	strace s18  }
0x93: {  	s3 =	sld [smem:$0x3FFC];
	_ =	sdelay $0x3  }
0x94: {  	_ =	strace s3  }
0x95: {  	s3 =	sld [smem:$0x3FFD];
	_ =	sdelay $0x3  }
0x96: {  	_ =	strace s3  }
0x97: {  	_ =	strace $0x8FFFFFFF  }
0x98: {  	s19 =	sld [smem:$0x3FDB];
	_ =	sdelay $0x1  }
0x99: {  	s4 =	simm.s32 $_scs_section_size  }
0x9a: {  	s5 =	simm.s32 $_size__tile_overlayer_lowered;
	s6 =	simm.s32 $_tile_overlayer_lowered  }
0x9b: {  	s22 =	simm.s32 $0x1BFF;
	s21 =	sshll.u32 s6, $0x1;
	s3 =	sadd.s32 s4, s19  }
0x9c: {  	s7 =	simm.s32 $0x0;
	s20 =	sshll.u32 s5, $0x1;
	s5 =	sadd.s32 s21, s3  }
0x9d: {  	[timem:s7], [sflag:s22] =	dma.local [hbm:s5], s20  }
0x9e: {  	_ =	swait.ge [sflag:s22], s20  }
0x9f: {  	s4 =	ssub.s32 $0x0, s20;
	[sflag:s22] =	ssyncset.done $0x0  }
0xa0: {  	[sflag:s22] =	ssyncadd.s32 s4;
	_ =	sdelay $0x1  }
0xa1: {  	s23 =	simm.s32 $0x1B8B  }
0xa2: {  	_ =	swait.ge [sflag:s23], $0x1  }
0xa3: {  	[sflag:s23] =	ssyncset.done $0x0  }
0xa4: {  	s25 =	simm.s32 $0x1B8E;
	s24 =	sld [smem:$0x3FFE];
	[sflag:s23] =	ssyncadd.s32 $0xFFFFFFFF  }
0xa5: {  	s26 =	simm.s32 $execute0_lowered;
	[smem:$0x3FD2] =	sst s25  }
0xa6: {  	s5 =	sshll.u32 s26, $0x1;
	_ =	strace $0x80000046;
	[dreg:$0x1] =	wrdreg $0xFFFFFFFF  }
0xa7: {  	s28 =	simm.s32 $_size_execute0_lowered;
	s3 =	sadd.s32 s3, s5;
	[dreg:$0x0] =	wrdreg $0x0  }
0xa8: {  	s5 =	sshll.u32 s28, $0x1;
	[dreg:$0x2] =	wrdreg s3  }
0xa9: {  	[dreg:$0x3] =	wrdreg s5  }
0xaa: {  	[dreg:$0x4] =	wrdreg $0xC0  }
0xab: {  	_ =	task [dreg:s7], $0x5FFFF  }
0xac: {  	[dreg:$0x1] =	wrdreg $0xFFFFFFFF  }
0xad: {  	[dreg:$0x0] =	wrdreg $0x60  }
0xae: {  	[dreg:$0x2] =	wrdreg s2  }
0xaf: {  	[dreg:$0x3] =	wrdreg s24  }
0xb0: {  	[dreg:$0x4] =	wrdreg $0xA8100  }
0xb1: {  	[dreg:$0x5] =	wrdreg $0x9  }
0xb2: {  	_ =	task.clear_ibuf [dreg:s7], $0x6FFFF;
	_ =	strace $0x90000046  }
0xb3: {  	s29 =	simm.s32 $0x9;
	_ =	strace $0x80000048  }
0xb4: {  	_ =	swait.ge [sflag:s29], $0x1  }
0xb5: {  	[sflag:s29] =	ssyncadd.s32 $0xFFFFFFFF  }
0xb6: {  	_ =	strace $0x90000048  }
0xb7: {  	_ =	sfence  }
0xb8: {  	s30 =	sld [smem:$0x0];
	_ =	sdelay $0x2  }
0xb9: {  	s31 =	sshll.u32 s1, $0xD;
	s1 =	sshrl.u32 s1, $0x2  }
0xba: {  	s3 =	sand.u32 $0x4000, s31;
	s1 =	sadd.s32 s1, s30  }
0xbb: {  	s0 =	sor.u32 s3, s0;
	s1 =	sshll.u32 s1, $0x11  }
0xbc: {  	s0 =	sor.u32 s1, s0  }
0xbd: {  	s0 =	sadd.s32 $0x8F2B, s0  }
0xbe: {  	[sflag:s0] =	ssyncadd.remote.s32 $0x1  }
0xbf: {  	_ =	sfence.sel $0xFFFF  }
0xc0: {  	[dreg:$0x0] =	wrdreg $0xFFFFFFFF;
	(pc) =	sbr.abs _section_cstart, $3  }
0xc1: {  	[dreg:$0x1] =	wrdreg $0xFFFFFFFF  }
0xc2: {  	_ =	task.clear_ibuf [dreg:s7], $0x2FFFF;
	_ =	strace $0x9FFFFFFF  }
0xc3: {  	(tm) =	ssettm $0x7FFFFFFF  }
tec
execute0_lowered:
.L_overlay_start_1:
0x0: {  	(tag) =	ssettag $0x1  }
0x1: {  	s1 =	rddreg [dreg:$0x0]  }
0x2: {  	s0 =	rddreg [dreg:$0x1]  }
0x3: {  	s3 =	rddreg [dreg:$0x2]  }
0x4: {  	s2 =	simm.s32 $0x0;
	s12 =	stileid.u32;
	s4 =	srdreg.scid  }
0x5: {  	s14 =	simm.s32 $0x5;
	s16 =	simm.s32 $0x1400;
	s17 =	simm.s32 $0x80  }
0x6: {  	s21 =	simm.s32 $0x1480;
	s28 =	simm.s32 $0x8000;
	s29 =	simm.s32 $0x1  }
0x7: {  	s30 =	simm.s32 $0x8800;
	s31 =	simm.s32 $0x9000;
	[smem:$0x7FF] =	sst s2  }
0x8: {  	s22 =	smul.u32 $0x6400, s12;
	s5 =	sadd.s32 $0x200, s0;
	s6 =	sadd.s32 $0x32200, s0  }
0x9: {  	s4 =	sand.u32 $0x1, s4;
	s7 =	sadd.s32 $0x19200, s0;
	s10 =	sadd.s32 $0x4B200, s0  }
0xa: {  	s25 =	sshll.u32 s12, $0x6;
	_ =	strace $0x80000047;
	s9 =	smul.u32 $0x19000, s4  }
0xb: {  	[dreg:$0x4] =	wrdreg s10;
	s11 =	ssub.s32 $0x2, s4;
	s4 =	sshll.u32 s4, $0x4  }
0xc: {  	s8 =	sshrl.u32 s22, $0x3;
	s24 =	sshrl.u32 s11, $0x1;
	s4 =	sor.u32 s12, s4  }
0xd: {  	s2 =	sadd.s32 s22, s3;
	s22 =	simm.s32 $0x7000;
	s12 =	simm.s32 $0x0  }
0xe: {  	s23 =	sadd.s32 s8, s0;
	s0 =	sadd.s32 s9, s0;
	s9 =	ssub.s32 s11, s24  }
0xf: {  	s11 =	smul.u32 $0xC8, s4;
	s4 =	simm.s32 $0xA000;
	s10 =	sadd.s32 $0x4B400, s23  }
0x10: {  	s0 =	sadd.s32 $0x64400, s0;
	s26 =	smax.u32 s9, $0x1;
	[dreg:$0x5] =	wrdreg s10  }
0x11: {  	s9 =	sshrl.u32 s2, $0x3;
	s23 =	simm.s32 $0x4800;
	[dreg:$0x7] =	wrdreg s26  }
0x12: {  	s2 =	simm.s32 $0x9800;
	s0 =	sadd.s32 s8, s0;
	[dreg:$0x8] =	wrdreg s9  }
0x13: {  	s10 =	sor.u32 $0x1C05, s25;
	s25 =	simm.s32 $0x7800;
	[dreg:$0x9] =	wrdreg s0  }
0x14: {  	s26 =	simm.s32 $0x5800;
	s0 =	simm.s32 $0x2;
	[dreg:$0x6] =	wrdreg s10  }
.LBB2_1:
0x15: {  	[dreg:$0xa] =	wrdreg s12  }
0x16: {  	s8 =	rddreg [dreg:$0x5]  }
0x17: {  	[spmem:s9], [sflag:s10] =	dma.local [hbm:s8], $0xC80  }
0x18: {  	_ =	swait.ge [sflag:s14], $0xC80  }
0x19: {  	s19 =	simm.s32 $0x0;
	[sflag:s14] =	ssyncset.done $0x0  }
0x1a: {  	s24 =	simm.s32 $0xA800;
	s20 =	rddreg [dreg:$0x4];
	[sflag:s14] =	ssyncadd.s32 $0xFFFFF380  }
0x1b: {  	[tilespmem:s24], [sflag:$0x5] =	stream.linear.gather [hbm4b:s20+s19], $0x10, $0x38;
	[tilespmem:$0x17010] =	vst v63  }
0x1c: {  	_ =	swait.ge [sflag:s14], $0x10  }
0x1d: {  	[sflag:s14] =	ssyncset.done $0x0  }
0x1e: {  	[sflag:s14] =	ssyncadd.s32 $0xFFFFFFF0  }
0x1f: {  	v0 =	vld [tilespmem:$0xA800];
	_ =	sdelay $0x3  }
0x20: {  	s12 =	simm.s32 $0x0;
	[bflag:$0x0] =	sbarrier.arrive $0xFFFF  }
.LBB2_2:
0x21: {  	s8 =	smul.u32 $0x28, s12;
	_ =	sdelay $0x1  }
0x22: {  	s8 =	sadd.s32 s11, s8  }
0x23: {  	s8 =	sshll.u32 s8, $0x4  }
0x24: {  	s24 =	simm.s32 $0x0;
	s9 =	sadd.s32 s6, s8  }
0x25: {  	[tilespmem:s24], [sflag:$0x5] =	stream.linear.gather [hbm4b:s9+s24], $0x1400, $0x38;
	[tilespmem:$0x17010] =	vst v63  }
0x26: {  	_ =	swait.ge [sflag:s14], $0x1400  }
0x27: {  	[sflag:s14] =	ssyncset.done $0x0  }
0x28: {  	s8 =	sadd.s32 s7, s8;
	[sflag:s14] =	ssyncadd.s32 $0xFFFFEC00  }
0x29: {  	[tilespmem:s16], [sflag:$0x5] =	stream.linear.gather [hbm4b:s8+s24], $0x1400, $0x38;
	[tilespmem:$0x17010] =	vst v63  }
0x2a: {  	_ =	swait.ge [sflag:s14], $0x1400  }
0x2b: {  	[sflag:s14] =	ssyncset.done $0x0  }
0x2c: {  	s18 =	simm.s32 $0x2800;
	[sflag:s14] =	ssyncadd.s32 $0xFFFFEC00  }
0x2d: {  	[tilespmem:s18], [sflag:$0x1] =	stream.indirect.gather [hbm4b:s1+s17], $0x20, s24, s17, $0xb8;
	[tilespmem:$0x17010] =	vst v63  }
0x2e: {  	s19 =	simm.s32 $0x6800  }
0x2f: {  	[tilespmem:s19], [sflag:$0x1] =	stream.indirect.gather [hbm4b:s5+s17], $0x10, s16, s17, $0xb8;
	[tilespmem:$0x17010] =	vst v63  }
0x30: {  	s20 =	simm.s32 $0x3800  }
0x31: {  	[tilespmem:s20], [sflag:$0x1] =	stream.indirect.gather [hbm4b:s1+s17], $0x20, s17, s17, $0xb8;
	[tilespmem:$0x17010] =	vst v63  }
0x32: {  	_ = 	snop  }
0x33: {  	[tilespmem:s22], [sflag:$0x1] =	stream.indirect.gather [hbm4b:s5+s17], $0x10, s21, s17, $0xb8;
	[tilespmem:$0x17010] =	vst v63  }
.LBB2_3:
0x34: {  	s15 =	sshll.u32 s24, $0x9  }
0x35: {  	s8 =	sor.u32 $0x100, s15  }
0x36: {  	[tilespmem:s23], [sflag:$0x2] =	stream.indirect.gather [hbm4b:s1+s17], $0x20, s8, s17, $0xb8;
	[tilespmem:$0x17010] =	vst v63  }
0x37: {  	s10 =	sadd.s32 $0x1500, s15  }
0x38: {  	[tilespmem:s25], [sflag:$0x2] =	stream.indirect.gather [hbm4b:s5+s17], $0x10, s10, s17, $0xb8;
	[tilespmem:$0x17010] =	vst v63  }
0x39: {  	s18 =	sor.u32 $0x180, s15  }
0x3a: {  	[tilespmem:s26], [sflag:$0x2] =	stream.indirect.gather [hbm4b:s1+s17], $0x20, s18, s17, $0xb8;
	[tilespmem:$0x17010] =	vst v63  }
0x3b: {  	s13 =	sadd.s32 $0x1580, s15  }
0x3c: {  	[tilespmem:s28], [sflag:$0x2] =	stream.indirect.gather [hbm4b:s5+s17], $0x10, s13, s17, $0xb8;
	[tilespmem:$0x17010] =	vst v63  }
0x3d: {  	_ =	swait.ge [sflag:s29], $0x1000  }
0x3e: {  	[sflag:s29] =	ssyncset.done $0x0  }
0x3f: {  	[sflag:s29] =	ssyncadd.s32 $0xFFFFF000  }
0x40: {  	_ =	swait.ge [sflag:s29], $0x800  }
0x41: {  	[sflag:s29] =	ssyncset.done $0x0  }
0x42: {  	[sflag:s29] =	ssyncadd.s32 $0xFFFFF800  }
0x43: {  	_ =	swait.ge [sflag:s29], $0x1000  }
0x44: {  	[sflag:s29] =	ssyncset.done $0x0  }
0x45: {  	[sflag:s29] =	ssyncadd.s32 $0xFFFFF000  }
0x46: {  	s19 =	sor.u32 s12, s24;
	_ =	swait.ge [sflag:s29], $0x800  }
0x47: {  	p0 =	seq.s32 s19, $0x0;
	[sflag:s29] =	ssyncset.done $0x0  }
0x48: {  	s8 =	simm.s32 @!p0 $0x3;
	[sflag:s29] =	ssyncadd.s32 $0xFFFFF800  }
0x49: {  	_ =	swait.ge @!p0 [sflag:s8], $0x800  }
0x4a: {  	[sflag:s8] =	ssyncset.done @!p0 $0x0  }
0x4b: {  	[sflag:s8] =	ssyncadd.s32 @!p0 $0xFFFFF800  }
0x4c: {  	_ =	swait.ge @!p0 [sflag:s8], $0x800  }
0x4d: {  	[sflag:s8] =	ssyncset.done @!p0 $0x0  }
0x4e: {  	s20 =	simm.s32 $0x2880;
	[sflag:s8] =	ssyncadd.s32 @!p0 $0xFFFFF800  }
0x4f: {  	s9 =	simm.s32 $0x6840;
	v1 =	vld [tilespmem:s20+$0x60]  }
0x50: {  	v2 =	vld [tilespmem:s9+$0x30]  }
0x51: {  	v6 =	vld [tilespmem:s9+$0xFFFFFFC0]  }
0x52: {  	v3 =	vld [tilespmem:s20+$0xFFFFFFA0]  }
0x53: {  	v4 =	vld [tilespmem:s9+$0xFFFFFFD0]  }
0x54: {  	v5 =	vld [tilespmem:s20+$0xFFFFFFC0]  }
0x55: {  	v7 =	vld [tilespmem:s9+$0xFFFFFFE0]  }
0x56: {  	v8 =	vld [tilespmem:s20+$0xFFFFFFE0]  }
0x57: {  	v9 =	vld [tilespmem:s9+$0xFFFFFFF0]  }
0x58: {  	v10 =	vld [tilespmem:s20+$0x0]  }
0x59: {  	v12 =	vld [tilespmem:s20+$0x20]  }
0x5a: {  	v13 =	vld [tilespmem:s9+$0x10];
	v1 =	vadd.f32 v2, v1  }
0x5b: {  	v11 =	vld [tilespmem:s9+$0x0]  }
0x5c: {  	v14 =	vld [tilespmem:s20+$0x40];
	v2 =	vmul.f32 $2.000000030e-01, v1  }
0x5d: {  	v15 =	vld [tilespmem:s9+$0x20];
	v3 =	vadd.f32 v4, v3;
	vm0 =	vge.f32 v1, $0.0e+00  }
0x5e: {  	s8 =	simm.s32 $0x68C0;
	v16 =	vld [tilespmem:s20+$0xFFFFFF80];
	v4 =	vadd.f32 v7, v5;
	v7 =	vadd.f32 v9, v8;
	v1 =	vsel vm0, v1, v2  }
0x5f: {  	s18 =	simm.s32 $0x2980;
	v21 =	vld [tilespmem:s8+$0xFFFFFFC0];
	v12 =	vadd.f32 v13, v12;
	v2 =	vmul.f32 $2.000000030e-01, v3;
	v5 =	vsub.f32 v1, v0  }
0x60: {  	v20 =	vld [tilespmem:s18+$0xFFFFFFC0];
	v9 =	vmul.f32 $2.000000030e-01, v4;
	v18 =	vmul.f32 $2.000000030e-01, v7;
	vm0 =	vge.f32 v3, $0.0e+00  }
0x61: {  	v23 =	vld [tilespmem:s18+$0x40];
	v17 =	vsel vm0, v3, v2;
	vm0 =	vge.f32 v4, $0.0e+00;
	v5 =	vmul.f32 $1.442695020e+00, v5  }
0x62: {  	v8 =	vld [tilespmem:s20+$0xFFFFFFB0];
	v10 =	vadd.f32 v11, v10;
	v9 =	vsel vm0, v4, v9;
	vm0 =	vge.f32 v7, $0.0e+00  }
0x63: {  	v11 =	vld [tilespmem:s20+$0x70];
	v7 =	vsel vm0, v7, v18;
	v18 =	vmul.f32 $2.000000030e-01, v12;
	(erf) = vpow2.f32 v5  }
0x64: {  	v14 =	vadd.f32 v15, v14;
	v15 =	vld [tilespmem:s18+$0x60];
	vm0 =	vge.f32 v12, $0.0e+00;
	v5 =	vsub.f32 v17, v0  }
0x65: {  	v13 =	vmul.f32 $2.000000030e-01, v10;
	v12 =	vsel vm0, v12, v18;
	v18 =	vld [tilespmem:s8+$0x30]  }
0x66: {  	v16 =	vadd.f32 v6, v16;
	v6 =	vld [tilespmem:s20+$0x50];
	vm1 =	vge.f32 v10, $0.0e+00;
	v17 =	vmul.f32 $1.442695020e+00, v5  }
0x67: {  	v19 =	vmul.f32 $2.000000030e-01, v14;
	v10 =	vsel vm1, v10, v13;
	v1 =	vld [tilespmem:s20+$0xFFFFFF90]  }
0x68: {  	v13 =	vmul.f32 $2.000000030e-01, v16;
	v2 =	vld [tilespmem:s20+$0xFFFFFFD0];
	v9 =	vsub.f32 v9, v0;
	(erf) = vpow2.f32 v17  }
0x69: {  	vm1 =	vge.f32 v16, $0.0e+00;
	v10 =	vsub.f32 v10, v0;
	v3 =	vld [tilespmem:s20+$0xFFFFFFF0]  }
0x6a: {  	v13 =	vsel vm1, v16, v13;
	v16 =	vld [tilespmem:s18+$0xFFFFFFA0];
	v9 =	vmul.f32 $1.442695020e+00, v9;
	v15 =	vadd.f32 v18, v15  }
0x6b: {  	v4 =	vld [tilespmem:s20+$0x10];
	v13 =	vsub.f32 v13, v0;
	v7 =	vsub.f32 v7, v0;
	vm0 =	vge.f32 v14, $0.0e+00  }
0x6c: {  	v14 =	vsel vm0, v14, v19;
	v17 =	vld [tilespmem:s8+$0xFFFFFFD0];
	(erf) = vpow2.f32 v9;
	v18 =	vmul.f32 $2.000000030e-01, v15;
	v19 =	vpop (erf)  }
0x6d: {  	v12 =	vsub.f32 v12, v0;
	v9 =	vld [tilespmem:s18+$0xFFFFFFE0];
	v24 =	vmul.f32 v19, v11;
	v11 =	vmul.f32 $1.442695020e+00, v13  }
0x6e: {  	v10 =	vmul.f32 $1.442695020e+00, v10;
	v7 =	vmul.f32 $1.442695020e+00, v7;
	v14 =	vsub.f32 v14, v0;
	v13 =	vld [tilespmem:s8+$0xFFFFFFE0]  }
0x6f: {  	v12 =	vmul.f32 $1.442695020e+00, v12;
	(erf) = vpow2.f32 v11;
	v11 =	vld [tilespmem:s8+$0xFFFFFFF0]  }
0x70: {  	v14 =	vmul.f32 $1.442695020e+00, v14;
	vm0 =	vge.f32 v15, $0.0e+00;
	(erf) = vpow2.f32 v7;
	v7 =	vld [tilespmem:s18+$0x0]  }
0x71: {  	v15 =	vsel vm0, v15, v18;
	v18 =	vpop (erf);
	(erf) = vpow2.f32 v10;
	v10 =	vadd.f32 v17, v16;
	v16 =	vld [tilespmem:s8+$0x0]  }
0x72: {  	v15 =	vsub.f32 v15, v0;
	v17 =	vld [tilespmem:s8+$0x10];
	v18 =	vmul.f32 v18, v8;
	(erf) = vpow2.f32 v12  }
0x73: {  	v12 =	vadd.f32 v13, v20;
	v13 =	vld [tilespmem:s18+$0x20];
	(erf) = vpow2.f32 v14;
	v14 =	vmul.f32 $2.000000030e-01, v10  }
0x74: {  	v5 =	vld [tilespmem:s20+$0x30];
	vm0 =	vge.f32 v10, $0.0e+00;
	v22 =	vadd.f32 v11, v9;
	v9 =	vmul.f32 $1.442695020e+00, v15  }
0x75: {  	v19 =	vmul.f32 $2.000000030e-01, v12;
	v10 =	vsel vm0, v10, v14;
	vm0 =	vge.f32 v12, $0.0e+00;
	v14 =	vld [tilespmem:s8+$0x20]  }
0x76: {  	v15 =	vld [tilespmem:s18+$0xFFFFFF80];
	v25 =	vmul.f32 $2.000000030e-01, v22;
	v26 =	vadd.f32 v16, v7;
	(erf) = vpow2.f32 v9  }
0x77: {  	s9 =	simm.s32 $0x8840;
	v8 =	vld [tilespmem:s18+$0xFFFFFF90];
	v10 =	vsub.f32 v10, v0;
	v12 =	vsel vm0, v12, v19;
	vm0 =	vge.f32 v22, $0.0e+00  }
0x78: {  	[tilespmem:s9+$0xFFFFFFD0] =	vst v18;
	v18 =	vld [tilespmem:s18+$0x50];
	v17 =	vadd.f32 v17, v13;
	v28 =	vsub.f32 v12, v0;
	vm1 =	vge.f32 v26, $0.0e+00  }
0x79: {  	v11 =	vld [tilespmem:s18+$0xFFFFFFD0];
	v19 =	vmul.f32 $2.000000030e-01, v26;
	v9 =	vpop (erf);
	v20 =	vmul.f32 $1.442695020e+00, v10;
	v12 =	vsel vm0, v22, v25  }
0x7a: {  	v7 =	vld [tilespmem:s18+$0xFFFFFFB0];
	v16 =	vpop (erf);
	vm0 =	vge.f32 v17, $0.0e+00;
	v25 =	vmul.f32 $2.000000030e-01, v17;
	v29 =	vadd.f32 v14, v23  }
0x7b: {  	[tilespmem:s9+$0x30] =	vst v24;
	v22 =	vsub.f32 v12, v0;
	v24 =	vmul.f32 $1.442695020e+00, v28;
	v13 =	vpop (erf);
	v23 =	vadd.f32 v21, v15;
	v21 =	vld [tilespmem:s18+$0x70]  }
0x7c: {  	v10 =	vld [tilespmem:s18+$0xFFFFFFF0];
	v15 =	vsel vm1, v26, v19;
	v14 =	vpop (erf);
	v26 =	vsel vm0, v17, v25;
	v30 =	vmul.f32 $2.000000030e-01, v29  }
0x7d: {  	v19 =	vld [tilespmem:s18+$0x10];
	v25 =	vsub.f32 v15, v0;
	vm1 =	vge.f32 v29, $0.0e+00;
	v12 =	vpop (erf);
	v27 =	vmul.f32 $2.000000030e-01, v23  }
0x7e: {  	s19 =	simm.s32 $0x8;
	s20 =	simm.s32 $0x2A80;
	v15 =	vld [tilespmem:s18+$0x30];
	s18 =	simm.s32 $0x8840;
	vm0 =	vge.f32 v23, $0.0e+00;
	v26 =	vsub.f32 v26, v0;
	v17 =	vpop (erf);
	v28 =	vsel vm1, v29, v30  }
.LBB2_4:
0x7f: {  	v29 =	vld [tilespmem:s20+$0x60];
	v23 =	vsel vm0, v23, v27;
	v22 =	vmul.f32 $1.442695020e+00, v22;
	v27 =	vsub.f32 v28, v0;
	s8 =	sadd.s32 $0x80, s8;
	v28 =	vpop (erf)  }
0x80: {  	s19 =	sadd.s32 $0x8, s19;
	v25 =	vmul.f32 $1.442695020e+00, v25;
	v30 =	vld [tilespmem:s8+$0x30];
	v23 =	vsub.f32 v23, v0;
	v21 =	vmul.f32 v28, v21  }
0x81: {  	s9 =	sadd.s32 $0x80, s9;
	p1 =	slt.u32 s19, $0xF8;
	v26 =	vmul.f32 $1.442695020e+00, v26;
	v28 =	vld [tilespmem:s8+$0xFFFFFFC0];
	v27 =	vmul.f32 $1.442695020e+00, v27  }
0x82: {  	v31 =	vld [tilespmem:s20+$0xFFFFFFA0];
	v23 =	vmul.f32 $1.442695020e+00, v23;
	[tilespmem:s9+$0x30] =	vst v21;
	(erf) = vpow2.f32 v20  }
0x83: {  	v16 =	vmul.f32 v16, v1;
	v1 =	vmov v8;
	v20 =	vld [tilespmem:s8+$0xFFFFFFD0];
	(erf) = vpow2.f32 v24  }
0x84: {  	v9 =	vmul.f32 v9, v2;
	v2 =	vmov v11;
	v8 =	vld [tilespmem:s20+$0xFFFFFFC0];
	(erf) = vpow2.f32 v23  }
0x85: {  	v13 =	vmul.f32 v13, v3;
	v3 =	vmovc v10;
	v11 =	vld [tilespmem:s8+$0xFFFFFFE0];
	v21 =	vadd.f32 v30, v29;
	(erf) = vpow2.f32 v22;
	[tilespmem:s18+$0xFFFFFFC0] =	vst v16  }
0x86: {  	v10 =	vld [tilespmem:s20+$0xFFFFFFE0];
	(erf) = vpow2.f32 v25;
	[tilespmem:s18+$0xFFFFFFE0] =	vst v9;
	v9 =	vmul.f32 v14, v4;
	v4 =	vmov v19  }
0x87: {  	v14 =	vld [tilespmem:s8+$0xFFFFFFF0];
	v16 =	vmul.f32 $2.000000030e-01, v21;
	(erf) = vpow2.f32 v26;
	[tilespmem:s18+$0xFFFFFFF0] =	vst v13  }
0x88: {  	vm0 =	vge.f32 v21, $0.0e+00;
	v13 =	vadd.f32 v20, v31;
	v19 =	vld [tilespmem:s20+$0x0];
	(erf) = vpow2.f32 v27;
	[tilespmem:s18+$0x0] =	vst v9  }
0x89: {  	v12 =	vmul.f32 v12, v5;
	v5 =	vmovc v15;
	v20 =	vld [tilespmem:s8+$0x0];
	v9 =	vsel vm0, v21, v16;
	v16 =	vmul.f32 v17, v6  }
0x8a: {  	v6 =	vmovc v18;
	v15 =	vmul.f32 $2.000000030e-01, v13;
	v11 =	vadd.f32 v11, v8;
	v17 =	vld [tilespmem:s20+$0x20];
	v8 =	vsub.f32 v9, v0  }
0x8b: {  	vm0 =	vge.f32 v13, $0.0e+00;
	v18 =	vld [tilespmem:s8+$0x10];
	v21 =	vpop (erf);
	[tilespmem:s18+$0x10] =	vst v12  }
0x8c: {  	v12 =	vmul.f32 $2.000000030e-01, v11;
	v10 =	vadd.f32 v14, v10;
	v22 =	vld [tilespmem:s20+$0x40];
	v8 =	vmul.f32 $1.442695020e+00, v8;
	v9 =	vpop (erf);
	[tilespmem:s18+$0x20] =	vst v16;
	s18 =	smov.u32 s9  }
0x8d: {  	v25 =	vsel vm0, v13, v15;
	vm0 =	vge.f32 v11, $0.0e+00;
	v7 =	vmul.f32 v21, v7;
	v15 =	vld [tilespmem:s8+$0x20];
	v16 =	vpop (erf)  }
0x8e: {  	v21 =	vld [tilespmem:s20+$0xFFFFFF80];
	v23 =	vmul.f32 $2.000000030e-01, v10;
	v19 =	vadd.f32 v20, v19;
	(erf) = vpow2.f32 v8;
	v13 =	vpop (erf)  }
0x8f: {  	v20 =	vsub.f32 v25, v0;
	v24 =	vsel vm0, v11, v12;
	vm0 =	vge.f32 v10, $0.0e+00;
	v8 =	vld [tilespmem:s20+$0xFFFFFF90];
	[tilespmem:s9+$0xFFFFFFD0] =	vst v7;
	v14 =	vpop (erf)  }
0x90: {  	v7 =	vld [tilespmem:s20+$0xFFFFFFB0];
	vm1 =	vge.f32 v19, $0.0e+00;
	v25 =	vmul.f32 $2.000000030e-01, v19;
	v18 =	vadd.f32 v18, v17;
	v12 =	vpop (erf)  }
0x91: {  	v24 =	vsub.f32 v24, v0;
	v20 =	vmul.f32 $1.442695020e+00, v20;
	v26 =	vsel vm0, v10, v23;
	v11 =	vld [tilespmem:s20+$0xFFFFFFD0];
	v17 =	vpop (erf)  }
.Ltmp0:
0x92: {  	v10 =	vld [tilespmem:s20+$0xFFFFFFF0];
	vm0 =	vge.f32 v18, $0.0e+00;
	v27 =	vmul.f32 $2.000000030e-01, v18;
	v29 =	vadd.f32 v15, v22;
	(pc) =	sbr.rel @p1 .LBB2_4-.Ltmp0, $4  }
0x93: {  	v22 =	vsub.f32 v26, v0;
	v15 =	vsel vm1, v19, v25;
	v23 =	vadd.f32 v28, v21;
	v21 =	vld [tilespmem:s20+$0x70]  }
0x94: {  	v19 =	vld [tilespmem:s20+$0x10];
	v18 =	vsel vm0, v18, v27;
	vm1 =	vge.f32 v29, $0.0e+00;
	v28 =	vmul.f32 $2.000000030e-01, v29  }
0x95: {  	v25 =	vsub.f32 v15, v0;
	vm0 =	vge.f32 v23, $0.0e+00;
	v27 =	vmul.f32 $2.000000030e-01, v23;
	v15 =	vld [tilespmem:s20+$0x30]  }
0x96: {  	v24 =	vmul.f32 $1.442695020e+00, v24;
	v26 =	vsub.f32 v18, v0;
	v18 =	vld [tilespmem:s20+$0x50];
	v28 =	vsel vm1, v29, v28;
	s20 =	sadd.s32 $0x100, s20  }
0x97: {  	v23 =	vsel vm0, v23, v27  }
0x98: {  	v23 =	vsub.f32 v23, v0;
	_ =	sdelay $0x1  }
0x99: {  	(erf) = vpow2.f32 v20;
	v23 =	vmul.f32 $1.442695020e+00, v23  }
0x9a: {  	v20 =	vmul.f32 $1.442695020e+00, v22;
	(erf) = vpow2.f32 v24  }
0x9b: {  	v25 =	vmul.f32 $1.442695020e+00, v25;
	(erf) = vpow2.f32 v23  }
0x9c: {  	v22 =	vsub.f32 v28, v0;
	v1 =	vmul.f32 v16, v1;
	v2 =	vmul.f32 v9, v2  }
0x9d: {  	v23 =	vmul.f32 $1.442695020e+00, v26;
	(erf) = vpow2.f32 v20  }
0x9e: {  	v24 =	vpop (erf);
	v22 =	vmul.f32 $1.442695020e+00, v22;
	(erf) = vpow2.f32 v25  }
0x9f: {  	v21 =	vmul.f32 v24, v21;
	[tilespmem:s18+$0xFFFFFFC0] =	vst v1;
	(erf) = vpow2.f32 v23  }
0xa0: {  	s8 =	sadd.s32 $0x80, s9;
	v1 =	vmul.f32 v13, v3;
	[tilespmem:s18+$0xFFFFFFE0] =	vst v2;
	(erf) = vpow2.f32 v22  }
0xa1: {  	v2 =	vmul.f32 v14, v4;
	[tilespmem:s8+$0x30] =	vst v21  }
0xa2: {  	[tilespmem:s18+$0xFFFFFFF0] =	vst v1;
	v1 =	vmul.f32 v12, v5;
	v3 =	vpop (erf)  }
0xa3: {  	[tilespmem:s18+$0x0] =	vst v2;
	v2 =	vmul.f32 v17, v6;
	v4 =	vpop (erf)  }
0xa4: {  	[tilespmem:s18+$0x10] =	vst v1;
	v1 =	vmul.f32 v3, v7;
	v3 =	vpop (erf)  }
0xa5: {  	[tilespmem:s18+$0x20] =	vst v2;
	v2 =	vmul.f32 v3, v8  }
0xa6: {  	[tilespmem:s8+$0xFFFFFFD0] =	vst v1;
	v1 =	vmul.f32 v4, v11;
	v3 =	vpop (erf)  }
0xa7: {  	v4 =	vpop (erf);
	[tilespmem:s8+$0xFFFFFFC0] =	vst v2;
	v2 =	vmul.f32 v3, v10  }
0xa8: {  	[tilespmem:s8+$0xFFFFFFE0] =	vst v1;
	v3 =	vpop (erf);
	v1 =	vmul.f32 v4, v19  }
0xa9: {  	v4 =	vpop (erf);
	[tilespmem:s8+$0xFFFFFFF0] =	vst v2;
	v2 =	vmul.f32 v3, v15  }
0xaa: {  	[tilespmem:s8+$0x0] =	vst v1;
	v1 =	vmul.f32 v4, v18  }
0xab: {  	s19 =	sand.u32 $0x3FFFFE00, s15;
	[tilespmem:s8+$0x10] =	vst v2  }
0xac: {  	s20 =	sadd.s32 $0x1400, s19;
	[tilespmem:s8+$0x20] =	vst v1  }
0xad: {  	[spmem:s3] =	stream.indirect.scatter.add.f32 [tilespmem:s30], [sflag:$0x3], $0x10, s20, s17, $0xb8;
	[tilespmem:$0x17010] =	vst v63  }
0xae: {  	p1 =	seq.s32 s24, $0x9;
	s9 =	sadd.s32 $0x1480, s19  }
0xaf: {  	[spmem:s3] =	stream.indirect.scatter.add.f32 [tilespmem:s31], [sflag:$0x3], $0x10, s9, s17, $0xb8;
	[tilespmem:$0x17010] =	vst v63  }
0xb0: {  	s18 =	simm.s32 @!p1 $0x2800;
	s8 =	sadd.s32 @!p1 $0x200, s15;
	s9 =	simm.s32 @!p1 $0x80  }
0xb1: {  	[tilespmem:s18], [sflag:$0x1] =	stream.indirect.gather @!p1 [hbm4b:s1+s9], $0x20, s8, s9, $0xb8;
	[tilespmem:$0x17010] =	vst v63  }
0xb2: {  	s8 =	sadd.s32 @!p1 $0x1600, s15;
	s18 =	simm.s32 @!p1 $0x6800  }
0xb3: {  	[tilespmem:s18], [sflag:$0x1] =	stream.indirect.gather @!p1 [hbm4b:s5+s9], $0x10, s8, s9, $0xb8;
	[tilespmem:$0x17010] =	vst v63  }
0xb4: {  	s8 =	sadd.s32 @!p1 $0x280, s15;
	s18 =	simm.s32 @!p1 $0x3800  }
0xb5: {  	[tilespmem:s18], [sflag:$0x1] =	stream.indirect.gather @!p1 [hbm4b:s1+s9], $0x20, s8, s9, $0xb8;
	[tilespmem:$0x17010] =	vst v63  }
0xb6: {  	s8 =	sadd.s32 @!p1 $0x1680, s15;
	s15 =	simm.s32 @!p1 $0x7000  }
0xb7: {  	[tilespmem:s15], [sflag:$0x1] =	stream.indirect.gather @!p1 [hbm4b:s5+s9], $0x10, s8, s9, $0xb8;
	[tilespmem:$0x17010] =	vst v63  }
0xb8: {  	_ =	swait.ge [sflag:s0], $0x1000  }
0xb9: {  	[sflag:s0] =	ssyncset.done $0x0  }
0xba: {  	[sflag:s0] =	ssyncadd.s32 $0xFFFFF000  }
0xbb: {  	_ =	swait.ge [sflag:s0], $0x800  }
0xbc: {  	[sflag:s0] =	ssyncset.done $0x0  }
0xbd: {  	[sflag:s0] =	ssyncadd.s32 $0xFFFFF800  }
0xbe: {  	_ =	swait.ge [sflag:s0], $0x1000  }
0xbf: {  	[sflag:s0] =	ssyncset.done $0x0  }
0xc0: {  	[sflag:s0] =	ssyncadd.s32 $0xFFFFF000  }
0xc1: {  	_ =	swait.ge [sflag:s0], $0x800  }
0xc2: {  	[sflag:s0] =	ssyncset.done $0x0  }
0xc3: {  	s8 =	simm.s32 @!p0 $0x4;
	[sflag:s0] =	ssyncadd.s32 $0xFFFFF800  }
0xc4: {  	_ =	swait.ge @!p0 [sflag:s8], $0x800  }
0xc5: {  	[sflag:s8] =	ssyncset.done @!p0 $0x0  }
0xc6: {  	[sflag:s8] =	ssyncadd.s32 @!p0 $0xFFFFF800  }
0xc7: {  	_ =	swait.ge @!p0 [sflag:s8], $0x800  }
0xc8: {  	[sflag:s8] =	ssyncset.done @!p0 $0x0  }
0xc9: {  	s18 =	simm.s32 $0x48F0;
	[sflag:s8] =	ssyncadd.s32 @!p0 $0xFFFFF800  }
0xca: {  	s19 =	simm.s32 $0x7870;
	v1 =	vld [tilespmem:s18+$0xFFFFFFF0]  }
0xcb: {  	v2 =	vld [tilespmem:s19+$0x0]  }
0xcc: {  	v6 =	vld [tilespmem:s19+$0xFFFFFF90]  }
0xcd: {  	v3 =	vld [tilespmem:s18+$0xFFFFFF30]  }
0xce: {  	v4 =	vld [tilespmem:s19+$0xFFFFFFA0]  }
0xcf: {  	v5 =	vld [tilespmem:s18+$0xFFFFFF50]  }
0xd0: {  	v7 =	vld [tilespmem:s19+$0xFFFFFFB0]  }
0xd1: {  	v8 =	vld [tilespmem:s18+$0xFFFFFF70]  }
0xd2: {  	v9 =	vld [tilespmem:s19+$0xFFFFFFC0]  }
0xd3: {  	v10 =	vld [tilespmem:s18+$0xFFFFFF90]  }
0xd4: {  	v12 =	vld [tilespmem:s18+$0xFFFFFFB0]  }
0xd5: {  	v13 =	vld [tilespmem:s19+$0xFFFFFFE0];
	v1 =	vadd.f32 v2, v1  }
0xd6: {  	v11 =	vld [tilespmem:s19+$0xFFFFFFD0]  }
0xd7: {  	v14 =	vld [tilespmem:s18+$0xFFFFFFD0];
	v2 =	vmul.f32 $2.000000030e-01, v1  }
0xd8: {  	v15 =	vld [tilespmem:s19+$0xFFFFFFF0];
	v3 =	vadd.f32 v4, v3;
	vm0 =	vge.f32 v1, $0.0e+00  }
0xd9: {  	s8 =	simm.s32 $0x78F0;
	v16 =	vld [tilespmem:s18+$0xFFFFFF10];
	v4 =	vadd.f32 v7, v5;
	v7 =	vadd.f32 v9, v8;
	v1 =	vsel vm0, v1, v2  }
0xda: {  	s20 =	simm.s32 $0x49F0;
	v21 =	vld [tilespmem:s8+$0xFFFFFF90];
	v12 =	vadd.f32 v13, v12;
	v2 =	vmul.f32 $2.000000030e-01, v3;
	v5 =	vsub.f32 v1, v0  }
0xdb: {  	v20 =	vld [tilespmem:s20+$0xFFFFFF50];
	v9 =	vmul.f32 $2.000000030e-01, v4;
	v18 =	vmul.f32 $2.000000030e-01, v7;
	vm0 =	vge.f32 v3, $0.0e+00  }
0xdc: {  	v23 =	vld [tilespmem:s20+$0xFFFFFFD0];
	v17 =	vsel vm0, v3, v2;
	vm0 =	vge.f32 v4, $0.0e+00;
	v5 =	vmul.f32 $1.442695020e+00, v5  }
0xdd: {  	v8 =	vld [tilespmem:s18+$0xFFFFFF40];
	v10 =	vadd.f32 v11, v10;
	v9 =	vsel vm0, v4, v9;
	vm0 =	vge.f32 v7, $0.0e+00  }
0xde: {  	v11 =	vld [tilespmem:s18+$0x0];
	v7 =	vsel vm0, v7, v18;
	v18 =	vmul.f32 $2.000000030e-01, v12;
	(erf) = vpow2.f32 v5  }
0xdf: {  	v14 =	vadd.f32 v15, v14;
	v15 =	vld [tilespmem:s20+$0xFFFFFFF0];
	vm0 =	vge.f32 v12, $0.0e+00;
	v5 =	vsub.f32 v17, v0  }
0xe0: {  	v13 =	vmul.f32 $2.000000030e-01, v10;
	v12 =	vsel vm0, v12, v18;
	v18 =	vld [tilespmem:s8+$0x0]  }
0xe1: {  	v16 =	vadd.f32 v6, v16;
	v6 =	vld [tilespmem:s18+$0xFFFFFFE0];
	vm1 =	vge.f32 v10, $0.0e+00;
	v17 =	vmul.f32 $1.442695020e+00, v5  }
0xe2: {  	v19 =	vmul.f32 $2.000000030e-01, v14;
	v10 =	vsel vm1, v10, v13;
	v1 =	vld [tilespmem:s18+$0xFFFFFF20]  }
0xe3: {  	v13 =	vmul.f32 $2.000000030e-01, v16;
	v2 =	vld [tilespmem:s18+$0xFFFFFF60];
	v9 =	vsub.f32 v9, v0;
	(erf) = vpow2.f32 v17  }
0xe4: {  	vm1 =	vge.f32 v16, $0.0e+00;
	v10 =	vsub.f32 v10, v0;
	v3 =	vld [tilespmem:s18+$0xFFFFFF80]  }
0xe5: {  	v13 =	vsel vm1, v16, v13;
	v16 =	vld [tilespmem:s20+$0xFFFFFF30];
	v9 =	vmul.f32 $1.442695020e+00, v9;
	v15 =	vadd.f32 v18, v15  }
0xe6: {  	v4 =	vld [tilespmem:s18+$0xFFFFFFA0];
	v13 =	vsub.f32 v13, v0;
	v7 =	vsub.f32 v7, v0;
	vm0 =	vge.f32 v14, $0.0e+00  }
0xe7: {  	v14 =	vsel vm0, v14, v19;
	v17 =	vld [tilespmem:s8+$0xFFFFFFA0];
	(erf) = vpow2.f32 v9;
	v18 =	vmul.f32 $2.000000030e-01, v15;
	v19 =	vpop (erf)  }
0xe8: {  	v12 =	vsub.f32 v12, v0;
	v9 =	vld [tilespmem:s20+$0xFFFFFF70];
	v24 =	vmul.f32 v19, v11;
	v11 =	vmul.f32 $1.442695020e+00, v13  }
0xe9: {  	v10 =	vmul.f32 $1.442695020e+00, v10;
	v7 =	vmul.f32 $1.442695020e+00, v7;
	v14 =	vsub.f32 v14, v0;
	v13 =	vld [tilespmem:s8+$0xFFFFFFB0]  }
0xea: {  	v12 =	vmul.f32 $1.442695020e+00, v12;
	(erf) = vpow2.f32 v11;
	v11 =	vld [tilespmem:s8+$0xFFFFFFC0]  }
0xeb: {  	v14 =	vmul.f32 $1.442695020e+00, v14;
	vm0 =	vge.f32 v15, $0.0e+00;
	(erf) = vpow2.f32 v7;
	v7 =	vld [tilespmem:s20+$0xFFFFFF90]  }
0xec: {  	v15 =	vsel vm0, v15, v18;
	v18 =	vpop (erf);
	(erf) = vpow2.f32 v10;
	v10 =	vadd.f32 v17, v16;
	v16 =	vld [tilespmem:s8+$0xFFFFFFD0]  }
0xed: {  	v15 =	vsub.f32 v15, v0;
	v17 =	vld [tilespmem:s8+$0xFFFFFFE0];
	v18 =	vmul.f32 v18, v8;
	(erf) = vpow2.f32 v12  }
0xee: {  	v12 =	vadd.f32 v13, v20;
	v13 =	vld [tilespmem:s20+$0xFFFFFFB0];
	(erf) = vpow2.f32 v14;
	v14 =	vmul.f32 $2.000000030e-01, v10  }
0xef: {  	v5 =	vld [tilespmem:s18+$0xFFFFFFC0];
	vm0 =	vge.f32 v10, $0.0e+00;
	v22 =	vadd.f32 v11, v9;
	v9 =	vmul.f32 $1.442695020e+00, v15  }
0xf0: {  	v19 =	vmul.f32 $2.000000030e-01, v12;
	v10 =	vsel vm0, v10, v14;
	vm0 =	vge.f32 v12, $0.0e+00;
	v14 =	vld [tilespmem:s8+$0xFFFFFFF0]  }
0xf1: {  	v15 =	vld [tilespmem:s20+$0xFFFFFF10];
	v25 =	vmul.f32 $2.000000030e-01, v22;
	v26 =	vadd.f32 v16, v7;
	(erf) = vpow2.f32 v9  }
0xf2: {  	s9 =	simm.s32 $0x9870;
	v8 =	vld [tilespmem:s20+$0xFFFFFF20];
	v10 =	vsub.f32 v10, v0;
	v12 =	vsel vm0, v12, v19;
	vm0 =	vge.f32 v22, $0.0e+00  }
0xf3: {  	[tilespmem:s9+$0xFFFFFFA0] =	vst v18;
	v18 =	vld [tilespmem:s20+$0xFFFFFFE0];
	v17 =	vadd.f32 v17, v13;
	v28 =	vsub.f32 v12, v0;
	vm1 =	vge.f32 v26, $0.0e+00  }
0xf4: {  	v11 =	vld [tilespmem:s20+$0xFFFFFF60];
	v19 =	vmul.f32 $2.000000030e-01, v26;
	v9 =	vpop (erf);
	v20 =	vmul.f32 $1.442695020e+00, v10;
	v12 =	vsel vm0, v22, v25  }
0xf5: {  	v7 =	vld [tilespmem:s20+$0xFFFFFF40];
	v16 =	vpop (erf);
	vm0 =	vge.f32 v17, $0.0e+00;
	v25 =	vmul.f32 $2.000000030e-01, v17;
	v29 =	vadd.f32 v14, v23  }
0xf6: {  	[tilespmem:s9+$0x0] =	vst v24;
	v22 =	vsub.f32 v12, v0;
	v24 =	vmul.f32 $1.442695020e+00, v28;
	v13 =	vpop (erf);
	v23 =	vadd.f32 v21, v15;
	v21 =	vld [tilespmem:s20+$0x0]  }
0xf7: {  	v10 =	vld [tilespmem:s20+$0xFFFFFF80];
	v15 =	vsel vm1, v26, v19;
	v14 =	vpop (erf);
	v26 =	vsel vm0, v17, v25;
	v30 =	vmul.f32 $2.000000030e-01, v29  }
0xf8: {  	v19 =	vld [tilespmem:s20+$0xFFFFFFA0];
	v25 =	vsub.f32 v15, v0;
	vm1 =	vge.f32 v29, $0.0e+00;
	v12 =	vpop (erf);
	v27 =	vmul.f32 $2.000000030e-01, v23  }
0xf9: {  	s15 =	simm.s32 $0x9870;
	s19 =	simm.s32 $0x4AF0;
	s18 =	simm.s32 $0x8;
	v15 =	vld [tilespmem:s20+$0xFFFFFFC0];
	vm0 =	vge.f32 v23, $0.0e+00;
	v26 =	vsub.f32 v26, v0;
	v17 =	vpop (erf);
	v28 =	vsel vm1, v29, v30  }
.LBB2_6:
0xfa: {  	v29 =	vld [tilespmem:s19+$0xFFFFFFF0];
	v23 =	vsel vm0, v23, v27;
	v22 =	vmul.f32 $1.442695020e+00, v22;
	v27 =	vsub.f32 v28, v0;
	s8 =	sadd.s32 $0x80, s8;
	v28 =	vpop (erf)  }
0xfb: {  	s18 =	sadd.s32 $0x8, s18;
	v25 =	vmul.f32 $1.442695020e+00, v25;
	v30 =	vld [tilespmem:s8+$0x0];
	v23 =	vsub.f32 v23, v0;
	v21 =	vmul.f32 v28, v21  }
0xfc: {  	s9 =	sadd.s32 $0x80, s9;
	p0 =	slt.u32 s18, $0xF8;
	v26 =	vmul.f32 $1.442695020e+00, v26;
	v28 =	vld [tilespmem:s8+$0xFFFFFF90];
	v27 =	vmul.f32 $1.442695020e+00, v27  }
0xfd: {  	v31 =	vld [tilespmem:s19+$0xFFFFFF30];
	v23 =	vmul.f32 $1.442695020e+00, v23;
	[tilespmem:s9+$0x0] =	vst v21;
	(erf) = vpow2.f32 v20  }
0xfe: {  	v16 =	vmul.f32 v16, v1;
	v1 =	vmov v8;
	v20 =	vld [tilespmem:s8+$0xFFFFFFA0];
	(erf) = vpow2.f32 v24  }
0xff: {  	v9 =	vmul.f32 v9, v2;
	v2 =	vmov v11;
	v8 =	vld [tilespmem:s19+$0xFFFFFF50];
	(erf) = vpow2.f32 v23  }
0x100: {  	v13 =	vmul.f32 v13, v3;
	v3 =	vmovc v10;
	v11 =	vld [tilespmem:s8+$0xFFFFFFB0];
	v21 =	vadd.f32 v30, v29;
	(erf) = vpow2.f32 v22;
	[tilespmem:s15+$0xFFFFFF90] =	vst v16  }
0x101: {  	v10 =	vld [tilespmem:s19+$0xFFFFFF70];
	(erf) = vpow2.f32 v25;
	[tilespmem:s15+$0xFFFFFFB0] =	vst v9;
	v9 =	vmul.f32 v14, v4;
	v4 =	vmov v19  }
0x102: {  	v14 =	vld [tilespmem:s8+$0xFFFFFFC0];
	v16 =	vmul.f32 $2.000000030e-01, v21;
	(erf) = vpow2.f32 v26;
	[tilespmem:s15+$0xFFFFFFC0] =	vst v13  }
0x103: {  	vm0 =	vge.f32 v21, $0.0e+00;
	v13 =	vadd.f32 v20, v31;
	v19 =	vld [tilespmem:s19+$0xFFFFFF90];
	(erf) = vpow2.f32 v27;
	[tilespmem:s15+$0xFFFFFFD0] =	vst v9  }
0x104: {  	v12 =	vmul.f32 v12, v5;
	v5 =	vmovc v15;
	v20 =	vld [tilespmem:s8+$0xFFFFFFD0];
	v9 =	vsel vm0, v21, v16;
	v16 =	vmul.f32 v17, v6  }
0x105: {  	v6 =	vmovc v18;
	v15 =	vmul.f32 $2.000000030e-01, v13;
	v11 =	vadd.f32 v11, v8;
	v17 =	vld [tilespmem:s19+$0xFFFFFFB0];
	v8 =	vsub.f32 v9, v0  }
0x106: {  	vm0 =	vge.f32 v13, $0.0e+00;
	v18 =	vld [tilespmem:s8+$0xFFFFFFE0];
	v21 =	vpop (erf);
	[tilespmem:s15+$0xFFFFFFE0] =	vst v12  }
0x107: {  	v12 =	vmul.f32 $2.000000030e-01, v11;
	v10 =	vadd.f32 v14, v10;
	v22 =	vld [tilespmem:s19+$0xFFFFFFD0];
	v8 =	vmul.f32 $1.442695020e+00, v8;
	v9 =	vpop (erf);
	[tilespmem:s15+$0xFFFFFFF0] =	vst v16;
	s15 =	smov.u32 s9  }
0x108: {  	v25 =	vsel vm0, v13, v15;
	vm0 =	vge.f32 v11, $0.0e+00;
	v7 =	vmul.f32 v21, v7;
	v15 =	vld [tilespmem:s8+$0xFFFFFFF0];
	v16 =	vpop (erf)  }
0x109: {  	v21 =	vld [tilespmem:s19+$0xFFFFFF10];
	v23 =	vmul.f32 $2.000000030e-01, v10;
	v19 =	vadd.f32 v20, v19;
	(erf) = vpow2.f32 v8;
	v13 =	vpop (erf)  }
0x10a: {  	v20 =	vsub.f32 v25, v0;
	v24 =	vsel vm0, v11, v12;
	vm0 =	vge.f32 v10, $0.0e+00;
	v8 =	vld [tilespmem:s19+$0xFFFFFF20];
	[tilespmem:s9+$0xFFFFFFA0] =	vst v7;
	v14 =	vpop (erf)  }
0x10b: {  	v7 =	vld [tilespmem:s19+$0xFFFFFF40];
	vm1 =	vge.f32 v19, $0.0e+00;
	v25 =	vmul.f32 $2.000000030e-01, v19;
	v18 =	vadd.f32 v18, v17;
	v12 =	vpop (erf)  }
0x10c: {  	v24 =	vsub.f32 v24, v0;
	v20 =	vmul.f32 $1.442695020e+00, v20;
	v26 =	vsel vm0, v10, v23;
	v11 =	vld [tilespmem:s19+$0xFFFFFF60];
	v17 =	vpop (erf)  }
.Ltmp1:
0x10d: {  	v10 =	vld [tilespmem:s19+$0xFFFFFF80];
	vm0 =	vge.f32 v18, $0.0e+00;
	v27 =	vmul.f32 $2.000000030e-01, v18;
	v29 =	vadd.f32 v15, v22;
	(pc) =	sbr.rel @p0 .LBB2_6-.Ltmp1, $4  }
0x10e: {  	v22 =	vsub.f32 v26, v0;
	v15 =	vsel vm1, v19, v25;
	v23 =	vadd.f32 v28, v21;
	v21 =	vld [tilespmem:s19+$0x0]  }
0x10f: {  	v19 =	vld [tilespmem:s19+$0xFFFFFFA0];
	v18 =	vsel vm0, v18, v27;
	vm1 =	vge.f32 v29, $0.0e+00;
	v28 =	vmul.f32 $2.000000030e-01, v29  }
0x110: {  	v25 =	vsub.f32 v15, v0;
	vm0 =	vge.f32 v23, $0.0e+00;
	v27 =	vmul.f32 $2.000000030e-01, v23;
	v15 =	vld [tilespmem:s19+$0xFFFFFFC0]  }
0x111: {  	v24 =	vmul.f32 $1.442695020e+00, v24;
	v26 =	vsub.f32 v18, v0;
	v18 =	vld [tilespmem:s19+$0xFFFFFFE0];
	v28 =	vsel vm1, v29, v28;
	s19 =	sadd.s32 $0x100, s19  }
0x112: {  	v23 =	vsel vm0, v23, v27  }
0x113: {  	v23 =	vsub.f32 v23, v0;
	_ =	sdelay $0x1  }
0x114: {  	(erf) = vpow2.f32 v20;
	v23 =	vmul.f32 $1.442695020e+00, v23  }
0x115: {  	v57 =	vmul.f32 $1.442695020e+00, v22;
	(erf) = vpow2.f32 v24  }
0x116: {  	v59 =	vpop (erf);
	v25 =	vmul.f32 $1.442695020e+00, v25;
	(erf) = vpow2.f32 v23  }
0x117: {  	v58 =	vsub.f32 v28, v0;
	v1 =	vmul.f32 v16, v1;
	v2 =	vmul.f32 v9, v2  }
0x118: {  	v60 =	vmul.f32 $1.442695020e+00, v26;
	(erf) = vpow2.f32 v57  }
0x119: {  	v22 =	vmul.f32 $1.442695020e+00, v58;
	(erf) = vpow2.f32 v25  }
0x11a: {  	v21 =	vmul.f32 v59, v21;
	[tilespmem:s15+$0xFFFFFF90] =	vst v1;
	(erf) = vpow2.f32 v60  }
0x11b: {  	s8 =	sadd.s32 $0x80, s9;
	v1 =	vmul.f32 v13, v3;
	[tilespmem:s15+$0xFFFFFFB0] =	vst v2;
	(erf) = vpow2.f32 v22  }
0x11c: {  	v2 =	vmul.f32 v14, v4;
	[tilespmem:s8+$0x0] =	vst v21  }
0x11d: {  	[tilespmem:s15+$0xFFFFFFC0] =	vst v1;
	v1 =	vmul.f32 v12, v5;
	v3 =	vpop (erf)  }
0x11e: {  	[tilespmem:s15+$0xFFFFFFD0] =	vst v2;
	v2 =	vmul.f32 v17, v6;
	v61 =	vpop (erf)  }
0x11f: {  	[tilespmem:s15+$0xFFFFFFE0] =	vst v1;
	v1 =	vmul.f32 v3, v7;
	v3 =	vpop (erf)  }
0x120: {  	[tilespmem:s15+$0xFFFFFFF0] =	vst v2;
	v2 =	vmul.f32 v3, v8  }
0x121: {  	[tilespmem:s8+$0xFFFFFFA0] =	vst v1;
	v1 =	vmul.f32 v61, v11;
	v3 =	vpop (erf)  }
0x122: {  	v62 =	vpop (erf);
	[tilespmem:s8+$0xFFFFFF90] =	vst v2;
	v2 =	vmul.f32 v3, v10  }
0x123: {  	[tilespmem:s8+$0xFFFFFFB0] =	vst v1;
	v3 =	vpop (erf);
	v1 =	vmul.f32 v62, v19  }
0x124: {  	s24 =	sadd.s32 $0x1, s24;
	v63 =	vpop (erf);
	[tilespmem:s8+$0xFFFFFFC0] =	vst v2;
	v2 =	vmul.f32 v3, v15  }
0x125: {  	p0 =	sne.s32 s24, $0xA;
	[tilespmem:s8+$0xFFFFFFD0] =	vst v1;
	v1 =	vmul.f32 v63, v18  }
.Ltmp2:
0x126: {  	[tilespmem:s8+$0xFFFFFFE0] =	vst v2;
	(pc) =	sbr.rel @p0 .LBB2_3-.Ltmp2, $4  }
0x127: {  	[tilespmem:s8+$0xFFFFFFF0] =	vst v1  }
0x128: {  	[spmem:s3] =	stream.indirect.scatter.add.f32 [tilespmem:s2], [sflag:$0x4], $0x10, s10, s17, $0xb8;
	[tilespmem:$0x17010] =	vst v63  }
0x129: {  	_ = 	snop  }
0x12a: {  	[spmem:s3] =	stream.indirect.scatter.add.f32 [tilespmem:s4], [sflag:$0x4], $0x10, s13, s17, $0xb8;
	[tilespmem:$0x17010] =	vst v63  }
0x12b: {  	s12 =	sadd.s32 $0x1, s12  }
0x12c: {  	p0 =	sne.s32 s12, $0x5  }
.Ltmp3:
0x12d: {  	_ = 	snop;
	(pc) =	sbr.rel @p0 .LBB2_2-.Ltmp3, $1  }
0x12e: {  	_ =	sdelay $0x3  }
0x12f: {  	s8 =	simm.s32 $0x3  }
0x130: {  	_ =	swait.ge [sflag:s8], $0x800  }
0x131: {  	[sflag:s8] =	ssyncset.done $0x0  }
0x132: {  	[sflag:s8] =	ssyncadd.s32 $0xFFFFF800  }
0x133: {  	_ =	swait.ge [sflag:s8], $0x800  }
0x134: {  	[sflag:s8] =	ssyncset.done $0x0  }
0x135: {  	s19 =	simm.s32 $0x4;
	[sflag:s8] =	ssyncadd.s32 $0xFFFFF800  }
0x136: {  	_ =	swait.ge [sflag:s19], $0x800  }
0x137: {  	[sflag:s19] =	ssyncset.done $0x0  }
0x138: {  	[sflag:s19] =	ssyncadd.s32 $0xFFFFF800  }
0x139: {  	_ =	swait.ge [sflag:s19], $0x800  }
0x13a: {  	[sflag:s19] =	ssyncset.done $0x0  }
0x13b: {  	[sflag:s19] =	ssyncadd.s32 $0xFFFFF800  }
0x13c: {  	[bflag:$0x0] =	sbarrier.arrive $0xFFFF  }
0x13d: {  	s10 =	rddreg [dreg:$0x6]  }
0x13e: {  	s9 =	rddreg [dreg:$0x8]  }
0x13f: {  	s20 =	rddreg [dreg:$0x9]  }
0x140: {  	[hbm:s20], [sflag:s10] =	dma.local [spmem:s9], $0xC80  }
0x141: {  	_ =	swait.ge [sflag:s14], $0xC80  }
0x142: {  	s12 =	rddreg [dreg:$0xa]  }
0x143: {  	s24 =	rddreg [dreg:$0x7];
	s12 =	sadd.s32 $0x1, s12  }
0x144: {  	p0 =	sne.s32 s12, s24  }
.Ltmp4:
0x145: {  	_ = 	snop;
	(pc) =	sbr.rel @p0 .LBB2_1-.Ltmp4, $3  }
0x146: {  	_ =	sdelay $0x1  }
0x147: {  	[sflag:s14] =	ssyncset.done $0x0  }
0x148: {  	[sflag:s14] =	ssyncadd.s32 $0xFFFFF380  }
0x149: {  	_ =	sfence.sel $0x180000  }
0x14a: {  	[bflag:$0x0] =	sbarrier.arrive $0xFFFF  }
0x14b: {  	_ =	strace $0x90000047  }
0x14c: {  	s0 =	stileid.u32;
	[bflag:$0x2] =	sbarrier.arrive $0xFFFF  }
0x14d: {  	p0 =	sne.s32 s0, $0x0;
	s0 =	rddreg [dreg:$0x3]  }
0x14e: {  	s0 =	sadd.s32 @!p0 $0x100000, s0  }
0x14f: {  	[sflag:s0] =	ssyncadd.tile.s32 @!p0 $0x1;
	_ =	shalt  }
.Lfunc_end2:
_tile_overlayer_lowered:
.L_overlay_start_2:
0x150: {  	(tag) =	ssettag $0x2  }
0x151: {  	s0 =	rddreg [dreg:$0x0];
	s2 =	stileid.u32  }
0x152: {  	s1 =	rddreg [dreg:$0x1];
	p0 =	sne.s32 s2, $0x0  }
0x153: {  	s3 =	rddreg [dreg:$0x2];
	[bflag:$0x3] =	sbarrier.arrive $0xFFFF;
	s2 =	simm.s32 @!p0 $0x1C05  }
0x154: {  	[timem:s3], [sflag:s2] =	dma.local @!p0 [hbm:s0], s1  }
0x155: {  	s0 =	simm.s32 @!p0 $0x5  }
0x156: {  	_ =	swait.ge @!p0 [sflag:s0], s1  }
0x157: {  	s1 =	ssub.s32 @!p0 $0x0, s1;
	[sflag:s0] =	ssyncset.done @!p0 $0x0  }
0x158: {  	[sflag:s0] =	ssyncadd.s32 @!p0 s1  }
0x159: {  	[bflag:$0x3] =	sbarrier.arrive $0xFFFF  }
0x15a: {  	_ =	shalt  }

</sc_bundles>
